<compile_context>
chip_gen: v7x
topology: tpu7x:2x2x1
jax: 0.10.2.dev20260603
libtpu: 0.0.44.dev20260713+nightly
codegen_flags: <defaults>
</compile_context>

<pallas_src>
import functools

import jax
import jax.numpy as jnp
from jax import lax
from jax.experimental import pallas as pl
from jax.experimental.pallas import tpu as pltpu
from jax.experimental.pallas import tpu_sc as plsc

_N = 10000
_E = 320000
_EPS = 1e-5
_L = 128
_BE = 2560
_BNB = 2000
_NW = 32
_CHUNK = 128
_NROWS = _E // _CHUNK
_BASE_T = _NROWS // _NW
_EXTRA = _NROWS - _BASE_T * _NW
_NP = 10240
_NPT = _NP // 16
_STG = 128


def _mesh():
    return plsc.VectorSubcoreMesh(core_axis_name="c", subcore_axis_name="s")


def _tile_range(wid):
    base = wid * _BASE_T + jnp.minimum(wid, _EXTRA)
    trips = _BASE_T + jnp.where(wid < _EXTRA, 1, 0)
    return base, trips


def _fill_rows(buf, nrows, value):
    v = jnp.full((16,), value, jnp.float32)

    def body(r, carry):
        for j in range(_L // 16):
            buf[r, pl.ds(j * 16, 16)] = v
        return carry

    lax.fori_loop(0, nrows, body, 0)


def _sc_gather2(table, idx_a, idx_b):

    @functools.partial(
        pl.kernel,
        mesh=_mesh(),
        out_type=[jax.ShapeDtypeStruct((_E, _L), jnp.float32),
                  jax.ShapeDtypeStruct((_E, _L), jnp.float32)],
        scratch_types=[
            pltpu.VMEM((_CHUNK,), jnp.int32),
            pltpu.VMEM((_CHUNK, _L), jnp.float32),
            pltpu.SemaphoreType.DMA,
        ],
    )
    def k(table_hbm, ia_hbm, ib_hbm, oa_hbm, ob_hbm, idx_v, rows_v, sem):
        cid = lax.axis_index("c")
        sid = lax.axis_index("s")
        wid = sid * 2 + cid
        base, trips = _tile_range(wid)

        def body(i, carry):
            r = base + i
            pltpu.sync_copy(ia_hbm.at[r], idx_v)
            pltpu.async_copy(table_hbm.at[idx_v], rows_v, sem).wait()
            pltpu.sync_copy(rows_v, oa_hbm.at[pl.ds(r * _CHUNK, _CHUNK)])
            pltpu.sync_copy(ib_hbm.at[r], idx_v)
            pltpu.async_copy(table_hbm.at[idx_v], rows_v, sem).wait()
            pltpu.sync_copy(rows_v, ob_hbm.at[pl.ds(r * _CHUNK, _CHUNK)])
            return carry

        lax.fori_loop(0, trips, body, 0)

    return k(table, idx_a, idx_b)


def _scatter_core(idx_hbm, out_hbm, idx_v, rows_v, stage_v, acc, load_chunk):
    cid = lax.axis_index("c")
    sid = lax.axis_index("s")
    wid = sid * 2 + cid
    base, trips = _tile_range(wid)

    _fill_rows(stage_v, _STG, 0.0)
    for p in range(_NPT // _STG):
        pltpu.sync_copy(stage_v, acc.at[pl.ds(sid * _NPT + p * _STG, _STG)])
    plsc.subcore_barrier()

    def body(i, carry):
        r = base + i
        pltpu.sync_copy(idx_hbm.at[r], idx_v)
        load_chunk(r)
        pltpu.sync_copy(rows_v, acc.at[idx_v], add=True)
        return carry

    lax.fori_loop(0, trips, body, 0)
    plsc.subcore_barrier()

    for p in range(_NPT // _STG):
        r0 = sid * _NPT + p * _STG
        pltpu.sync_copy(acc.at[pl.ds(r0, _STG)], stage_v)
        pltpu.sync_copy(stage_v, out_hbm.at[cid, pl.ds(r0, _STG)])


def _sc_scatter_add(rows, idx2d):

    @functools.partial(
        pl.kernel,
        mesh=_mesh(),
        out_type=jax.ShapeDtypeStruct((2, _NP, _L), jnp.float32),
        scratch_types=[
            pltpu.VMEM((_CHUNK,), jnp.int32),
            pltpu.VMEM((_CHUNK, _L), jnp.float32),
            pltpu.VMEM((_STG, _L), jnp.float32),
            pltpu.VMEM_SHARED((_NP, _L), jnp.float32),
            pltpu.SemaphoreType.DMA,
        ],
    )
    def k(rows_hbm, idx_hbm, out_hbm, idx_v, rows_v, stage_v, acc, sem):
        def load_chunk(r):
            pltpu.sync_copy(rows_hbm.at[pl.ds(r * _CHUNK, _CHUNK)], rows_v)

        _scatter_core(idx_hbm, out_hbm, idx_v, rows_v, stage_v, acc, load_chunk)

    return k(rows, idx2d)


def _sc_count(idx2d):

    @functools.partial(
        pl.kernel,
        mesh=_mesh(),
        out_type=jax.ShapeDtypeStruct((2, _NP, _L), jnp.float32),
        scratch_types=[
            pltpu.VMEM((_CHUNK,), jnp.int32),
            pltpu.VMEM((_CHUNK, _L), jnp.float32),
            pltpu.VMEM((_STG, _L), jnp.float32),
            pltpu.VMEM_SHARED((_NP, _L), jnp.float32),
            pltpu.SemaphoreType.DMA,
        ],
    )
    def k(idx_hbm, out_hbm, idx_v, rows_v, stage_v, acc, sem):
        _fill_rows(rows_v, _CHUNK, 1.0)

        def load_chunk(r):
            pass

        _scatter_core(idx_hbm, out_hbm, idx_v, rows_v, stage_v, acc, load_chunk)

    return k(idx2d)


def _lin_relu_stats(xv, wt, b, br):
    r, kdim = xv.shape

    def body(x_ref, w_ref, b_ref, h_ref, st_ref):
        h = jnp.dot(x_ref[...], w_ref[...], preferred_element_type=jnp.float32)
        h = jnp.maximum(h + b_ref[...], 0.0)
        h_ref[...] = h
        st = jnp.concatenate(
            [jnp.sum(h, axis=0, keepdims=True),
             jnp.sum(h * h, axis=0, keepdims=True)], axis=0)

        @pl.when(pl.program_id(0) == 0)
        def _init():
            st_ref[...] = st

        @pl.when(pl.program_id(0) > 0)
        def _acc():
            st_ref[...] += st

    return pl.pallas_call(
        body,
        grid=(r // br,),
        in_specs=[pl.BlockSpec((br, kdim), lambda i: (i, 0)),
                  pl.BlockSpec((kdim, _L), lambda i: (0, 0)),
                  pl.BlockSpec((1, _L), lambda i: (0, 0))],
        out_specs=[pl.BlockSpec((br, _L), lambda i: (i, 0)),
                   pl.BlockSpec((2, _L), lambda i: (0, 0))],
        out_shape=[jax.ShapeDtypeStruct((r, _L), jnp.float32),
                   jax.ShapeDtypeStruct((2, _L), jnp.float32)],
    )(xv, wt, b)


def _post_lin(h, a, c, wt, b):

    def body(h_ref, a_ref, c_ref, w_ref, b_ref, y_ref):
        hn = a_ref[...] * h_ref[...] + c_ref[...]
        y_ref[...] = jnp.dot(
            hn, w_ref[...], preferred_element_type=jnp.float32) + b_ref[...]

    return pl.pallas_call(
        body,
        grid=(_N // _BNB,),
        in_specs=[pl.BlockSpec((_BNB, _L), lambda i: (i, 0)),
                  pl.BlockSpec((1, _L), lambda i: (0, 0)),
                  pl.BlockSpec((1, _L), lambda i: (0, 0)),
                  pl.BlockSpec((_L, _L), lambda i: (0, 0)),
                  pl.BlockSpec((1, _L), lambda i: (0, 0))],
        out_specs=pl.BlockSpec((_BNB, _L), lambda i: (i, 0)),
        out_shape=jax.ShapeDtypeStruct((_N, _L), jnp.float32),
    )(h, a, c, wt, b)


def _mp_edge(xi, xj, ep, ap, cp, w1t, w2t, w3t, b):

    def body(xi_ref, xj_ref, ep_ref, ap_ref, cp_ref, w1_ref, w2_ref, w3_ref,
             b_ref, eh_ref, st_ref):
        epn = ap_ref[...] * ep_ref[...] + cp_ref[...]
        acc = jnp.dot(xi_ref[...], w1_ref[...], preferred_element_type=jnp.float32)
        acc = acc + jnp.dot(xj_ref[...], w2_ref[...], preferred_element_type=jnp.float32)
        acc = acc + jnp.dot(epn, w3_ref[...], preferred_element_type=jnp.float32)
        h = jnp.maximum(acc + b_ref[...], 0.0)
        eh_ref[...] = h
        st = jnp.concatenate(
            [jnp.sum(h, axis=0, keepdims=True),
             jnp.sum(h * h, axis=0, keepdims=True)], axis=0)

        @pl.when(pl.program_id(0) == 0)
        def _init():
            st_ref[...] = st

        @pl.when(pl.program_id(0) > 0)
        def _acc():
            st_ref[...] += st

    vec = pl.BlockSpec((1, _L), lambda i: (0, 0))
    mat = pl.BlockSpec((_L, _L), lambda i: (0, 0))
    blk = pl.BlockSpec((_BE, _L), lambda i: (i, 0))
    return pl.pallas_call(
        body,
        grid=(_E // _BE,),
        in_specs=[blk, blk, blk, vec, vec, mat, mat, mat, vec],
        out_specs=[blk, pl.BlockSpec((2, _L), lambda i: (0, 0))],
        out_shape=[jax.ShapeDtypeStruct((_E, _L), jnp.float32),
                   jax.ShapeDtypeStruct((2, _L), jnp.float32)],
    )(xi, xj, ep, ap, cp, w1t, w2t, w3t, b)


def _mp_node(xi, eh, ae, ce, w1t, w2t, b):

    def body(xi_ref, eh_ref, ae_ref, ce_ref, w1_ref, w2_ref, b_ref,
             mh_ref, st_ref):
        en = ae_ref[...] * eh_ref[...] + ce_ref[...]
        acc = jnp.dot(xi_ref[...], w1_ref[...], preferred_element_type=jnp.float32)
        acc = acc + jnp.dot(en, w2_ref[...], preferred_element_type=jnp.float32)
        h = jnp.maximum(acc + b_ref[...], 0.0)
        mh_ref[...] = h
        st = jnp.concatenate(
            [jnp.sum(h, axis=0, keepdims=True),
             jnp.sum(h * h, axis=0, keepdims=True)], axis=0)

        @pl.when(pl.program_id(0) == 0)
        def _init():
            st_ref[...] = st

        @pl.when(pl.program_id(0) > 0)
        def _acc():
            st_ref[...] += st

    vec = pl.BlockSpec((1, _L), lambda i: (0, 0))
    mat = pl.BlockSpec((_L, _L), lambda i: (0, 0))
    blk = pl.BlockSpec((_BE, _L), lambda i: (i, 0))
    return pl.pallas_call(
        body,
        grid=(_E // _BE,),
        in_specs=[blk, blk, vec, vec, mat, mat, vec],
        out_specs=[blk, pl.BlockSpec((2, _L), lambda i: (0, 0))],
        out_shape=[jax.ShapeDtypeStruct((_E, _L), jnp.float32),
                   jax.ShapeDtypeStruct((2, _L), jnp.float32)],
    )(xi, eh, ae, ce, w1t, w2t, b)


def _node_affine(s2, cnt2, am, cm):

    def body(s_ref, c_ref, am_ref, cm_ref, o_ref):
        s = s_ref[0] + s_ref[1]
        cnt = c_ref[0] + c_ref[1]
        o_ref[...] = am_ref[...] * s + cm_ref[...] * cnt

    cube = pl.BlockSpec((2, _BNB, _L), lambda i: (0, i, 0))
    vec = pl.BlockSpec((1, _L), lambda i: (0, 0))
    return pl.pallas_call(
        body,
        grid=(_N // _BNB,),
        in_specs=[cube, cube, vec, vec],
        out_specs=pl.BlockSpec((_BNB, _L), lambda i: (i, 0)),
        out_shape=jax.ShapeDtypeStruct((_N, _L), jnp.float32),
    )(s2, cnt2, am, cm)


def _cls_out(eh, a, c, wct, bc):

    def body(eh_ref, a_ref, c_ref, w_ref, b_ref, o_ref):
        en = a_ref[...] * eh_ref[...] + c_ref[...]
        o_ref[...] = jnp.dot(
            en, w_ref[...], preferred_element_type=jnp.float32) + b_ref[...]

    return pl.pallas_call(
        body,
        grid=(_E // _BE,),
        in_specs=[pl.BlockSpec((_BE, _L), lambda i: (i, 0)),
                  pl.BlockSpec((1, _L), lambda i: (0, 0)),
                  pl.BlockSpec((1, _L), lambda i: (0, 0)),
                  pl.BlockSpec((_L, 1), lambda i: (0, 0)),
                  pl.BlockSpec((1, 1), lambda i: (0, 0))],
        out_specs=pl.BlockSpec((_BE, 1), lambda i: (i, 0)),
        out_shape=jax.ShapeDtypeStruct((_E, 1), jnp.float32),
    )(eh, a, c, wct, bc)


def _bn_affine(st, bnp, rows):
    mean = st[0] / rows
    var = st[1] / rows - mean * mean
    a = bnp["gamma"] * lax.rsqrt(var + _EPS)
    c = bnp["beta"] - mean * a
    return a.reshape(1, _L), c.reshape(1, _L)


def kernel(x, edge_attr, edge_index, params):
    ne = params["node_emb"]
    ee = params["edge_emb"]
    mpn = params["mpn"]

    src2d = edge_index[0].reshape(_NROWS, _CHUNK)
    dst2d = edge_index[1].reshape(_NROWS, _CHUNK)

    h_n, st_n = _lin_relu_stats(x, ne["lin0"]["W"].T,
                                ne["lin0"]["b"].reshape(1, _L), _BNB)
    a_n, c_n = _bn_affine(st_n, ne["bn0"], _N)
    nf = _post_lin(h_n, a_n, c_n, ne["lin1"]["W"].T,
                   ne["lin1"]["b"].reshape(1, _L))

    h_e, st_e = _lin_relu_stats(edge_attr, ee["lin0"]["W"].T,
                                ee["lin0"]["b"].reshape(1, _L), _BE)
    a_p, c_p = _bn_affine(st_e, ee["bn0"], _E)

    cnt2 = _sc_count(dst2d)

    ep = h_e
    for l in range(len(mpn)):
        pm = mpn[l]
        we = pm["e_lin"]["W"]
        wn = pm["n_lin"]["W"]
        w1t, w2t, w3t = we[:, :_L].T, we[:, _L:2 * _L].T, we[:, 2 * _L:].T
        b_e = pm["e_lin"]["b"].reshape(1, _L)
        if l == 0:
            b_e = b_e + (ee["lin1"]["b"] @ we[:, 2 * _L:].T).reshape(1, _L)
            w3t = ee["lin1"]["W"].T @ w3t

        xi, xj = _sc_gather2(nf, dst2d, src2d)
        e_h, st_eh = _mp_edge(xi, xj, ep, a_p, c_p, w1t, w2t, w3t, b_e)
        a_e, c_e = _bn_affine(st_eh, pm["e_bn"], _E)
        if l + 1 < len(mpn):
            m_h, st_m = _mp_node(xi, e_h, a_e, c_e, wn[:, :_L].T,
                                 wn[:, _L:].T, pm["n_lin"]["b"].reshape(1, _L))
            a_m, c_m = _bn_affine(st_m, pm["n_bn"], _E)
            s2 = _sc_scatter_add(m_h, dst2d)
            nf = _node_affine(s2, cnt2, a_m, c_m)
        ep, a_p, c_p = e_h, a_e, c_e

    return _cls_out(ep, a_p, c_p, params["cls"]["W"].T,
                    params["cls"]["b"].reshape(1, 1))

# --- scband reference (transcript-rebuilt; emitter-appended) ---
"""Pipeline reference for scband-vanilla-mpn2-12214886990604 (READ-ONLY COPY).

The authoritative reference and input builder live on the scoring server;
editing this copy changes nothing except your own understanding.
"""

import jax, jax.numpy as jnp
import numpy as np

N = 10000
E = 320000
NODE_IN = 128
EDGE_IN = 16
DN = 128
DE = 128
STEPS = 4
EPS = 1e-5


def _lin(key, din, dout):
    k1, k2 = jax.random.split(key)
    lim = 1.0 / np.sqrt(din)
    return {"W": jax.random.uniform(k1, (dout, din), minval=-lim, maxval=lim, dtype=jnp.float32),
            "b": jax.random.uniform(k2, (dout,), minval=-lim, maxval=lim, dtype=jnp.float32)}


def _bn(d):
    return {"gamma": jnp.ones((d,), jnp.float32), "beta": jnp.zeros((d,), jnp.float32)}


def _make_params(key):
    ks = jax.random.split(key, 32)
    return {
        "node_emb": {"lin0": _lin(ks[0], NODE_IN, 128), "bn0": _bn(128), "lin1": _lin(ks[1], 128, DN)},
        "edge_emb": {"lin0": _lin(ks[2], EDGE_IN, 128), "bn0": _bn(128), "lin1": _lin(ks[3], 128, DE)},
        "cls": _lin(ks[4], DE, 1),
        "mpn": [
            {"e_lin": _lin(ks[5 + 2 * l], 2 * DN + DE, DE), "e_bn": _bn(DE),
             "n_lin": _lin(ks[6 + 2 * l], DN + DE, DN), "n_bn": _bn(DN)}
            for l in range(STEPS)
        ],
    }


def linear(x, p):
    return x @ p["W"].T + p["b"]


def batchnorm(x, p):
    m = jnp.mean(x, axis=0)
    v = jnp.var(x, axis=0)
    return p["gamma"] * (x - m) / jnp.sqrt(v + EPS) + p["beta"]


def mlp_emb(x, p):
    h = linear(x, p["lin0"])
    h = jax.nn.relu(h)
    h = batchnorm(h, p["bn0"])
    return linear(h, p["lin1"])


def mp_layer(x, e, src, dst, p):
    # PyG convention: j, i = edge_index -> x_j = x[src], x_i = x[dst]
    xi = x[dst]
    xj = x[src]
    e_new = jnp.concatenate([xi, xj, e], axis=1)
    e_new = batchnorm(jax.nn.relu(linear(e_new, p["e_lin"])), p["e_bn"])
    msg = jnp.concatenate([xi, e_new], axis=1)
    msg = batchnorm(jax.nn.relu(linear(msg, p["n_lin"])), p["n_bn"])
    node_out = jax.ops.segment_sum(msg, dst, num_segments=x.shape[0])
    return node_out, e_new


def setup_inputs(seed: int = 0):
    key = jax.random.key(seed)
    k1, k2, k3, k4 = jax.random.split(key, 4)
    x = jax.random.normal(k1, (N, NODE_IN), dtype=jnp.float32)
    edge_attr = jax.random.normal(k2, (E, EDGE_IN), dtype=jnp.float32)
    edge_index = jax.random.randint(k3, (2, E), 0, N, dtype=jnp.int32)
    params = _make_params(k4)
    return {"x": x, "edge_attr": edge_attr, "edge_index": edge_index, "params": params}


def reference(x, edge_attr, edge_index, params):
    nf = mlp_emb(x, params["node_emb"])
    ef = mlp_emb(edge_attr, params["edge_emb"])
    src = edge_index[0]
    dst = edge_index[1]
    for l in range(STEPS):
        nf, ef = mp_layer(nf, ef, src, dst, params["mpn"][l])
    return linear(ef, params["cls"])

if __name__ == "__main__":
    import jax
    _d = setup_inputs()
    print(jax.jit(kernel)(*tuple(_d.values())))

</pallas_src>

<mosaic_0001>
#map = affine_map<(d0, d1) -> (0, 0)>
#map1 = affine_map<(d0, d1) -> (0, 0, 0)>
module attributes {stable_mosaic.version = 14 : i64} {
  func.func @k(%arg0: i32, %arg1: i32, %arg2: memref<2500x128xi32, #tpu.memory_space<hbm>>, %arg3: memref<2x10240x128xf32, #tpu.memory_space<hbm>>, %arg4: memref<128xi32, #tpu.memory_space<vmem>>, %arg5: memref<128x128xf32, #tpu.memory_space<vmem>>, %arg6: memref<128x128xf32, #tpu.memory_space<vmem>>, %arg7: memref<10240x128xf32, #tpu.memory_space<vmem_shared>>, %arg8: memref<!tpu.dma_semaphore, #tpu.memory_space<semaphore_mem>>) attributes {dimension_semantics = [#tpu.dimension_semantics<core_parallel>, #tpu.dimension_semantics<subcore_parallel>], iteration_bounds = array<i64: 2, 16>, scalar_prefetch = 0 : i64, scratch_operands = 5 : i64, tpu.core_type = #tpu.core_type<sc_vector_subcore>, window_params = [{transform_indices = #map}, {transform_indices = #map1}]} {
    %broadcast_in_dim3A = arith.constant 1.000000e+00 : f32
    %broadcast_in_dim3A_0 = vector.broadcast %broadcast_in_dim3A : f32 to vector<16xf32>
    %scan3A = arith.constant 0 : i32
    %scan3A_1 = arith.constant 0 : i32
    %scan3A_2 = arith.constant 128 : i32
    %scan3A_3 = arith.addi %scan3A_1, %scan3A_2 : i32
    %scan3A_4 = arith.constant 1 : i32
    scf.for %scan3A_73 = %scan3A_1 to %scan3A_3 step %scan3A_4  : i32 {
      %swap3A = arith.index_cast %scan3A_73 : i32 to index
      %swap3A_74 = arith.constant 0 : index
      %swap3A_75 = tpu.vector_load %arg5[%swap3A, %swap3A_74] {strides = array<i32>} : memref<128x128xf32, #tpu.memory_space<vmem>>, vector<1x16xf32>,
      %swap3A_76 = vector.shape_cast %swap3A_75 : vector<1x16xf32> to vector<16xf32>
      %swap3A_77 = vector.shape_cast %broadcast_in_dim3A_0 : vector<16xf32> to vector<1x16xf32>
      tpu.vector_store %arg5[%swap3A, %swap3A_74], %swap3A_77 {strides = array<i32>} : memref<128x128xf32, #tpu.memory_space<vmem>>, vector<1x16xf32>,
      %swap3A_78 = arith.index_cast %scan3A_73 : i32 to index
      %swap3A_79 = arith.constant 16 : index
      %swap3A_80 = tpu.vector_load %arg5[%swap3A_78, %swap3A_79] {strides = array<i32>} : memref<128x128xf32, #tpu.memory_space<vmem>>, vector<1x16xf32>,
      %swap3A_81 = vector.shape_cast %swap3A_80 : vector<1x16xf32> to vector<16xf32>
      %swap3A_82 = vector.shape_cast %broadcast_in_dim3A_0 : vector<16xf32> to vector<1x16xf32>
      tpu.vector_store %arg5[%swap3A_78, %swap3A_79], %swap3A_82 {strides = array<i32>} : memref<128x128xf32, #tpu.memory_space<vmem>>, vector<1x16xf32>,
      %swap3A_83 = arith.index_cast %scan3A_73 : i32 to index
      %swap3A_84 = arith.constant 32 : index
      %swap3A_85 = tpu.vector_load %arg5[%swap3A_83, %swap3A_84] {strides = array<i32>} : memref<128x128xf32, #tpu.memory_space<vmem>>, vector<1x16xf32>,
      %swap3A_86 = vector.shape_cast %swap3A_85 : vector<1x16xf32> to vector<16xf32>
      %swap3A_87 = vector.shape_cast %broadcast_in_dim3A_0 : vector<16xf32> to vector<1x16xf32>
      tpu.vector_store %arg5[%swap3A_83, %swap3A_84], %swap3A_87 {strides = array<i32>} : memref<128x128xf32, #tpu.memory_space<vmem>>, vector<1x16xf32>,
      %swap3A_88 = arith.index_cast %scan3A_73 : i32 to index
      %swap3A_89 = arith.constant 48 : index
      %swap3A_90 = tpu.vector_load %arg5[%swap3A_88, %swap3A_89] {strides = array<i32>} : memref<128x128xf32, #tpu.memory_space<vmem>>, vector<1x16xf32>,
      %swap3A_91 = vector.shape_cast %swap3A_90 : vector<1x16xf32> to vector<16xf32>
      %swap3A_92 = vector.shape_cast %broadcast_in_dim3A_0 : vector<16xf32> to vector<1x16xf32>
      tpu.vector_store %arg5[%swap3A_88, %swap3A_89], %swap3A_92 {strides = array<i32>} : memref<128x128xf32, #tpu.memory_space<vmem>>, vector<1x16xf32>,
      %swap3A_93 = arith.index_cast %scan3A_73 : i32 to index
      %swap3A_94 = arith.constant 64 : index
      %swap3A_95 = tpu.vector_load %arg5[%swap3A_93, %swap3A_94] {strides = array<i32>} : memref<128x128xf32, #tpu.memory_space<vmem>>, vector<1x16xf32>,
      %swap3A_96 = vector.shape_cast %swap3A_95 : vector<1x16xf32> to vector<16xf32>
      %swap3A_97 = vector.shape_cast %broadcast_in_dim3A_0 : vector<16xf32> to vector<1x16xf32>
      tpu.vector_store %arg5[%swap3A_93, %swap3A_94], %swap3A_97 {strides = array<i32>} : memref<128x128xf32, #tpu.memory_space<vmem>>, vector<1x16xf32>,
      %swap3A_98 = arith.index_cast %scan3A_73 : i32 to index
      %swap3A_99 = arith.constant 80 : index
      %swap3A_100 = tpu.vector_load %arg5[%swap3A_98, %swap3A_99] {strides = array<i32>} : memref<128x128xf32, #tpu.memory_space<vmem>>, vector<1x16xf32>,
      %swap3A_101 = vector.shape_cast %swap3A_100 : vector<1x16xf32> to vector<16xf32>
      %swap3A_102 = vector.shape_cast %broadcast_in_dim3A_0 : vector<16xf32> to vector<1x16xf32>
      tpu.vector_store %arg5[%swap3A_98, %swap3A_99], %swap3A_102 {strides = array<i32>} : memref<128x128xf32, #tpu.memory_space<vmem>>, vector<1x16xf32>,
      %swap3A_103 = arith.index_cast %scan3A_73 : i32 to index
      %swap3A_104 = arith.constant 96 : index
      %swap3A_105 = tpu.vector_load %arg5[%swap3A_103, %swap3A_104] {strides = array<i32>} : memref<128x128xf32, #tpu.memory_space<vmem>>, vector<1x16xf32>,
      %swap3A_106 = vector.shape_cast %swap3A_105 : vector<1x16xf32> to vector<16xf32>
      %swap3A_107 = vector.shape_cast %broadcast_in_dim3A_0 : vector<16xf32> to vector<1x16xf32>
      tpu.vector_store %arg5[%swap3A_103, %swap3A_104], %swap3A_107 {strides = array<i32>} : memref<128x128xf32, #tpu.memory_space<vmem>>, vector<1x16xf32>,
      %swap3A_108 = arith.index_cast %scan3A_73 : i32 to index
      %swap3A_109 = arith.constant 112 : index
      %swap3A_110 = tpu.vector_load %arg5[%swap3A_108, %swap3A_109] {strides = array<i32>} : memref<128x128xf32, #tpu.memory_space<vmem>>, vector<1x16xf32>,
      %swap3A_111 = vector.shape_cast %swap3A_110 : vector<1x16xf32> to vector<16xf32>
      %swap3A_112 = vector.shape_cast %broadcast_in_dim3A_0 : vector<16xf32> to vector<1x16xf32>
      tpu.vector_store %arg5[%swap3A_108, %swap3A_109], %swap3A_112 {strides = array<i32>} : memref<128x128xf32, #tpu.memory_space<vmem>>, vector<1x16xf32>,
    }
    %scan3A_5 = arith.constant 128 : i32
    %mul3A = arith.constant 2 : i32
    %mul3A_6 = arith.muli %arg1, %mul3A : i32
    %add3A = arith.addi %mul3A_6, %arg0 : i32
    %mul3A_7 = arith.constant 78 : i32
    %mul3A_8 = arith.muli %add3A, %mul3A_7 : i32
    %min3A = arith.constant 4 : i32
    %min3A_9 = arith.minsi %add3A, %min3A : i32
    %add3A_10 = arith.addi %mul3A_8, %min3A_9 : i32
    %lt3A = arith.constant 4 : i32
    %lt3A_11 = arith.cmpi slt, %add3A, %lt3A : i32
    %jit3A = arith.constant 1 : i32
    %jit3A_12 = arith.constant 0 : i32
    %select_n3A = arith.select %lt3A_11, %jit3A, %jit3A_12 : i32
    %add3A_13 = arith.constant 78 : i32
    %add3A_14 = arith.addi %add3A_13, %select_n3A : i32
    %broadcast_in_dim3A_15 = arith.constant 0.000000e+00 : f32
    %broadcast_in_dim3A_16 = vector.broadcast %broadcast_in_dim3A_15 : f32 to vector<16xf32>
    %scan3A_17 = arith.constant 0 : i32
    %scan3A_18 = arith.constant 0 : i32
    %scan3A_19 = arith.constant 128 : i32
    %scan3A_20 = arith.addi %scan3A_18, %scan3A_19 : i32
    %scan3A_21 = arith.constant 1 : i32
    scf.for %scan3A_73 = %scan3A_18 to %scan3A_20 step %scan3A_21  : i32 {
      %swap3A = arith.index_cast %scan3A_73 : i32 to index
      %swap3A_74 = arith.constant 0 : index
      %swap3A_75 = tpu.vector_load %arg6[%swap3A, %swap3A_74] {strides = array<i32>} : memref<128x128xf32, #tpu.memory_space<vmem>>, vector<1x16xf32>,
      %swap3A_76 = vector.shape_cast %swap3A_75 : vector<1x16xf32> to vector<16xf32>
      %swap3A_77 = vector.shape_cast %broadcast_in_dim3A_16 : vector<16xf32> to vector<1x16xf32>
      tpu.vector_store %arg6[%swap3A, %swap3A_74], %swap3A_77 {strides = array<i32>} : memref<128x128xf32, #tpu.memory_space<vmem>>, vector<1x16xf32>,
      %swap3A_78 = arith.index_cast %scan3A_73 : i32 to index
      %swap3A_79 = arith.constant 16 : index
      %swap3A_80 = tpu.vector_load %arg6[%swap3A_78, %swap3A_79] {strides = array<i32>} : memref<128x128xf32, #tpu.memory_space<vmem>>, vector<1x16xf32>,
      %swap3A_81 = vector.shape_cast %swap3A_80 : vector<1x16xf32> to vector<16xf32>
      %swap3A_82 = vector.shape_cast %broadcast_in_dim3A_16 : vector<16xf32> to vector<1x16xf32>
      tpu.vector_store %arg6[%swap3A_78, %swap3A_79], %swap3A_82 {strides = array<i32>} : memref<128x128xf32, #tpu.memory_space<vmem>>, vector<1x16xf32>,
      %swap3A_83 = arith.index_cast %scan3A_73 : i32 to index
      %swap3A_84 = arith.constant 32 : index
      %swap3A_85 = tpu.vector_load %arg6[%swap3A_83, %swap3A_84] {strides = array<i32>} : memref<128x128xf32, #tpu.memory_space<vmem>>, vector<1x16xf32>,
      %swap3A_86 = vector.shape_cast %swap3A_85 : vector<1x16xf32> to vector<16xf32>
      %swap3A_87 = vector.shape_cast %broadcast_in_dim3A_16 : vector<16xf32> to vector<1x16xf32>
      tpu.vector_store %arg6[%swap3A_83, %swap3A_84], %swap3A_87 {strides = array<i32>} : memref<128x128xf32, #tpu.memory_space<vmem>>, vector<1x16xf32>,
      %swap3A_88 = arith.index_cast %scan3A_73 : i32 to index
      %swap3A_89 = arith.constant 48 : index
      %swap3A_90 = tpu.vector_load %arg6[%swap3A_88, %swap3A_89] {strides = array<i32>} : memref<128x128xf32, #tpu.memory_space<vmem>>, vector<1x16xf32>,
      %swap3A_91 = vector.shape_cast %swap3A_90 : vector<1x16xf32> to vector<16xf32>
      %swap3A_92 = vector.shape_cast %broadcast_in_dim3A_16 : vector<16xf32> to vector<1x16xf32>
      tpu.vector_store %arg6[%swap3A_88, %swap3A_89], %swap3A_92 {strides = array<i32>} : memref<128x128xf32, #tpu.memory_space<vmem>>, vector<1x16xf32>,
      %swap3A_93 = arith.index_cast %scan3A_73 : i32 to index
      %swap3A_94 = arith.constant 64 : index
      %swap3A_95 = tpu.vector_load %arg6[%swap3A_93, %swap3A_94] {strides = array<i32>} : memref<128x128xf32, #tpu.memory_space<vmem>>, vector<1x16xf32>,
      %swap3A_96 = vector.shape_cast %swap3A_95 : vector<1x16xf32> to vector<16xf32>
      %swap3A_97 = vector.shape_cast %broadcast_in_dim3A_16 : vector<16xf32> to vector<1x16xf32>
      tpu.vector_store %arg6[%swap3A_93, %swap3A_94], %swap3A_97 {strides = array<i32>} : memref<128x128xf32, #tpu.memory_space<vmem>>, vector<1x16xf32>,
      %swap3A_98 = arith.index_cast %scan3A_73 : i32 to index
      %swap3A_99 = arith.constant 80 : index
      %swap3A_100 = tpu.vector_load %arg6[%swap3A_98, %swap3A_99] {strides = array<i32>} : memref<128x128xf32, #tpu.memory_space<vmem>>, vector<1x16xf32>,
      %swap3A_101 = vector.shape_cast %swap3A_100 : vector<1x16xf32> to vector<16xf32>
      %swap3A_102 = vector.shape_cast %broadcast_in_dim3A_16 : vector<16xf32> to vector<1x16xf32>
      tpu.vector_store %arg6[%swap3A_98, %swap3A_99], %swap3A_102 {strides = array<i32>} : memref<128x128xf32, #tpu.memory_space<vmem>>, vector<1x16xf32>,
      %swap3A_103 = arith.index_cast %scan3A_73 : i32 to index
      %swap3A_104 = arith.constant 96 : index
      %swap3A_105 = tpu.vector_load %arg6[%swap3A_103, %swap3A_104] {strides = array<i32>} : memref<128x128xf32, #tpu.memory_space<vmem>>, vector<1x16xf32>,
      %swap3A_106 = vector.shape_cast %swap3A_105 : vector<1x16xf32> to vector<16xf32>
      %swap3A_107 = vector.shape_cast %broadcast_in_dim3A_16 : vector<16xf32> to vector<1x16xf32>
      tpu.vector_store %arg6[%swap3A_103, %swap3A_104], %swap3A_107 {strides = array<i32>} : memref<128x128xf32, #tpu.memory_space<vmem>>, vector<1x16xf32>,
      %swap3A_108 = arith.index_cast %scan3A_73 : i32 to index
      %swap3A_109 = arith.constant 112 : index
      %swap3A_110 = tpu.vector_load %arg6[%swap3A_108, %swap3A_109] {strides = array<i32>} : memref<128x128xf32, #tpu.memory_space<vmem>>, vector<1x16xf32>,
      %swap3A_111 = vector.shape_cast %swap3A_110 : vector<1x16xf32> to vector<16xf32>
      %swap3A_112 = vector.shape_cast %broadcast_in_dim3A_16 : vector<16xf32> to vector<1x16xf32>
      tpu.vector_store %arg6[%swap3A_108, %swap3A_109], %swap3A_112 {strides = array<i32>} : memref<128x128xf32, #tpu.memory_space<vmem>>, vector<1x16xf32>,
    }
    %scan3A_22 = arith.constant 128 : i32
    %mul3A_23 = arith.constant 640 : i32
    %mul3A_24 = arith.muli %arg1, %mul3A_23 : i32
    %add3A_25 = arith.constant 0 : i32
    %add3A_26 = arith.addi %mul3A_24, %add3A_25 : i32
    "tpu.region"() ({
      %run_scoped3A = tpu.sem_alloc : memref<!tpu.dma_semaphore, #tpu.memory_space<semaphore_mem>>
      %dma_start3A = arith.constant 0 : i32
      %dma_start3A_73 = tpu.memref_slice %arg7[%add3A_26, %dma_start3A] : memref<10240x128xf32, #tpu.memory_space<vmem_shared>> -> memref<128x128xf32, #tpu.memory_space<vmem_shared>>
      %dma_start3A_74 = arith.constant 0 : i32
      %dma_start3A_75 = tpu.memref_slice %arg7[%add3A_26, %dma_start3A_74] : memref<10240x128xf32, #tpu.memory_space<vmem_shared>> -> memref<128x128xf32, #tpu.memory_space<vmem_shared>>
      tpu.enqueue_dma source(%arg6 : memref<128x128xf32, #tpu.memory_space<vmem>>) target(%dma_start3A_75 : memref<128x128xf32, #tpu.memory_space<vmem_shared>>) target_semaphore(%run_scoped3A : memref<!tpu.dma_semaphore, #tpu.memory_space<semaphore_mem>>)
      %dma_wait3A = arith.constant 0 : i32
      %dma_wait3A_76 = tpu.memref_slice %arg7[%add3A_26, %dma_wait3A] : memref<10240x128xf32, #tpu.memory_space<vmem_shared>> -> memref<128x128xf32, #tpu.memory_space<vmem_shared>>
      %dma_wait3A_77 = arith.constant 0 : i32
      %dma_wait3A_78 = tpu.memref_slice %arg7[%add3A_26, %dma_wait3A_77] : memref<10240x128xf32, #tpu.memory_space<vmem_shared>> -> memref<128x128xf32, #tpu.memory_space<vmem_shared>>
      tpu.wait_dma2 semaphore(%run_scoped3A : memref<!tpu.dma_semaphore, #tpu.memory_space<semaphore_mem>>) src(%arg6 : memref<128x128xf32, #tpu.memory_space<vmem>>) dst(%dma_wait3A_78 : memref<128x128xf32, #tpu.memory_space<vmem_shared>>)
      tpu.yield
    }) : () -> ()
    %mul3A_27 = arith.constant 640 : i32
    %mul3A_28 = arith.muli %arg1, %mul3A_27 : i32
    %add3A_29 = arith.constant 128 : i32
    %add3A_30 = arith.addi %mul3A_28, %add3A_29 : i32
    "tpu.region"() ({
      %run_scoped3A = tpu.sem_alloc : memref<!tpu.dma_semaphore, #tpu.memory_space<semaphore_mem>>
      %dma_start3A = arith.constant 0 : i32
      %dma_start3A_73 = tpu.memref_slice %arg7[%add3A_30, %dma_start3A] : memref<10240x128xf32, #tpu.memory_space<vmem_shared>> -> memref<128x128xf32, #tpu.memory_space<vmem_shared>>
      %dma_start3A_74 = arith.constant 0 : i32
      %dma_start3A_75 = tpu.memref_slice %arg7[%add3A_30, %dma_start3A_74] : memref<10240x128xf32, #tpu.memory_space<vmem_shared>> -> memref<128x128xf32, #tpu.memory_space<vmem_shared>>
      tpu.enqueue_dma source(%arg6 : memref<128x128xf32, #tpu.memory_space<vmem>>) target(%dma_start3A_75 : memref<128x128xf32, #tpu.memory_space<vmem_shared>>) target_semaphore(%run_scoped3A : memref<!tpu.dma_semaphore, #tpu.memory_space<semaphore_mem>>)
      %dma_wait3A = arith.constant 0 : i32
      %dma_wait3A_76 = tpu.memref_slice %arg7[%add3A_30, %dma_wait3A] : memref<10240x128xf32, #tpu.memory_space<vmem_shared>> -> memref<128x128xf32, #tpu.memory_space<vmem_shared>>
      %dma_wait3A_77 = arith.constant 0 : i32
      %dma_wait3A_78 = tpu.memref_slice %arg7[%add3A_30, %dma_wait3A_77] : memref<10240x128xf32, #tpu.memory_space<vmem_shared>> -> memref<128x128xf32, #tpu.memory_space<vmem_shared>>
      tpu.wait_dma2 semaphore(%run_scoped3A : memref<!tpu.dma_semaphore, #tpu.memory_space<semaphore_mem>>) src(%arg6 : memref<128x128xf32, #tpu.memory_space<vmem>>) dst(%dma_wait3A_78 : memref<128x128xf32, #tpu.memory_space<vmem_shared>>)
      tpu.yield
    }) : () -> ()
    %mul3A_31 = arith.constant 640 : i32
    %mul3A_32 = arith.muli %arg1, %mul3A_31 : i32
    %add3A_33 = arith.constant 256 : i32
    %add3A_34 = arith.addi %mul3A_32, %add3A_33 : i32
    "tpu.region"() ({
      %run_scoped3A = tpu.sem_alloc : memref<!tpu.dma_semaphore, #tpu.memory_space<semaphore_mem>>
      %dma_start3A = arith.constant 0 : i32
      %dma_start3A_73 = tpu.memref_slice %arg7[%add3A_34, %dma_start3A] : memref<10240x128xf32, #tpu.memory_space<vmem_shared>> -> memref<128x128xf32, #tpu.memory_space<vmem_shared>>
      %dma_start3A_74 = arith.constant 0 : i32
      %dma_start3A_75 = tpu.memref_slice %arg7[%add3A_34, %dma_start3A_74] : memref<10240x128xf32, #tpu.memory_space<vmem_shared>> -> memref<128x128xf32, #tpu.memory_space<vmem_shared>>
      tpu.enqueue_dma source(%arg6 : memref<128x128xf32, #tpu.memory_space<vmem>>) target(%dma_start3A_75 : memref<128x128xf32, #tpu.memory_space<vmem_shared>>) target_semaphore(%run_scoped3A : memref<!tpu.dma_semaphore, #tpu.memory_space<semaphore_mem>>)
      %dma_wait3A = arith.constant 0 : i32
      %dma_wait3A_76 = tpu.memref_slice %arg7[%add3A_34, %dma_wait3A] : memref<10240x128xf32, #tpu.memory_space<vmem_shared>> -> memref<128x128xf32, #tpu.memory_space<vmem_shared>>
      %dma_wait3A_77 = arith.constant 0 : i32
      %dma_wait3A_78 = tpu.memref_slice %arg7[%add3A_34, %dma_wait3A_77] : memref<10240x128xf32, #tpu.memory_space<vmem_shared>> -> memref<128x128xf32, #tpu.memory_space<vmem_shared>>
      tpu.wait_dma2 semaphore(%run_scoped3A : memref<!tpu.dma_semaphore, #tpu.memory_space<semaphore_mem>>) src(%arg6 : memref<128x128xf32, #tpu.memory_space<vmem>>) dst(%dma_wait3A_78 : memref<128x128xf32, #tpu.memory_space<vmem_shared>>)
      tpu.yield
    }) : () -> ()
    %mul3A_35 = arith.constant 640 : i32
    %mul3A_36 = arith.muli %arg1, %mul3A_35 : i32
    %add3A_37 = arith.constant 384 : i32
    %add3A_38 = arith.addi %mul3A_36, %add3A_37 : i32
    "tpu.region"() ({
      %run_scoped3A = tpu.sem_alloc : memref<!tpu.dma_semaphore, #tpu.memory_space<semaphore_mem>>
      %dma_start3A = arith.constant 0 : i32
      %dma_start3A_73 = tpu.memref_slice %arg7[%add3A_38, %dma_start3A] : memref<10240x128xf32, #tpu.memory_space<vmem_shared>> -> memref<128x128xf32, #tpu.memory_space<vmem_shared>>
      %dma_start3A_74 = arith.constant 0 : i32
      %dma_start3A_75 = tpu.memref_slice %arg7[%add3A_38, %dma_start3A_74] : memref<10240x128xf32, #tpu.memory_space<vmem_shared>> -> memref<128x128xf32, #tpu.memory_space<vmem_shared>>
      tpu.enqueue_dma source(%arg6 : memref<128x128xf32, #tpu.memory_space<vmem>>) target(%dma_start3A_75 : memref<128x128xf32, #tpu.memory_space<vmem_shared>>) target_semaphore(%run_scoped3A : memref<!tpu.dma_semaphore, #tpu.memory_space<semaphore_mem>>)
      %dma_wait3A = arith.constant 0 : i32
      %dma_wait3A_76 = tpu.memref_slice %arg7[%add3A_38, %dma_wait3A] : memref<10240x128xf32, #tpu.memory_space<vmem_shared>> -> memref<128x128xf32, #tpu.memory_space<vmem_shared>>
      %dma_wait3A_77 = arith.constant 0 : i32
      %dma_wait3A_78 = tpu.memref_slice %arg7[%add3A_38, %dma_wait3A_77] : memref<10240x128xf32, #tpu.memory_space<vmem_shared>> -> memref<128x128xf32, #tpu.memory_space<vmem_shared>>
      tpu.wait_dma2 semaphore(%run_scoped3A : memref<!tpu.dma_semaphore, #tpu.memory_space<semaphore_mem>>) src(%arg6 : memref<128x128xf32, #tpu.memory_space<vmem>>) dst(%dma_wait3A_78 : memref<128x128xf32, #tpu.memory_space<vmem_shared>>)
      tpu.yield
    }) : () -> ()
    %mul3A_39 = arith.constant 640 : i32
    %mul3A_40 = arith.muli %arg1, %mul3A_39 : i32
    %add3A_41 = arith.constant 512 : i32
    %add3A_42 = arith.addi %mul3A_40, %add3A_41 : i32
    "tpu.region"() ({
      %run_scoped3A = tpu.sem_alloc : memref<!tpu.dma_semaphore, #tpu.memory_space<semaphore_mem>>
      %dma_start3A = arith.constant 0 : i32
      %dma_start3A_73 = tpu.memref_slice %arg7[%add3A_42, %dma_start3A] : memref<10240x128xf32, #tpu.memory_space<vmem_shared>> -> memref<128x128xf32, #tpu.memory_space<vmem_shared>>
      %dma_start3A_74 = arith.constant 0 : i32
      %dma_start3A_75 = tpu.memref_slice %arg7[%add3A_42, %dma_start3A_74] : memref<10240x128xf32, #tpu.memory_space<vmem_shared>> -> memref<128x128xf32, #tpu.memory_space<vmem_shared>>
      tpu.enqueue_dma source(%arg6 : memref<128x128xf32, #tpu.memory_space<vmem>>) target(%dma_start3A_75 : memref<128x128xf32, #tpu.memory_space<vmem_shared>>) target_semaphore(%run_scoped3A : memref<!tpu.dma_semaphore, #tpu.memory_space<semaphore_mem>>)
      %dma_wait3A = arith.constant 0 : i32
      %dma_wait3A_76 = tpu.memref_slice %arg7[%add3A_42, %dma_wait3A] : memref<10240x128xf32, #tpu.memory_space<vmem_shared>> -> memref<128x128xf32, #tpu.memory_space<vmem_shared>>
      %dma_wait3A_77 = arith.constant 0 : i32
      %dma_wait3A_78 = tpu.memref_slice %arg7[%add3A_42, %dma_wait3A_77] : memref<10240x128xf32, #tpu.memory_space<vmem_shared>> -> memref<128x128xf32, #tpu.memory_space<vmem_shared>>
      tpu.wait_dma2 semaphore(%run_scoped3A : memref<!tpu.dma_semaphore, #tpu.memory_space<semaphore_mem>>) src(%arg6 : memref<128x128xf32, #tpu.memory_space<vmem>>) dst(%dma_wait3A_78 : memref<128x128xf32, #tpu.memory_space<vmem_shared>>)
      tpu.yield
    }) : () -> ()
    %barrier3A = arith.constant 0 : index
    tpu.barrier barrier_id(%barrier3A)
    %while3A = arith.constant 0 : i32
    %while3A_43 = arith.constant 0 : i32
    %while3A_44 = arith.subi %add3A_14, %while3A_43 : i32
    %while3A_45 = arith.addi %while3A_43, %while3A_44 : i32
    %while3A_46 = arith.constant 1 : i32
    %while3A_47 = arith.divsi %while3A_44, %while3A_46 : i32
    %while3A_48 = arith.muli %while3A_47, %while3A_46 : i32
    %while3A_49 = arith.addi %while3A_43, %while3A_48 : i32
    %while3A_50 = arith.constant 1 : i32
    scf.for %while3A_73 = %while3A_43 to %while3A_49 step %while3A_50  : i32 {
      %add3A_74 = arith.addi %add3A_10, %while3A_73 : i32
      "tpu.region"() ({
        %run_scoped3A = tpu.sem_alloc : memref<!tpu.dma_semaphore, #tpu.memory_space<semaphore_mem>>
        %dma_start3A = arith.constant 0 : i32
        %dma_start3A_75 = tpu.memref_slice %arg2[%add3A_74, %dma_start3A] : memref<2500x128xi32, #tpu.memory_space<hbm>> -> memref<1x128xi32, #tpu.memory_space<hbm>>
        %dma_start3A_76 = tpu.memref_squeeze %dma_start3A_75 : memref<1x128xi32, #tpu.memory_space<hbm>> -> memref<128xi32, #tpu.memory_space<hbm>>
        %dma_start3A_77 = arith.constant 0 : i32
        %dma_start3A_78 = tpu.memref_slice %arg2[%add3A_74, %dma_start3A_77] : memref<2500x128xi32, #tpu.memory_space<hbm>> -> memref<1x128xi32, #tpu.memory_space<hbm>>
        %dma_start3A_79 = tpu.memref_squeeze %dma_start3A_78 : memref<1x128xi32, #tpu.memory_space<hbm>> -> memref<128xi32, #tpu.memory_space<hbm>>
        tpu.enqueue_dma source(%dma_start3A_79 : memref<128xi32, #tpu.memory_space<hbm>>) target(%arg4 : memref<128xi32, #tpu.memory_space<vmem>>) target_semaphore(%run_scoped3A : memref<!tpu.dma_semaphore, #tpu.memory_space<semaphore_mem>>)
        %dma_wait3A = arith.constant 0 : i32
        %dma_wait3A_80 = tpu.memref_slice %arg2[%add3A_74, %dma_wait3A] : memref<2500x128xi32, #tpu.memory_space<hbm>> -> memref<1x128xi32, #tpu.memory_space<hbm>>
        %dma_wait3A_81 = tpu.memref_squeeze %dma_wait3A_80 : memref<1x128xi32, #tpu.memory_space<hbm>> -> memref<128xi32, #tpu.memory_space<hbm>>
        %dma_wait3A_82 = arith.constant 0 : i32
        %dma_wait3A_83 = tpu.memref_slice %arg2[%add3A_74, %dma_wait3A_82] : memref<2500x128xi32, #tpu.memory_space<hbm>> -> memref<1x128xi32, #tpu.memory_space<hbm>>
        %dma_wait3A_84 = tpu.memref_squeeze %dma_wait3A_83 : memref<1x128xi32, #tpu.memory_space<hbm>> -> memref<128xi32, #tpu.memory_space<hbm>>
        tpu.wait_dma2 semaphore(%run_scoped3A : memref<!tpu.dma_semaphore, #tpu.memory_space<semaphore_mem>>) src(%dma_wait3A_84 : memref<128xi32, #tpu.memory_space<hbm>>) dst(%arg4 : memref<128xi32, #tpu.memory_space<vmem>>)
        tpu.yield
      }) : () -> ()
      "tpu.region"() ({
        %run_scoped3A = tpu.sem_alloc : memref<!tpu.dma_semaphore, #tpu.memory_space<semaphore_mem>>
        %dma_start3A = arith.constant 0 : i32
        %dma_start3A_75 = arith.constant 0 : i32
        %dma_start3A_76 = tpu.memref_slice %arg7[%dma_start3A, %dma_start3A_75] : memref<10240x128xf32, #tpu.memory_space<vmem_shared>> -> memref<10240x128xf32, #tpu.memory_space<vmem_shared>>
        tpu.enqueue_indirect_dma source(%arg5 : memref<128x128xf32, #tpu.memory_space<vmem>>) target(%dma_start3A_76 : memref<10240x128xf32, #tpu.memory_space<vmem_shared>>) offsets(%arg4 : memref<128xi32, #tpu.memory_space<vmem>>) semaphore(%run_scoped3A : memref<!tpu.dma_semaphore, #tpu.memory_space<semaphore_mem>>) {add = true}
        %dma_wait3A = arith.constant 0 : i32
        %dma_wait3A_77 = arith.constant 0 : i32
        %dma_wait3A_78 = tpu.memref_slice %arg7[%dma_wait3A, %dma_wait3A_77] : memref<10240x128xf32, #tpu.memory_space<vmem_shared>> -> memref<10240x128xf32, #tpu.memory_space<vmem_shared>>
        tpu.wait_indirect_dma semaphore(%run_scoped3A : memref<!tpu.dma_semaphore, #tpu.memory_space<semaphore_mem>>) src(%arg5 : memref<128x128xf32, #tpu.memory_space<vmem>>) dst(%dma_wait3A_78 : memref<10240x128xf32, #tpu.memory_space<vmem_shared>>)
        tpu.yield
      }) : () -> ()
    }
    %while3A_51 = arith.constant 1 : i32
    scf.for %while3A_73 = %while3A_49 to %while3A_45 step %while3A_51  : i32 {
      %add3A_74 = arith.addi %add3A_10, %while3A_73 : i32
      "tpu.region"() ({
        %run_scoped3A = tpu.sem_alloc : memref<!tpu.dma_semaphore, #tpu.memory_space<semaphore_mem>>
        %dma_start3A = arith.constant 0 : i32
        %dma_start3A_75 = tpu.memref_slice %arg2[%add3A_74, %dma_start3A] : memref<2500x128xi32, #tpu.memory_space<hbm>> -> memref<1x128xi32, #tpu.memory_space<hbm>>
        %dma_start3A_76 = tpu.memref_squeeze %dma_start3A_75 : memref<1x128xi32, #tpu.memory_space<hbm>> -> memref<128xi32, #tpu.memory_space<hbm>>
        %dma_start3A_77 = arith.constant 0 : i32
        %dma_start3A_78 = tpu.memref_slice %arg2[%add3A_74, %dma_start3A_77] : memref<2500x128xi32, #tpu.memory_space<hbm>> -> memref<1x128xi32, #tpu.memory_space<hbm>>
        %dma_start3A_79 = tpu.memref_squeeze %dma_start3A_78 : memref<1x128xi32, #tpu.memory_space<hbm>> -> memref<128xi32, #tpu.memory_space<hbm>>
        tpu.enqueue_dma source(%dma_start3A_79 : memref<128xi32, #tpu.memory_space<hbm>>) target(%arg4 : memref<128xi32, #tpu.memory_space<vmem>>) target_semaphore(%run_scoped3A : memref<!tpu.dma_semaphore, #tpu.memory_space<semaphore_mem>>)
        %dma_wait3A = arith.constant 0 : i32
        %dma_wait3A_80 = tpu.memref_slice %arg2[%add3A_74, %dma_wait3A] : memref<2500x128xi32, #tpu.memory_space<hbm>> -> memref<1x128xi32, #tpu.memory_space<hbm>>
        %dma_wait3A_81 = tpu.memref_squeeze %dma_wait3A_80 : memref<1x128xi32, #tpu.memory_space<hbm>> -> memref<128xi32, #tpu.memory_space<hbm>>
        %dma_wait3A_82 = arith.constant 0 : i32
        %dma_wait3A_83 = tpu.memref_slice %arg2[%add3A_74, %dma_wait3A_82] : memref<2500x128xi32, #tpu.memory_space<hbm>> -> memref<1x128xi32, #tpu.memory_space<hbm>>
        %dma_wait3A_84 = tpu.memref_squeeze %dma_wait3A_83 : memref<1x128xi32, #tpu.memory_space<hbm>> -> memref<128xi32, #tpu.memory_space<hbm>>
        tpu.wait_dma2 semaphore(%run_scoped3A : memref<!tpu.dma_semaphore, #tpu.memory_space<semaphore_mem>>) src(%dma_wait3A_84 : memref<128xi32, #tpu.memory_space<hbm>>) dst(%arg4 : memref<128xi32, #tpu.memory_space<vmem>>)
        tpu.yield
      }) : () -> ()
      "tpu.region"() ({
        %run_scoped3A = tpu.sem_alloc : memref<!tpu.dma_semaphore, #tpu.memory_space<semaphore_mem>>
        %dma_start3A = arith.constant 0 : i32
        %dma_start3A_75 = arith.constant 0 : i32
        %dma_start3A_76 = tpu.memref_slice %arg7[%dma_start3A, %dma_start3A_75] : memref<10240x128xf32, #tpu.memory_space<vmem_shared>> -> memref<10240x128xf32, #tpu.memory_space<vmem_shared>>
        tpu.enqueue_indirect_dma source(%arg5 : memref<128x128xf32, #tpu.memory_space<vmem>>) target(%dma_start3A_76 : memref<10240x128xf32, #tpu.memory_space<vmem_shared>>) offsets(%arg4 : memref<128xi32, #tpu.memory_space<vmem>>) semaphore(%run_scoped3A : memref<!tpu.dma_semaphore, #tpu.memory_space<semaphore_mem>>) {add = true}
        %dma_wait3A = arith.constant 0 : i32
        %dma_wait3A_77 = arith.constant 0 : i32
        %dma_wait3A_78 = tpu.memref_slice %arg7[%dma_wait3A, %dma_wait3A_77] : memref<10240x128xf32, #tpu.memory_space<vmem_shared>> -> memref<10240x128xf32, #tpu.memory_space<vmem_shared>>
        tpu.wait_indirect_dma semaphore(%run_scoped3A : memref<!tpu.dma_semaphore, #tpu.memory_space<semaphore_mem>>) src(%arg5 : memref<128x128xf32, #tpu.memory_space<vmem>>) dst(%dma_wait3A_78 : memref<10240x128xf32, #tpu.memory_space<vmem_shared>>)
        tpu.yield
      }) : () -> ()
    }
    %barrier3A_52 = arith.constant 0 : index
    tpu.barrier barrier_id(%barrier3A_52)
    %mul3A_53 = arith.constant 640 : i32
    %mul3A_54 = arith.muli %arg1, %mul3A_53 : i32
    %add3A_55 = arith.constant 0 : i32
    %add3A_56 = arith.addi %mul3A_54, %add3A_55 : i32
    "tpu.region"() ({
      %run_scoped3A = tpu.sem_alloc : memref<!tpu.dma_semaphore, #tpu.memory_space<semaphore_mem>>
      %dma_start3A = arith.constant 0 : i32
      %dma_start3A_73 = tpu.memref_slice %arg7[%add3A_56, %dma_start3A] : memref<10240x128xf32, #tpu.memory_space<vmem_shared>> -> memref<128x128xf32, #tpu.memory_space<vmem_shared>>
      %dma_start3A_74 = arith.constant 0 : i32
      %dma_start3A_75 = tpu.memref_slice %arg7[%add3A_56, %dma_start3A_74] : memref<10240x128xf32, #tpu.memory_space<vmem_shared>> -> memref<128x128xf32, #tpu.memory_space<vmem_shared>>
      tpu.enqueue_dma source(%dma_start3A_75 : memref<128x128xf32, #tpu.memory_space<vmem_shared>>) target(%arg6 : memref<128x128xf32, #tpu.memory_space<vmem>>) target_semaphore(%run_scoped3A : memref<!tpu.dma_semaphore, #tpu.memory_space<semaphore_mem>>)
      %dma_wait3A = arith.constant 0 : i32
      %dma_wait3A_76 = tpu.memref_slice %arg7[%add3A_56, %dma_wait3A] : memref<10240x128xf32, #tpu.memory_space<vmem_shared>> -> memref<128x128xf32, #tpu.memory_space<vmem_shared>>
      %dma_wait3A_77 = arith.constant 0 : i32
      %dma_wait3A_78 = tpu.memref_slice %arg7[%add3A_56, %dma_wait3A_77] : memref<10240x128xf32, #tpu.memory_space<vmem_shared>> -> memref<128x128xf32, #tpu.memory_space<vmem_shared>>
      tpu.wait_dma2 semaphore(%run_scoped3A : memref<!tpu.dma_semaphore, #tpu.memory_space<semaphore_mem>>) src(%dma_wait3A_78 : memref<128x128xf32, #tpu.memory_space<vmem_shared>>) dst(%arg6 : memref<128x128xf32, #tpu.memory_space<vmem>>)
      tpu.yield
    }) : () -> ()
    "tpu.region"() ({
      %run_scoped3A = tpu.sem_alloc : memref<!tpu.dma_semaphore, #tpu.memory_space<semaphore_mem>>
      %dma_start3A = arith.constant 0 : i32
      %dma_start3A_73 = tpu.memref_slice %arg3[%arg0, %add3A_56, %dma_start3A] : memref<2x10240x128xf32, #tpu.memory_space<hbm>> -> memref<1x128x128xf32, #tpu.memory_space<hbm>>
      %dma_start3A_74 = tpu.memref_squeeze %dma_start3A_73 : memref<1x128x128xf32, #tpu.memory_space<hbm>> -> memref<128x128xf32, #tpu.memory_space<hbm>>
      %dma_start3A_75 = arith.constant 0 : i32
      %dma_start3A_76 = tpu.memref_slice %arg3[%arg0, %add3A_56, %dma_start3A_75] : memref<2x10240x128xf32, #tpu.memory_space<hbm>> -> memref<1x128x128xf32, #tpu.memory_space<hbm>>
      %dma_start3A_77 = tpu.memref_squeeze %dma_start3A_76 : memref<1x128x128xf32, #tpu.memory_space<hbm>> -> memref<128x128xf32, #tpu.memory_space<hbm>>
      tpu.enqueue_dma source(%arg6 : memref<128x128xf32, #tpu.memory_space<vmem>>) target(%dma_start3A_77 : memref<128x128xf32, #tpu.memory_space<hbm>>) target_semaphore(%run_scoped3A : memref<!tpu.dma_semaphore, #tpu.memory_space<semaphore_mem>>)
      %dma_wait3A = arith.constant 0 : i32
      %dma_wait3A_78 = tpu.memref_slice %arg3[%arg0, %add3A_56, %dma_wait3A] : memref<2x10240x128xf32, #tpu.memory_space<hbm>> -> memref<1x128x128xf32, #tpu.memory_space<hbm>>
      %dma_wait3A_79 = tpu.memref_squeeze %dma_wait3A_78 : memref<1x128x128xf32, #tpu.memory_space<hbm>> -> memref<128x128xf32, #tpu.memory_space<hbm>>
      %dma_wait3A_80 = arith.constant 0 : i32
      %dma_wait3A_81 = tpu.memref_slice %arg3[%arg0, %add3A_56, %dma_wait3A_80] : memref<2x10240x128xf32, #tpu.memory_space<hbm>> -> memref<1x128x128xf32, #tpu.memory_space<hbm>>
      %dma_wait3A_82 = tpu.memref_squeeze %dma_wait3A_81 : memref<1x128x128xf32, #tpu.memory_space<hbm>> -> memref<128x128xf32, #tpu.memory_space<hbm>>
      tpu.wait_dma2 semaphore(%run_scoped3A : memref<!tpu.dma_semaphore, #tpu.memory_space<semaphore_mem>>) src(%arg6 : memref<128x128xf32, #tpu.memory_space<vmem>>) dst(%dma_wait3A_82 : memref<128x128xf32, #tpu.memory_space<hbm>>)
      tpu.yield
    }) : () -> ()
    %mul3A_57 = arith.constant 640 : i32
    %mul3A_58 = arith.muli %arg1, %mul3A_57 : i32
    %add3A_59 = arith.constant 128 : i32
    %add3A_60 = arith.addi %mul3A_58, %add3A_59 : i32
    "tpu.region"() ({
      %run_scoped3A = tpu.sem_alloc : memref<!tpu.dma_semaphore, #tpu.memory_space<semaphore_mem>>
      %dma_start3A = arith.constant 0 : i32
      %dma_start3A_73 = tpu.memref_slice %arg7[%add3A_60, %dma_start3A] : memref<10240x128xf32, #tpu.memory_space<vmem_shared>> -> memref<128x128xf32, #tpu.memory_space<vmem_shared>>
      %dma_start3A_74 = arith.constant 0 : i32
      %dma_start3A_75 = tpu.memref_slice %arg7[%add3A_60, %dma_start3A_74] : memref<10240x128xf32, #tpu.memory_space<vmem_shared>> -> memref<128x128xf32, #tpu.memory_space<vmem_shared>>
      tpu.enqueue_dma source(%dma_start3A_75 : memref<128x128xf32, #tpu.memory_space<vmem_shared>>) target(%arg6 : memref<128x128xf32, #tpu.memory_space<vmem>>) target_semaphore(%run_scoped3A : memref<!tpu.dma_semaphore, #tpu.memory_space<semaphore_mem>>)
      %dma_wait3A = arith.constant 0 : i32
      %dma_wait3A_76 = tpu.memref_slice %arg7[%add3A_60, %dma_wait3A] : memref<10240x128xf32, #tpu.memory_space<vmem_shared>> -> memref<128x128xf32, #tpu.memory_space<vmem_shared>>
      %dma_wait3A_77 = arith.constant 0 : i32
      %dma_wait3A_78 = tpu.memref_slice %arg7[%add3A_60, %dma_wait3A_77] : memref<10240x128xf32, #tpu.memory_space<vmem_shared>> -> memref<128x128xf32, #tpu.memory_space<vmem_shared>>
      tpu.wait_dma2 semaphore(%run_scoped3A : memref<!tpu.dma_semaphore, #tpu.memory_space<semaphore_mem>>) src(%dma_wait3A_78 : memref<128x128xf32, #tpu.memory_space<vmem_shared>>) dst(%arg6 : memref<128x128xf32, #tpu.memory_space<vmem>>)
      tpu.yield
    }) : () -> ()
    "tpu.region"() ({
      %run_scoped3A = tpu.sem_alloc : memref<!tpu.dma_semaphore, #tpu.memory_space<semaphore_mem>>
      %dma_start3A = arith.constant 0 : i32
      %dma_start3A_73 = tpu.memref_slice %arg3[%arg0, %add3A_60, %dma_start3A] : memref<2x10240x128xf32, #tpu.memory_space<hbm>> -> memref<1x128x128xf32, #tpu.memory_space<hbm>>
      %dma_start3A_74 = tpu.memref_squeeze %dma_start3A_73 : memref<1x128x128xf32, #tpu.memory_space<hbm>> -> memref<128x128xf32, #tpu.memory_space<hbm>>
      %dma_start3A_75 = arith.constant 0 : i32
      %dma_start3A_76 = tpu.memref_slice %arg3[%arg0, %add3A_60, %dma_start3A_75] : memref<2x10240x128xf32, #tpu.memory_space<hbm>> -> memref<1x128x128xf32, #tpu.memory_space<hbm>>
      %dma_start3A_77 = tpu.memref_squeeze %dma_start3A_76 : memref<1x128x128xf32, #tpu.memory_space<hbm>> -> memref<128x128xf32, #tpu.memory_space<hbm>>
      tpu.enqueue_dma source(%arg6 : memref<128x128xf32, #tpu.memory_space<vmem>>) target(%dma_start3A_77 : memref<128x128xf32, #tpu.memory_space<hbm>>) target_semaphore(%run_scoped3A : memref<!tpu.dma_semaphore, #tpu.memory_space<semaphore_mem>>)
      %dma_wait3A = arith.constant 0 : i32
      %dma_wait3A_78 = tpu.memref_slice %arg3[%arg0, %add3A_60, %dma_wait3A] : memref<2x10240x128xf32, #tpu.memory_space<hbm>> -> memref<1x128x128xf32, #tpu.memory_space<hbm>>
      %dma_wait3A_79 = tpu.memref_squeeze %dma_wait3A_78 : memref<1x128x128xf32, #tpu.memory_space<hbm>> -> memref<128x128xf32, #tpu.memory_space<hbm>>
      %dma_wait3A_80 = arith.constant 0 : i32
      %dma_wait3A_81 = tpu.memref_slice %arg3[%arg0, %add3A_60, %dma_wait3A_80] : memref<2x10240x128xf32, #tpu.memory_space<hbm>> -> memref<1x128x128xf32, #tpu.memory_space<hbm>>
      %dma_wait3A_82 = tpu.memref_squeeze %dma_wait3A_81 : memref<1x128x128xf32, #tpu.memory_space<hbm>> -> memref<128x128xf32, #tpu.memory_space<hbm>>
      tpu.wait_dma2 semaphore(%run_scoped3A : memref<!tpu.dma_semaphore, #tpu.memory_space<semaphore_mem>>) src(%arg6 : memref<128x128xf32, #tpu.memory_space<vmem>>) dst(%dma_wait3A_82 : memref<128x128xf32, #tpu.memory_space<hbm>>)
      tpu.yield
    }) : () -> ()
    %mul3A_61 = arith.constant 640 : i32
    %mul3A_62 = arith.muli %arg1, %mul3A_61 : i32
    %add3A_63 = arith.constant 256 : i32
    %add3A_64 = arith.addi %mul3A_62, %add3A_63 : i32
    "tpu.region"() ({
      %run_scoped3A = tpu.sem_alloc : memref<!tpu.dma_semaphore, #tpu.memory_space<semaphore_mem>>
      %dma_start3A = arith.constant 0 : i32
      %dma_start3A_73 = tpu.memref_slice %arg7[%add3A_64, %dma_start3A] : memref<10240x128xf32, #tpu.memory_space<vmem_shared>> -> memref<128x128xf32, #tpu.memory_space<vmem_shared>>
      %dma_start3A_74 = arith.constant 0 : i32
      %dma_start3A_75 = tpu.memref_slice %arg7[%add3A_64, %dma_start3A_74] : memref<10240x128xf32, #tpu.memory_space<vmem_shared>> -> memref<128x128xf32, #tpu.memory_space<vmem_shared>>
      tpu.enqueue_dma source(%dma_start3A_75 : memref<128x128xf32, #tpu.memory_space<vmem_shared>>) target(%arg6 : memref<128x128xf32, #tpu.memory_space<vmem>>) target_semaphore(%run_scoped3A : memref<!tpu.dma_semaphore, #tpu.memory_space<semaphore_mem>>)
      %dma_wait3A = arith.constant 0 : i32
      %dma_wait3A_76 = tpu.memref_slice %arg7[%add3A_64, %dma_wait3A] : memref<10240x128xf32, #tpu.memory_space<vmem_shared>> -> memref<128x128xf32, #tpu.memory_space<vmem_shared>>
      %dma_wait3A_77 = arith.constant 0 : i32
      %dma_wait3A_78 = tpu.memref_slice %arg7[%add3A_64, %dma_wait3A_77] : memref<10240x128xf32, #tpu.memory_space<vmem_shared>> -> memref<128x128xf32, #tpu.memory_space<vmem_shared>>
      tpu.wait_dma2 semaphore(%run_scoped3A : memref<!tpu.dma_semaphore, #tpu.memory_space<semaphore_mem>>) src(%dma_wait3A_78 : memref<128x128xf32, #tpu.memory_space<vmem_shared>>) dst(%arg6 : memref<128x128xf32, #tpu.memory_space<vmem>>)
      tpu.yield
    }) : () -> ()
    "tpu.region"() ({
      %run_scoped3A = tpu.sem_alloc : memref<!tpu.dma_semaphore, #tpu.memory_space<semaphore_mem>>
      %dma_start3A = arith.constant 0 : i32
      %dma_start3A_73 = tpu.memref_slice %arg3[%arg0, %add3A_64, %dma_start3A] : memref<2x10240x128xf32, #tpu.memory_space<hbm>> -> memref<1x128x128xf32, #tpu.memory_space<hbm>>
      %dma_start3A_74 = tpu.memref_squeeze %dma_start3A_73 : memref<1x128x128xf32, #tpu.memory_space<hbm>> -> memref<128x128xf32, #tpu.memory_space<hbm>>
      %dma_start3A_75 = arith.constant 0 : i32
      %dma_start3A_76 = tpu.memref_slice %arg3[%arg0, %add3A_64, %dma_start3A_75] : memref<2x10240x128xf32, #tpu.memory_space<hbm>> -> memref<1x128x128xf32, #tpu.memory_space<hbm>>
      %dma_start3A_77 = tpu.memref_squeeze %dma_start3A_76 : memref<1x128x128xf32, #tpu.memory_space<hbm>> -> memref<128x128xf32, #tpu.memory_space<hbm>>
      tpu.enqueue_dma source(%arg6 : memref<128x128xf32, #tpu.memory_space<vmem>>) target(%dma_start3A_77 : memref<128x128xf32, #tpu.memory_space<hbm>>) target_semaphore(%run_scoped3A : memref<!tpu.dma_semaphore, #tpu.memory_space<semaphore_mem>>)
      %dma_wait3A = arith.constant 0 : i32
      %dma_wait3A_78 = tpu.memref_slice %arg3[%arg0, %add3A_64, %dma_wait3A] : memref<2x10240x128xf32, #tpu.memory_space<hbm>> -> memref<1x128x128xf32, #tpu.memory_space<hbm>>
      %dma_wait3A_79 = tpu.memref_squeeze %dma_wait3A_78 : memref<1x128x128xf32, #tpu.memory_space<hbm>> -> memref<128x128xf32, #tpu.memory_space<hbm>>
      %dma_wait3A_80 = arith.constant 0 : i32
      %dma_wait3A_81 = tpu.memref_slice %arg3[%arg0, %add3A_64, %dma_wait3A_80] : memref<2x10240x128xf32, #tpu.memory_space<hbm>> -> memref<1x128x128xf32, #tpu.memory_space<hbm>>
      %dma_wait3A_82 = tpu.memref_squeeze %dma_wait3A_81 : memref<1x128x128xf32, #tpu.memory_space<hbm>> -> memref<128x128xf32, #tpu.memory_space<hbm>>
      tpu.wait_dma2 semaphore(%run_scoped3A : memref<!tpu.dma_semaphore, #tpu.memory_space<semaphore_mem>>) src(%arg6 : memref<128x128xf32, #tpu.memory_space<vmem>>) dst(%dma_wait3A_82 : memref<128x128xf32, #tpu.memory_space<hbm>>)
      tpu.yield
    }) : () -> ()
    %mul3A_65 = arith.constant 640 : i32
    %mul3A_66 = arith.muli %arg1, %mul3A_65 : i32
    %add3A_67 = arith.constant 384 : i32
    %add3A_68 = arith.addi %mul3A_66, %add3A_67 : i32
    "tpu.region"() ({
      %run_scoped3A = tpu.sem_alloc : memref<!tpu.dma_semaphore, #tpu.memory_space<semaphore_mem>>
      %dma_start3A = arith.constant 0 : i32
      %dma_start3A_73 = tpu.memref_slice %arg7[%add3A_68, %dma_start3A] : memref<10240x128xf32, #tpu.memory_space<vmem_shared>> -> memref<128x128xf32, #tpu.memory_space<vmem_shared>>
      %dma_start3A_74 = arith.constant 0 : i32
      %dma_start3A_75 = tpu.memref_slice %arg7[%add3A_68, %dma_start3A_74] : memref<10240x128xf32, #tpu.memory_space<vmem_shared>> -> memref<128x128xf32, #tpu.memory_space<vmem_shared>>
      tpu.enqueue_dma source(%dma_start3A_75 : memref<128x128xf32, #tpu.memory_space<vmem_shared>>) target(%arg6 : memref<128x128xf32, #tpu.memory_space<vmem>>) target_semaphore(%run_scoped3A : memref<!tpu.dma_semaphore, #tpu.memory_space<semaphore_mem>>)
      %dma_wait3A = arith.constant 0 : i32
      %dma_wait3A_76 = tpu.memref_slice %arg7[%add3A_68, %dma_wait3A] : memref<10240x128xf32, #tpu.memory_space<vmem_shared>> -> memref<128x128xf32, #tpu.memory_space<vmem_shared>>
      %dma_wait3A_77 = arith.constant 0 : i32
      %dma_wait3A_78 = tpu.memref_slice %arg7[%add3A_68, %dma_wait3A_77] : memref<10240x128xf32, #tpu.memory_space<vmem_shared>> -> memref<128x128xf32, #tpu.memory_space<vmem_shared>>
      tpu.wait_dma2 semaphore(%run_scoped3A : memref<!tpu.dma_semaphore, #tpu.memory_space<semaphore_mem>>) src(%dma_wait3A_78 : memref<128x128xf32, #tpu.memory_space<vmem_shared>>) dst(%arg6 : memref<128x128xf32, #tpu.memory_space<vmem>>)
      tpu.yield
    }) : () -> ()
    "tpu.region"() ({
      %run_scoped3A = tpu.sem_alloc : memref<!tpu.dma_semaphore, #tpu.memory_space<semaphore_mem>>
      %dma_start3A = arith.constant 0 : i32
      %dma_start3A_73 = tpu.memref_slice %arg3[%arg0, %add3A_68, %dma_start3A] : memref<2x10240x128xf32, #tpu.memory_space<hbm>> -> memref<1x128x128xf32, #tpu.memory_space<hbm>>
      %dma_start3A_74 = tpu.memref_squeeze %dma_start3A_73 : memref<1x128x128xf32, #tpu.memory_space<hbm>> -> memref<128x128xf32, #tpu.memory_space<hbm>>
      %dma_start3A_75 = arith.constant 0 : i32
      %dma_start3A_76 = tpu.memref_slice %arg3[%arg0, %add3A_68, %dma_start3A_75] : memref<2x10240x128xf32, #tpu.memory_space<hbm>> -> memref<1x128x128xf32, #tpu.memory_space<hbm>>
      %dma_start3A_77 = tpu.memref_squeeze %dma_start3A_76 : memref<1x128x128xf32, #tpu.memory_space<hbm>> -> memref<128x128xf32, #tpu.memory_space<hbm>>
      tpu.enqueue_dma source(%arg6 : memref<128x128xf32, #tpu.memory_space<vmem>>) target(%dma_start3A_77 : memref<128x128xf32, #tpu.memory_space<hbm>>) target_semaphore(%run_scoped3A : memref<!tpu.dma_semaphore, #tpu.memory_space<semaphore_mem>>)
      %dma_wait3A = arith.constant 0 : i32
      %dma_wait3A_78 = tpu.memref_slice %arg3[%arg0, %add3A_68, %dma_wait3A] : memref<2x10240x128xf32, #tpu.memory_space<hbm>> -> memref<1x128x128xf32, #tpu.memory_space<hbm>>
      %dma_wait3A_79 = tpu.memref_squeeze %dma_wait3A_78 : memref<1x128x128xf32, #tpu.memory_space<hbm>> -> memref<128x128xf32, #tpu.memory_space<hbm>>
      %dma_wait3A_80 = arith.constant 0 : i32
      %dma_wait3A_81 = tpu.memref_slice %arg3[%arg0, %add3A_68, %dma_wait3A_80] : memref<2x10240x128xf32, #tpu.memory_space<hbm>> -> memref<1x128x128xf32, #tpu.memory_space<hbm>>
      %dma_wait3A_82 = tpu.memref_squeeze %dma_wait3A_81 : memref<1x128x128xf32, #tpu.memory_space<hbm>> -> memref<128x128xf32, #tpu.memory_space<hbm>>
      tpu.wait_dma2 semaphore(%run_scoped3A : memref<!tpu.dma_semaphore, #tpu.memory_space<semaphore_mem>>) src(%arg6 : memref<128x128xf32, #tpu.memory_space<vmem>>) dst(%dma_wait3A_82 : memref<128x128xf32, #tpu.memory_space<hbm>>)
      tpu.yield
    }) : () -> ()
    %mul3A_69 = arith.constant 640 : i32
    %mul3A_70 = arith.muli %arg1, %mul3A_69 : i32
    %add3A_71 = arith.constant 512 : i32
    %add3A_72 = arith.addi %mul3A_70, %add3A_71 : i32
    "tpu.region"() ({
      %run_scoped3A = tpu.sem_alloc : memref<!tpu.dma_semaphore, #tpu.memory_space<semaphore_mem>>
      %dma_start3A = arith.constant 0 : i32
      %dma_start3A_73 = tpu.memref_slice %arg7[%add3A_72, %dma_start3A] : memref<10240x128xf32, #tpu.memory_space<vmem_shared>> -> memref<128x128xf32, #tpu.memory_space<vmem_shared>>
      %dma_start3A_74 = arith.constant 0 : i32
      %dma_start3A_75 = tpu.memref_slice %arg7[%add3A_72, %dma_start3A_74] : memref<10240x128xf32, #tpu.memory_space<vmem_shared>> -> memref<128x128xf32, #tpu.memory_space<vmem_shared>>
      tpu.enqueue_dma source(%dma_start3A_75 : memref<128x128xf32, #tpu.memory_space<vmem_shared>>) target(%arg6 : memref<128x128xf32, #tpu.memory_space<vmem>>) target_semaphore(%run_scoped3A : memref<!tpu.dma_semaphore, #tpu.memory_space<semaphore_mem>>)
      %dma_wait3A = arith.constant 0 : i32
      %dma_wait3A_76 = tpu.memref_slice %arg7[%add3A_72, %dma_wait3A] : memref<10240x128xf32, #tpu.memory_space<vmem_shared>> -> memref<128x128xf32, #tpu.memory_space<vmem_shared>>
      %dma_wait3A_77 = arith.constant 0 : i32
      %dma_wait3A_78 = tpu.memref_slice %arg7[%add3A_72, %dma_wait3A_77] : memref<10240x128xf32, #tpu.memory_space<vmem_shared>> -> memref<128x128xf32, #tpu.memory_space<vmem_shared>>
      tpu.wait_dma2 semaphore(%run_scoped3A : memref<!tpu.dma_semaphore, #tpu.memory_space<semaphore_mem>>) src(%dma_wait3A_78 : memref<128x128xf32, #tpu.memory_space<vmem_shared>>) dst(%arg6 : memref<128x128xf32, #tpu.memory_space<vmem>>)
      tpu.yield
    }) : () -> ()
    "tpu.region"() ({
      %run_scoped3A = tpu.sem_alloc : memref<!tpu.dma_semaphore, #tpu.memory_space<semaphore_mem>>
      %dma_start3A = arith.constant 0 : i32
      %dma_start3A_73 = tpu.memref_slice %arg3[%arg0, %add3A_72, %dma_start3A] : memref<2x10240x128xf32, #tpu.memory_space<hbm>> -> memref<1x128x128xf32, #tpu.memory_space<hbm>>
      %dma_start3A_74 = tpu.memref_squeeze %dma_start3A_73 : memref<1x128x128xf32, #tpu.memory_space<hbm>> -> memref<128x128xf32, #tpu.memory_space<hbm>>
      %dma_start3A_75 = arith.constant 0 : i32
      %dma_start3A_76 = tpu.memref_slice %arg3[%arg0, %add3A_72, %dma_start3A_75] : memref<2x10240x128xf32, #tpu.memory_space<hbm>> -> memref<1x128x128xf32, #tpu.memory_space<hbm>>
      %dma_start3A_77 = tpu.memref_squeeze %dma_start3A_76 : memref<1x128x128xf32, #tpu.memory_space<hbm>> -> memref<128x128xf32, #tpu.memory_space<hbm>>
      tpu.enqueue_dma source(%arg6 : memref<128x128xf32, #tpu.memory_space<vmem>>) target(%dma_start3A_77 : memref<128x128xf32, #tpu.memory_space<hbm>>) target_semaphore(%run_scoped3A : memref<!tpu.dma_semaphore, #tpu.memory_space<semaphore_mem>>)
      %dma_wait3A = arith.constant 0 : i32
      %dma_wait3A_78 = tpu.memref_slice %arg3[%arg0, %add3A_72, %dma_wait3A] : memref<2x10240x128xf32, #tpu.memory_space<hbm>> -> memref<1x128x128xf32, #tpu.memory_space<hbm>>
      %dma_wait3A_79 = tpu.memref_squeeze %dma_wait3A_78 : memref<1x128x128xf32, #tpu.memory_space<hbm>> -> memref<128x128xf32, #tpu.memory_space<hbm>>
      %dma_wait3A_80 = arith.constant 0 : i32
      %dma_wait3A_81 = tpu.memref_slice %arg3[%arg0, %add3A_72, %dma_wait3A_80] : memref<2x10240x128xf32, #tpu.memory_space<hbm>> -> memref<1x128x128xf32, #tpu.memory_space<hbm>>
      %dma_wait3A_82 = tpu.memref_squeeze %dma_wait3A_81 : memref<1x128x128xf32, #tpu.memory_space<hbm>> -> memref<128x128xf32, #tpu.memory_space<hbm>>
      tpu.wait_dma2 semaphore(%run_scoped3A : memref<!tpu.dma_semaphore, #tpu.memory_space<semaphore_mem>>) src(%arg6 : memref<128x128xf32, #tpu.memory_space<vmem>>) dst(%dma_wait3A_82 : memref<128x128xf32, #tpu.memory_space<hbm>>)
      tpu.yield
    }) : () -> ()
    return
  }
}

#map = affine_map<(d0, d1) -> (0, 0)>
module attributes {stable_mosaic.version = 14 : i64} {
  func.func @k(%arg0: i32, %arg1: i32, %arg2: memref<10000x128xf32, #tpu.memory_space<hbm>>, %arg3: memref<2500x128xi32, #tpu.memory_space<hbm>>, %arg4: memref<2500x128xi32, #tpu.memory_space<hbm>>, %arg5: memref<320000x128xf32, #tpu.memory_space<hbm>>, %arg6: memref<320000x128xf32, #tpu.memory_space<hbm>>, %arg7: memref<128xi32, #tpu.memory_space<vmem>>, %arg8: memref<128x128xf32, #tpu.memory_space<vmem>>, %arg9: memref<!tpu.dma_semaphore, #tpu.memory_space<semaphore_mem>>) attributes {dimension_semantics = [#tpu.dimension_semantics<core_parallel>, #tpu.dimension_semantics<subcore_parallel>], iteration_bounds = array<i64: 2, 16>, scalar_prefetch = 0 : i64, scratch_operands = 3 : i64, tpu.core_type = #tpu.core_type<sc_vector_subcore>, window_params = [{transform_indices = #map}, {transform_indices = #map}, {transform_indices = #map}, {transform_indices = #map}, {transform_indices = #map}]} {
    %mul3A = arith.constant 2 : i32
    %mul3A_0 = arith.muli %arg1, %mul3A : i32
    %add3A = arith.addi %mul3A_0, %arg0 : i32
    %mul3A_1 = arith.constant 78 : i32
    %mul3A_2 = arith.muli %add3A, %mul3A_1 : i32
    %min3A = arith.constant 4 : i32
    %min3A_3 = arith.minsi %add3A, %min3A : i32
    %add3A_4 = arith.addi %mul3A_2, %min3A_3 : i32
    %lt3A = arith.constant 4 : i32
    %lt3A_5 = arith.cmpi slt, %add3A, %lt3A : i32
    %jit3A = arith.constant 1 : i32
    %jit3A_6 = arith.constant 0 : i32
    %select_n3A = arith.select %lt3A_5, %jit3A, %jit3A_6 : i32
    %add3A_7 = arith.constant 78 : i32
    %add3A_8 = arith.addi %add3A_7, %select_n3A : i32
    %while3A = arith.constant 0 : i32
    %while3A_9 = arith.constant 0 : i32
    %while3A_10 = arith.subi %add3A_8, %while3A_9 : i32
    %while3A_11 = arith.addi %while3A_9, %while3A_10 : i32
    %while3A_12 = arith.constant 1 : i32
    %while3A_13 = arith.divsi %while3A_10, %while3A_12 : i32
    %while3A_14 = arith.muli %while3A_13, %while3A_12 : i32
    %while3A_15 = arith.addi %while3A_9, %while3A_14 : i32
    %while3A_16 = arith.constant 1 : i32
    scf.for %while3A_18 = %while3A_9 to %while3A_15 step %while3A_16  : i32 {
      %add3A_19 = arith.addi %add3A_4, %while3A_18 : i32
      "tpu.region"() ({
        %run_scoped3A = tpu.sem_alloc : memref<!tpu.dma_semaphore, #tpu.memory_space<semaphore_mem>>
        %dma_start3A_34 = arith.constant 0 : i32
        %dma_start3A_35 = tpu.memref_slice %arg3[%add3A_19, %dma_start3A_34] : memref<2500x128xi32, #tpu.memory_space<hbm>> -> memref<1x128xi32, #tpu.memory_space<hbm>>
        %dma_start3A_36 = tpu.memref_squeeze %dma_start3A_35 : memref<1x128xi32, #tpu.memory_space<hbm>> -> memref<128xi32, #tpu.memory_space<hbm>>
        %dma_start3A_37 = arith.constant 0 : i32
        %dma_start3A_38 = tpu.memref_slice %arg3[%add3A_19, %dma_start3A_37] : memref<2500x128xi32, #tpu.memory_space<hbm>> -> memref<1x128xi32, #tpu.memory_space<hbm>>
        %dma_start3A_39 = tpu.memref_squeeze %dma_start3A_38 : memref<1x128xi32, #tpu.memory_space<hbm>> -> memref<128xi32, #tpu.memory_space<hbm>>
        tpu.enqueue_dma source(%dma_start3A_39 : memref<128xi32, #tpu.memory_space<hbm>>) target(%arg7 : memref<128xi32, #tpu.memory_space<vmem>>) target_semaphore(%run_scoped3A : memref<!tpu.dma_semaphore, #tpu.memory_space<semaphore_mem>>)
        %dma_wait3A_40 = arith.constant 0 : i32
        %dma_wait3A_41 = tpu.memref_slice %arg3[%add3A_19, %dma_wait3A_40] : memref<2500x128xi32, #tpu.memory_space<hbm>> -> memref<1x128xi32, #tpu.memory_space<hbm>>
        %dma_wait3A_42 = tpu.memref_squeeze %dma_wait3A_41 : memref<1x128xi32, #tpu.memory_space<hbm>> -> memref<128xi32, #tpu.memory_space<hbm>>
        %dma_wait3A_43 = arith.constant 0 : i32
        %dma_wait3A_44 = tpu.memref_slice %arg3[%add3A_19, %dma_wait3A_43] : memref<2500x128xi32, #tpu.memory_space<hbm>> -> memref<1x128xi32, #tpu.memory_space<hbm>>
        %dma_wait3A_45 = tpu.memref_squeeze %dma_wait3A_44 : memref<1x128xi32, #tpu.memory_space<hbm>> -> memref<128xi32, #tpu.memory_space<hbm>>
        tpu.wait_dma2 semaphore(%run_scoped3A : memref<!tpu.dma_semaphore, #tpu.memory_space<semaphore_mem>>) src(%dma_wait3A_45 : memref<128xi32, #tpu.memory_space<hbm>>) dst(%arg7 : memref<128xi32, #tpu.memory_space<vmem>>)
        tpu.yield
      }) : () -> ()
      %dma_start3A = arith.constant 0 : i32
      %dma_start3A_20 = arith.constant 0 : i32
      %dma_start3A_21 = tpu.memref_slice %arg2[%dma_start3A, %dma_start3A_20] : memref<10000x128xf32, #tpu.memory_space<hbm>> -> memref<10000x128xf32, #tpu.memory_space<hbm>>
      tpu.enqueue_indirect_dma source(%dma_start3A_21 : memref<10000x128xf32, #tpu.memory_space<hbm>>) target(%arg8 : memref<128x128xf32, #tpu.memory_space<vmem>>) offsets(%arg7 : memref<128xi32, #tpu.memory_space<vmem>>) semaphore(%arg9 : memref<!tpu.dma_semaphore, #tpu.memory_space<semaphore_mem>>)
      %dma_wait3A = arith.constant 0 : i32
      %dma_wait3A_22 = arith.constant 0 : i32
      %dma_wait3A_23 = tpu.memref_slice %arg2[%dma_wait3A, %dma_wait3A_22] : memref<10000x128xf32, #tpu.memory_space<hbm>> -> memref<10000x128xf32, #tpu.memory_space<hbm>>
      tpu.wait_indirect_dma semaphore(%arg9 : memref<!tpu.dma_semaphore, #tpu.memory_space<semaphore_mem>>) src(%dma_wait3A_23 : memref<10000x128xf32, #tpu.memory_space<hbm>>) dst(%arg8 : memref<128x128xf32, #tpu.memory_space<vmem>>)
      %mul3A_24 = arith.constant 128 : i32
      %mul3A_25 = arith.muli %add3A_19, %mul3A_24 : i32
      "tpu.region"() ({
        %run_scoped3A = tpu.sem_alloc : memref<!tpu.dma_semaphore, #tpu.memory_space<semaphore_mem>>
        %dma_start3A_34 = arith.constant 0 : i32
        %dma_start3A_35 = tpu.memref_slice %arg5[%mul3A_25, %dma_start3A_34] : memref<320000x128xf32, #tpu.memory_space<hbm>> -> memref<128x128xf32, #tpu.memory_space<hbm>>
        %dma_start3A_36 = arith.constant 0 : i32
        %dma_start3A_37 = tpu.memref_slice %arg5[%mul3A_25, %dma_start3A_36] : memref<320000x128xf32, #tpu.memory_space<hbm>> -> memref<128x128xf32, #tpu.memory_space<hbm>>
        tpu.enqueue_dma source(%arg8 : memref<128x128xf32, #tpu.memory_space<vmem>>) target(%dma_start3A_37 : memref<128x128xf32, #tpu.memory_space<hbm>>) target_semaphore(%run_scoped3A : memref<!tpu.dma_semaphore, #tpu.memory_space<semaphore_mem>>)
        %dma_wait3A_38 = arith.constant 0 : i32
        %dma_wait3A_39 = tpu.memref_slice %arg5[%mul3A_25, %dma_wait3A_38] : memref<320000x128xf32, #tpu.memory_space<hbm>> -> memref<128x128xf32, #tpu.memory_space<hbm>>
        %dma_wait3A_40 = arith.constant 0 : i32
        %dma_wait3A_41 = tpu.memref_slice %arg5[%mul3A_25, %dma_wait3A_40] : memref<320000x128xf32, #tpu.memory_space<hbm>> -> memref<128x128xf32, #tpu.memory_space<hbm>>
        tpu.wait_dma2 semaphore(%run_scoped3A : memref<!tpu.dma_semaphore, #tpu.memory_space<semaphore_mem>>) src(%arg8 : memref<128x128xf32, #tpu.memory_space<vmem>>) dst(%dma_wait3A_41 : memref<128x128xf32, #tpu.memory_space<hbm>>)
        tpu.yield
      }) : () -> ()
      "tpu.region"() ({
        %run_scoped3A = tpu.sem_alloc : memref<!tpu.dma_semaphore, #tpu.memory_space<semaphore_mem>>
        %dma_start3A_34 = arith.constant 0 : i32
        %dma_start3A_35 = tpu.memref_slice %arg4[%add3A_19, %dma_start3A_34] : memref<2500x128xi32, #tpu.memory_space<hbm>> -> memref<1x128xi32, #tpu.memory_space<hbm>>
        %dma_start3A_36 = tpu.memref_squeeze %dma_start3A_35 : memref<1x128xi32, #tpu.memory_space<hbm>> -> memref<128xi32, #tpu.memory_space<hbm>>
        %dma_start3A_37 = arith.constant 0 : i32
        %dma_start3A_38 = tpu.memref_slice %arg4[%add3A_19, %dma_start3A_37] : memref<2500x128xi32, #tpu.memory_space<hbm>> -> memref<1x128xi32, #tpu.memory_space<hbm>>
        %dma_start3A_39 = tpu.memref_squeeze %dma_start3A_38 : memref<1x128xi32, #tpu.memory_space<hbm>> -> memref<128xi32, #tpu.memory_space<hbm>>
        tpu.enqueue_dma source(%dma_start3A_39 : memref<128xi32, #tpu.memory_space<hbm>>) target(%arg7 : memref<128xi32, #tpu.memory_space<vmem>>) target_semaphore(%run_scoped3A : memref<!tpu.dma_semaphore, #tpu.memory_space<semaphore_mem>>)
        %dma_wait3A_40 = arith.constant 0 : i32
        %dma_wait3A_41 = tpu.memref_slice %arg4[%add3A_19, %dma_wait3A_40] : memref<2500x128xi32, #tpu.memory_space<hbm>> -> memref<1x128xi32, #tpu.memory_space<hbm>>
        %dma_wait3A_42 = tpu.memref_squeeze %dma_wait3A_41 : memref<1x128xi32, #tpu.memory_space<hbm>> -> memref<128xi32, #tpu.memory_space<hbm>>
        %dma_wait3A_43 = arith.constant 0 : i32
        %dma_wait3A_44 = tpu.memref_slice %arg4[%add3A_19, %dma_wait3A_43] : memref<2500x128xi32, #tpu.memory_space<hbm>> -> memref<1x128xi32, #tpu.memory_space<hbm>>
        %dma_wait3A_45 = tpu.memref_squeeze %dma_wait3A_44 : memref<1x128xi32, #tpu.memory_space<hbm>> -> memref<128xi32, #tpu.memory_space<hbm>>
        tpu.wait_dma2 semaphore(%run_scoped3A : memref<!tpu.dma_semaphore, #tpu.memory_space<semaphore_mem>>) src(%dma_wait3A_45 : memref<128xi32, #tpu.memory_space<hbm>>) dst(%arg7 : memref<128xi32, #tpu.memory_space<vmem>>)
        tpu.yield
      }) : () -> ()
      %dma_start3A_26 = arith.constant 0 : i32
      %dma_start3A_27 = arith.constant 0 : i32
      %dma_start3A_28 = tpu.memref_slice %arg2[%dma_start3A_26, %dma_start3A_27] : memref<10000x128xf32, #tpu.memory_space<hbm>> -> memref<10000x128xf32, #tpu.memory_space<hbm>>
      tpu.enqueue_indirect_dma source(%dma_start3A_28 : memref<10000x128xf32, #tpu.memory_space<hbm>>) target(%arg8 : memref<128x128xf32, #tpu.memory_space<vmem>>) offsets(%arg7 : memref<128xi32, #tpu.memory_space<vmem>>) semaphore(%arg9 : memref<!tpu.dma_semaphore, #tpu.memory_space<semaphore_mem>>)
      %dma_wait3A_29 = arith.constant 0 : i32
      %dma_wait3A_30 = arith.constant 0 : i32
      %dma_wait3A_31 = tpu.memref_slice %arg2[%dma_wait3A_29, %dma_wait3A_30] : memref<10000x128xf32, #tpu.memory_space<hbm>> -> memref<10000x128xf32, #tpu.memory_space<hbm>>
      tpu.wait_indirect_dma semaphore(%arg9 : memref<!tpu.dma_semaphore, #tpu.memory_space<semaphore_mem>>) src(%dma_wait3A_31 : memref<10000x128xf32, #tpu.memory_space<hbm>>) dst(%arg8 : memref<128x128xf32, #tpu.memory_space<vmem>>)
      %mul3A_32 = arith.constant 128 : i32
      %mul3A_33 = arith.muli %add3A_19, %mul3A_32 : i32
      "tpu.region"() ({
        %run_scoped3A = tpu.sem_alloc : memref<!tpu.dma_semaphore, #tpu.memory_space<semaphore_mem>>
        %dma_start3A_34 = arith.constant 0 : i32
        %dma_start3A_35 = tpu.memref_slice %arg6[%mul3A_33, %dma_start3A_34] : memref<320000x128xf32, #tpu.memory_space<hbm>> -> memref<128x128xf32, #tpu.memory_space<hbm>>
        %dma_start3A_36 = arith.constant 0 : i32
        %dma_start3A_37 = tpu.memref_slice %arg6[%mul3A_33, %dma_start3A_36] : memref<320000x128xf32, #tpu.memory_space<hbm>> -> memref<128x128xf32, #tpu.memory_space<hbm>>
        tpu.enqueue_dma source(%arg8 : memref<128x128xf32, #tpu.memory_space<vmem>>) target(%dma_start3A_37 : memref<128x128xf32, #tpu.memory_space<hbm>>) target_semaphore(%run_scoped3A : memref<!tpu.dma_semaphore, #tpu.memory_space<semaphore_mem>>)
        %dma_wait3A_38 = arith.constant 0 : i32
        %dma_wait3A_39 = tpu.memref_slice %arg6[%mul3A_33, %dma_wait3A_38] : memref<320000x128xf32, #tpu.memory_space<hbm>> -> memref<128x128xf32, #tpu.memory_space<hbm>>
        %dma_wait3A_40 = arith.constant 0 : i32
        %dma_wait3A_41 = tpu.memref_slice %arg6[%mul3A_33, %dma_wait3A_40] : memref<320000x128xf32, #tpu.memory_space<hbm>> -> memref<128x128xf32, #tpu.memory_space<hbm>>
        tpu.wait_dma2 semaphore(%run_scoped3A : memref<!tpu.dma_semaphore, #tpu.memory_space<semaphore_mem>>) src(%arg8 : memref<128x128xf32, #tpu.memory_space<vmem>>) dst(%dma_wait3A_41 : memref<128x128xf32, #tpu.memory_space<hbm>>)
        tpu.yield
      }) : () -> ()
    }
    %while3A_17 = arith.constant 1 : i32
    scf.for %while3A_18 = %while3A_15 to %while3A_11 step %while3A_17  : i32 {
      %add3A_19 = arith.addi %add3A_4, %while3A_18 : i32
      "tpu.region"() ({
        %run_scoped3A = tpu.sem_alloc : memref<!tpu.dma_semaphore, #tpu.memory_space<semaphore_mem>>
        %dma_start3A_34 = arith.constant 0 : i32
        %dma_start3A_35 = tpu.memref_slice %arg3[%add3A_19, %dma_start3A_34] : memref<2500x128xi32, #tpu.memory_space<hbm>> -> memref<1x128xi32, #tpu.memory_space<hbm>>
        %dma_start3A_36 = tpu.memref_squeeze %dma_start3A_35 : memref<1x128xi32, #tpu.memory_space<hbm>> -> memref<128xi32, #tpu.memory_space<hbm>>
        %dma_start3A_37 = arith.constant 0 : i32
        %dma_start3A_38 = tpu.memref_slice %arg3[%add3A_19, %dma_start3A_37] : memref<2500x128xi32, #tpu.memory_space<hbm>> -> memref<1x128xi32, #tpu.memory_space<hbm>>
        %dma_start3A_39 = tpu.memref_squeeze %dma_start3A_38 : memref<1x128xi32, #tpu.memory_space<hbm>> -> memref<128xi32, #tpu.memory_space<hbm>>
        tpu.enqueue_dma source(%dma_start3A_39 : memref<128xi32, #tpu.memory_space<hbm>>) target(%arg7 : memref<128xi32, #tpu.memory_space<vmem>>) target_semaphore(%run_scoped3A : memref<!tpu.dma_semaphore, #tpu.memory_space<semaphore_mem>>)
        %dma_wait3A_40 = arith.constant 0 : i32
        %dma_wait3A_41 = tpu.memref_slice %arg3[%add3A_19, %dma_wait3A_40] : memref<2500x128xi32, #tpu.memory_space<hbm>> -> memref<1x128xi32, #tpu.memory_space<hbm>>
        %dma_wait3A_42 = tpu.memref_squeeze %dma_wait3A_41 : memref<1x128xi32, #tpu.memory_space<hbm>> -> memref<128xi32, #tpu.memory_space<hbm>>
        %dma_wait3A_43 = arith.constant 0 : i32
        %dma_wait3A_44 = tpu.memref_slice %arg3[%add3A_19, %dma_wait3A_43] : memref<2500x128xi32, #tpu.memory_space<hbm>> -> memref<1x128xi32, #tpu.memory_space<hbm>>
        %dma_wait3A_45 = tpu.memref_squeeze %dma_wait3A_44 : memref<1x128xi32, #tpu.memory_space<hbm>> -> memref<128xi32, #tpu.memory_space<hbm>>
        tpu.wait_dma2 semaphore(%run_scoped3A : memref<!tpu.dma_semaphore, #tpu.memory_space<semaphore_mem>>) src(%dma_wait3A_45 : memref<128xi32, #tpu.memory_space<hbm>>) dst(%arg7 : memref<128xi32, #tpu.memory_space<vmem>>)
        tpu.yield
      }) : () -> ()
      %dma_start3A = arith.constant 0 : i32
      %dma_start3A_20 = arith.constant 0 : i32
      %dma_start3A_21 = tpu.memref_slice %arg2[%dma_start3A, %dma_start3A_20] : memref<10000x128xf32, #tpu.memory_space<hbm>> -> memref<10000x128xf32, #tpu.memory_space<hbm>>
      tpu.enqueue_indirect_dma source(%dma_start3A_21 : memref<10000x128xf32, #tpu.memory_space<hbm>>) target(%arg8 : memref<128x128xf32, #tpu.memory_space<vmem>>) offsets(%arg7 : memref<128xi32, #tpu.memory_space<vmem>>) semaphore(%arg9 : memref<!tpu.dma_semaphore, #tpu.memory_space<semaphore_mem>>)
      %dma_wait3A = arith.constant 0 : i32
      %dma_wait3A_22 = arith.constant 0 : i32
      %dma_wait3A_23 = tpu.memref_slice %arg2[%dma_wait3A, %dma_wait3A_22] : memref<10000x128xf32, #tpu.memory_space<hbm>> -> memref<10000x128xf32, #tpu.memory_space<hbm>>
      tpu.wait_indirect_dma semaphore(%arg9 : memref<!tpu.dma_semaphore, #tpu.memory_space<semaphore_mem>>) src(%dma_wait3A_23 : memref<10000x128xf32, #tpu.memory_space<hbm>>) dst(%arg8 : memref<128x128xf32, #tpu.memory_space<vmem>>)
      %mul3A_24 = arith.constant 128 : i32
      %mul3A_25 = arith.muli %add3A_19, %mul3A_24 : i32
      "tpu.region"() ({
        %run_scoped3A = tpu.sem_alloc : memref<!tpu.dma_semaphore, #tpu.memory_space<semaphore_mem>>
        %dma_start3A_34 = arith.constant 0 : i32
        %dma_start3A_35 = tpu.memref_slice %arg5[%mul3A_25, %dma_start3A_34] : memref<320000x128xf32, #tpu.memory_space<hbm>> -> memref<128x128xf32, #tpu.memory_space<hbm>>
        %dma_start3A_36 = arith.constant 0 : i32
        %dma_start3A_37 = tpu.memref_slice %arg5[%mul3A_25, %dma_start3A_36] : memref<320000x128xf32, #tpu.memory_space<hbm>> -> memref<128x128xf32, #tpu.memory_space<hbm>>
        tpu.enqueue_dma source(%arg8 : memref<128x128xf32, #tpu.memory_space<vmem>>) target(%dma_start3A_37 : memref<128x128xf32, #tpu.memory_space<hbm>>) target_semaphore(%run_scoped3A : memref<!tpu.dma_semaphore, #tpu.memory_space<semaphore_mem>>)
        %dma_wait3A_38 = arith.constant 0 : i32
        %dma_wait3A_39 = tpu.memref_slice %arg5[%mul3A_25, %dma_wait3A_38] : memref<320000x128xf32, #tpu.memory_space<hbm>> -> memref<128x128xf32, #tpu.memory_space<hbm>>
        %dma_wait3A_40 = arith.constant 0 : i32
        %dma_wait3A_41 = tpu.memref_slice %arg5[%mul3A_25, %dma_wait3A_40] : memref<320000x128xf32, #tpu.memory_space<hbm>> -> memref<128x128xf32, #tpu.memory_space<hbm>>
        tpu.wait_dma2 semaphore(%run_scoped3A : memref<!tpu.dma_semaphore, #tpu.memory_space<semaphore_mem>>) src(%arg8 : memref<128x128xf32, #tpu.memory_space<vmem>>) dst(%dma_wait3A_41 : memref<128x128xf32, #tpu.memory_space<hbm>>)
        tpu.yield
      }) : () -> ()
      "tpu.region"() ({
        %run_scoped3A = tpu.sem_alloc : memref<!tpu.dma_semaphore, #tpu.memory_space<semaphore_mem>>
        %dma_start3A_34 = arith.constant 0 : i32
        %dma_start3A_35 = tpu.memref_slice %arg4[%add3A_19, %dma_start3A_34] : memref<2500x128xi32, #tpu.memory_space<hbm>> -> memref<1x128xi32, #tpu.memory_space<hbm>>
        %dma_start3A_36 = tpu.memref_squeeze %dma_start3A_35 : memref<1x128xi32, #tpu.memory_space<hbm>> -> memref<128xi32, #tpu.memory_space<hbm>>
        %dma_start3A_37 = arith.constant 0 : i32
        %dma_start3A_38 = tpu.memref_slice %arg4[%add3A_19, %dma_start3A_37] : memref<2500x128xi32, #tpu.memory_space<hbm>> -> memref<1x128xi32, #tpu.memory_space<hbm>>
        %dma_start3A_39 = tpu.memref_squeeze %dma_start3A_38 : memref<1x128xi32, #tpu.memory_space<hbm>> -> memref<128xi32, #tpu.memory_space<hbm>>
        tpu.enqueue_dma source(%dma_start3A_39 : memref<128xi32, #tpu.memory_space<hbm>>) target(%arg7 : memref<128xi32, #tpu.memory_space<vmem>>) target_semaphore(%run_scoped3A : memref<!tpu.dma_semaphore, #tpu.memory_space<semaphore_mem>>)
        %dma_wait3A_40 = arith.constant 0 : i32
        %dma_wait3A_41 = tpu.memref_slice %arg4[%add3A_19, %dma_wait3A_40] : memref<2500x128xi32, #tpu.memory_space<hbm>> -> memref<1x128xi32, #tpu.memory_space<hbm>>
        %dma_wait3A_42 = tpu.memref_squeeze %dma_wait3A_41 : memref<1x128xi32, #tpu.memory_space<hbm>> -> memref<128xi32, #tpu.memory_space<hbm>>
        %dma_wait3A_43 = arith.constant 0 : i32
        %dma_wait3A_44 = tpu.memref_slice %arg4[%add3A_19, %dma_wait3A_43] : memref<2500x128xi32, #tpu.memory_space<hbm>> -> memref<1x128xi32, #tpu.memory_space<hbm>>
        %dma_wait3A_45 = tpu.memref_squeeze %dma_wait3A_44 : memref<1x128xi32, #tpu.memory_space<hbm>> -> memref<128xi32, #tpu.memory_space<hbm>>
        tpu.wait_dma2 semaphore(%run_scoped3A : memref<!tpu.dma_semaphore, #tpu.memory_space<semaphore_mem>>) src(%dma_wait3A_45 : memref<128xi32, #tpu.memory_space<hbm>>) dst(%arg7 : memref<128xi32, #tpu.memory_space<vmem>>)
        tpu.yield
      }) : () -> ()
      %dma_start3A_26 = arith.constant 0 : i32
      %dma_start3A_27 = arith.constant 0 : i32
      %dma_start3A_28 = tpu.memref_slice %arg2[%dma_start3A_26, %dma_start3A_27] : memref<10000x128xf32, #tpu.memory_space<hbm>> -> memref<10000x128xf32, #tpu.memory_space<hbm>>
      tpu.enqueue_indirect_dma source(%dma_start3A_28 : memref<10000x128xf32, #tpu.memory_space<hbm>>) target(%arg8 : memref<128x128xf32, #tpu.memory_space<vmem>>) offsets(%arg7 : memref<128xi32, #tpu.memory_space<vmem>>) semaphore(%arg9 : memref<!tpu.dma_semaphore, #tpu.memory_space<semaphore_mem>>)
      %dma_wait3A_29 = arith.constant 0 : i32
      %dma_wait3A_30 = arith.constant 0 : i32
      %dma_wait3A_31 = tpu.memref_slice %arg2[%dma_wait3A_29, %dma_wait3A_30] : memref<10000x128xf32, #tpu.memory_space<hbm>> -> memref<10000x128xf32, #tpu.memory_space<hbm>>
      tpu.wait_indirect_dma semaphore(%arg9 : memref<!tpu.dma_semaphore, #tpu.memory_space<semaphore_mem>>) src(%dma_wait3A_31 : memref<10000x128xf32, #tpu.memory_space<hbm>>) dst(%arg8 : memref<128x128xf32, #tpu.memory_space<vmem>>)
      %mul3A_32 = arith.constant 128 : i32
      %mul3A_33 = arith.muli %add3A_19, %mul3A_32 : i32
      "tpu.region"() ({
        %run_scoped3A = tpu.sem_alloc : memref<!tpu.dma_semaphore, #tpu.memory_space<semaphore_mem>>
        %dma_start3A_34 = arith.constant 0 : i32
        %dma_start3A_35 = tpu.memref_slice %arg6[%mul3A_33, %dma_start3A_34] : memref<320000x128xf32, #tpu.memory_space<hbm>> -> memref<128x128xf32, #tpu.memory_space<hbm>>
        %dma_start3A_36 = arith.constant 0 : i32
        %dma_start3A_37 = tpu.memref_slice %arg6[%mul3A_33, %dma_start3A_36] : memref<320000x128xf32, #tpu.memory_space<hbm>> -> memref<128x128xf32, #tpu.memory_space<hbm>>
        tpu.enqueue_dma source(%arg8 : memref<128x128xf32, #tpu.memory_space<vmem>>) target(%dma_start3A_37 : memref<128x128xf32, #tpu.memory_space<hbm>>) target_semaphore(%run_scoped3A : memref<!tpu.dma_semaphore, #tpu.memory_space<semaphore_mem>>)
        %dma_wait3A_38 = arith.constant 0 : i32
        %dma_wait3A_39 = tpu.memref_slice %arg6[%mul3A_33, %dma_wait3A_38] : memref<320000x128xf32, #tpu.memory_space<hbm>> -> memref<128x128xf32, #tpu.memory_space<hbm>>
        %dma_wait3A_40 = arith.constant 0 : i32
        %dma_wait3A_41 = tpu.memref_slice %arg6[%mul3A_33, %dma_wait3A_40] : memref<320000x128xf32, #tpu.memory_space<hbm>> -> memref<128x128xf32, #tpu.memory_space<hbm>>
        tpu.wait_dma2 semaphore(%run_scoped3A : memref<!tpu.dma_semaphore, #tpu.memory_space<semaphore_mem>>) src(%arg8 : memref<128x128xf32, #tpu.memory_space<vmem>>) dst(%dma_wait3A_41 : memref<128x128xf32, #tpu.memory_space<hbm>>)
        tpu.yield
      }) : () -> ()
    }
    return
  }
}

#map = affine_map<(d0, d1) -> (0, 0)>
module attributes {stable_mosaic.version = 14 : i64} {
  func.func @k(%arg0: i32, %arg1: i32, %arg2: memref<10000x128xf32, #tpu.memory_space<hbm>>, %arg3: memref<2500x128xi32, #tpu.memory_space<hbm>>, %arg4: memref<2500x128xi32, #tpu.memory_space<hbm>>, %arg5: memref<320000x128xf32, #tpu.memory_space<hbm>>, %arg6: memref<320000x128xf32, #tpu.memory_space<hbm>>, %arg7: memref<128xi32, #tpu.memory_space<vmem>>, %arg8: memref<128x128xf32, #tpu.memory_space<vmem>>, %arg9: memref<!tpu.dma_semaphore, #tpu.memory_space<semaphore_mem>>) attributes {dimension_semantics = [#tpu.dimension_semantics<core_parallel>, #tpu.dimension_semantics<subcore_parallel>], iteration_bounds = array<i64: 2, 16>, scalar_prefetch = 0 : i64, scratch_operands = 3 : i64, tpu.core_type = #tpu.core_type<sc_vector_subcore>, window_params = [{transform_indices = #map}, {transform_indices = #map}, {transform_indices = #map}, {transform_indices = #map}, {transform_indices = #map}]} {
    %mul3A = arith.constant 2 : i32
    %mul3A_0 = arith.muli %arg1, %mul3A : i32
    %add3A = arith.addi %mul3A_0, %arg0 : i32
    %mul3A_1 = arith.constant 78 : i32
    %mul3A_2 = arith.muli %add3A, %mul3A_1 : i32
    %min3A = arith.constant 4 : i32
    %min3A_3 = arith.minsi %add3A, %min3A : i32
    %add3A_4 = arith.addi %mul3A_2, %min3A_3 : i32
    %lt3A = arith.constant 4 : i32
    %lt3A_5 = arith.cmpi slt, %add3A, %lt3A : i32
    %jit3A = arith.constant 1 : i32
    %jit3A_6 = arith.constant 0 : i32
    %select_n3A = arith.select %lt3A_5, %jit3A, %jit3A_6 : i32
    %add3A_7 = arith.constant 78 : i32
    %add3A_8 = arith.addi %add3A_7, %select_n3A : i32
    %while3A = arith.constant 0 : i32
    %while3A_9 = arith.constant 0 : i32
    %while3A_10 = arith.subi %add3A_8, %while3A_9 : i32
    %while3A_11 = arith.addi %while3A_9, %while3A_10 : i32
    %while3A_12 = arith.constant 1 : i32
    %while3A_13 = arith.divsi %while3A_10, %while3A_12 : i32
    %while3A_14 = arith.muli %while3A_13, %while3A_12 : i32
    %while3A_15 = arith.addi %while3A_9, %while3A_14 : i32
    %while3A_16 = arith.constant 1 : i32
    scf.for %while3A_18 = %while3A_9 to %while3A_15 step %while3A_16  : i32 {
      %add3A_19 = arith.addi %add3A_4, %while3A_18 : i32
      "tpu.region"() ({
        %run_scoped3A = tpu.sem_alloc : memref<!tpu.dma_semaphore, #tpu.memory_space<semaphore_mem>>
        %dma_start3A_34 = arith.constant 0 : i32
        %dma_start3A_35 = tpu.memref_slice %arg3[%add3A_19, %dma_start3A_34] : memref<2500x128xi32, #tpu.memory_space<hbm>> -> memref<1x128xi32, #tpu.memory_space<hbm>>
        %dma_start3A_36 = tpu.memref_squeeze %dma_start3A_35 : memref<1x128xi32, #tpu.memory_space<hbm>> -> memref<128xi32, #tpu.memory_space<hbm>>
        %dma_start3A_37 = arith.constant 0 : i32
        %dma_start3A_38 = tpu.memref_slice %arg3[%add3A_19, %dma_start3A_37] : memref<2500x128xi32, #tpu.memory_space<hbm>> -> memref<1x128xi32, #tpu.memory_space<hbm>>
        %dma_start3A_39 = tpu.memref_squeeze %dma_start3A_38 : memref<1x128xi32, #tpu.memory_space<hbm>> -> memref<128xi32, #tpu.memory_space<hbm>>
        tpu.enqueue_dma source(%dma_start3A_39 : memref<128xi32, #tpu.memory_space<hbm>>) target(%arg7 : memref<128xi32, #tpu.memory_space<vmem>>) target_semaphore(%run_scoped3A : memref<!tpu.dma_semaphore, #tpu.memory_space<semaphore_mem>>)
        %dma_wait3A_40 = arith.constant 0 : i32
        %dma_wait3A_41 = tpu.memref_slice %arg3[%add3A_19, %dma_wait3A_40] : memref<2500x128xi32, #tpu.memory_space<hbm>> -> memref<1x128xi32, #tpu.memory_space<hbm>>
        %dma_wait3A_42 = tpu.memref_squeeze %dma_wait3A_41 : memref<1x128xi32, #tpu.memory_space<hbm>> -> memref<128xi32, #tpu.memory_space<hbm>>
        %dma_wait3A_43 = arith.constant 0 : i32
        %dma_wait3A_44 = tpu.memref_slice %arg3[%add3A_19, %dma_wait3A_43] : memref<2500x128xi32, #tpu.memory_space<hbm>> -> memref<1x128xi32, #tpu.memory_space<hbm>>
        %dma_wait3A_45 = tpu.memref_squeeze %dma_wait3A_44 : memref<1x128xi32, #tpu.memory_space<hbm>> -> memref<128xi32, #tpu.memory_space<hbm>>
        tpu.wait_dma2 semaphore(%run_scoped3A : memref<!tpu.dma_semaphore, #tpu.memory_space<semaphore_mem>>) src(%dma_wait3A_45 : memref<128xi32, #tpu.memory_space<hbm>>) dst(%arg7 : memref<128xi32, #tpu.memory_space<vmem>>)
        tpu.yield
      }) : () -> ()
      %dma_start3A = arith.constant 0 : i32
      %dma_start3A_20 = arith.constant 0 : i32
      %dma_start3A_21 = tpu.memref_slice %arg2[%dma_start3A, %dma_start3A_20] : memref<10000x128xf32, #tpu.memory_space<hbm>> -> memref<10000x128xf32, #tpu.memory_space<hbm>>
      tpu.enqueue_indirect_dma source(%dma_start3A_21 : memref<10000x128xf32, #tpu.memory_space<hbm>>) target(%arg8 : memref<128x128xf32, #tpu.memory_space<vmem>>) offsets(%arg7 : memref<128xi32, #tpu.memory_space<vmem>>) semaphore(%arg9 : memref<!tpu.dma_semaphore, #tpu.memory_space<semaphore_mem>>)
      %dma_wait3A = arith.constant 0 : i32
      %dma_wait3A_22 = arith.constant 0 : i32
      %dma_wait3A_23 = tpu.memref_slice %arg2[%dma_wait3A, %dma_wait3A_22] : memref<10000x128xf32, #tpu.memory_space<hbm>> -> memref<10000x128xf32, #tpu.memory_space<hbm>>
      tpu.wait_indirect_dma semaphore(%arg9 : memref<!tpu.dma_semaphore, #tpu.memory_space<semaphore_mem>>) src(%dma_wait3A_23 : memref<10000x128xf32, #tpu.memory_space<hbm>>) dst(%arg8 : memref<128x128xf32, #tpu.memory_space<vmem>>)
      %mul3A_24 = arith.constant 128 : i32
      %mul3A_25 = arith.muli %add3A_19, %mul3A_24 : i32
      "tpu.region"() ({
        %run_scoped3A = tpu.sem_alloc : memref<!tpu.dma_semaphore, #tpu.memory_space<semaphore_mem>>
        %dma_start3A_34 = arith.constant 0 : i32
        %dma_start3A_35 = tpu.memref_slice %arg5[%mul3A_25, %dma_start3A_34] : memref<320000x128xf32, #tpu.memory_space<hbm>> -> memref<128x128xf32, #tpu.memory_space<hbm>>
        %dma_start3A_36 = arith.constant 0 : i32
        %dma_start3A_37 = tpu.memref_slice %arg5[%mul3A_25, %dma_start3A_36] : memref<320000x128xf32, #tpu.memory_space<hbm>> -> memref<128x128xf32, #tpu.memory_space<hbm>>
        tpu.enqueue_dma source(%arg8 : memref<128x128xf32, #tpu.memory_space<vmem>>) target(%dma_start3A_37 : memref<128x128xf32, #tpu.memory_space<hbm>>) target_semaphore(%run_scoped3A : memref<!tpu.dma_semaphore, #tpu.memory_space<semaphore_mem>>)
        %dma_wait3A_38 = arith.constant 0 : i32
        %dma_wait3A_39 = tpu.memref_slice %arg5[%mul3A_25, %dma_wait3A_38] : memref<320000x128xf32, #tpu.memory_space<hbm>> -> memref<128x128xf32, #tpu.memory_space<hbm>>
        %dma_wait3A_40 = arith.constant 0 : i32
        %dma_wait3A_41 = tpu.memref_slice %arg5[%mul3A_25, %dma_wait3A_40] : memref<320000x128xf32, #tpu.memory_space<hbm>> -> memref<128x128xf32, #tpu.memory_space<hbm>>
        tpu.wait_dma2 semaphore(%run_scoped3A : memref<!tpu.dma_semaphore, #tpu.memory_space<semaphore_mem>>) src(%arg8 : memref<128x128xf32, #tpu.memory_space<vmem>>) dst(%dma_wait3A_41 : memref<128x128xf32, #tpu.memory_space<hbm>>)
        tpu.yield
      }) : () -> ()
      "tpu.region"() ({
        %run_scoped3A = tpu.sem_alloc : memref<!tpu.dma_semaphore, #tpu.memory_space<semaphore_mem>>
        %dma_start3A_34 = arith.constant 0 : i32
        %dma_start3A_35 = tpu.memref_slice %arg4[%add3A_19, %dma_start3A_34] : memref<2500x128xi32, #tpu.memory_space<hbm>> -> memref<1x128xi32, #tpu.memory_space<hbm>>
        %dma_start3A_36 = tpu.memref_squeeze %dma_start3A_35 : memref<1x128xi32, #tpu.memory_space<hbm>> -> memref<128xi32, #tpu.memory_space<hbm>>
        %dma_start3A_37 = arith.constant 0 : i32
        %dma_start3A_38 = tpu.memref_slice %arg4[%add3A_19, %dma_start3A_37] : memref<2500x128xi32, #tpu.memory_space<hbm>> -> memref<1x128xi32, #tpu.memory_space<hbm>>
        %dma_start3A_39 = tpu.memref_squeeze %dma_start3A_38 : memref<1x128xi32, #tpu.memory_space<hbm>> -> memref<128xi32, #tpu.memory_space<hbm>>
        tpu.enqueue_dma source(%dma_start3A_39 : memref<128xi32, #tpu.memory_space<hbm>>) target(%arg7 : memref<128xi32, #tpu.memory_space<vmem>>) target_semaphore(%run_scoped3A : memref<!tpu.dma_semaphore, #tpu.memory_space<semaphore_mem>>)
        %dma_wait3A_40 = arith.constant 0 : i32
        %dma_wait3A_41 = tpu.memref_slice %arg4[%add3A_19, %dma_wait3A_40] : memref<2500x128xi32, #tpu.memory_space<hbm>> -> memref<1x128xi32, #tpu.memory_space<hbm>>
        %dma_wait3A_42 = tpu.memref_squeeze %dma_wait3A_41 : memref<1x128xi32, #tpu.memory_space<hbm>> -> memref<128xi32, #tpu.memory_space<hbm>>
        %dma_wait3A_43 = arith.constant 0 : i32
        %dma_wait3A_44 = tpu.memref_slice %arg4[%add3A_19, %dma_wait3A_43] : memref<2500x128xi32, #tpu.memory_space<hbm>> -> memref<1x128xi32, #tpu.memory_space<hbm>>
        %dma_wait3A_45 = tpu.memref_squeeze %dma_wait3A_44 : memref<1x128xi32, #tpu.memory_space<hbm>> -> memref<128xi32, #tpu.memory_space<hbm>>
        tpu.wait_dma2 semaphore(%run_scoped3A : memref<!tpu.dma_semaphore, #tpu.memory_space<semaphore_mem>>) src(%dma_wait3A_45 : memref<128xi32, #tpu.memory_space<hbm>>) dst(%arg7 : memref<128xi32, #tpu.memory_space<vmem>>)
        tpu.yield
      }) : () -> ()
      %dma_start3A_26 = arith.constant 0 : i32
      %dma_start3A_27 = arith.constant 0 : i32
      %dma_start3A_28 = tpu.memref_slice %arg2[%dma_start3A_26, %dma_start3A_27] : memref<10000x128xf32, #tpu.memory_space<hbm>> -> memref<10000x128xf32, #tpu.memory_space<hbm>>
      tpu.enqueue_indirect_dma source(%dma_start3A_28 : memref<10000x128xf32, #tpu.memory_space<hbm>>) target(%arg8 : memref<128x128xf32, #tpu.memory_space<vmem>>) offsets(%arg7 : memref<128xi32, #tpu.memory_space<vmem>>) semaphore(%arg9 : memref<!tpu.dma_semaphore, #tpu.memory_space<semaphore_mem>>)
      %dma_wait3A_29 = arith.constant 0 : i32
      %dma_wait3A_30 = arith.constant 0 : i32
      %dma_wait3A_31 = tpu.memref_slice %arg2[%dma_wait3A_29, %dma_wait3A_30] : memref<10000x128xf32, #tpu.memory_space<hbm>> -> memref<10000x128xf32, #tpu.memory_space<hbm>>
      tpu.wait_indirect_dma semaphore(%arg9 : memref<!tpu.dma_semaphore, #tpu.memory_space<semaphore_mem>>) src(%dma_wait3A_31 : memref<10000x128xf32, #tpu.memory_space<hbm>>) dst(%arg8 : memref<128x128xf32, #tpu.memory_space<vmem>>)
      %mul3A_32 = arith.constant 128 : i32
      %mul3A_33 = arith.muli %add3A_19, %mul3A_32 : i32
      "tpu.region"() ({
        %run_scoped3A = tpu.sem_alloc : memref<!tpu.dma_semaphore, #tpu.memory_space<semaphore_mem>>
        %dma_start3A_34 = arith.constant 0 : i32
        %dma_start3A_35 = tpu.memref_slice %arg6[%mul3A_33, %dma_start3A_34] : memref<320000x128xf32, #tpu.memory_space<hbm>> -> memref<128x128xf32, #tpu.memory_space<hbm>>
        %dma_start3A_36 = arith.constant 0 : i32
        %dma_start3A_37 = tpu.memref_slice %arg6[%mul3A_33, %dma_start3A_36] : memref<320000x128xf32, #tpu.memory_space<hbm>> -> memref<128x128xf32, #tpu.memory_space<hbm>>
        tpu.enqueue_dma source(%arg8 : memref<128x128xf32, #tpu.memory_space<vmem>>) target(%dma_start3A_37 : memref<128x128xf32, #tpu.memory_space<hbm>>) target_semaphore(%run_scoped3A : memref<!tpu.dma_semaphore, #tpu.memory_space<semaphore_mem>>)
        %dma_wait3A_38 = arith.constant 0 : i32
        %dma_wait3A_39 = tpu.memref_slice %arg6[%mul3A_33, %dma_wait3A_38] : memref<320000x128xf32, #tpu.memory_space<hbm>> -> memref<128x128xf32, #tpu.memory_space<hbm>>
        %dma_wait3A_40 = arith.constant 0 : i32
        %dma_wait3A_41 = tpu.memref_slice %arg6[%mul3A_33, %dma_wait3A_40] : memref<320000x128xf32, #tpu.memory_space<hbm>> -> memref<128x128xf32, #tpu.memory_space<hbm>>
        tpu.wait_dma2 semaphore(%run_scoped3A : memref<!tpu.dma_semaphore, #tpu.memory_space<semaphore_mem>>) src(%arg8 : memref<128x128xf32, #tpu.memory_space<vmem>>) dst(%dma_wait3A_41 : memref<128x128xf32, #tpu.memory_space<hbm>>)
        tpu.yield
      }) : () -> ()
    }
    %while3A_17 = arith.constant 1 : i32
    scf.for %while3A_18 = %while3A_15 to %while3A_11 step %while3A_17  : i32 {
      %add3A_19 = arith.addi %add3A_4, %while3A_18 : i32
      "tpu.region"() ({
        %run_scoped3A = tpu.sem_alloc : memref<!tpu.dma_semaphore, #tpu.memory_space<semaphore_mem>>
        %dma_start3A_34 = arith.constant 0 : i32
        %dma_start3A_35 = tpu.memref_slice %arg3[%add3A_19, %dma_start3A_34] : memref<2500x128xi32, #tpu.memory_space<hbm>> -> memref<1x128xi32, #tpu.memory_space<hbm>>
        %dma_start3A_36 = tpu.memref_squeeze %dma_start3A_35 : memref<1x128xi32, #tpu.memory_space<hbm>> -> memref<128xi32, #tpu.memory_space<hbm>>
        %dma_start3A_37 = arith.constant 0 : i32
        %dma_start3A_38 = tpu.memref_slice %arg3[%add3A_19, %dma_start3A_37] : memref<2500x128xi32, #tpu.memory_space<hbm>> -> memref<1x128xi32, #tpu.memory_space<hbm>>
        %dma_start3A_39 = tpu.memref_squeeze %dma_start3A_38 : memref<1x128xi32, #tpu.memory_space<hbm>> -> memref<128xi32, #tpu.memory_space<hbm>>
        tpu.enqueue_dma source(%dma_start3A_39 : memref<128xi32, #tpu.memory_space<hbm>>) target(%arg7 : memref<128xi32, #tpu.memory_space<vmem>>) target_semaphore(%run_scoped3A : memref<!tpu.dma_semaphore, #tpu.memory_space<semaphore_mem>>)
        %dma_wait3A_40 = arith.constant 0 : i32
        %dma_wait3A_41 = tpu.memref_slice %arg3[%add3A_19, %dma_wait3A_40] : memref<2500x128xi32, #tpu.memory_space<hbm>> -> memref<1x128xi32, #tpu.memory_space<hbm>>
        %dma_wait3A_42 = tpu.memref_squeeze %dma_wait3A_41 : memref<1x128xi32, #tpu.memory_space<hbm>> -> memref<128xi32, #tpu.memory_space<hbm>>
        %dma_wait3A_43 = arith.constant 0 : i32
        %dma_wait3A_44 = tpu.memref_slice %arg3[%add3A_19, %dma_wait3A_43] : memref<2500x128xi32, #tpu.memory_space<hbm>> -> memref<1x128xi32, #tpu.memory_space<hbm>>
        %dma_wait3A_45 = tpu.memref_squeeze %dma_wait3A_44 : memref<1x128xi32, #tpu.memory_space<hbm>> -> memref<128xi32, #tpu.memory_space<hbm>>
        tpu.wait_dma2 semaphore(%run_scoped3A : memref<!tpu.dma_semaphore, #tpu.memory_space<semaphore_mem>>) src(%dma_wait3A_45 : memref<128xi32, #tpu.memory_space<hbm>>) dst(%arg7 : memref<128xi32, #tpu.memory_space<vmem>>)
        tpu.yield
      }) : () -> ()
      %dma_start3A = arith.constant 0 : i32
      %dma_start3A_20 = arith.constant 0 : i32
      %dma_start3A_21 = tpu.memref_slice %arg2[%dma_start3A, %dma_start3A_20] : memref<10000x128xf32, #tpu.memory_space<hbm>> -> memref<10000x128xf32, #tpu.memory_space<hbm>>
      tpu.enqueue_indirect_dma source(%dma_start3A_21 : memref<10000x128xf32, #tpu.memory_space<hbm>>) target(%arg8 : memref<128x128xf32, #tpu.memory_space<vmem>>) offsets(%arg7 : memref<128xi32, #tpu.memory_space<vmem>>) semaphore(%arg9 : memref<!tpu.dma_semaphore, #tpu.memory_space<semaphore_mem>>)
      %dma_wait3A = arith.constant 0 : i32
      %dma_wait3A_22 = arith.constant 0 : i32
      %dma_wait3A_23 = tpu.memref_slice %arg2[%dma_wait3A, %dma_wait3A_22] : memref<10000x128xf32, #tpu.memory_space<hbm>> -> memref<10000x128xf32, #tpu.memory_space<hbm>>
      tpu.wait_indirect_dma semaphore(%arg9 : memref<!tpu.dma_semaphore, #tpu.memory_space<semaphore_mem>>) src(%dma_wait3A_23 : memref<10000x128xf32, #tpu.memory_space<hbm>>) dst(%arg8 : memref<128x128xf32, #tpu.memory_space<vmem>>)
      %mul3A_24 = arith.constant 128 : i32
      %mul3A_25 = arith.muli %add3A_19, %mul3A_24 : i32
      "tpu.region"() ({
        %run_scoped3A = tpu.sem_alloc : memref<!tpu.dma_semaphore, #tpu.memory_space<semaphore_mem>>
        %dma_start3A_34 = arith.constant 0 : i32
        %dma_start3A_35 = tpu.memref_slice %arg5[%mul3A_25, %dma_start3A_34] : memref<320000x128xf32, #tpu.memory_space<hbm>> -> memref<128x128xf32, #tpu.memory_space<hbm>>
        %dma_start3A_36 = arith.constant 0 : i32
        %dma_start3A_37 = tpu.memref_slice %arg5[%mul3A_25, %dma_start3A_36] : memref<320000x128xf32, #tpu.memory_space<hbm>> -> memref<128x128xf32, #tpu.memory_space<hbm>>
        tpu.enqueue_dma source(%arg8 : memref<128x128xf32, #tpu.memory_space<vmem>>) target(%dma_start3A_37 : memref<128x128xf32, #tpu.memory_space<hbm>>) target_semaphore(%run_scoped3A : memref<!tpu.dma_semaphore, #tpu.memory_space<semaphore_mem>>)
        %dma_wait3A_38 = arith.constant 0 : i32
        %dma_wait3A_39 = tpu.memref_slice %arg5[%mul3A_25, %dma_wait3A_38] : memref<320000x128xf32, #tpu.memory_space<hbm>> -> memref<128x128xf32, #tpu.memory_space<hbm>>
        %dma_wait3A_40 = arith.constant 0 : i32
        %dma_wait3A_41 = tpu.memref_slice %arg5[%mul3A_25, %dma_wait3A_40] : memref<320000x128xf32, #tpu.memory_space<hbm>> -> memref<128x128xf32, #tpu.memory_space<hbm>>
        tpu.wait_dma2 semaphore(%run_scoped3A : memref<!tpu.dma_semaphore, #tpu.memory_space<semaphore_mem>>) src(%arg8 : memref<128x128xf32, #tpu.memory_space<vmem>>) dst(%dma_wait3A_41 : memref<128x128xf32, #tpu.memory_space<hbm>>)
        tpu.yield
      }) : () -> ()
      "tpu.region"() ({
        %run_scoped3A = tpu.sem_alloc : memref<!tpu.dma_semaphore, #tpu.memory_space<semaphore_mem>>
        %dma_start3A_34 = arith.constant 0 : i32
        %dma_start3A_35 = tpu.memref_slice %arg4[%add3A_19, %dma_start3A_34] : memref<2500x128xi32, #tpu.memory_space<hbm>> -> memref<1x128xi32, #tpu.memory_space<hbm>>
        %dma_start3A_36 = tpu.memref_squeeze %dma_start3A_35 : memref<1x128xi32, #tpu.memory_space<hbm>> -> memref<128xi32, #tpu.memory_space<hbm>>
        %dma_start3A_37 = arith.constant 0 : i32
        %dma_start3A_38 = tpu.memref_slice %arg4[%add3A_19, %dma_start3A_37] : memref<2500x128xi32, #tpu.memory_space<hbm>> -> memref<1x128xi32, #tpu.memory_space<hbm>>
        %dma_start3A_39 = tpu.memref_squeeze %dma_start3A_38 : memref<1x128xi32, #tpu.memory_space<hbm>> -> memref<128xi32, #tpu.memory_space<hbm>>
        tpu.enqueue_dma source(%dma_start3A_39 : memref<128xi32, #tpu.memory_space<hbm>>) target(%arg7 : memref<128xi32, #tpu.memory_space<vmem>>) target_semaphore(%run_scoped3A : memref<!tpu.dma_semaphore, #tpu.memory_space<semaphore_mem>>)
        %dma_wait3A_40 = arith.constant 0 : i32
        %dma_wait3A_41 = tpu.memref_slice %arg4[%add3A_19, %dma_wait3A_40] : memref<2500x128xi32, #tpu.memory_space<hbm>> -> memref<1x128xi32, #tpu.memory_space<hbm>>
        %dma_wait3A_42 = tpu.memref_squeeze %dma_wait3A_41 : memref<1x128xi32, #tpu.memory_space<hbm>> -> memref<128xi32, #tpu.memory_space<hbm>>
        %dma_wait3A_43 = arith.constant 0 : i32
        %dma_wait3A_44 = tpu.memref_slice %arg4[%add3A_19, %dma_wait3A_43] : memref<2500x128xi32, #tpu.memory_space<hbm>> -> memref<1x128xi32, #tpu.memory_space<hbm>>
        %dma_wait3A_45 = tpu.memref_squeeze %dma_wait3A_44 : memref<1x128xi32, #tpu.memory_space<hbm>> -> memref<128xi32, #tpu.memory_space<hbm>>
        tpu.wait_dma2 semaphore(%run_scoped3A : memref<!tpu.dma_semaphore, #tpu.memory_space<semaphore_mem>>) src(%dma_wait3A_45 : memref<128xi32, #tpu.memory_space<hbm>>) dst(%arg7 : memref<128xi32, #tpu.memory_space<vmem>>)
        tpu.yield
      }) : () -> ()
      %dma_start3A_26 = arith.constant 0 : i32
      %dma_start3A_27 = arith.constant 0 : i32
      %dma_start3A_28 = tpu.memref_slice %arg2[%dma_start3A_26, %dma_start3A_27] : memref<10000x128xf32, #tpu.memory_space<hbm>> -> memref<10000x128xf32, #tpu.memory_space<hbm>>
      tpu.enqueue_indirect_dma source(%dma_start3A_28 : memref<10000x128xf32, #tpu.memory_space<hbm>>) target(%arg8 : memref<128x128xf32, #tpu.memory_space<vmem>>) offsets(%arg7 : memref<128xi32, #tpu.memory_space<vmem>>) semaphore(%arg9 : memref<!tpu.dma_semaphore, #tpu.memory_space<semaphore_mem>>)
      %dma_wait3A_29 = arith.constant 0 : i32
      %dma_wait3A_30 = arith.constant 0 : i32
      %dma_wait3A_31 = tpu.memref_slice %arg2[%dma_wait3A_29, %dma_wait3A_30] : memref<10000x128xf32, #tpu.memory_space<hbm>> -> memref<10000x128xf32, #tpu.memory_space<hbm>>
      tpu.wait_indirect_dma semaphore(%arg9 : memref<!tpu.dma_semaphore, #tpu.memory_space<semaphore_mem>>) src(%dma_wait3A_31 : memref<10000x128xf32, #tpu.memory_space<hbm>>) dst(%arg8 : memref<128x128xf32, #tpu.memory_space<vmem>>)
      %mul3A_32 = arith.constant 128 : i32
      %mul3A_33 = arith.muli %add3A_19, %mul3A_32 : i32
      "tpu.region"() ({
        %run_scoped3A = tpu.sem_alloc : memref<!tpu.dma_semaphore, #tpu.memory_space<semaphore_mem>>
        %dma_start3A_34 = arith.constant 0 : i32
        %dma_start3A_35 = tpu.memref_slice %arg6[%mul3A_33, %dma_start3A_34] : memref<320000x128xf32, #tpu.memory_space<hbm>> -> memref<128x128xf32, #tpu.memory_space<hbm>>
        %dma_start3A_36 = arith.constant 0 : i32
        %dma_start3A_37 = tpu.memref_slice %arg6[%mul3A_33, %dma_start3A_36] : memref<320000x128xf32, #tpu.memory_space<hbm>> -> memref<128x128xf32, #tpu.memory_space<hbm>>
        tpu.enqueue_dma source(%arg8 : memref<128x128xf32, #tpu.memory_space<vmem>>) target(%dma_start3A_37 : memref<128x128xf32, #tpu.memory_space<hbm>>) target_semaphore(%run_scoped3A : memref<!tpu.dma_semaphore, #tpu.memory_space<semaphore_mem>>)
        %dma_wait3A_38 = arith.constant 0 : i32
        %dma_wait3A_39 = tpu.memref_slice %arg6[%mul3A_33, %dma_wait3A_38] : memref<320000x128xf32, #tpu.memory_space<hbm>> -> memref<128x128xf32, #tpu.memory_space<hbm>>
        %dma_wait3A_40 = arith.constant 0 : i32
        %dma_wait3A_41 = tpu.memref_slice %arg6[%mul3A_33, %dma_wait3A_40] : memref<320000x128xf32, #tpu.memory_space<hbm>> -> memref<128x128xf32, #tpu.memory_space<hbm>>
        tpu.wait_dma2 semaphore(%run_scoped3A : memref<!tpu.dma_semaphore, #tpu.memory_space<semaphore_mem>>) src(%arg8 : memref<128x128xf32, #tpu.memory_space<vmem>>) dst(%dma_wait3A_41 : memref<128x128xf32, #tpu.memory_space<hbm>>)
        tpu.yield
      }) : () -> ()
    }
    return
  }
}

#map = affine_map<(d0, d1) -> (0, 0)>
#map1 = affine_map<(d0, d1) -> (0, 0, 0)>
module attributes {stable_mosaic.version = 14 : i64} {
  func.func @k(%arg0: i32, %arg1: i32, %arg2: memref<320000x128xf32, #tpu.memory_space<hbm>>, %arg3: memref<2500x128xi32, #tpu.memory_space<hbm>>, %arg4: memref<2x10240x128xf32, #tpu.memory_space<hbm>>, %arg5: memref<128xi32, #tpu.memory_space<vmem>>, %arg6: memref<128x128xf32, #tpu.memory_space<vmem>>, %arg7: memref<128x128xf32, #tpu.memory_space<vmem>>, %arg8: memref<10240x128xf32, #tpu.memory_space<vmem_shared>>, %arg9: memref<!tpu.dma_semaphore, #tpu.memory_space<semaphore_mem>>) attributes {dimension_semantics = [#tpu.dimension_semantics<core_parallel>, #tpu.dimension_semantics<subcore_parallel>], iteration_bounds = array<i64: 2, 16>, scalar_prefetch = 0 : i64, scratch_operands = 5 : i64, tpu.core_type = #tpu.core_type<sc_vector_subcore>, window_params = [{transform_indices = #map}, {transform_indices = #map}, {transform_indices = #map1}]} {
    %mul3A = arith.constant 2 : i32
    %mul3A_0 = arith.muli %arg1, %mul3A : i32
    %add3A = arith.addi %mul3A_0, %arg0 : i32
    %mul3A_1 = arith.constant 78 : i32
    %mul3A_2 = arith.muli %add3A, %mul3A_1 : i32
    %min3A = arith.constant 4 : i32
    %min3A_3 = arith.minsi %add3A, %min3A : i32
    %add3A_4 = arith.addi %mul3A_2, %min3A_3 : i32
    %lt3A = arith.constant 4 : i32
    %lt3A_5 = arith.cmpi slt, %add3A, %lt3A : i32
    %jit3A = arith.constant 1 : i32
    %jit3A_6 = arith.constant 0 : i32
    %select_n3A = arith.select %lt3A_5, %jit3A, %jit3A_6 : i32
    %add3A_7 = arith.constant 78 : i32
    %add3A_8 = arith.addi %add3A_7, %select_n3A : i32
    %broadcast_in_dim3A = arith.constant 0.000000e+00 : f32
    %broadcast_in_dim3A_9 = vector.broadcast %broadcast_in_dim3A : f32 to vector<16xf32>
    %scan3A = arith.constant 0 : i32
    %scan3A_10 = arith.constant 0 : i32
    %scan3A_11 = arith.constant 128 : i32
    %scan3A_12 = arith.addi %scan3A_10, %scan3A_11 : i32
    %scan3A_13 = arith.constant 1 : i32
    scf.for %scan3A_65 = %scan3A_10 to %scan3A_12 step %scan3A_13  : i32 {
      %swap3A = arith.index_cast %scan3A_65 : i32 to index
      %swap3A_66 = arith.constant 0 : index
      %swap3A_67 = tpu.vector_load %arg7[%swap3A, %swap3A_66] {strides = array<i32>} : memref<128x128xf32, #tpu.memory_space<vmem>>, vector<1x16xf32>,
      %swap3A_68 = vector.shape_cast %swap3A_67 : vector<1x16xf32> to vector<16xf32>
      %swap3A_69 = vector.shape_cast %broadcast_in_dim3A_9 : vector<16xf32> to vector<1x16xf32>
      tpu.vector_store %arg7[%swap3A, %swap3A_66], %swap3A_69 {strides = array<i32>} : memref<128x128xf32, #tpu.memory_space<vmem>>, vector<1x16xf32>,
      %swap3A_70 = arith.index_cast %scan3A_65 : i32 to index
      %swap3A_71 = arith.constant 16 : index
      %swap3A_72 = tpu.vector_load %arg7[%swap3A_70, %swap3A_71] {strides = array<i32>} : memref<128x128xf32, #tpu.memory_space<vmem>>, vector<1x16xf32>,
      %swap3A_73 = vector.shape_cast %swap3A_72 : vector<1x16xf32> to vector<16xf32>
      %swap3A_74 = vector.shape_cast %broadcast_in_dim3A_9 : vector<16xf32> to vector<1x16xf32>
      tpu.vector_store %arg7[%swap3A_70, %swap3A_71], %swap3A_74 {strides = array<i32>} : memref<128x128xf32, #tpu.memory_space<vmem>>, vector<1x16xf32>,
      %swap3A_75 = arith.index_cast %scan3A_65 : i32 to index
      %swap3A_76 = arith.constant 32 : index
      %swap3A_77 = tpu.vector_load %arg7[%swap3A_75, %swap3A_76] {strides = array<i32>} : memref<128x128xf32, #tpu.memory_space<vmem>>, vector<1x16xf32>,
      %swap3A_78 = vector.shape_cast %swap3A_77 : vector<1x16xf32> to vector<16xf32>
      %swap3A_79 = vector.shape_cast %broadcast_in_dim3A_9 : vector<16xf32> to vector<1x16xf32>
      tpu.vector_store %arg7[%swap3A_75, %swap3A_76], %swap3A_79 {strides = array<i32>} : memref<128x128xf32, #tpu.memory_space<vmem>>, vector<1x16xf32>,
      %swap3A_80 = arith.index_cast %scan3A_65 : i32 to index
      %swap3A_81 = arith.constant 48 : index
      %swap3A_82 = tpu.vector_load %arg7[%swap3A_80, %swap3A_81] {strides = array<i32>} : memref<128x128xf32, #tpu.memory_space<vmem>>, vector<1x16xf32>,
      %swap3A_83 = vector.shape_cast %swap3A_82 : vector<1x16xf32> to vector<16xf32>
      %swap3A_84 = vector.shape_cast %broadcast_in_dim3A_9 : vector<16xf32> to vector<1x16xf32>
      tpu.vector_store %arg7[%swap3A_80, %swap3A_81], %swap3A_84 {strides = array<i32>} : memref<128x128xf32, #tpu.memory_space<vmem>>, vector<1x16xf32>,
      %swap3A_85 = arith.index_cast %scan3A_65 : i32 to index
      %swap3A_86 = arith.constant 64 : index
      %swap3A_87 = tpu.vector_load %arg7[%swap3A_85, %swap3A_86] {strides = array<i32>} : memref<128x128xf32, #tpu.memory_space<vmem>>, vector<1x16xf32>,
      %swap3A_88 = vector.shape_cast %swap3A_87 : vector<1x16xf32> to vector<16xf32>
      %swap3A_89 = vector.shape_cast %broadcast_in_dim3A_9 : vector<16xf32> to vector<1x16xf32>
      tpu.vector_store %arg7[%swap3A_85, %swap3A_86], %swap3A_89 {strides = array<i32>} : memref<128x128xf32, #tpu.memory_space<vmem>>, vector<1x16xf32>,
      %swap3A_90 = arith.index_cast %scan3A_65 : i32 to index
      %swap3A_91 = arith.constant 80 : index
      %swap3A_92 = tpu.vector_load %arg7[%swap3A_90, %swap3A_91] {strides = array<i32>} : memref<128x128xf32, #tpu.memory_space<vmem>>, vector<1x16xf32>,
      %swap3A_93 = vector.shape_cast %swap3A_92 : vector<1x16xf32> to vector<16xf32>
      %swap3A_94 = vector.shape_cast %broadcast_in_dim3A_9 : vector<16xf32> to vector<1x16xf32>
      tpu.vector_store %arg7[%swap3A_90, %swap3A_91], %swap3A_94 {strides = array<i32>} : memref<128x128xf32, #tpu.memory_space<vmem>>, vector<1x16xf32>,
      %swap3A_95 = arith.index_cast %scan3A_65 : i32 to index
      %swap3A_96 = arith.constant 96 : index
      %swap3A_97 = tpu.vector_load %arg7[%swap3A_95, %swap3A_96] {strides = array<i32>} : memref<128x128xf32, #tpu.memory_space<vmem>>, vector<1x16xf32>,
      %swap3A_98 = vector.shape_cast %swap3A_97 : vector<1x16xf32> to vector<16xf32>
      %swap3A_99 = vector.shape_cast %broadcast_in_dim3A_9 : vector<16xf32> to vector<1x16xf32>
      tpu.vector_store %arg7[%swap3A_95, %swap3A_96], %swap3A_99 {strides = array<i32>} : memref<128x128xf32, #tpu.memory_space<vmem>>, vector<1x16xf32>,
      %swap3A_100 = arith.index_cast %scan3A_65 : i32 to index
      %swap3A_101 = arith.constant 112 : index
      %swap3A_102 = tpu.vector_load %arg7[%swap3A_100, %swap3A_101] {strides = array<i32>} : memref<128x128xf32, #tpu.memory_space<vmem>>, vector<1x16xf32>,
      %swap3A_103 = vector.shape_cast %swap3A_102 : vector<1x16xf32> to vector<16xf32>
      %swap3A_104 = vector.shape_cast %broadcast_in_dim3A_9 : vector<16xf32> to vector<1x16xf32>
      tpu.vector_store %arg7[%swap3A_100, %swap3A_101], %swap3A_104 {strides = array<i32>} : memref<128x128xf32, #tpu.memory_space<vmem>>, vector<1x16xf32>,
    }
    %scan3A_14 = arith.constant 128 : i32
    %mul3A_15 = arith.constant 640 : i32
    %mul3A_16 = arith.muli %arg1, %mul3A_15 : i32
    %add3A_17 = arith.constant 0 : i32
    %add3A_18 = arith.addi %mul3A_16, %add3A_17 : i32
    "tpu.region"() ({
      %run_scoped3A = tpu.sem_alloc : memref<!tpu.dma_semaphore, #tpu.memory_space<semaphore_mem>>
      %dma_start3A = arith.constant 0 : i32
      %dma_start3A_65 = tpu.memref_slice %arg8[%add3A_18, %dma_start3A] : memref<10240x128xf32, #tpu.memory_space<vmem_shared>> -> memref<128x128xf32, #tpu.memory_space<vmem_shared>>
      %dma_start3A_66 = arith.constant 0 : i32
      %dma_start3A_67 = tpu.memref_slice %arg8[%add3A_18, %dma_start3A_66] : memref<10240x128xf32, #tpu.memory_space<vmem_shared>> -> memref<128x128xf32, #tpu.memory_space<vmem_shared>>
      tpu.enqueue_dma source(%arg7 : memref<128x128xf32, #tpu.memory_space<vmem>>) target(%dma_start3A_67 : memref<128x128xf32, #tpu.memory_space<vmem_shared>>) target_semaphore(%run_scoped3A : memref<!tpu.dma_semaphore, #tpu.memory_space<semaphore_mem>>)
      %dma_wait3A = arith.constant 0 : i32
      %dma_wait3A_68 = tpu.memref_slice %arg8[%add3A_18, %dma_wait3A] : memref<10240x128xf32, #tpu.memory_space<vmem_shared>> -> memref<128x128xf32, #tpu.memory_space<vmem_shared>>
      %dma_wait3A_69 = arith.constant 0 : i32
      %dma_wait3A_70 = tpu.memref_slice %arg8[%add3A_18, %dma_wait3A_69] : memref<10240x128xf32, #tpu.memory_space<vmem_shared>> -> memref<128x128xf32, #tpu.memory_space<vmem_shared>>
      tpu.wait_dma2 semaphore(%run_scoped3A : memref<!tpu.dma_semaphore, #tpu.memory_space<semaphore_mem>>) src(%arg7 : memref<128x128xf32, #tpu.memory_space<vmem>>) dst(%dma_wait3A_70 : memref<128x128xf32, #tpu.memory_space<vmem_shared>>)
      tpu.yield
    }) : () -> ()
    %mul3A_19 = arith.constant 640 : i32
    %mul3A_20 = arith.muli %arg1, %mul3A_19 : i32
    %add3A_21 = arith.constant 128 : i32
    %add3A_22 = arith.addi %mul3A_20, %add3A_21 : i32
    "tpu.region"() ({
      %run_scoped3A = tpu.sem_alloc : memref<!tpu.dma_semaphore, #tpu.memory_space<semaphore_mem>>
      %dma_start3A = arith.constant 0 : i32
      %dma_start3A_65 = tpu.memref_slice %arg8[%add3A_22, %dma_start3A] : memref<10240x128xf32, #tpu.memory_space<vmem_shared>> -> memref<128x128xf32, #tpu.memory_space<vmem_shared>>
      %dma_start3A_66 = arith.constant 0 : i32
      %dma_start3A_67 = tpu.memref_slice %arg8[%add3A_22, %dma_start3A_66] : memref<10240x128xf32, #tpu.memory_space<vmem_shared>> -> memref<128x128xf32, #tpu.memory_space<vmem_shared>>
      tpu.enqueue_dma source(%arg7 : memref<128x128xf32, #tpu.memory_space<vmem>>) target(%dma_start3A_67 : memref<128x128xf32, #tpu.memory_space<vmem_shared>>) target_semaphore(%run_scoped3A : memref<!tpu.dma_semaphore, #tpu.memory_space<semaphore_mem>>)
      %dma_wait3A = arith.constant 0 : i32
      %dma_wait3A_68 = tpu.memref_slice %arg8[%add3A_22, %dma_wait3A] : memref<10240x128xf32, #tpu.memory_space<vmem_shared>> -> memref<128x128xf32, #tpu.memory_space<vmem_shared>>
      %dma_wait3A_69 = arith.constant 0 : i32
      %dma_wait3A_70 = tpu.memref_slice %arg8[%add3A_22, %dma_wait3A_69] : memref<10240x128xf32, #tpu.memory_space<vmem_shared>> -> memref<128x128xf32, #tpu.memory_space<vmem_shared>>
      tpu.wait_dma2 semaphore(%run_scoped3A : memref<!tpu.dma_semaphore, #tpu.memory_space<semaphore_mem>>) src(%arg7 : memref<128x128xf32, #tpu.memory_space<vmem>>) dst(%dma_wait3A_70 : memref<128x128xf32, #tpu.memory_space<vmem_shared>>)
      tpu.yield
    }) : () -> ()
    %mul3A_23 = arith.constant 640 : i32
    %mul3A_24 = arith.muli %arg1, %mul3A_23 : i32
    %add3A_25 = arith.constant 256 : i32
    %add3A_26 = arith.addi %mul3A_24, %add3A_25 : i32
    "tpu.region"() ({
      %run_scoped3A = tpu.sem_alloc : memref<!tpu.dma_semaphore, #tpu.memory_space<semaphore_mem>>
      %dma_start3A = arith.constant 0 : i32
      %dma_start3A_65 = tpu.memref_slice %arg8[%add3A_26, %dma_start3A] : memref<10240x128xf32, #tpu.memory_space<vmem_shared>> -> memref<128x128xf32, #tpu.memory_space<vmem_shared>>
      %dma_start3A_66 = arith.constant 0 : i32
      %dma_start3A_67 = tpu.memref_slice %arg8[%add3A_26, %dma_start3A_66] : memref<10240x128xf32, #tpu.memory_space<vmem_shared>> -> memref<128x128xf32, #tpu.memory_space<vmem_shared>>
      tpu.enqueue_dma source(%arg7 : memref<128x128xf32, #tpu.memory_space<vmem>>) target(%dma_start3A_67 : memref<128x128xf32, #tpu.memory_space<vmem_shared>>) target_semaphore(%run_scoped3A : memref<!tpu.dma_semaphore, #tpu.memory_space<semaphore_mem>>)
      %dma_wait3A = arith.constant 0 : i32
      %dma_wait3A_68 = tpu.memref_slice %arg8[%add3A_26, %dma_wait3A] : memref<10240x128xf32, #tpu.memory_space<vmem_shared>> -> memref<128x128xf32, #tpu.memory_space<vmem_shared>>
      %dma_wait3A_69 = arith.constant 0 : i32
      %dma_wait3A_70 = tpu.memref_slice %arg8[%add3A_26, %dma_wait3A_69] : memref<10240x128xf32, #tpu.memory_space<vmem_shared>> -> memref<128x128xf32, #tpu.memory_space<vmem_shared>>
      tpu.wait_dma2 semaphore(%run_scoped3A : memref<!tpu.dma_semaphore, #tpu.memory_space<semaphore_mem>>) src(%arg7 : memref<128x128xf32, #tpu.memory_space<vmem>>) dst(%dma_wait3A_70 : memref<128x128xf32, #tpu.memory_space<vmem_shared>>)
      tpu.yield
    }) : () -> ()
    %mul3A_27 = arith.constant 640 : i32
    %mul3A_28 = arith.muli %arg1, %mul3A_27 : i32
    %add3A_29 = arith.constant 384 : i32
    %add3A_30 = arith.addi %mul3A_28, %add3A_29 : i32
    "tpu.region"() ({
      %run_scoped3A = tpu.sem_alloc : memref<!tpu.dma_semaphore, #tpu.memory_space<semaphore_mem>>
      %dma_start3A = arith.constant 0 : i32
      %dma_start3A_65 = tpu.memref_slice %arg8[%add3A_30, %dma_start3A] : memref<10240x128xf32, #tpu.memory_space<vmem_shared>> -> memref<128x128xf32, #tpu.memory_space<vmem_shared>>
      %dma_start3A_66 = arith.constant 0 : i32
      %dma_start3A_67 = tpu.memref_slice %arg8[%add3A_30, %dma_start3A_66] : memref<10240x128xf32, #tpu.memory_space<vmem_shared>> -> memref<128x128xf32, #tpu.memory_space<vmem_shared>>
      tpu.enqueue_dma source(%arg7 : memref<128x128xf32, #tpu.memory_space<vmem>>) target(%dma_start3A_67 : memref<128x128xf32, #tpu.memory_space<vmem_shared>>) target_semaphore(%run_scoped3A : memref<!tpu.dma_semaphore, #tpu.memory_space<semaphore_mem>>)
      %dma_wait3A = arith.constant 0 : i32
      %dma_wait3A_68 = tpu.memref_slice %arg8[%add3A_30, %dma_wait3A] : memref<10240x128xf32, #tpu.memory_space<vmem_shared>> -> memref<128x128xf32, #tpu.memory_space<vmem_shared>>
      %dma_wait3A_69 = arith.constant 0 : i32
      %dma_wait3A_70 = tpu.memref_slice %arg8[%add3A_30, %dma_wait3A_69] : memref<10240x128xf32, #tpu.memory_space<vmem_shared>> -> memref<128x128xf32, #tpu.memory_space<vmem_shared>>
      tpu.wait_dma2 semaphore(%run_scoped3A : memref<!tpu.dma_semaphore, #tpu.memory_space<semaphore_mem>>) src(%arg7 : memref<128x128xf32, #tpu.memory_space<vmem>>) dst(%dma_wait3A_70 : memref<128x128xf32, #tpu.memory_space<vmem_shared>>)
      tpu.yield
    }) : () -> ()
    %mul3A_31 = arith.constant 640 : i32
    %mul3A_32 = arith.muli %arg1, %mul3A_31 : i32
    %add3A_33 = arith.constant 512 : i32
    %add3A_34 = arith.addi %mul3A_32, %add3A_33 : i32
    "tpu.region"() ({
      %run_scoped3A = tpu.sem_alloc : memref<!tpu.dma_semaphore, #tpu.memory_space<semaphore_mem>>
      %dma_start3A = arith.constant 0 : i32
      %dma_start3A_65 = tpu.memref_slice %arg8[%add3A_34, %dma_start3A] : memref<10240x128xf32, #tpu.memory_space<vmem_shared>> -> memref<128x128xf32, #tpu.memory_space<vmem_shared>>
      %dma_start3A_66 = arith.constant 0 : i32
      %dma_start3A_67 = tpu.memref_slice %arg8[%add3A_34, %dma_start3A_66] : memref<10240x128xf32, #tpu.memory_space<vmem_shared>> -> memref<128x128xf32, #tpu.memory_space<vmem_shared>>
      tpu.enqueue_dma source(%arg7 : memref<128x128xf32, #tpu.memory_space<vmem>>) target(%dma_start3A_67 : memref<128x128xf32, #tpu.memory_space<vmem_shared>>) target_semaphore(%run_scoped3A : memref<!tpu.dma_semaphore, #tpu.memory_space<semaphore_mem>>)
      %dma_wait3A = arith.constant 0 : i32
      %dma_wait3A_68 = tpu.memref_slice %arg8[%add3A_34, %dma_wait3A] : memref<10240x128xf32, #tpu.memory_space<vmem_shared>> -> memref<128x128xf32, #tpu.memory_space<vmem_shared>>
      %dma_wait3A_69 = arith.constant 0 : i32
      %dma_wait3A_70 = tpu.memref_slice %arg8[%add3A_34, %dma_wait3A_69] : memref<10240x128xf32, #tpu.memory_space<vmem_shared>> -> memref<128x128xf32, #tpu.memory_space<vmem_shared>>
      tpu.wait_dma2 semaphore(%run_scoped3A : memref<!tpu.dma_semaphore, #tpu.memory_space<semaphore_mem>>) src(%arg7 : memref<128x128xf32, #tpu.memory_space<vmem>>) dst(%dma_wait3A_70 : memref<128x128xf32, #tpu.memory_space<vmem_shared>>)
      tpu.yield
    }) : () -> ()
    %barrier3A = arith.constant 0 : index
    tpu.barrier barrier_id(%barrier3A)
    %while3A = arith.constant 0 : i32
    %while3A_35 = arith.constant 0 : i32
    %while3A_36 = arith.subi %add3A_8, %while3A_35 : i32
    %while3A_37 = arith.addi %while3A_35, %while3A_36 : i32
    %while3A_38 = arith.constant 1 : i32
    %while3A_39 = arith.divsi %while3A_36, %while3A_38 : i32
    %while3A_40 = arith.muli %while3A_39, %while3A_38 : i32
    %while3A_41 = arith.addi %while3A_35, %while3A_40 : i32
    %while3A_42 = arith.constant 1 : i32
    scf.for %while3A_65 = %while3A_35 to %while3A_41 step %while3A_42  : i32 {
      %add3A_66 = arith.addi %add3A_4, %while3A_65 : i32
      "tpu.region"() ({
        %run_scoped3A = tpu.sem_alloc : memref<!tpu.dma_semaphore, #tpu.memory_space<semaphore_mem>>
        %dma_start3A = arith.constant 0 : i32
        %dma_start3A_69 = tpu.memref_slice %arg3[%add3A_66, %dma_start3A] : memref<2500x128xi32, #tpu.memory_space<hbm>> -> memref<1x128xi32, #tpu.memory_space<hbm>>
        %dma_start3A_70 = tpu.memref_squeeze %dma_start3A_69 : memref<1x128xi32, #tpu.memory_space<hbm>> -> memref<128xi32, #tpu.memory_space<hbm>>
        %dma_start3A_71 = arith.constant 0 : i32
        %dma_start3A_72 = tpu.memref_slice %arg3[%add3A_66, %dma_start3A_71] : memref<2500x128xi32, #tpu.memory_space<hbm>> -> memref<1x128xi32, #tpu.memory_space<hbm>>
        %dma_start3A_73 = tpu.memref_squeeze %dma_start3A_72 : memref<1x128xi32, #tpu.memory_space<hbm>> -> memref<128xi32, #tpu.memory_space<hbm>>
        tpu.enqueue_dma source(%dma_start3A_73 : memref<128xi32, #tpu.memory_space<hbm>>) target(%arg5 : memref<128xi32, #tpu.memory_space<vmem>>) target_semaphore(%run_scoped3A : memref<!tpu.dma_semaphore, #tpu.memory_space<semaphore_mem>>)
        %dma_wait3A = arith.constant 0 : i32
        %dma_wait3A_74 = tpu.memref_slice %arg3[%add3A_66, %dma_wait3A] : memref<2500x128xi32, #tpu.memory_space<hbm>> -> memref<1x128xi32, #tpu.memory_space<hbm>>
        %dma_wait3A_75 = tpu.memref_squeeze %dma_wait3A_74 : memref<1x128xi32, #tpu.memory_space<hbm>> -> memref<128xi32, #tpu.memory_space<hbm>>
        %dma_wait3A_76 = arith.constant 0 : i32
        %dma_wait3A_77 = tpu.memref_slice %arg3[%add3A_66, %dma_wait3A_76] : memref<2500x128xi32, #tpu.memory_space<hbm>> -> memref<1x128xi32, #tpu.memory_space<hbm>>
        %dma_wait3A_78 = tpu.memref_squeeze %dma_wait3A_77 : memref<1x128xi32, #tpu.memory_space<hbm>> -> memref<128xi32, #tpu.memory_space<hbm>>
        tpu.wait_dma2 semaphore(%run_scoped3A : memref<!tpu.dma_semaphore, #tpu.memory_space<semaphore_mem>>) src(%dma_wait3A_78 : memref<128xi32, #tpu.memory_space<hbm>>) dst(%arg5 : memref<128xi32, #tpu.memory_space<vmem>>)
        tpu.yield
      }) : () -> ()
      %mul3A_67 = arith.constant 128 : i32
      %mul3A_68 = arith.muli %add3A_66, %mul3A_67 : i32
      "tpu.region"() ({
        %run_scoped3A = tpu.sem_alloc : memref<!tpu.dma_semaphore, #tpu.memory_space<semaphore_mem>>
        %dma_start3A = arith.constant 0 : i32
        %dma_start3A_69 = tpu.memref_slice %arg2[%mul3A_68, %dma_start3A] : memref<320000x128xf32, #tpu.memory_space<hbm>> -> memref<128x128xf32, #tpu.memory_space<hbm>>
        %dma_start3A_70 = arith.constant 0 : i32
        %dma_start3A_71 = tpu.memref_slice %arg2[%mul3A_68, %dma_start3A_70] : memref<320000x128xf32, #tpu.memory_space<hbm>> -> memref<128x128xf32, #tpu.memory_space<hbm>>
        tpu.enqueue_dma source(%dma_start3A_71 : memref<128x128xf32, #tpu.memory_space<hbm>>) target(%arg6 : memref<128x128xf32, #tpu.memory_space<vmem>>) target_semaphore(%run_scoped3A : memref<!tpu.dma_semaphore, #tpu.memory_space<semaphore_mem>>)
        %dma_wait3A = arith.constant 0 : i32
        %dma_wait3A_72 = tpu.memref_slice %arg2[%mul3A_68, %dma_wait3A] : memref<320000x128xf32, #tpu.memory_space<hbm>> -> memref<128x128xf32, #tpu.memory_space<hbm>>
        %dma_wait3A_73 = arith.constant 0 : i32
        %dma_wait3A_74 = tpu.memref_slice %arg2[%mul3A_68, %dma_wait3A_73] : memref<320000x128xf32, #tpu.memory_space<hbm>> -> memref<128x128xf32, #tpu.memory_space<hbm>>
        tpu.wait_dma2 semaphore(%run_scoped3A : memref<!tpu.dma_semaphore, #tpu.memory_space<semaphore_mem>>) src(%dma_wait3A_74 : memref<128x128xf32, #tpu.memory_space<hbm>>) dst(%arg6 : memref<128x128xf32, #tpu.memory_space<vmem>>)
        tpu.yield
      }) : () -> ()
      "tpu.region"() ({
        %run_scoped3A = tpu.sem_alloc : memref<!tpu.dma_semaphore, #tpu.memory_space<semaphore_mem>>
        %dma_start3A = arith.constant 0 : i32
        %dma_start3A_69 = arith.constant 0 : i32
        %dma_start3A_70 = tpu.memref_slice %arg8[%dma_start3A, %dma_start3A_69] : memref<10240x128xf32, #tpu.memory_space<vmem_shared>> -> memref<10240x128xf32, #tpu.memory_space<vmem_shared>>
        tpu.enqueue_indirect_dma source(%arg6 : memref<128x128xf32, #tpu.memory_space<vmem>>) target(%dma_start3A_70 : memref<10240x128xf32, #tpu.memory_space<vmem_shared>>) offsets(%arg5 : memref<128xi32, #tpu.memory_space<vmem>>) semaphore(%run_scoped3A : memref<!tpu.dma_semaphore, #tpu.memory_space<semaphore_mem>>) {add = true}
        %dma_wait3A = arith.constant 0 : i32
        %dma_wait3A_71 = arith.constant 0 : i32
        %dma_wait3A_72 = tpu.memref_slice %arg8[%dma_wait3A, %dma_wait3A_71] : memref<10240x128xf32, #tpu.memory_space<vmem_shared>> -> memref<10240x128xf32, #tpu.memory_space<vmem_shared>>
        tpu.wait_indirect_dma semaphore(%run_scoped3A : memref<!tpu.dma_semaphore, #tpu.memory_space<semaphore_mem>>) src(%arg6 : memref<128x128xf32, #tpu.memory_space<vmem>>) dst(%dma_wait3A_72 : memref<10240x128xf32, #tpu.memory_space<vmem_shared>>)
        tpu.yield
      }) : () -> ()
    }
    %while3A_43 = arith.constant 1 : i32
    scf.for %while3A_65 = %while3A_41 to %while3A_37 step %while3A_43  : i32 {
      %add3A_66 = arith.addi %add3A_4, %while3A_65 : i32
      "tpu.region"() ({
        %run_scoped3A = tpu.sem_alloc : memref<!tpu.dma_semaphore, #tpu.memory_space<semaphore_mem>>
        %dma_start3A = arith.constant 0 : i32
        %dma_start3A_69 = tpu.memref_slice %arg3[%add3A_66, %dma_start3A] : memref<2500x128xi32, #tpu.memory_space<hbm>> -> memref<1x128xi32, #tpu.memory_space<hbm>>
        %dma_start3A_70 = tpu.memref_squeeze %dma_start3A_69 : memref<1x128xi32, #tpu.memory_space<hbm>> -> memref<128xi32, #tpu.memory_space<hbm>>
        %dma_start3A_71 = arith.constant 0 : i32
        %dma_start3A_72 = tpu.memref_slice %arg3[%add3A_66, %dma_start3A_71] : memref<2500x128xi32, #tpu.memory_space<hbm>> -> memref<1x128xi32, #tpu.memory_space<hbm>>
        %dma_start3A_73 = tpu.memref_squeeze %dma_start3A_72 : memref<1x128xi32, #tpu.memory_space<hbm>> -> memref<128xi32, #tpu.memory_space<hbm>>
        tpu.enqueue_dma source(%dma_start3A_73 : memref<128xi32, #tpu.memory_space<hbm>>) target(%arg5 : memref<128xi32, #tpu.memory_space<vmem>>) target_semaphore(%run_scoped3A : memref<!tpu.dma_semaphore, #tpu.memory_space<semaphore_mem>>)
        %dma_wait3A = arith.constant 0 : i32
        %dma_wait3A_74 = tpu.memref_slice %arg3[%add3A_66, %dma_wait3A] : memref<2500x128xi32, #tpu.memory_space<hbm>> -> memref<1x128xi32, #tpu.memory_space<hbm>>
        %dma_wait3A_75 = tpu.memref_squeeze %dma_wait3A_74 : memref<1x128xi32, #tpu.memory_space<hbm>> -> memref<128xi32, #tpu.memory_space<hbm>>
        %dma_wait3A_76 = arith.constant 0 : i32
        %dma_wait3A_77 = tpu.memref_slice %arg3[%add3A_66, %dma_wait3A_76] : memref<2500x128xi32, #tpu.memory_space<hbm>> -> memref<1x128xi32, #tpu.memory_space<hbm>>
        %dma_wait3A_78 = tpu.memref_squeeze %dma_wait3A_77 : memref<1x128xi32, #tpu.memory_space<hbm>> -> memref<128xi32, #tpu.memory_space<hbm>>
        tpu.wait_dma2 semaphore(%run_scoped3A : memref<!tpu.dma_semaphore, #tpu.memory_space<semaphore_mem>>) src(%dma_wait3A_78 : memref<128xi32, #tpu.memory_space<hbm>>) dst(%arg5 : memref<128xi32, #tpu.memory_space<vmem>>)
        tpu.yield
      }) : () -> ()
      %mul3A_67 = arith.constant 128 : i32
      %mul3A_68 = arith.muli %add3A_66, %mul3A_67 : i32
      "tpu.region"() ({
        %run_scoped3A = tpu.sem_alloc : memref<!tpu.dma_semaphore, #tpu.memory_space<semaphore_mem>>
        %dma_start3A = arith.constant 0 : i32
        %dma_start3A_69 = tpu.memref_slice %arg2[%mul3A_68, %dma_start3A] : memref<320000x128xf32, #tpu.memory_space<hbm>> -> memref<128x128xf32, #tpu.memory_space<hbm>>
        %dma_start3A_70 = arith.constant 0 : i32
        %dma_start3A_71 = tpu.memref_slice %arg2[%mul3A_68, %dma_start3A_70] : memref<320000x128xf32, #tpu.memory_space<hbm>> -> memref<128x128xf32, #tpu.memory_space<hbm>>
        tpu.enqueue_dma source(%dma_start3A_71 : memref<128x128xf32, #tpu.memory_space<hbm>>) target(%arg6 : memref<128x128xf32, #tpu.memory_space<vmem>>) target_semaphore(%run_scoped3A : memref<!tpu.dma_semaphore, #tpu.memory_space<semaphore_mem>>)
        %dma_wait3A = arith.constant 0 : i32
        %dma_wait3A_72 = tpu.memref_slice %arg2[%mul3A_68, %dma_wait3A] : memref<320000x128xf32, #tpu.memory_space<hbm>> -> memref<128x128xf32, #tpu.memory_space<hbm>>
        %dma_wait3A_73 = arith.constant 0 : i32
        %dma_wait3A_74 = tpu.memref_slice %arg2[%mul3A_68, %dma_wait3A_73] : memref<320000x128xf32, #tpu.memory_space<hbm>> -> memref<128x128xf32, #tpu.memory_space<hbm>>
        tpu.wait_dma2 semaphore(%run_scoped3A : memref<!tpu.dma_semaphore, #tpu.memory_space<semaphore_mem>>) src(%dma_wait3A_74 : memref<128x128xf32, #tpu.memory_space<hbm>>) dst(%arg6 : memref<128x128xf32, #tpu.memory_space<vmem>>)
        tpu.yield
      }) : () -> ()
      "tpu.region"() ({
        %run_scoped3A = tpu.sem_alloc : memref<!tpu.dma_semaphore, #tpu.memory_space<semaphore_mem>>
        %dma_start3A = arith.constant 0 : i32
        %dma_start3A_69 = arith.constant 0 : i32
        %dma_start3A_70 = tpu.memref_slice %arg8[%dma_start3A, %dma_start3A_69] : memref<10240x128xf32, #tpu.memory_space<vmem_shared>> -> memref<10240x128xf32, #tpu.memory_space<vmem_shared>>
        tpu.enqueue_indirect_dma source(%arg6 : memref<128x128xf32, #tpu.memory_space<vmem>>) target(%dma_start3A_70 : memref<10240x128xf32, #tpu.memory_space<vmem_shared>>) offsets(%arg5 : memref<128xi32, #tpu.memory_space<vmem>>) semaphore(%run_scoped3A : memref<!tpu.dma_semaphore, #tpu.memory_space<semaphore_mem>>) {add = true}
        %dma_wait3A = arith.constant 0 : i32
        %dma_wait3A_71 = arith.constant 0 : i32
        %dma_wait3A_72 = tpu.memref_slice %arg8[%dma_wait3A, %dma_wait3A_71] : memref<10240x128xf32, #tpu.memory_space<vmem_shared>> -> memref<10240x128xf32, #tpu.memory_space<vmem_shared>>
        tpu.wait_indirect_dma semaphore(%run_scoped3A : memref<!tpu.dma_semaphore, #tpu.memory_space<semaphore_mem>>) src(%arg6 : memref<128x128xf32, #tpu.memory_space<vmem>>) dst(%dma_wait3A_72 : memref<10240x128xf32, #tpu.memory_space<vmem_shared>>)
        tpu.yield
      }) : () -> ()
    }
    %barrier3A_44 = arith.constant 0 : index
    tpu.barrier barrier_id(%barrier3A_44)
    %mul3A_45 = arith.constant 640 : i32
    %mul3A_46 = arith.muli %arg1, %mul3A_45 : i32
    %add3A_47 = arith.constant 0 : i32
    %add3A_48 = arith.addi %mul3A_46, %add3A_47 : i32
    "tpu.region"() ({
      %run_scoped3A = tpu.sem_alloc : memref<!tpu.dma_semaphore, #tpu.memory_space<semaphore_mem>>
      %dma_start3A = arith.constant 0 : i32
      %dma_start3A_65 = tpu.memref_slice %arg8[%add3A_48, %dma_start3A] : memref<10240x128xf32, #tpu.memory_space<vmem_shared>> -> memref<128x128xf32, #tpu.memory_space<vmem_shared>>
      %dma_start3A_66 = arith.constant 0 : i32
      %dma_start3A_67 = tpu.memref_slice %arg8[%add3A_48, %dma_start3A_66] : memref<10240x128xf32, #tpu.memory_space<vmem_shared>> -> memref<128x128xf32, #tpu.memory_space<vmem_shared>>
      tpu.enqueue_dma source(%dma_start3A_67 : memref<128x128xf32, #tpu.memory_space<vmem_shared>>) target(%arg7 : memref<128x128xf32, #tpu.memory_space<vmem>>) target_semaphore(%run_scoped3A : memref<!tpu.dma_semaphore, #tpu.memory_space<semaphore_mem>>)
      %dma_wait3A = arith.constant 0 : i32
      %dma_wait3A_68 = tpu.memref_slice %arg8[%add3A_48, %dma_wait3A] : memref<10240x128xf32, #tpu.memory_space<vmem_shared>> -> memref<128x128xf32, #tpu.memory_space<vmem_shared>>
      %dma_wait3A_69 = arith.constant 0 : i32
      %dma_wait3A_70 = tpu.memref_slice %arg8[%add3A_48, %dma_wait3A_69] : memref<10240x128xf32, #tpu.memory_space<vmem_shared>> -> memref<128x128xf32, #tpu.memory_space<vmem_shared>>
      tpu.wait_dma2 semaphore(%run_scoped3A : memref<!tpu.dma_semaphore, #tpu.memory_space<semaphore_mem>>) src(%dma_wait3A_70 : memref<128x128xf32, #tpu.memory_space<vmem_shared>>) dst(%arg7 : memref<128x128xf32, #tpu.memory_space<vmem>>)
      tpu.yield
    }) : () -> ()
    "tpu.region"() ({
      %run_scoped3A = tpu.sem_alloc : memref<!tpu.dma_semaphore, #tpu.memory_space<semaphore_mem>>
      %dma_start3A = arith.constant 0 : i32
      %dma_start3A_65 = tpu.memref_slice %arg4[%arg0, %add3A_48, %dma_start3A] : memref<2x10240x128xf32, #tpu.memory_space<hbm>> -> memref<1x128x128xf32, #tpu.memory_space<hbm>>
      %dma_start3A_66 = tpu.memref_squeeze %dma_start3A_65 : memref<1x128x128xf32, #tpu.memory_space<hbm>> -> memref<128x128xf32, #tpu.memory_space<hbm>>
      %dma_start3A_67 = arith.constant 0 : i32
      %dma_start3A_68 = tpu.memref_slice %arg4[%arg0, %add3A_48, %dma_start3A_67] : memref<2x10240x128xf32, #tpu.memory_space<hbm>> -> memref<1x128x128xf32, #tpu.memory_space<hbm>>
      %dma_start3A_69 = tpu.memref_squeeze %dma_start3A_68 : memref<1x128x128xf32, #tpu.memory_space<hbm>> -> memref<128x128xf32, #tpu.memory_space<hbm>>
      tpu.enqueue_dma source(%arg7 : memref<128x128xf32, #tpu.memory_space<vmem>>) target(%dma_start3A_69 : memref<128x128xf32, #tpu.memory_space<hbm>>) target_semaphore(%run_scoped3A : memref<!tpu.dma_semaphore, #tpu.memory_space<semaphore_mem>>)
      %dma_wait3A = arith.constant 0 : i32
      %dma_wait3A_70 = tpu.memref_slice %arg4[%arg0, %add3A_48, %dma_wait3A] : memref<2x10240x128xf32, #tpu.memory_space<hbm>> -> memref<1x128x128xf32, #tpu.memory_space<hbm>>
      %dma_wait3A_71 = tpu.memref_squeeze %dma_wait3A_70 : memref<1x128x128xf32, #tpu.memory_space<hbm>> -> memref<128x128xf32, #tpu.memory_space<hbm>>
      %dma_wait3A_72 = arith.constant 0 : i32
      %dma_wait3A_73 = tpu.memref_slice %arg4[%arg0, %add3A_48, %dma_wait3A_72] : memref<2x10240x128xf32, #tpu.memory_space<hbm>> -> memref<1x128x128xf32, #tpu.memory_space<hbm>>
      %dma_wait3A_74 = tpu.memref_squeeze %dma_wait3A_73 : memref<1x128x128xf32, #tpu.memory_space<hbm>> -> memref<128x128xf32, #tpu.memory_space<hbm>>
      tpu.wait_dma2 semaphore(%run_scoped3A : memref<!tpu.dma_semaphore, #tpu.memory_space<semaphore_mem>>) src(%arg7 : memref<128x128xf32, #tpu.memory_space<vmem>>) dst(%dma_wait3A_74 : memref<128x128xf32, #tpu.memory_space<hbm>>)
      tpu.yield
    }) : () -> ()
    %mul3A_49 = arith.constant 640 : i32
    %mul3A_50 = arith.muli %arg1, %mul3A_49 : i32
    %add3A_51 = arith.constant 128 : i32
    %add3A_52 = arith.addi %mul3A_50, %add3A_51 : i32
    "tpu.region"() ({
      %run_scoped3A = tpu.sem_alloc : memref<!tpu.dma_semaphore, #tpu.memory_space<semaphore_mem>>
      %dma_start3A = arith.constant 0 : i32
      %dma_start3A_65 = tpu.memref_slice %arg8[%add3A_52, %dma_start3A] : memref<10240x128xf32, #tpu.memory_space<vmem_shared>> -> memref<128x128xf32, #tpu.memory_space<vmem_shared>>
      %dma_start3A_66 = arith.constant 0 : i32
      %dma_start3A_67 = tpu.memref_slice %arg8[%add3A_52, %dma_start3A_66] : memref<10240x128xf32, #tpu.memory_space<vmem_shared>> -> memref<128x128xf32, #tpu.memory_space<vmem_shared>>
      tpu.enqueue_dma source(%dma_start3A_67 : memref<128x128xf32, #tpu.memory_space<vmem_shared>>) target(%arg7 : memref<128x128xf32, #tpu.memory_space<vmem>>) target_semaphore(%run_scoped3A : memref<!tpu.dma_semaphore, #tpu.memory_space<semaphore_mem>>)
      %dma_wait3A = arith.constant 0 : i32
      %dma_wait3A_68 = tpu.memref_slice %arg8[%add3A_52, %dma_wait3A] : memref<10240x128xf32, #tpu.memory_space<vmem_shared>> -> memref<128x128xf32, #tpu.memory_space<vmem_shared>>
      %dma_wait3A_69 = arith.constant 0 : i32
      %dma_wait3A_70 = tpu.memref_slice %arg8[%add3A_52, %dma_wait3A_69] : memref<10240x128xf32, #tpu.memory_space<vmem_shared>> -> memref<128x128xf32, #tpu.memory_space<vmem_shared>>
      tpu.wait_dma2 semaphore(%run_scoped3A : memref<!tpu.dma_semaphore, #tpu.memory_space<semaphore_mem>>) src(%dma_wait3A_70 : memref<128x128xf32, #tpu.memory_space<vmem_shared>>) dst(%arg7 : memref<128x128xf32, #tpu.memory_space<vmem>>)
      tpu.yield
    }) : () -> ()
    "tpu.region"() ({
      %run_scoped3A = tpu.sem_alloc : memref<!tpu.dma_semaphore, #tpu.memory_space<semaphore_mem>>
      %dma_start3A = arith.constant 0 : i32
      %dma_start3A_65 = tpu.memref_slice %arg4[%arg0, %add3A_52, %dma_start3A] : memref<2x10240x128xf32, #tpu.memory_space<hbm>> -> memref<1x128x128xf32, #tpu.memory_space<hbm>>
      %dma_start3A_66 = tpu.memref_squeeze %dma_start3A_65 : memref<1x128x128xf32, #tpu.memory_space<hbm>> -> memref<128x128xf32, #tpu.memory_space<hbm>>
      %dma_start3A_67 = arith.constant 0 : i32
      %dma_start3A_68 = tpu.memref_slice %arg4[%arg0, %add3A_52, %dma_start3A_67] : memref<2x10240x128xf32, #tpu.memory_space<hbm>> -> memref<1x128x128xf32, #tpu.memory_space<hbm>>
      %dma_start3A_69 = tpu.memref_squeeze %dma_start3A_68 : memref<1x128x128xf32, #tpu.memory_space<hbm>> -> memref<128x128xf32, #tpu.memory_space<hbm>>
      tpu.enqueue_dma source(%arg7 : memref<128x128xf32, #tpu.memory_space<vmem>>) target(%dma_start3A_69 : memref<128x128xf32, #tpu.memory_space<hbm>>) target_semaphore(%run_scoped3A : memref<!tpu.dma_semaphore, #tpu.memory_space<semaphore_mem>>)
      %dma_wait3A = arith.constant 0 : i32
      %dma_wait3A_70 = tpu.memref_slice %arg4[%arg0, %add3A_52, %dma_wait3A] : memref<2x10240x128xf32, #tpu.memory_space<hbm>> -> memref<1x128x128xf32, #tpu.memory_space<hbm>>
      %dma_wait3A_71 = tpu.memref_squeeze %dma_wait3A_70 : memref<1x128x128xf32, #tpu.memory_space<hbm>> -> memref<128x128xf32, #tpu.memory_space<hbm>>
      %dma_wait3A_72 = arith.constant 0 : i32
      %dma_wait3A_73 = tpu.memref_slice %arg4[%arg0, %add3A_52, %dma_wait3A_72] : memref<2x10240x128xf32, #tpu.memory_space<hbm>> -> memref<1x128x128xf32, #tpu.memory_space<hbm>>
      %dma_wait3A_74 = tpu.memref_squeeze %dma_wait3A_73 : memref<1x128x128xf32, #tpu.memory_space<hbm>> -> memref<128x128xf32, #tpu.memory_space<hbm>>
      tpu.wait_dma2 semaphore(%run_scoped3A : memref<!tpu.dma_semaphore, #tpu.memory_space<semaphore_mem>>) src(%arg7 : memref<128x128xf32, #tpu.memory_space<vmem>>) dst(%dma_wait3A_74 : memref<128x128xf32, #tpu.memory_space<hbm>>)
      tpu.yield
    }) : () -> ()
    %mul3A_53 = arith.constant 640 : i32
    %mul3A_54 = arith.muli %arg1, %mul3A_53 : i32
    %add3A_55 = arith.constant 256 : i32
    %add3A_56 = arith.addi %mul3A_54, %add3A_55 : i32
    "tpu.region"() ({
      %run_scoped3A = tpu.sem_alloc : memref<!tpu.dma_semaphore, #tpu.memory_space<semaphore_mem>>
      %dma_start3A = arith.constant 0 : i32
      %dma_start3A_65 = tpu.memref_slice %arg8[%add3A_56, %dma_start3A] : memref<10240x128xf32, #tpu.memory_space<vmem_shared>> -> memref<128x128xf32, #tpu.memory_space<vmem_shared>>
      %dma_start3A_66 = arith.constant 0 : i32
      %dma_start3A_67 = tpu.memref_slice %arg8[%add3A_56, %dma_start3A_66] : memref<10240x128xf32, #tpu.memory_space<vmem_shared>> -> memref<128x128xf32, #tpu.memory_space<vmem_shared>>
      tpu.enqueue_dma source(%dma_start3A_67 : memref<128x128xf32, #tpu.memory_space<vmem_shared>>) target(%arg7 : memref<128x128xf32, #tpu.memory_space<vmem>>) target_semaphore(%run_scoped3A : memref<!tpu.dma_semaphore, #tpu.memory_space<semaphore_mem>>)
      %dma_wait3A = arith.constant 0 : i32
      %dma_wait3A_68 = tpu.memref_slice %arg8[%add3A_56, %dma_wait3A] : memref<10240x128xf32, #tpu.memory_space<vmem_shared>> -> memref<128x128xf32, #tpu.memory_space<vmem_shared>>
      %dma_wait3A_69 = arith.constant 0 : i32
      %dma_wait3A_70 = tpu.memref_slice %arg8[%add3A_56, %dma_wait3A_69] : memref<10240x128xf32, #tpu.memory_space<vmem_shared>> -> memref<128x128xf32, #tpu.memory_space<vmem_shared>>
      tpu.wait_dma2 semaphore(%run_scoped3A : memref<!tpu.dma_semaphore, #tpu.memory_space<semaphore_mem>>) src(%dma_wait3A_70 : memref<128x128xf32, #tpu.memory_space<vmem_shared>>) dst(%arg7 : memref<128x128xf32, #tpu.memory_space<vmem>>)
      tpu.yield
    }) : () -> ()
    "tpu.region"() ({
      %run_scoped3A = tpu.sem_alloc : memref<!tpu.dma_semaphore, #tpu.memory_space<semaphore_mem>>
      %dma_start3A = arith.constant 0 : i32
      %dma_start3A_65 = tpu.memref_slice %arg4[%arg0, %add3A_56, %dma_start3A] : memref<2x10240x128xf32, #tpu.memory_space<hbm>> -> memref<1x128x128xf32, #tpu.memory_space<hbm>>
      %dma_start3A_66 = tpu.memref_squeeze %dma_start3A_65 : memref<1x128x128xf32, #tpu.memory_space<hbm>> -> memref<128x128xf32, #tpu.memory_space<hbm>>
      %dma_start3A_67 = arith.constant 0 : i32
      %dma_start3A_68 = tpu.memref_slice %arg4[%arg0, %add3A_56, %dma_start3A_67] : memref<2x10240x128xf32, #tpu.memory_space<hbm>> -> memref<1x128x128xf32, #tpu.memory_space<hbm>>
      %dma_start3A_69 = tpu.memref_squeeze %dma_start3A_68 : memref<1x128x128xf32, #tpu.memory_space<hbm>> -> memref<128x128xf32, #tpu.memory_space<hbm>>
      tpu.enqueue_dma source(%arg7 : memref<128x128xf32, #tpu.memory_space<vmem>>) target(%dma_start3A_69 : memref<128x128xf32, #tpu.memory_space<hbm>>) target_semaphore(%run_scoped3A : memref<!tpu.dma_semaphore, #tpu.memory_space<semaphore_mem>>)
      %dma_wait3A = arith.constant 0 : i32
      %dma_wait3A_70 = tpu.memref_slice %arg4[%arg0, %add3A_56, %dma_wait3A] : memref<2x10240x128xf32, #tpu.memory_space<hbm>> -> memref<1x128x128xf32, #tpu.memory_space<hbm>>
      %dma_wait3A_71 = tpu.memref_squeeze %dma_wait3A_70 : memref<1x128x128xf32, #tpu.memory_space<hbm>> -> memref<128x128xf32, #tpu.memory_space<hbm>>
      %dma_wait3A_72 = arith.constant 0 : i32
      %dma_wait3A_73 = tpu.memref_slice %arg4[%arg0, %add3A_56, %dma_wait3A_72] : memref<2x10240x128xf32, #tpu.memory_space<hbm>> -> memref<1x128x128xf32, #tpu.memory_space<hbm>>
      %dma_wait3A_74 = tpu.memref_squeeze %dma_wait3A_73 : memref<1x128x128xf32, #tpu.memory_space<hbm>> -> memref<128x128xf32, #tpu.memory_space<hbm>>
      tpu.wait_dma2 semaphore(%run_scoped3A : memref<!tpu.dma_semaphore, #tpu.memory_space<semaphore_mem>>) src(%arg7 : memref<128x128xf32, #tpu.memory_space<vmem>>) dst(%dma_wait3A_74 : memref<128x128xf32, #tpu.memory_space<hbm>>)
      tpu.yield
    }) : () -> ()
    %mul3A_57 = arith.constant 640 : i32
    %mul3A_58 = arith.muli %arg1, %mul3A_57 : i32
    %add3A_59 = arith.constant 384 : i32
    %add3A_60 = arith.addi %mul3A_58, %add3A_59 : i32
    "tpu.region"() ({
      %run_scoped3A = tpu.sem_alloc : memref<!tpu.dma_semaphore, #tpu.memory_space<semaphore_mem>>
      %dma_start3A = arith.constant 0 : i32
      %dma_start3A_65 = tpu.memref_slice %arg8[%add3A_60, %dma_start3A] : memref<10240x128xf32, #tpu.memory_space<vmem_shared>> -> memref<128x128xf32, #tpu.memory_space<vmem_shared>>
      %dma_start3A_66 = arith.constant 0 : i32
      %dma_start3A_67 = tpu.memref_slice %arg8[%add3A_60, %dma_start3A_66] : memref<10240x128xf32, #tpu.memory_space<vmem_shared>> -> memref<128x128xf32, #tpu.memory_space<vmem_shared>>
      tpu.enqueue_dma source(%dma_start3A_67 : memref<128x128xf32, #tpu.memory_space<vmem_shared>>) target(%arg7 : memref<128x128xf32, #tpu.memory_space<vmem>>) target_semaphore(%run_scoped3A : memref<!tpu.dma_semaphore, #tpu.memory_space<semaphore_mem>>)
      %dma_wait3A = arith.constant 0 : i32
      %dma_wait3A_68 = tpu.memref_slice %arg8[%add3A_60, %dma_wait3A] : memref<10240x128xf32, #tpu.memory_space<vmem_shared>> -> memref<128x128xf32, #tpu.memory_space<vmem_shared>>
      %dma_wait3A_69 = arith.constant 0 : i32
      %dma_wait3A_70 = tpu.memref_slice %arg8[%add3A_60, %dma_wait3A_69] : memref<10240x128xf32, #tpu.memory_space<vmem_shared>> -> memref<128x128xf32, #tpu.memory_space<vmem_shared>>
      tpu.wait_dma2 semaphore(%run_scoped3A : memref<!tpu.dma_semaphore, #tpu.memory_space<semaphore_mem>>) src(%dma_wait3A_70 : memref<128x128xf32, #tpu.memory_space<vmem_shared>>) dst(%arg7 : memref<128x128xf32, #tpu.memory_space<vmem>>)
      tpu.yield
    }) : () -> ()
    "tpu.region"() ({
      %run_scoped3A = tpu.sem_alloc : memref<!tpu.dma_semaphore, #tpu.memory_space<semaphore_mem>>
      %dma_start3A = arith.constant 0 : i32
      %dma_start3A_65 = tpu.memref_slice %arg4[%arg0, %add3A_60, %dma_start3A] : memref<2x10240x128xf32, #tpu.memory_space<hbm>> -> memref<1x128x128xf32, #tpu.memory_space<hbm>>
      %dma_start3A_66 = tpu.memref_squeeze %dma_start3A_65 : memref<1x128x128xf32, #tpu.memory_space<hbm>> -> memref<128x128xf32, #tpu.memory_space<hbm>>
      %dma_start3A_67 = arith.constant 0 : i32
      %dma_start3A_68 = tpu.memref_slice %arg4[%arg0, %add3A_60, %dma_start3A_67] : memref<2x10240x128xf32, #tpu.memory_space<hbm>> -> memref<1x128x128xf32, #tpu.memory_space<hbm>>
      %dma_start3A_69 = tpu.memref_squeeze %dma_start3A_68 : memref<1x128x128xf32, #tpu.memory_space<hbm>> -> memref<128x128xf32, #tpu.memory_space<hbm>>
      tpu.enqueue_dma source(%arg7 : memref<128x128xf32, #tpu.memory_space<vmem>>) target(%dma_start3A_69 : memref<128x128xf32, #tpu.memory_space<hbm>>) target_semaphore(%run_scoped3A : memref<!tpu.dma_semaphore, #tpu.memory_space<semaphore_mem>>)
      %dma_wait3A = arith.constant 0 : i32
      %dma_wait3A_70 = tpu.memref_slice %arg4[%arg0, %add3A_60, %dma_wait3A] : memref<2x10240x128xf32, #tpu.memory_space<hbm>> -> memref<1x128x128xf32, #tpu.memory_space<hbm>>
      %dma_wait3A_71 = tpu.memref_squeeze %dma_wait3A_70 : memref<1x128x128xf32, #tpu.memory_space<hbm>> -> memref<128x128xf32, #tpu.memory_space<hbm>>
      %dma_wait3A_72 = arith.constant 0 : i32
      %dma_wait3A_73 = tpu.memref_slice %arg4[%arg0, %add3A_60, %dma_wait3A_72] : memref<2x10240x128xf32, #tpu.memory_space<hbm>> -> memref<1x128x128xf32, #tpu.memory_space<hbm>>
      %dma_wait3A_74 = tpu.memref_squeeze %dma_wait3A_73 : memref<1x128x128xf32, #tpu.memory_space<hbm>> -> memref<128x128xf32, #tpu.memory_space<hbm>>
      tpu.wait_dma2 semaphore(%run_scoped3A : memref<!tpu.dma_semaphore, #tpu.memory_space<semaphore_mem>>) src(%arg7 : memref<128x128xf32, #tpu.memory_space<vmem>>) dst(%dma_wait3A_74 : memref<128x128xf32, #tpu.memory_space<hbm>>)
      tpu.yield
    }) : () -> ()
    %mul3A_61 = arith.constant 640 : i32
    %mul3A_62 = arith.muli %arg1, %mul3A_61 : i32
    %add3A_63 = arith.constant 512 : i32
    %add3A_64 = arith.addi %mul3A_62, %add3A_63 : i32
    "tpu.region"() ({
      %run_scoped3A = tpu.sem_alloc : memref<!tpu.dma_semaphore, #tpu.memory_space<semaphore_mem>>
      %dma_start3A = arith.constant 0 : i32
      %dma_start3A_65 = tpu.memref_slice %arg8[%add3A_64, %dma_start3A] : memref<10240x128xf32, #tpu.memory_space<vmem_shared>> -> memref<128x128xf32, #tpu.memory_space<vmem_shared>>
      %dma_start3A_66 = arith.constant 0 : i32
      %dma_start3A_67 = tpu.memref_slice %arg8[%add3A_64, %dma_start3A_66] : memref<10240x128xf32, #tpu.memory_space<vmem_shared>> -> memref<128x128xf32, #tpu.memory_space<vmem_shared>>
      tpu.enqueue_dma source(%dma_start3A_67 : memref<128x128xf32, #tpu.memory_space<vmem_shared>>) target(%arg7 : memref<128x128xf32, #tpu.memory_space<vmem>>) target_semaphore(%run_scoped3A : memref<!tpu.dma_semaphore, #tpu.memory_space<semaphore_mem>>)
      %dma_wait3A = arith.constant 0 : i32
      %dma_wait3A_68 = tpu.memref_slice %arg8[%add3A_64, %dma_wait3A] : memref<10240x128xf32, #tpu.memory_space<vmem_shared>> -> memref<128x128xf32, #tpu.memory_space<vmem_shared>>
      %dma_wait3A_69 = arith.constant 0 : i32
      %dma_wait3A_70 = tpu.memref_slice %arg8[%add3A_64, %dma_wait3A_69] : memref<10240x128xf32, #tpu.memory_space<vmem_shared>> -> memref<128x128xf32, #tpu.memory_space<vmem_shared>>
      tpu.wait_dma2 semaphore(%run_scoped3A : memref<!tpu.dma_semaphore, #tpu.memory_space<semaphore_mem>>) src(%dma_wait3A_70 : memref<128x128xf32, #tpu.memory_space<vmem_shared>>) dst(%arg7 : memref<128x128xf32, #tpu.memory_space<vmem>>)
      tpu.yield
    }) : () -> ()
    "tpu.region"() ({
      %run_scoped3A = tpu.sem_alloc : memref<!tpu.dma_semaphore, #tpu.memory_space<semaphore_mem>>
      %dma_start3A = arith.constant 0 : i32
      %dma_start3A_65 = tpu.memref_slice %arg4[%arg0, %add3A_64, %dma_start3A] : memref<2x10240x128xf32, #tpu.memory_space<hbm>> -> memref<1x128x128xf32, #tpu.memory_space<hbm>>
      %dma_start3A_66 = tpu.memref_squeeze %dma_start3A_65 : memref<1x128x128xf32, #tpu.memory_space<hbm>> -> memref<128x128xf32, #tpu.memory_space<hbm>>
      %dma_start3A_67 = arith.constant 0 : i32
      %dma_start3A_68 = tpu.memref_slice %arg4[%arg0, %add3A_64, %dma_start3A_67] : memref<2x10240x128xf32, #tpu.memory_space<hbm>> -> memref<1x128x128xf32, #tpu.memory_space<hbm>>
      %dma_start3A_69 = tpu.memref_squeeze %dma_start3A_68 : memref<1x128x128xf32, #tpu.memory_space<hbm>> -> memref<128x128xf32, #tpu.memory_space<hbm>>
      tpu.enqueue_dma source(%arg7 : memref<128x128xf32, #tpu.memory_space<vmem>>) target(%dma_start3A_69 : memref<128x128xf32, #tpu.memory_space<hbm>>) target_semaphore(%run_scoped3A : memref<!tpu.dma_semaphore, #tpu.memory_space<semaphore_mem>>)
      %dma_wait3A = arith.constant 0 : i32
      %dma_wait3A_70 = tpu.memref_slice %arg4[%arg0, %add3A_64, %dma_wait3A] : memref<2x10240x128xf32, #tpu.memory_space<hbm>> -> memref<1x128x128xf32, #tpu.memory_space<hbm>>
      %dma_wait3A_71 = tpu.memref_squeeze %dma_wait3A_70 : memref<1x128x128xf32, #tpu.memory_space<hbm>> -> memref<128x128xf32, #tpu.memory_space<hbm>>
      %dma_wait3A_72 = arith.constant 0 : i32
      %dma_wait3A_73 = tpu.memref_slice %arg4[%arg0, %add3A_64, %dma_wait3A_72] : memref<2x10240x128xf32, #tpu.memory_space<hbm>> -> memref<1x128x128xf32, #tpu.memory_space<hbm>>
      %dma_wait3A_74 = tpu.memref_squeeze %dma_wait3A_73 : memref<1x128x128xf32, #tpu.memory_space<hbm>> -> memref<128x128xf32, #tpu.memory_space<hbm>>
      tpu.wait_dma2 semaphore(%run_scoped3A : memref<!tpu.dma_semaphore, #tpu.memory_space<semaphore_mem>>) src(%arg7 : memref<128x128xf32, #tpu.memory_space<vmem>>) dst(%dma_wait3A_74 : memref<128x128xf32, #tpu.memory_space<hbm>>)
      tpu.yield
    }) : () -> ()
    return
  }
}

#map = affine_map<(d0, d1) -> (0, 0)>
#map1 = affine_map<(d0, d1) -> (0, 0, 0)>
module attributes {stable_mosaic.version = 14 : i64} {
  func.func @k(%arg0: i32, %arg1: i32, %arg2: memref<320000x128xf32, #tpu.memory_space<hbm>>, %arg3: memref<2500x128xi32, #tpu.memory_space<hbm>>, %arg4: memref<2x10240x128xf32, #tpu.memory_space<hbm>>, %arg5: memref<128xi32, #tpu.memory_space<vmem>>, %arg6: memref<128x128xf32, #tpu.memory_space<vmem>>, %arg7: memref<128x128xf32, #tpu.memory_space<vmem>>, %arg8: memref<10240x128xf32, #tpu.memory_space<vmem_shared>>, %arg9: memref<!tpu.dma_semaphore, #tpu.memory_space<semaphore_mem>>) attributes {dimension_semantics = [#tpu.dimension_semantics<core_parallel>, #tpu.dimension_semantics<subcore_parallel>], iteration_bounds = array<i64: 2, 16>, scalar_prefetch = 0 : i64, scratch_operands = 5 : i64, tpu.core_type = #tpu.core_type<sc_vector_subcore>, window_params = [{transform_indices = #map}, {transform_indices = #map}, {transform_indices = #map1}]} {
    %mul3A = arith.constant 2 : i32
    %mul3A_0 = arith.muli %arg1, %mul3A : i32
    %add3A = arith.addi %mul3A_0, %arg0 : i32
    %mul3A_1 = arith.constant 78 : i32
    %mul3A_2 = arith.muli %add3A, %mul3A_1 : i32
    %min3A = arith.constant 4 : i32
    %min3A_3 = arith.minsi %add3A, %min3A : i32
    %add3A_4 = arith.addi %mul3A_2, %min3A_3 : i32
    %lt3A = arith.constant 4 : i32
    %lt3A_5 = arith.cmpi slt, %add3A, %lt3A : i32
    %jit3A = arith.constant 1 : i32
    %jit3A_6 = arith.constant 0 : i32
    %select_n3A = arith.select %lt3A_5, %jit3A, %jit3A_6 : i32
    %add3A_7 = arith.constant 78 : i32
    %add3A_8 = arith.addi %add3A_7, %select_n3A : i32
    %broadcast_in_dim3A = arith.constant 0.000000e+00 : f32
    %broadcast_in_dim3A_9 = vector.broadcast %broadcast_in_dim3A : f32 to vector<16xf32>
    %scan3A = arith.constant 0 : i32
    %scan3A_10 = arith.constant 0 : i32
    %scan3A_11 = arith.constant 128 : i32
    %scan3A_12 = arith.addi %scan3A_10, %scan3A_11 : i32
    %scan3A_13 = arith.constant 1 : i32
    scf.for %scan3A_65 = %scan3A_10 to %scan3A_12 step %scan3A_13  : i32 {
      %swap3A = arith.index_cast %scan3A_65 : i32 to index
      %swap3A_66 = arith.constant 0 : index
      %swap3A_67 = tpu.vector_load %arg7[%swap3A, %swap3A_66] {strides = array<i32>} : memref<128x128xf32, #tpu.memory_space<vmem>>, vector<1x16xf32>,
      %swap3A_68 = vector.shape_cast %swap3A_67 : vector<1x16xf32> to vector<16xf32>
      %swap3A_69 = vector.shape_cast %broadcast_in_dim3A_9 : vector<16xf32> to vector<1x16xf32>
      tpu.vector_store %arg7[%swap3A, %swap3A_66], %swap3A_69 {strides = array<i32>} : memref<128x128xf32, #tpu.memory_space<vmem>>, vector<1x16xf32>,
      %swap3A_70 = arith.index_cast %scan3A_65 : i32 to index
      %swap3A_71 = arith.constant 16 : index
      %swap3A_72 = tpu.vector_load %arg7[%swap3A_70, %swap3A_71] {strides = array<i32>} : memref<128x128xf32, #tpu.memory_space<vmem>>, vector<1x16xf32>,
      %swap3A_73 = vector.shape_cast %swap3A_72 : vector<1x16xf32> to vector<16xf32>
      %swap3A_74 = vector.shape_cast %broadcast_in_dim3A_9 : vector<16xf32> to vector<1x16xf32>
      tpu.vector_store %arg7[%swap3A_70, %swap3A_71], %swap3A_74 {strides = array<i32>} : memref<128x128xf32, #tpu.memory_space<vmem>>, vector<1x16xf32>,
      %swap3A_75 = arith.index_cast %scan3A_65 : i32 to index
      %swap3A_76 = arith.constant 32 : index
      %swap3A_77 = tpu.vector_load %arg7[%swap3A_75, %swap3A_76] {strides = array<i32>} : memref<128x128xf32, #tpu.memory_space<vmem>>, vector<1x16xf32>,
      %swap3A_78 = vector.shape_cast %swap3A_77 : vector<1x16xf32> to vector<16xf32>
      %swap3A_79 = vector.shape_cast %broadcast_in_dim3A_9 : vector<16xf32> to vector<1x16xf32>
      tpu.vector_store %arg7[%swap3A_75, %swap3A_76], %swap3A_79 {strides = array<i32>} : memref<128x128xf32, #tpu.memory_space<vmem>>, vector<1x16xf32>,
      %swap3A_80 = arith.index_cast %scan3A_65 : i32 to index
      %swap3A_81 = arith.constant 48 : index
      %swap3A_82 = tpu.vector_load %arg7[%swap3A_80, %swap3A_81] {strides = array<i32>} : memref<128x128xf32, #tpu.memory_space<vmem>>, vector<1x16xf32>,
      %swap3A_83 = vector.shape_cast %swap3A_82 : vector<1x16xf32> to vector<16xf32>
      %swap3A_84 = vector.shape_cast %broadcast_in_dim3A_9 : vector<16xf32> to vector<1x16xf32>
      tpu.vector_store %arg7[%swap3A_80, %swap3A_81], %swap3A_84 {strides = array<i32>} : memref<128x128xf32, #tpu.memory_space<vmem>>, vector<1x16xf32>,
      %swap3A_85 = arith.index_cast %scan3A_65 : i32 to index
      %swap3A_86 = arith.constant 64 : index
      %swap3A_87 = tpu.vector_load %arg7[%swap3A_85, %swap3A_86] {strides = array<i32>} : memref<128x128xf32, #tpu.memory_space<vmem>>, vector<1x16xf32>,
      %swap3A_88 = vector.shape_cast %swap3A_87 : vector<1x16xf32> to vector<16xf32>
      %swap3A_89 = vector.shape_cast %broadcast_in_dim3A_9 : vector<16xf32> to vector<1x16xf32>
      tpu.vector_store %arg7[%swap3A_85, %swap3A_86], %swap3A_89 {strides = array<i32>} : memref<128x128xf32, #tpu.memory_space<vmem>>, vector<1x16xf32>,
      %swap3A_90 = arith.index_cast %scan3A_65 : i32 to index
      %swap3A_91 = arith.constant 80 : index
      %swap3A_92 = tpu.vector_load %arg7[%swap3A_90, %swap3A_91] {strides = array<i32>} : memref<128x128xf32, #tpu.memory_space<vmem>>, vector<1x16xf32>,
      %swap3A_93 = vector.shape_cast %swap3A_92 : vector<1x16xf32> to vector<16xf32>
      %swap3A_94 = vector.shape_cast %broadcast_in_dim3A_9 : vector<16xf32> to vector<1x16xf32>
      tpu.vector_store %arg7[%swap3A_90, %swap3A_91], %swap3A_94 {strides = array<i32>} : memref<128x128xf32, #tpu.memory_space<vmem>>, vector<1x16xf32>,
      %swap3A_95 = arith.index_cast %scan3A_65 : i32 to index
      %swap3A_96 = arith.constant 96 : index
      %swap3A_97 = tpu.vector_load %arg7[%swap3A_95, %swap3A_96] {strides = array<i32>} : memref<128x128xf32, #tpu.memory_space<vmem>>, vector<1x16xf32>,
      %swap3A_98 = vector.shape_cast %swap3A_97 : vector<1x16xf32> to vector<16xf32>
      %swap3A_99 = vector.shape_cast %broadcast_in_dim3A_9 : vector<16xf32> to vector<1x16xf32>
      tpu.vector_store %arg7[%swap3A_95, %swap3A_96], %swap3A_99 {strides = array<i32>} : memref<128x128xf32, #tpu.memory_space<vmem>>, vector<1x16xf32>,
      %swap3A_100 = arith.index_cast %scan3A_65 : i32 to index
      %swap3A_101 = arith.constant 112 : index
      %swap3A_102 = tpu.vector_load %arg7[%swap3A_100, %swap3A_101] {strides = array<i32>} : memref<128x128xf32, #tpu.memory_space<vmem>>, vector<1x16xf32>,
      %swap3A_103 = vector.shape_cast %swap3A_102 : vector<1x16xf32> to vector<16xf32>
      %swap3A_104 = vector.shape_cast %broadcast_in_dim3A_9 : vector<16xf32> to vector<1x16xf32>
      tpu.vector_store %arg7[%swap3A_100, %swap3A_101], %swap3A_104 {strides = array<i32>} : memref<128x128xf32, #tpu.memory_space<vmem>>, vector<1x16xf32>,
    }
    %scan3A_14 = arith.constant 128 : i32
    %mul3A_15 = arith.constant 640 : i32
    %mul3A_16 = arith.muli %arg1, %mul3A_15 : i32
    %add3A_17 = arith.constant 0 : i32
    %add3A_18 = arith.addi %mul3A_16, %add3A_17 : i32
    "tpu.region"() ({
      %run_scoped3A = tpu.sem_alloc : memref<!tpu.dma_semaphore, #tpu.memory_space<semaphore_mem>>
      %dma_start3A = arith.constant 0 : i32
      %dma_start3A_65 = tpu.memref_slice %arg8[%add3A_18, %dma_start3A] : memref<10240x128xf32, #tpu.memory_space<vmem_shared>> -> memref<128x128xf32, #tpu.memory_space<vmem_shared>>
      %dma_start3A_66 = arith.constant 0 : i32
      %dma_start3A_67 = tpu.memref_slice %arg8[%add3A_18, %dma_start3A_66] : memref<10240x128xf32, #tpu.memory_space<vmem_shared>> -> memref<128x128xf32, #tpu.memory_space<vmem_shared>>
      tpu.enqueue_dma source(%arg7 : memref<128x128xf32, #tpu.memory_space<vmem>>) target(%dma_start3A_67 : memref<128x128xf32, #tpu.memory_space<vmem_shared>>) target_semaphore(%run_scoped3A : memref<!tpu.dma_semaphore, #tpu.memory_space<semaphore_mem>>)
      %dma_wait3A = arith.constant 0 : i32
      %dma_wait3A_68 = tpu.memref_slice %arg8[%add3A_18, %dma_wait3A] : memref<10240x128xf32, #tpu.memory_space<vmem_shared>> -> memref<128x128xf32, #tpu.memory_space<vmem_shared>>
      %dma_wait3A_69 = arith.constant 0 : i32
      %dma_wait3A_70 = tpu.memref_slice %arg8[%add3A_18, %dma_wait3A_69] : memref<10240x128xf32, #tpu.memory_space<vmem_shared>> -> memref<128x128xf32, #tpu.memory_space<vmem_shared>>
      tpu.wait_dma2 semaphore(%run_scoped3A : memref<!tpu.dma_semaphore, #tpu.memory_space<semaphore_mem>>) src(%arg7 : memref<128x128xf32, #tpu.memory_space<vmem>>) dst(%dma_wait3A_70 : memref<128x128xf32, #tpu.memory_space<vmem_shared>>)
      tpu.yield
    }) : () -> ()
    %mul3A_19 = arith.constant 640 : i32
    %mul3A_20 = arith.muli %arg1, %mul3A_19 : i32
    %add3A_21 = arith.constant 128 : i32
    %add3A_22 = arith.addi %mul3A_20, %add3A_21 : i32
    "tpu.region"() ({
      %run_scoped3A = tpu.sem_alloc : memref<!tpu.dma_semaphore, #tpu.memory_space<semaphore_mem>>
      %dma_start3A = arith.constant 0 : i32
      %dma_start3A_65 = tpu.memref_slice %arg8[%add3A_22, %dma_start3A] : memref<10240x128xf32, #tpu.memory_space<vmem_shared>> -> memref<128x128xf32, #tpu.memory_space<vmem_shared>>
      %dma_start3A_66 = arith.constant 0 : i32
      %dma_start3A_67 = tpu.memref_slice %arg8[%add3A_22, %dma_start3A_66] : memref<10240x128xf32, #tpu.memory_space<vmem_shared>> -> memref<128x128xf32, #tpu.memory_space<vmem_shared>>
      tpu.enqueue_dma source(%arg7 : memref<128x128xf32, #tpu.memory_space<vmem>>) target(%dma_start3A_67 : memref<128x128xf32, #tpu.memory_space<vmem_shared>>) target_semaphore(%run_scoped3A : memref<!tpu.dma_semaphore, #tpu.memory_space<semaphore_mem>>)
      %dma_wait3A = arith.constant 0 : i32
      %dma_wait3A_68 = tpu.memref_slice %arg8[%add3A_22, %dma_wait3A] : memref<10240x128xf32, #tpu.memory_space<vmem_shared>> -> memref<128x128xf32, #tpu.memory_space<vmem_shared>>
      %dma_wait3A_69 = arith.constant 0 : i32
      %dma_wait3A_70 = tpu.memref_slice %arg8[%add3A_22, %dma_wait3A_69] : memref<10240x128xf32, #tpu.memory_space<vmem_shared>> -> memref<128x128xf32, #tpu.memory_space<vmem_shared>>
      tpu.wait_dma2 semaphore(%run_scoped3A : memref<!tpu.dma_semaphore, #tpu.memory_space<semaphore_mem>>) src(%arg7 : memref<128x128xf32, #tpu.memory_space<vmem>>) dst(%dma_wait3A_70 : memref<128x128xf32, #tpu.memory_space<vmem_shared>>)
      tpu.yield
    }) : () -> ()
    %mul3A_23 = arith.constant 640 : i32
    %mul3A_24 = arith.muli %arg1, %mul3A_23 : i32
    %add3A_25 = arith.constant 256 : i32
    %add3A_26 = arith.addi %mul3A_24, %add3A_25 : i32
    "tpu.region"() ({
      %run_scoped3A = tpu.sem_alloc : memref<!tpu.dma_semaphore, #tpu.memory_space<semaphore_mem>>
      %dma_start3A = arith.constant 0 : i32
      %dma_start3A_65 = tpu.memref_slice %arg8[%add3A_26, %dma_start3A] : memref<10240x128xf32, #tpu.memory_space<vmem_shared>> -> memref<128x128xf32, #tpu.memory_space<vmem_shared>>
      %dma_start3A_66 = arith.constant 0 : i32
      %dma_start3A_67 = tpu.memref_slice %arg8[%add3A_26, %dma_start3A_66] : memref<10240x128xf32, #tpu.memory_space<vmem_shared>> -> memref<128x128xf32, #tpu.memory_space<vmem_shared>>
      tpu.enqueue_dma source(%arg7 : memref<128x128xf32, #tpu.memory_space<vmem>>) target(%dma_start3A_67 : memref<128x128xf32, #tpu.memory_space<vmem_shared>>) target_semaphore(%run_scoped3A : memref<!tpu.dma_semaphore, #tpu.memory_space<semaphore_mem>>)
      %dma_wait3A = arith.constant 0 : i32
      %dma_wait3A_68 = tpu.memref_slice %arg8[%add3A_26, %dma_wait3A] : memref<10240x128xf32, #tpu.memory_space<vmem_shared>> -> memref<128x128xf32, #tpu.memory_space<vmem_shared>>
      %dma_wait3A_69 = arith.constant 0 : i32
      %dma_wait3A_70 = tpu.memref_slice %arg8[%add3A_26, %dma_wait3A_69] : memref<10240x128xf32, #tpu.memory_space<vmem_shared>> -> memref<128x128xf32, #tpu.memory_space<vmem_shared>>
      tpu.wait_dma2 semaphore(%run_scoped3A : memref<!tpu.dma_semaphore, #tpu.memory_space<semaphore_mem>>) src(%arg7 : memref<128x128xf32, #tpu.memory_space<vmem>>) dst(%dma_wait3A_70 : memref<128x128xf32, #tpu.memory_space<vmem_shared>>)
      tpu.yield
    }) : () -> ()
    %mul3A_27 = arith.constant 640 : i32
    %mul3A_28 = arith.muli %arg1, %mul3A_27 : i32
    %add3A_29 = arith.constant 384 : i32
    %add3A_30 = arith.addi %mul3A_28, %add3A_29 : i32
    "tpu.region"() ({
      %run_scoped3A = tpu.sem_alloc : memref<!tpu.dma_semaphore, #tpu.memory_space<semaphore_mem>>
      %dma_start3A = arith.constant 0 : i32
      %dma_start3A_65 = tpu.memref_slice %arg8[%add3A_30, %dma_start3A] : memref<10240x128xf32, #tpu.memory_space<vmem_shared>> -> memref<128x128xf32, #tpu.memory_space<vmem_shared>>
      %dma_start3A_66 = arith.constant 0 : i32
      %dma_start3A_67 = tpu.memref_slice %arg8[%add3A_30, %dma_start3A_66] : memref<10240x128xf32, #tpu.memory_space<vmem_shared>> -> memref<128x128xf32, #tpu.memory_space<vmem_shared>>
      tpu.enqueue_dma source(%arg7 : memref<128x128xf32, #tpu.memory_space<vmem>>) target(%dma_start3A_67 : memref<128x128xf32, #tpu.memory_space<vmem_shared>>) target_semaphore(%run_scoped3A : memref<!tpu.dma_semaphore, #tpu.memory_space<semaphore_mem>>)
      %dma_wait3A = arith.constant 0 : i32
      %dma_wait3A_68 = tpu.memref_slice %arg8[%add3A_30, %dma_wait3A] : memref<10240x128xf32, #tpu.memory_space<vmem_shared>> -> memref<128x128xf32, #tpu.memory_space<vmem_shared>>
      %dma_wait3A_69 = arith.constant 0 : i32
      %dma_wait3A_70 = tpu.memref_slice %arg8[%add3A_30, %dma_wait3A_69] : memref<10240x128xf32, #tpu.memory_space<vmem_shared>> -> memref<128x128xf32, #tpu.memory_space<vmem_shared>>
      tpu.wait_dma2 semaphore(%run_scoped3A : memref<!tpu.dma_semaphore, #tpu.memory_space<semaphore_mem>>) src(%arg7 : memref<128x128xf32, #tpu.memory_space<vmem>>) dst(%dma_wait3A_70 : memref<128x128xf32, #tpu.memory_space<vmem_shared>>)
      tpu.yield
    }) : () -> ()
    %mul3A_31 = arith.constant 640 : i32
    %mul3A_32 = arith.muli %arg1, %mul3A_31 : i32
    %add3A_33 = arith.constant 512 : i32
    %add3A_34 = arith.addi %mul3A_32, %add3A_33 : i32
    "tpu.region"() ({
      %run_scoped3A = tpu.sem_alloc : memref<!tpu.dma_semaphore, #tpu.memory_space<semaphore_mem>>
      %dma_start3A = arith.constant 0 : i32
      %dma_start3A_65 = tpu.memref_slice %arg8[%add3A_34, %dma_start3A] : memref<10240x128xf32, #tpu.memory_space<vmem_shared>> -> memref<128x128xf32, #tpu.memory_space<vmem_shared>>
      %dma_start3A_66 = arith.constant 0 : i32
      %dma_start3A_67 = tpu.memref_slice %arg8[%add3A_34, %dma_start3A_66] : memref<10240x128xf32, #tpu.memory_space<vmem_shared>> -> memref<128x128xf32, #tpu.memory_space<vmem_shared>>
      tpu.enqueue_dma source(%arg7 : memref<128x128xf32, #tpu.memory_space<vmem>>) target(%dma_start3A_67 : memref<128x128xf32, #tpu.memory_space<vmem_shared>>) target_semaphore(%run_scoped3A : memref<!tpu.dma_semaphore, #tpu.memory_space<semaphore_mem>>)
      %dma_wait3A = arith.constant 0 : i32
      %dma_wait3A_68 = tpu.memref_slice %arg8[%add3A_34, %dma_wait3A] : memref<10240x128xf32, #tpu.memory_space<vmem_shared>> -> memref<128x128xf32, #tpu.memory_space<vmem_shared>>
      %dma_wait3A_69 = arith.constant 0 : i32
      %dma_wait3A_70 = tpu.memref_slice %arg8[%add3A_34, %dma_wait3A_69] : memref<10240x128xf32, #tpu.memory_space<vmem_shared>> -> memref<128x128xf32, #tpu.memory_space<vmem_shared>>
      tpu.wait_dma2 semaphore(%run_scoped3A : memref<!tpu.dma_semaphore, #tpu.memory_space<semaphore_mem>>) src(%arg7 : memref<128x128xf32, #tpu.memory_space<vmem>>) dst(%dma_wait3A_70 : memref<128x128xf32, #tpu.memory_space<vmem_shared>>)
      tpu.yield
    }) : () -> ()
    %barrier3A = arith.constant 0 : index
    tpu.barrier barrier_id(%barrier3A)
    %while3A = arith.constant 0 : i32
    %while3A_35 = arith.constant 0 : i32
    %while3A_36 = arith.subi %add3A_8, %while3A_35 : i32
    %while3A_37 = arith.addi %while3A_35, %while3A_36 : i32
    %while3A_38 = arith.constant 1 : i32
    %while3A_39 = arith.divsi %while3A_36, %while3A_38 : i32
    %while3A_40 = arith.muli %while3A_39, %while3A_38 : i32
    %while3A_41 = arith.addi %while3A_35, %while3A_40 : i32
    %while3A_42 = arith.constant 1 : i32
    scf.for %while3A_65 = %while3A_35 to %while3A_41 step %while3A_42  : i32 {
      %add3A_66 = arith.addi %add3A_4, %while3A_65 : i32
      "tpu.region"() ({
        %run_scoped3A = tpu.sem_alloc : memref<!tpu.dma_semaphore, #tpu.memory_space<semaphore_mem>>
        %dma_start3A = arith.constant 0 : i32
        %dma_start3A_69 = tpu.memref_slice %arg3[%add3A_66, %dma_start3A] : memref<2500x128xi32, #tpu.memory_space<hbm>> -> memref<1x128xi32, #tpu.memory_space<hbm>>
        %dma_start3A_70 = tpu.memref_squeeze %dma_start3A_69 : memref<1x128xi32, #tpu.memory_space<hbm>> -> memref<128xi32, #tpu.memory_space<hbm>>
        %dma_start3A_71 = arith.constant 0 : i32
        %dma_start3A_72 = tpu.memref_slice %arg3[%add3A_66, %dma_start3A_71] : memref<2500x128xi32, #tpu.memory_space<hbm>> -> memref<1x128xi32, #tpu.memory_space<hbm>>
        %dma_start3A_73 = tpu.memref_squeeze %dma_start3A_72 : memref<1x128xi32, #tpu.memory_space<hbm>> -> memref<128xi32, #tpu.memory_space<hbm>>
        tpu.enqueue_dma source(%dma_start3A_73 : memref<128xi32, #tpu.memory_space<hbm>>) target(%arg5 : memref<128xi32, #tpu.memory_space<vmem>>) target_semaphore(%run_scoped3A : memref<!tpu.dma_semaphore, #tpu.memory_space<semaphore_mem>>)
        %dma_wait3A = arith.constant 0 : i32
        %dma_wait3A_74 = tpu.memref_slice %arg3[%add3A_66, %dma_wait3A] : memref<2500x128xi32, #tpu.memory_space<hbm>> -> memref<1x128xi32, #tpu.memory_space<hbm>>
        %dma_wait3A_75 = tpu.memref_squeeze %dma_wait3A_74 : memref<1x128xi32, #tpu.memory_space<hbm>> -> memref<128xi32, #tpu.memory_space<hbm>>
        %dma_wait3A_76 = arith.constant 0 : i32
        %dma_wait3A_77 = tpu.memref_slice %arg3[%add3A_66, %dma_wait3A_76] : memref<2500x128xi32, #tpu.memory_space<hbm>> -> memref<1x128xi32, #tpu.memory_space<hbm>>
        %dma_wait3A_78 = tpu.memref_squeeze %dma_wait3A_77 : memref<1x128xi32, #tpu.memory_space<hbm>> -> memref<128xi32, #tpu.memory_space<hbm>>
        tpu.wait_dma2 semaphore(%run_scoped3A : memref<!tpu.dma_semaphore, #tpu.memory_space<semaphore_mem>>) src(%dma_wait3A_78 : memref<128xi32, #tpu.memory_space<hbm>>) dst(%arg5 : memref<128xi32, #tpu.memory_space<vmem>>)
        tpu.yield
      }) : () -> ()
      %mul3A_67 = arith.constant 128 : i32
      %mul3A_68 = arith.muli %add3A_66, %mul3A_67 : i32
      "tpu.region"() ({
        %run_scoped3A = tpu.sem_alloc : memref<!tpu.dma_semaphore, #tpu.memory_space<semaphore_mem>>
        %dma_start3A = arith.constant 0 : i32
        %dma_start3A_69 = tpu.memref_slice %arg2[%mul3A_68, %dma_start3A] : memref<320000x128xf32, #tpu.memory_space<hbm>> -> memref<128x128xf32, #tpu.memory_space<hbm>>
        %dma_start3A_70 = arith.constant 0 : i32
        %dma_start3A_71 = tpu.memref_slice %arg2[%mul3A_68, %dma_start3A_70] : memref<320000x128xf32, #tpu.memory_space<hbm>> -> memref<128x128xf32, #tpu.memory_space<hbm>>
        tpu.enqueue_dma source(%dma_start3A_71 : memref<128x128xf32, #tpu.memory_space<hbm>>) target(%arg6 : memref<128x128xf32, #tpu.memory_space<vmem>>) target_semaphore(%run_scoped3A : memref<!tpu.dma_semaphore, #tpu.memory_space<semaphore_mem>>)
        %dma_wait3A = arith.constant 0 : i32
        %dma_wait3A_72 = tpu.memref_slice %arg2[%mul3A_68, %dma_wait3A] : memref<320000x128xf32, #tpu.memory_space<hbm>> -> memref<128x128xf32, #tpu.memory_space<hbm>>
        %dma_wait3A_73 = arith.constant 0 : i32
        %dma_wait3A_74 = tpu.memref_slice %arg2[%mul3A_68, %dma_wait3A_73] : memref<320000x128xf32, #tpu.memory_space<hbm>> -> memref<128x128xf32, #tpu.memory_space<hbm>>
        tpu.wait_dma2 semaphore(%run_scoped3A : memref<!tpu.dma_semaphore, #tpu.memory_space<semaphore_mem>>) src(%dma_wait3A_74 : memref<128x128xf32, #tpu.memory_space<hbm>>) dst(%arg6 : memref<128x128xf32, #tpu.memory_space<vmem>>)
        tpu.yield
      }) : () -> ()
      "tpu.region"() ({
        %run_scoped3A = tpu.sem_alloc : memref<!tpu.dma_semaphore, #tpu.memory_space<semaphore_mem>>
        %dma_start3A = arith.constant 0 : i32
        %dma_start3A_69 = arith.constant 0 : i32
        %dma_start3A_70 = tpu.memref_slice %arg8[%dma_start3A, %dma_start3A_69] : memref<10240x128xf32, #tpu.memory_space<vmem_shared>> -> memref<10240x128xf32, #tpu.memory_space<vmem_shared>>
        tpu.enqueue_indirect_dma source(%arg6 : memref<128x128xf32, #tpu.memory_space<vmem>>) target(%dma_start3A_70 : memref<10240x128xf32, #tpu.memory_space<vmem_shared>>) offsets(%arg5 : memref<128xi32, #tpu.memory_space<vmem>>) semaphore(%run_scoped3A : memref<!tpu.dma_semaphore, #tpu.memory_space<semaphore_mem>>) {add = true}
        %dma_wait3A = arith.constant 0 : i32
        %dma_wait3A_71 = arith.constant 0 : i32
        %dma_wait3A_72 = tpu.memref_slice %arg8[%dma_wait3A, %dma_wait3A_71] : memref<10240x128xf32, #tpu.memory_space<vmem_shared>> -> memref<10240x128xf32, #tpu.memory_space<vmem_shared>>
        tpu.wait_indirect_dma semaphore(%run_scoped3A : memref<!tpu.dma_semaphore, #tpu.memory_space<semaphore_mem>>) src(%arg6 : memref<128x128xf32, #tpu.memory_space<vmem>>) dst(%dma_wait3A_72 : memref<10240x128xf32, #tpu.memory_space<vmem_shared>>)
        tpu.yield
      }) : () -> ()
    }
    %while3A_43 = arith.constant 1 : i32
    scf.for %while3A_65 = %while3A_41 to %while3A_37 step %while3A_43  : i32 {
      %add3A_66 = arith.addi %add3A_4, %while3A_65 : i32
      "tpu.region"() ({
        %run_scoped3A = tpu.sem_alloc : memref<!tpu.dma_semaphore, #tpu.memory_space<semaphore_mem>>
        %dma_start3A = arith.constant 0 : i32
        %dma_start3A_69 = tpu.memref_slice %arg3[%add3A_66, %dma_start3A] : memref<2500x128xi32, #tpu.memory_space<hbm>> -> memref<1x128xi32, #tpu.memory_space<hbm>>
        %dma_start3A_70 = tpu.memref_squeeze %dma_start3A_69 : memref<1x128xi32, #tpu.memory_space<hbm>> -> memref<128xi32, #tpu.memory_space<hbm>>
        %dma_start3A_71 = arith.constant 0 : i32
        %dma_start3A_72 = tpu.memref_slice %arg3[%add3A_66, %dma_start3A_71] : memref<2500x128xi32, #tpu.memory_space<hbm>> -> memref<1x128xi32, #tpu.memory_space<hbm>>
        %dma_start3A_73 = tpu.memref_squeeze %dma_start3A_72 : memref<1x128xi32, #tpu.memory_space<hbm>> -> memref<128xi32, #tpu.memory_space<hbm>>
        tpu.enqueue_dma source(%dma_start3A_73 : memref<128xi32, #tpu.memory_space<hbm>>) target(%arg5 : memref<128xi32, #tpu.memory_space<vmem>>) target_semaphore(%run_scoped3A : memref<!tpu.dma_semaphore, #tpu.memory_space<semaphore_mem>>)
        %dma_wait3A = arith.constant 0 : i32
        %dma_wait3A_74 = tpu.memref_slice %arg3[%add3A_66, %dma_wait3A] : memref<2500x128xi32, #tpu.memory_space<hbm>> -> memref<1x128xi32, #tpu.memory_space<hbm>>
        %dma_wait3A_75 = tpu.memref_squeeze %dma_wait3A_74 : memref<1x128xi32, #tpu.memory_space<hbm>> -> memref<128xi32, #tpu.memory_space<hbm>>
        %dma_wait3A_76 = arith.constant 0 : i32
        %dma_wait3A_77 = tpu.memref_slice %arg3[%add3A_66, %dma_wait3A_76] : memref<2500x128xi32, #tpu.memory_space<hbm>> -> memref<1x128xi32, #tpu.memory_space<hbm>>
        %dma_wait3A_78 = tpu.memref_squeeze %dma_wait3A_77 : memref<1x128xi32, #tpu.memory_space<hbm>> -> memref<128xi32, #tpu.memory_space<hbm>>
        tpu.wait_dma2 semaphore(%run_scoped3A : memref<!tpu.dma_semaphore, #tpu.memory_space<semaphore_mem>>) src(%dma_wait3A_78 : memref<128xi32, #tpu.memory_space<hbm>>) dst(%arg5 : memref<128xi32, #tpu.memory_space<vmem>>)
        tpu.yield
      }) : () -> ()
      %mul3A_67 = arith.constant 128 : i32
      %mul3A_68 = arith.muli %add3A_66, %mul3A_67 : i32
      "tpu.region"() ({
        %run_scoped3A = tpu.sem_alloc : memref<!tpu.dma_semaphore, #tpu.memory_space<semaphore_mem>>
        %dma_start3A = arith.constant 0 : i32
        %dma_start3A_69 = tpu.memref_slice %arg2[%mul3A_68, %dma_start3A] : memref<320000x128xf32, #tpu.memory_space<hbm>> -> memref<128x128xf32, #tpu.memory_space<hbm>>
        %dma_start3A_70 = arith.constant 0 : i32
        %dma_start3A_71 = tpu.memref_slice %arg2[%mul3A_68, %dma_start3A_70] : memref<320000x128xf32, #tpu.memory_space<hbm>> -> memref<128x128xf32, #tpu.memory_space<hbm>>
        tpu.enqueue_dma source(%dma_start3A_71 : memref<128x128xf32, #tpu.memory_space<hbm>>) target(%arg6 : memref<128x128xf32, #tpu.memory_space<vmem>>) target_semaphore(%run_scoped3A : memref<!tpu.dma_semaphore, #tpu.memory_space<semaphore_mem>>)
        %dma_wait3A = arith.constant 0 : i32
        %dma_wait3A_72 = tpu.memref_slice %arg2[%mul3A_68, %dma_wait3A] : memref<320000x128xf32, #tpu.memory_space<hbm>> -> memref<128x128xf32, #tpu.memory_space<hbm>>
        %dma_wait3A_73 = arith.constant 0 : i32
        %dma_wait3A_74 = tpu.memref_slice %arg2[%mul3A_68, %dma_wait3A_73] : memref<320000x128xf32, #tpu.memory_space<hbm>> -> memref<128x128xf32, #tpu.memory_space<hbm>>
        tpu.wait_dma2 semaphore(%run_scoped3A : memref<!tpu.dma_semaphore, #tpu.memory_space<semaphore_mem>>) src(%dma_wait3A_74 : memref<128x128xf32, #tpu.memory_space<hbm>>) dst(%arg6 : memref<128x128xf32, #tpu.memory_space<vmem>>)
        tpu.yield
      }) : () -> ()
      "tpu.region"() ({
        %run_scoped3A = tpu.sem_alloc : memref<!tpu.dma_semaphore, #tpu.memory_space<semaphore_mem>>
        %dma_start3A = arith.constant 0 : i32
        %dma_start3A_69 = arith.constant 0 : i32
        %dma_start3A_70 = tpu.memref_slice %arg8[%dma_start3A, %dma_start3A_69] : memref<10240x128xf32, #tpu.memory_space<vmem_shared>> -> memref<10240x128xf32, #tpu.memory_space<vmem_shared>>
        tpu.enqueue_indirect_dma source(%arg6 : memref<128x128xf32, #tpu.memory_space<vmem>>) target(%dma_start3A_70 : memref<10240x128xf32, #tpu.memory_space<vmem_shared>>) offsets(%arg5 : memref<128xi32, #tpu.memory_space<vmem>>) semaphore(%run_scoped3A : memref<!tpu.dma_semaphore, #tpu.memory_space<semaphore_mem>>) {add = true}
        %dma_wait3A = arith.constant 0 : i32
        %dma_wait3A_71 = arith.constant 0 : i32
        %dma_wait3A_72 = tpu.memref_slice %arg8[%dma_wait3A, %dma_wait3A_71] : memref<10240x128xf32, #tpu.memory_space<vmem_shared>> -> memref<10240x128xf32, #tpu.memory_space<vmem_shared>>
        tpu.wait_indirect_dma semaphore(%run_scoped3A : memref<!tpu.dma_semaphore, #tpu.memory_space<semaphore_mem>>) src(%arg6 : memref<128x128xf32, #tpu.memory_space<vmem>>) dst(%dma_wait3A_72 : memref<10240x128xf32, #tpu.memory_space<vmem_shared>>)
        tpu.yield
      }) : () -> ()
    }
    %barrier3A_44 = arith.constant 0 : index
    tpu.barrier barrier_id(%barrier3A_44)
    %mul3A_45 = arith.constant 640 : i32
    %mul3A_46 = arith.muli %arg1, %mul3A_45 : i32
    %add3A_47 = arith.constant 0 : i32
    %add3A_48 = arith.addi %mul3A_46, %add3A_47 : i32
    "tpu.region"() ({
      %run_scoped3A = tpu.sem_alloc : memref<!tpu.dma_semaphore, #tpu.memory_space<semaphore_mem>>
      %dma_start3A = arith.constant 0 : i32
      %dma_start3A_65 = tpu.memref_slice %arg8[%add3A_48, %dma_start3A] : memref<10240x128xf32, #tpu.memory_space<vmem_shared>> -> memref<128x128xf32, #tpu.memory_space<vmem_shared>>
      %dma_start3A_66 = arith.constant 0 : i32
      %dma_start3A_67 = tpu.memref_slice %arg8[%add3A_48, %dma_start3A_66] : memref<10240x128xf32, #tpu.memory_space<vmem_shared>> -> memref<128x128xf32, #tpu.memory_space<vmem_shared>>
      tpu.enqueue_dma source(%dma_start3A_67 : memref<128x128xf32, #tpu.memory_space<vmem_shared>>) target(%arg7 : memref<128x128xf32, #tpu.memory_space<vmem>>) target_semaphore(%run_scoped3A : memref<!tpu.dma_semaphore, #tpu.memory_space<semaphore_mem>>)
      %dma_wait3A = arith.constant 0 : i32
      %dma_wait3A_68 = tpu.memref_slice %arg8[%add3A_48, %dma_wait3A] : memref<10240x128xf32, #tpu.memory_space<vmem_shared>> -> memref<128x128xf32, #tpu.memory_space<vmem_shared>>
      %dma_wait3A_69 = arith.constant 0 : i32
      %dma_wait3A_70 = tpu.memref_slice %arg8[%add3A_48, %dma_wait3A_69] : memref<10240x128xf32, #tpu.memory_space<vmem_shared>> -> memref<128x128xf32, #tpu.memory_space<vmem_shared>>
      tpu.wait_dma2 semaphore(%run_scoped3A : memref<!tpu.dma_semaphore, #tpu.memory_space<semaphore_mem>>) src(%dma_wait3A_70 : memref<128x128xf32, #tpu.memory_space<vmem_shared>>) dst(%arg7 : memref<128x128xf32, #tpu.memory_space<vmem>>)
      tpu.yield
    }) : () -> ()
    "tpu.region"() ({
      %run_scoped3A = tpu.sem_alloc : memref<!tpu.dma_semaphore, #tpu.memory_space<semaphore_mem>>
      %dma_start3A = arith.constant 0 : i32
      %dma_start3A_65 = tpu.memref_slice %arg4[%arg0, %add3A_48, %dma_start3A] : memref<2x10240x128xf32, #tpu.memory_space<hbm>> -> memref<1x128x128xf32, #tpu.memory_space<hbm>>
      %dma_start3A_66 = tpu.memref_squeeze %dma_start3A_65 : memref<1x128x128xf32, #tpu.memory_space<hbm>> -> memref<128x128xf32, #tpu.memory_space<hbm>>
      %dma_start3A_67 = arith.constant 0 : i32
      %dma_start3A_68 = tpu.memref_slice %arg4[%arg0, %add3A_48, %dma_start3A_67] : memref<2x10240x128xf32, #tpu.memory_space<hbm>> -> memref<1x128x128xf32, #tpu.memory_space<hbm>>
      %dma_start3A_69 = tpu.memref_squeeze %dma_start3A_68 : memref<1x128x128xf32, #tpu.memory_space<hbm>> -> memref<128x128xf32, #tpu.memory_space<hbm>>
      tpu.enqueue_dma source(%arg7 : memref<128x128xf32, #tpu.memory_space<vmem>>) target(%dma_start3A_69 : memref<128x128xf32, #tpu.memory_space<hbm>>) target_semaphore(%run_scoped3A : memref<!tpu.dma_semaphore, #tpu.memory_space<semaphore_mem>>)
      %dma_wait3A = arith.constant 0 : i32
      %dma_wait3A_70 = tpu.memref_slice %arg4[%arg0, %add3A_48, %dma_wait3A] : memref<2x10240x128xf32, #tpu.memory_space<hbm>> -> memref<1x128x128xf32, #tpu.memory_space<hbm>>
      %dma_wait3A_71 = tpu.memref_squeeze %dma_wait3A_70 : memref<1x128x128xf32, #tpu.memory_space<hbm>> -> memref<128x128xf32, #tpu.memory_space<hbm>>
      %dma_wait3A_72 = arith.constant 0 : i32
      %dma_wait3A_73 = tpu.memref_slice %arg4[%arg0, %add3A_48, %dma_wait3A_72] : memref<2x10240x128xf32, #tpu.memory_space<hbm>> -> memref<1x128x128xf32, #tpu.memory_space<hbm>>
      %dma_wait3A_74 = tpu.memref_squeeze %dma_wait3A_73 : memref<1x128x128xf32, #tpu.memory_space<hbm>> -> memref<128x128xf32, #tpu.memory_space<hbm>>
      tpu.wait_dma2 semaphore(%run_scoped3A : memref<!tpu.dma_semaphore, #tpu.memory_space<semaphore_mem>>) src(%arg7 : memref<128x128xf32, #tpu.memory_space<vmem>>) dst(%dma_wait3A_74 : memref<128x128xf32, #tpu.memory_space<hbm>>)
      tpu.yield
    }) : () -> ()
    %mul3A_49 = arith.constant 640 : i32
    %mul3A_50 = arith.muli %arg1, %mul3A_49 : i32
    %add3A_51 = arith.constant 128 : i32
    %add3A_52 = arith.addi %mul3A_50, %add3A_51 : i32
    "tpu.region"() ({
      %run_scoped3A = tpu.sem_alloc : memref<!tpu.dma_semaphore, #tpu.memory_space<semaphore_mem>>
      %dma_start3A = arith.constant 0 : i32
      %dma_start3A_65 = tpu.memref_slice %arg8[%add3A_52, %dma_start3A] : memref<10240x128xf32, #tpu.memory_space<vmem_shared>> -> memref<128x128xf32, #tpu.memory_space<vmem_shared>>
      %dma_start3A_66 = arith.constant 0 : i32
      %dma_start3A_67 = tpu.memref_slice %arg8[%add3A_52, %dma_start3A_66] : memref<10240x128xf32, #tpu.memory_space<vmem_shared>> -> memref<128x128xf32, #tpu.memory_space<vmem_shared>>
      tpu.enqueue_dma source(%dma_start3A_67 : memref<128x128xf32, #tpu.memory_space<vmem_shared>>) target(%arg7 : memref<128x128xf32, #tpu.memory_space<vmem>>) target_semaphore(%run_scoped3A : memref<!tpu.dma_semaphore, #tpu.memory_space<semaphore_mem>>)
      %dma_wait3A = arith.constant 0 : i32
      %dma_wait3A_68 = tpu.memref_slice %arg8[%add3A_52, %dma_wait3A] : memref<10240x128xf32, #tpu.memory_space<vmem_shared>> -> memref<128x128xf32, #tpu.memory_space<vmem_shared>>
      %dma_wait3A_69 = arith.constant 0 : i32
      %dma_wait3A_70 = tpu.memref_slice %arg8[%add3A_52, %dma_wait3A_69] : memref<10240x128xf32, #tpu.memory_space<vmem_shared>> -> memref<128x128xf32, #tpu.memory_space<vmem_shared>>
      tpu.wait_dma2 semaphore(%run_scoped3A : memref<!tpu.dma_semaphore, #tpu.memory_space<semaphore_mem>>) src(%dma_wait3A_70 : memref<128x128xf32, #tpu.memory_space<vmem_shared>>) dst(%arg7 : memref<128x128xf32, #tpu.memory_space<vmem>>)
      tpu.yield
    }) : () -> ()
    "tpu.region"() ({
      %run_scoped3A = tpu.sem_alloc : memref<!tpu.dma_semaphore, #tpu.memory_space<semaphore_mem>>
      %dma_start3A = arith.constant 0 : i32
      %dma_start3A_65 = tpu.memref_slice %arg4[%arg0, %add3A_52, %dma_start3A] : memref<2x10240x128xf32, #tpu.memory_space<hbm>> -> memref<1x128x128xf32, #tpu.memory_space<hbm>>
      %dma_start3A_66 = tpu.memref_squeeze %dma_start3A_65 : memref<1x128x128xf32, #tpu.memory_space<hbm>> -> memref<128x128xf32, #tpu.memory_space<hbm>>
      %dma_start3A_67 = arith.constant 0 : i32
      %dma_start3A_68 = tpu.memref_slice %arg4[%arg0, %add3A_52, %dma_start3A_67] : memref<2x10240x128xf32, #tpu.memory_space<hbm>> -> memref<1x128x128xf32, #tpu.memory_space<hbm>>
      %dma_start3A_69 = tpu.memref_squeeze %dma_start3A_68 : memref<1x128x128xf32, #tpu.memory_space<hbm>> -> memref<128x128xf32, #tpu.memory_space<hbm>>
      tpu.enqueue_dma source(%arg7 : memref<128x128xf32, #tpu.memory_space<vmem>>) target(%dma_start3A_69 : memref<128x128xf32, #tpu.memory_space<hbm>>) target_semaphore(%run_scoped3A : memref<!tpu.dma_semaphore, #tpu.memory_space<semaphore_mem>>)
      %dma_wait3A = arith.constant 0 : i32
      %dma_wait3A_70 = tpu.memref_slice %arg4[%arg0, %add3A_52, %dma_wait3A] : memref<2x10240x128xf32, #tpu.memory_space<hbm>> -> memref<1x128x128xf32, #tpu.memory_space<hbm>>
      %dma_wait3A_71 = tpu.memref_squeeze %dma_wait3A_70 : memref<1x128x128xf32, #tpu.memory_space<hbm>> -> memref<128x128xf32, #tpu.memory_space<hbm>>
      %dma_wait3A_72 = arith.constant 0 : i32
      %dma_wait3A_73 = tpu.memref_slice %arg4[%arg0, %add3A_52, %dma_wait3A_72] : memref<2x10240x128xf32, #tpu.memory_space<hbm>> -> memref<1x128x128xf32, #tpu.memory_space<hbm>>
      %dma_wait3A_74 = tpu.memref_squeeze %dma_wait3A_73 : memref<1x128x128xf32, #tpu.memory_space<hbm>> -> memref<128x128xf32, #tpu.memory_space<hbm>>
      tpu.wait_dma2 semaphore(%run_scoped3A : memref<!tpu.dma_semaphore, #tpu.memory_space<semaphore_mem>>) src(%arg7 : memref<128x128xf32, #tpu.memory_space<vmem>>) dst(%dma_wait3A_74 : memref<128x128xf32, #tpu.memory_space<hbm>>)
      tpu.yield
    }) : () -> ()
    %mul3A_53 = arith.constant 640 : i32
    %mul3A_54 = arith.muli %arg1, %mul3A_53 : i32
    %add3A_55 = arith.constant 256 : i32
    %add3A_56 = arith.addi %mul3A_54, %add3A_55 : i32
    "tpu.region"() ({
      %run_scoped3A = tpu.sem_alloc : memref<!tpu.dma_semaphore, #tpu.memory_space<semaphore_mem>>
      %dma_start3A = arith.constant 0 : i32
      %dma_start3A_65 = tpu.memref_slice %arg8[%add3A_56, %dma_start3A] : memref<10240x128xf32, #tpu.memory_space<vmem_shared>> -> memref<128x128xf32, #tpu.memory_space<vmem_shared>>
      %dma_start3A_66 = arith.constant 0 : i32
      %dma_start3A_67 = tpu.memref_slice %arg8[%add3A_56, %dma_start3A_66] : memref<10240x128xf32, #tpu.memory_space<vmem_shared>> -> memref<128x128xf32, #tpu.memory_space<vmem_shared>>
      tpu.enqueue_dma source(%dma_start3A_67 : memref<128x128xf32, #tpu.memory_space<vmem_shared>>) target(%arg7 : memref<128x128xf32, #tpu.memory_space<vmem>>) target_semaphore(%run_scoped3A : memref<!tpu.dma_semaphore, #tpu.memory_space<semaphore_mem>>)
      %dma_wait3A = arith.constant 0 : i32
      %dma_wait3A_68 = tpu.memref_slice %arg8[%add3A_56, %dma_wait3A] : memref<10240x128xf32, #tpu.memory_space<vmem_shared>> -> memref<128x128xf32, #tpu.memory_space<vmem_shared>>
      %dma_wait3A_69 = arith.constant 0 : i32
      %dma_wait3A_70 = tpu.memref_slice %arg8[%add3A_56, %dma_wait3A_69] : memref<10240x128xf32, #tpu.memory_space<vmem_shared>> -> memref<128x128xf32, #tpu.memory_space<vmem_shared>>
      tpu.wait_dma2 semaphore(%run_scoped3A : memref<!tpu.dma_semaphore, #tpu.memory_space<semaphore_mem>>) src(%dma_wait3A_70 : memref<128x128xf32, #tpu.memory_space<vmem_shared>>) dst(%arg7 : memref<128x128xf32, #tpu.memory_space<vmem>>)
      tpu.yield
    }) : () -> ()
    "tpu.region"() ({
      %run_scoped3A = tpu.sem_alloc : memref<!tpu.dma_semaphore, #tpu.memory_space<semaphore_mem>>
      %dma_start3A = arith.constant 0 : i32
      %dma_start3A_65 = tpu.memref_slice %arg4[%arg0, %add3A_56, %dma_start3A] : memref<2x10240x128xf32, #tpu.memory_space<hbm>> -> memref<1x128x128xf32, #tpu.memory_space<hbm>>
      %dma_start3A_66 = tpu.memref_squeeze %dma_start3A_65 : memref<1x128x128xf32, #tpu.memory_space<hbm>> -> memref<128x128xf32, #tpu.memory_space<hbm>>
      %dma_start3A_67 = arith.constant 0 : i32
      %dma_start3A_68 = tpu.memref_slice %arg4[%arg0, %add3A_56, %dma_start3A_67] : memref<2x10240x128xf32, #tpu.memory_space<hbm>> -> memref<1x128x128xf32, #tpu.memory_space<hbm>>
      %dma_start3A_69 = tpu.memref_squeeze %dma_start3A_68 : memref<1x128x128xf32, #tpu.memory_space<hbm>> -> memref<128x128xf32, #tpu.memory_space<hbm>>
      tpu.enqueue_dma source(%arg7 : memref<128x128xf32, #tpu.memory_space<vmem>>) target(%dma_start3A_69 : memref<128x128xf32, #tpu.memory_space<hbm>>) target_semaphore(%run_scoped3A : memref<!tpu.dma_semaphore, #tpu.memory_space<semaphore_mem>>)
      %dma_wait3A = arith.constant 0 : i32
      %dma_wait3A_70 = tpu.memref_slice %arg4[%arg0, %add3A_56, %dma_wait3A] : memref<2x10240x128xf32, #tpu.memory_space<hbm>> -> memref<1x128x128xf32, #tpu.memory_space<hbm>>
      %dma_wait3A_71 = tpu.memref_squeeze %dma_wait3A_70 : memref<1x128x128xf32, #tpu.memory_space<hbm>> -> memref<128x128xf32, #tpu.memory_space<hbm>>
      %dma_wait3A_72 = arith.constant 0 : i32
      %dma_wait3A_73 = tpu.memref_slice %arg4[%arg0, %add3A_56, %dma_wait3A_72] : memref<2x10240x128xf32, #tpu.memory_space<hbm>> -> memref<1x128x128xf32, #tpu.memory_space<hbm>>
      %dma_wait3A_74 = tpu.memref_squeeze %dma_wait3A_73 : memref<1x128x128xf32, #tpu.memory_space<hbm>> -> memref<128x128xf32, #tpu.memory_space<hbm>>
      tpu.wait_dma2 semaphore(%run_scoped3A : memref<!tpu.dma_semaphore, #tpu.memory_space<semaphore_mem>>) src(%arg7 : memref<128x128xf32, #tpu.memory_space<vmem>>) dst(%dma_wait3A_74 : memref<128x128xf32, #tpu.memory_space<hbm>>)
      tpu.yield
    }) : () -> ()
    %mul3A_57 = arith.constant 640 : i32
    %mul3A_58 = arith.muli %arg1, %mul3A_57 : i32
    %add3A_59 = arith.constant 384 : i32
    %add3A_60 = arith.addi %mul3A_58, %add3A_59 : i32
    "tpu.region"() ({
      %run_scoped3A = tpu.sem_alloc : memref<!tpu.dma_semaphore, #tpu.memory_space<semaphore_mem>>
      %dma_start3A = arith.constant 0 : i32
      %dma_start3A_65 = tpu.memref_slice %arg8[%add3A_60, %dma_start3A] : memref<10240x128xf32, #tpu.memory_space<vmem_shared>> -> memref<128x128xf32, #tpu.memory_space<vmem_shared>>
      %dma_start3A_66 = arith.constant 0 : i32
      %dma_start3A_67 = tpu.memref_slice %arg8[%add3A_60, %dma_start3A_66] : memref<10240x128xf32, #tpu.memory_space<vmem_shared>> -> memref<128x128xf32, #tpu.memory_space<vmem_shared>>
      tpu.enqueue_dma source(%dma_start3A_67 : memref<128x128xf32, #tpu.memory_space<vmem_shared>>) target(%arg7 : memref<128x128xf32, #tpu.memory_space<vmem>>) target_semaphore(%run_scoped3A : memref<!tpu.dma_semaphore, #tpu.memory_space<semaphore_mem>>)
      %dma_wait3A = arith.constant 0 : i32
      %dma_wait3A_68 = tpu.memref_slice %arg8[%add3A_60, %dma_wait3A] : memref<10240x128xf32, #tpu.memory_space<vmem_shared>> -> memref<128x128xf32, #tpu.memory_space<vmem_shared>>
      %dma_wait3A_69 = arith.constant 0 : i32
      %dma_wait3A_70 = tpu.memref_slice %arg8[%add3A_60, %dma_wait3A_69] : memref<10240x128xf32, #tpu.memory_space<vmem_shared>> -> memref<128x128xf32, #tpu.memory_space<vmem_shared>>
      tpu.wait_dma2 semaphore(%run_scoped3A : memref<!tpu.dma_semaphore, #tpu.memory_space<semaphore_mem>>) src(%dma_wait3A_70 : memref<128x128xf32, #tpu.memory_space<vmem_shared>>) dst(%arg7 : memref<128x128xf32, #tpu.memory_space<vmem>>)
      tpu.yield
    }) : () -> ()
    "tpu.region"() ({
      %run_scoped3A = tpu.sem_alloc : memref<!tpu.dma_semaphore, #tpu.memory_space<semaphore_mem>>
      %dma_start3A = arith.constant 0 : i32
      %dma_start3A_65 = tpu.memref_slice %arg4[%arg0, %add3A_60, %dma_start3A] : memref<2x10240x128xf32, #tpu.memory_space<hbm>> -> memref<1x128x128xf32, #tpu.memory_space<hbm>>
      %dma_start3A_66 = tpu.memref_squeeze %dma_start3A_65 : memref<1x128x128xf32, #tpu.memory_space<hbm>> -> memref<128x128xf32, #tpu.memory_space<hbm>>
      %dma_start3A_67 = arith.constant 0 : i32
      %dma_start3A_68 = tpu.memref_slice %arg4[%arg0, %add3A_60, %dma_start3A_67] : memref<2x10240x128xf32, #tpu.memory_space<hbm>> -> memref<1x128x128xf32, #tpu.memory_space<hbm>>
      %dma_start3A_69 = tpu.memref_squeeze %dma_start3A_68 : memref<1x128x128xf32, #tpu.memory_space<hbm>> -> memref<128x128xf32, #tpu.memory_space<hbm>>
      tpu.enqueue_dma source(%arg7 : memref<128x128xf32, #tpu.memory_space<vmem>>) target(%dma_start3A_69 : memref<128x128xf32, #tpu.memory_space<hbm>>) target_semaphore(%run_scoped3A : memref<!tpu.dma_semaphore, #tpu.memory_space<semaphore_mem>>)
      %dma_wait3A = arith.constant 0 : i32
      %dma_wait3A_70 = tpu.memref_slice %arg4[%arg0, %add3A_60, %dma_wait3A] : memref<2x10240x128xf32, #tpu.memory_space<hbm>> -> memref<1x128x128xf32, #tpu.memory_space<hbm>>
      %dma_wait3A_71 = tpu.memref_squeeze %dma_wait3A_70 : memref<1x128x128xf32, #tpu.memory_space<hbm>> -> memref<128x128xf32, #tpu.memory_space<hbm>>
      %dma_wait3A_72 = arith.constant 0 : i32
      %dma_wait3A_73 = tpu.memref_slice %arg4[%arg0, %add3A_60, %dma_wait3A_72] : memref<2x10240x128xf32, #tpu.memory_space<hbm>> -> memref<1x128x128xf32, #tpu.memory_space<hbm>>
      %dma_wait3A_74 = tpu.memref_squeeze %dma_wait3A_73 : memref<1x128x128xf32, #tpu.memory_space<hbm>> -> memref<128x128xf32, #tpu.memory_space<hbm>>
      tpu.wait_dma2 semaphore(%run_scoped3A : memref<!tpu.dma_semaphore, #tpu.memory_space<semaphore_mem>>) src(%arg7 : memref<128x128xf32, #tpu.memory_space<vmem>>) dst(%dma_wait3A_74 : memref<128x128xf32, #tpu.memory_space<hbm>>)
      tpu.yield
    }) : () -> ()
    %mul3A_61 = arith.constant 640 : i32
    %mul3A_62 = arith.muli %arg1, %mul3A_61 : i32
    %add3A_63 = arith.constant 512 : i32
    %add3A_64 = arith.addi %mul3A_62, %add3A_63 : i32
    "tpu.region"() ({
      %run_scoped3A = tpu.sem_alloc : memref<!tpu.dma_semaphore, #tpu.memory_space<semaphore_mem>>
      %dma_start3A = arith.constant 0 : i32
      %dma_start3A_65 = tpu.memref_slice %arg8[%add3A_64, %dma_start3A] : memref<10240x128xf32, #tpu.memory_space<vmem_shared>> -> memref<128x128xf32, #tpu.memory_space<vmem_shared>>
      %dma_start3A_66 = arith.constant 0 : i32
      %dma_start3A_67 = tpu.memref_slice %arg8[%add3A_64, %dma_start3A_66] : memref<10240x128xf32, #tpu.memory_space<vmem_shared>> -> memref<128x128xf32, #tpu.memory_space<vmem_shared>>
      tpu.enqueue_dma source(%dma_start3A_67 : memref<128x128xf32, #tpu.memory_space<vmem_shared>>) target(%arg7 : memref<128x128xf32, #tpu.memory_space<vmem>>) target_semaphore(%run_scoped3A : memref<!tpu.dma_semaphore, #tpu.memory_space<semaphore_mem>>)
      %dma_wait3A = arith.constant 0 : i32
      %dma_wait3A_68 = tpu.memref_slice %arg8[%add3A_64, %dma_wait3A] : memref<10240x128xf32, #tpu.memory_space<vmem_shared>> -> memref<128x128xf32, #tpu.memory_space<vmem_shared>>
      %dma_wait3A_69 = arith.constant 0 : i32
      %dma_wait3A_70 = tpu.memref_slice %arg8[%add3A_64, %dma_wait3A_69] : memref<10240x128xf32, #tpu.memory_space<vmem_shared>> -> memref<128x128xf32, #tpu.memory_space<vmem_shared>>
      tpu.wait_dma2 semaphore(%run_scoped3A : memref<!tpu.dma_semaphore, #tpu.memory_space<semaphore_mem>>) src(%dma_wait3A_70 : memref<128x128xf32, #tpu.memory_space<vmem_shared>>) dst(%arg7 : memref<128x128xf32, #tpu.memory_space<vmem>>)
      tpu.yield
    }) : () -> ()
    "tpu.region"() ({
      %run_scoped3A = tpu.sem_alloc : memref<!tpu.dma_semaphore, #tpu.memory_space<semaphore_mem>>
      %dma_start3A = arith.constant 0 : i32
      %dma_start3A_65 = tpu.memref_slice %arg4[%arg0, %add3A_64, %dma_start3A] : memref<2x10240x128xf32, #tpu.memory_space<hbm>> -> memref<1x128x128xf32, #tpu.memory_space<hbm>>
      %dma_start3A_66 = tpu.memref_squeeze %dma_start3A_65 : memref<1x128x128xf32, #tpu.memory_space<hbm>> -> memref<128x128xf32, #tpu.memory_space<hbm>>
      %dma_start3A_67 = arith.constant 0 : i32
      %dma_start3A_68 = tpu.memref_slice %arg4[%arg0, %add3A_64, %dma_start3A_67] : memref<2x10240x128xf32, #tpu.memory_space<hbm>> -> memref<1x128x128xf32, #tpu.memory_space<hbm>>
      %dma_start3A_69 = tpu.memref_squeeze %dma_start3A_68 : memref<1x128x128xf32, #tpu.memory_space<hbm>> -> memref<128x128xf32, #tpu.memory_space<hbm>>
      tpu.enqueue_dma source(%arg7 : memref<128x128xf32, #tpu.memory_space<vmem>>) target(%dma_start3A_69 : memref<128x128xf32, #tpu.memory_space<hbm>>) target_semaphore(%run_scoped3A : memref<!tpu.dma_semaphore, #tpu.memory_space<semaphore_mem>>)
      %dma_wait3A = arith.constant 0 : i32
      %dma_wait3A_70 = tpu.memref_slice %arg4[%arg0, %add3A_64, %dma_wait3A] : memref<2x10240x128xf32, #tpu.memory_space<hbm>> -> memref<1x128x128xf32, #tpu.memory_space<hbm>>
      %dma_wait3A_71 = tpu.memref_squeeze %dma_wait3A_70 : memref<1x128x128xf32, #tpu.memory_space<hbm>> -> memref<128x128xf32, #tpu.memory_space<hbm>>
      %dma_wait3A_72 = arith.constant 0 : i32
      %dma_wait3A_73 = tpu.memref_slice %arg4[%arg0, %add3A_64, %dma_wait3A_72] : memref<2x10240x128xf32, #tpu.memory_space<hbm>> -> memref<1x128x128xf32, #tpu.memory_space<hbm>>
      %dma_wait3A_74 = tpu.memref_squeeze %dma_wait3A_73 : memref<1x128x128xf32, #tpu.memory_space<hbm>> -> memref<128x128xf32, #tpu.memory_space<hbm>>
      tpu.wait_dma2 semaphore(%run_scoped3A : memref<!tpu.dma_semaphore, #tpu.memory_space<semaphore_mem>>) src(%arg7 : memref<128x128xf32, #tpu.memory_space<vmem>>) dst(%dma_wait3A_74 : memref<128x128xf32, #tpu.memory_space<hbm>>)
      tpu.yield
    }) : () -> ()
    return
  }
}

#map = affine_map<(d0, d1) -> (0, 0)>
module attributes {stable_mosaic.version = 14 : i64} {
  func.func @k(%arg0: i32, %arg1: i32, %arg2: memref<10000x128xf32, #tpu.memory_space<hbm>>, %arg3: memref<2500x128xi32, #tpu.memory_space<hbm>>, %arg4: memref<2500x128xi32, #tpu.memory_space<hbm>>, %arg5: memref<320000x128xf32, #tpu.memory_space<hbm>>, %arg6: memref<320000x128xf32, #tpu.memory_space<hbm>>, %arg7: memref<128xi32, #tpu.memory_space<vmem>>, %arg8: memref<128x128xf32, #tpu.memory_space<vmem>>, %arg9: memref<!tpu.dma_semaphore, #tpu.memory_space<semaphore_mem>>) attributes {dimension_semantics = [#tpu.dimension_semantics<core_parallel>, #tpu.dimension_semantics<subcore_parallel>], iteration_bounds = array<i64: 2, 16>, scalar_prefetch = 0 : i64, scratch_operands = 3 : i64, tpu.core_type = #tpu.core_type<sc_vector_subcore>, window_params = [{transform_indices = #map}, {transform_indices = #map}, {transform_indices = #map}, {transform_indices = #map}, {transform_indices = #map}]} {
    %mul3A = arith.constant 2 : i32
    %mul3A_0 = arith.muli %arg1, %mul3A : i32
    %add3A = arith.addi %mul3A_0, %arg0 : i32
    %mul3A_1 = arith.constant 78 : i32
    %mul3A_2 = arith.muli %add3A, %mul3A_1 : i32
    %min3A = arith.constant 4 : i32
    %min3A_3 = arith.minsi %add3A, %min3A : i32
    %add3A_4 = arith.addi %mul3A_2, %min3A_3 : i32
    %lt3A = arith.constant 4 : i32
    %lt3A_5 = arith.cmpi slt, %add3A, %lt3A : i32
    %jit3A = arith.constant 1 : i32
    %jit3A_6 = arith.constant 0 : i32
    %select_n3A = arith.select %lt3A_5, %jit3A, %jit3A_6 : i32
    %add3A_7 = arith.constant 78 : i32
    %add3A_8 = arith.addi %add3A_7, %select_n3A : i32
    %while3A = arith.constant 0 : i32
    %while3A_9 = arith.constant 0 : i32
    %while3A_10 = arith.subi %add3A_8, %while3A_9 : i32
    %while3A_11 = arith.addi %while3A_9, %while3A_10 : i32
    %while3A_12 = arith.constant 1 : i32
    %while3A_13 = arith.divsi %while3A_10, %while3A_12 : i32
    %while3A_14 = arith.muli %while3A_13, %while3A_12 : i32
    %while3A_15 = arith.addi %while3A_9, %while3A_14 : i32
    %while3A_16 = arith.constant 1 : i32
    scf.for %while3A_18 = %while3A_9 to %while3A_15 step %while3A_16  : i32 {
      %add3A_19 = arith.addi %add3A_4, %while3A_18 : i32
      "tpu.region"() ({
        %run_scoped3A = tpu.sem_alloc : memref<!tpu.dma_semaphore, #tpu.memory_space<semaphore_mem>>
        %dma_start3A_34 = arith.constant 0 : i32
        %dma_start3A_35 = tpu.memref_slice %arg3[%add3A_19, %dma_start3A_34] : memref<2500x128xi32, #tpu.memory_space<hbm>> -> memref<1x128xi32, #tpu.memory_space<hbm>>
        %dma_start3A_36 = tpu.memref_squeeze %dma_start3A_35 : memref<1x128xi32, #tpu.memory_space<hbm>> -> memref<128xi32, #tpu.memory_space<hbm>>
        %dma_start3A_37 = arith.constant 0 : i32
        %dma_start3A_38 = tpu.memref_slice %arg3[%add3A_19, %dma_start3A_37] : memref<2500x128xi32, #tpu.memory_space<hbm>> -> memref<1x128xi32, #tpu.memory_space<hbm>>
        %dma_start3A_39 = tpu.memref_squeeze %dma_start3A_38 : memref<1x128xi32, #tpu.memory_space<hbm>> -> memref<128xi32, #tpu.memory_space<hbm>>
        tpu.enqueue_dma source(%dma_start3A_39 : memref<128xi32, #tpu.memory_space<hbm>>) target(%arg7 : memref<128xi32, #tpu.memory_space<vmem>>) target_semaphore(%run_scoped3A : memref<!tpu.dma_semaphore, #tpu.memory_space<semaphore_mem>>)
        %dma_wait3A_40 = arith.constant 0 : i32
        %dma_wait3A_41 = tpu.memref_slice %arg3[%add3A_19, %dma_wait3A_40] : memref<2500x128xi32, #tpu.memory_space<hbm>> -> memref<1x128xi32, #tpu.memory_space<hbm>>
        %dma_wait3A_42 = tpu.memref_squeeze %dma_wait3A_41 : memref<1x128xi32, #tpu.memory_space<hbm>> -> memref<128xi32, #tpu.memory_space<hbm>>
        %dma_wait3A_43 = arith.constant 0 : i32
        %dma_wait3A_44 = tpu.memref_slice %arg3[%add3A_19, %dma_wait3A_43] : memref<2500x128xi32, #tpu.memory_space<hbm>> -> memref<1x128xi32, #tpu.memory_space<hbm>>
        %dma_wait3A_45 = tpu.memref_squeeze %dma_wait3A_44 : memref<1x128xi32, #tpu.memory_space<hbm>> -> memref<128xi32, #tpu.memory_space<hbm>>
        tpu.wait_dma2 semaphore(%run_scoped3A : memref<!tpu.dma_semaphore, #tpu.memory_space<semaphore_mem>>) src(%dma_wait3A_45 : memref<128xi32, #tpu.memory_space<hbm>>) dst(%arg7 : memref<128xi32, #tpu.memory_space<vmem>>)
        tpu.yield
      }) : () -> ()
      %dma_start3A = arith.constant 0 : i32
      %dma_start3A_20 = arith.constant 0 : i32
      %dma_start3A_21 = tpu.memref_slice %arg2[%dma_start3A, %dma_start3A_20] : memref<10000x128xf32, #tpu.memory_space<hbm>> -> memref<10000x128xf32, #tpu.memory_space<hbm>>
      tpu.enqueue_indirect_dma source(%dma_start3A_21 : memref<10000x128xf32, #tpu.memory_space<hbm>>) target(%arg8 : memref<128x128xf32, #tpu.memory_space<vmem>>) offsets(%arg7 : memref<128xi32, #tpu.memory_space<vmem>>) semaphore(%arg9 : memref<!tpu.dma_semaphore, #tpu.memory_space<semaphore_mem>>)
      %dma_wait3A = arith.constant 0 : i32
      %dma_wait3A_22 = arith.constant 0 : i32
      %dma_wait3A_23 = tpu.memref_slice %arg2[%dma_wait3A, %dma_wait3A_22] : memref<10000x128xf32, #tpu.memory_space<hbm>> -> memref<10000x128xf32, #tpu.memory_space<hbm>>
      tpu.wait_indirect_dma semaphore(%arg9 : memref<!tpu.dma_semaphore, #tpu.memory_space<semaphore_mem>>) src(%dma_wait3A_23 : memref<10000x128xf32, #tpu.memory_space<hbm>>) dst(%arg8 : memref<128x128xf32, #tpu.memory_space<vmem>>)
      %mul3A_24 = arith.constant 128 : i32
      %mul3A_25 = arith.muli %add3A_19, %mul3A_24 : i32
      "tpu.region"() ({
        %run_scoped3A = tpu.sem_alloc : memref<!tpu.dma_semaphore, #tpu.memory_space<semaphore_mem>>
        %dma_start3A_34 = arith.constant 0 : i32
        %dma_start3A_35 = tpu.memref_slice %arg5[%mul3A_25, %dma_start3A_34] : memref<320000x128xf32, #tpu.memory_space<hbm>> -> memref<128x128xf32, #tpu.memory_space<hbm>>
        %dma_start3A_36 = arith.constant 0 : i32
        %dma_start3A_37 = tpu.memref_slice %arg5[%mul3A_25, %dma_start3A_36] : memref<320000x128xf32, #tpu.memory_space<hbm>> -> memref<128x128xf32, #tpu.memory_space<hbm>>
        tpu.enqueue_dma source(%arg8 : memref<128x128xf32, #tpu.memory_space<vmem>>) target(%dma_start3A_37 : memref<128x128xf32, #tpu.memory_space<hbm>>) target_semaphore(%run_scoped3A : memref<!tpu.dma_semaphore, #tpu.memory_space<semaphore_mem>>)
        %dma_wait3A_38 = arith.constant 0 : i32
        %dma_wait3A_39 = tpu.memref_slice %arg5[%mul3A_25, %dma_wait3A_38] : memref<320000x128xf32, #tpu.memory_space<hbm>> -> memref<128x128xf32, #tpu.memory_space<hbm>>
        %dma_wait3A_40 = arith.constant 0 : i32
        %dma_wait3A_41 = tpu.memref_slice %arg5[%mul3A_25, %dma_wait3A_40] : memref<320000x128xf32, #tpu.memory_space<hbm>> -> memref<128x128xf32, #tpu.memory_space<hbm>>
        tpu.wait_dma2 semaphore(%run_scoped3A : memref<!tpu.dma_semaphore, #tpu.memory_space<semaphore_mem>>) src(%arg8 : memref<128x128xf32, #tpu.memory_space<vmem>>) dst(%dma_wait3A_41 : memref<128x128xf32, #tpu.memory_space<hbm>>)
        tpu.yield
      }) : () -> ()
      "tpu.region"() ({
        %run_scoped3A = tpu.sem_alloc : memref<!tpu.dma_semaphore, #tpu.memory_space<semaphore_mem>>
        %dma_start3A_34 = arith.constant 0 : i32
        %dma_start3A_35 = tpu.memref_slice %arg4[%add3A_19, %dma_start3A_34] : memref<2500x128xi32, #tpu.memory_space<hbm>> -> memref<1x128xi32, #tpu.memory_space<hbm>>
        %dma_start3A_36 = tpu.memref_squeeze %dma_start3A_35 : memref<1x128xi32, #tpu.memory_space<hbm>> -> memref<128xi32, #tpu.memory_space<hbm>>
        %dma_start3A_37 = arith.constant 0 : i32
        %dma_start3A_38 = tpu.memref_slice %arg4[%add3A_19, %dma_start3A_37] : memref<2500x128xi32, #tpu.memory_space<hbm>> -> memref<1x128xi32, #tpu.memory_space<hbm>>
        %dma_start3A_39 = tpu.memref_squeeze %dma_start3A_38 : memref<1x128xi32, #tpu.memory_space<hbm>> -> memref<128xi32, #tpu.memory_space<hbm>>
        tpu.enqueue_dma source(%dma_start3A_39 : memref<128xi32, #tpu.memory_space<hbm>>) target(%arg7 : memref<128xi32, #tpu.memory_space<vmem>>) target_semaphore(%run_scoped3A : memref<!tpu.dma_semaphore, #tpu.memory_space<semaphore_mem>>)
        %dma_wait3A_40 = arith.constant 0 : i32
        %dma_wait3A_41 = tpu.memref_slice %arg4[%add3A_19, %dma_wait3A_40] : memref<2500x128xi32, #tpu.memory_space<hbm>> -> memref<1x128xi32, #tpu.memory_space<hbm>>
        %dma_wait3A_42 = tpu.memref_squeeze %dma_wait3A_41 : memref<1x128xi32, #tpu.memory_space<hbm>> -> memref<128xi32, #tpu.memory_space<hbm>>
        %dma_wait3A_43 = arith.constant 0 : i32
        %dma_wait3A_44 = tpu.memref_slice %arg4[%add3A_19, %dma_wait3A_43] : memref<2500x128xi32, #tpu.memory_space<hbm>> -> memref<1x128xi32, #tpu.memory_space<hbm>>
        %dma_wait3A_45 = tpu.memref_squeeze %dma_wait3A_44 : memref<1x128xi32, #tpu.memory_space<hbm>> -> memref<128xi32, #tpu.memory_space<hbm>>
        tpu.wait_dma2 semaphore(%run_scoped3A : memref<!tpu.dma_semaphore, #tpu.memory_space<semaphore_mem>>) src(%dma_wait3A_45 : memref<128xi32, #tpu.memory_space<hbm>>) dst(%arg7 : memref<128xi32, #tpu.memory_space<vmem>>)
        tpu.yield
      }) : () -> ()
      %dma_start3A_26 = arith.constant 0 : i32
      %dma_start3A_27 = arith.constant 0 : i32
      %dma_start3A_28 = tpu.memref_slice %arg2[%dma_start3A_26, %dma_start3A_27] : memref<10000x128xf32, #tpu.memory_space<hbm>> -> memref<10000x128xf32, #tpu.memory_space<hbm>>
      tpu.enqueue_indirect_dma source(%dma_start3A_28 : memref<10000x128xf32, #tpu.memory_space<hbm>>) target(%arg8 : memref<128x128xf32, #tpu.memory_space<vmem>>) offsets(%arg7 : memref<128xi32, #tpu.memory_space<vmem>>) semaphore(%arg9 : memref<!tpu.dma_semaphore, #tpu.memory_space<semaphore_mem>>)
      %dma_wait3A_29 = arith.constant 0 : i32
      %dma_wait3A_30 = arith.constant 0 : i32
      %dma_wait3A_31 = tpu.memref_slice %arg2[%dma_wait3A_29, %dma_wait3A_30] : memref<10000x128xf32, #tpu.memory_space<hbm>> -> memref<10000x128xf32, #tpu.memory_space<hbm>>
      tpu.wait_indirect_dma semaphore(%arg9 : memref<!tpu.dma_semaphore, #tpu.memory_space<semaphore_mem>>) src(%dma_wait3A_31 : memref<10000x128xf32, #tpu.memory_space<hbm>>) dst(%arg8 : memref<128x128xf32, #tpu.memory_space<vmem>>)
      %mul3A_32 = arith.constant 128 : i32
      %mul3A_33 = arith.muli %add3A_19, %mul3A_32 : i32
      "tpu.region"() ({
        %run_scoped3A = tpu.sem_alloc : memref<!tpu.dma_semaphore, #tpu.memory_space<semaphore_mem>>
        %dma_start3A_34 = arith.constant 0 : i32
        %dma_start3A_35 = tpu.memref_slice %arg6[%mul3A_33, %dma_start3A_34] : memref<320000x128xf32, #tpu.memory_space<hbm>> -> memref<128x128xf32, #tpu.memory_space<hbm>>
        %dma_start3A_36 = arith.constant 0 : i32
        %dma_start3A_37 = tpu.memref_slice %arg6[%mul3A_33, %dma_start3A_36] : memref<320000x128xf32, #tpu.memory_space<hbm>> -> memref<128x128xf32, #tpu.memory_space<hbm>>
        tpu.enqueue_dma source(%arg8 : memref<128x128xf32, #tpu.memory_space<vmem>>) target(%dma_start3A_37 : memref<128x128xf32, #tpu.memory_space<hbm>>) target_semaphore(%run_scoped3A : memref<!tpu.dma_semaphore, #tpu.memory_space<semaphore_mem>>)
        %dma_wait3A_38 = arith.constant 0 : i32
        %dma_wait3A_39 = tpu.memref_slice %arg6[%mul3A_33, %dma_wait3A_38] : memref<320000x128xf32, #tpu.memory_space<hbm>> -> memref<128x128xf32, #tpu.memory_space<hbm>>
        %dma_wait3A_40 = arith.constant 0 : i32
        %dma_wait3A_41 = tpu.memref_slice %arg6[%mul3A_33, %dma_wait3A_40] : memref<320000x128xf32, #tpu.memory_space<hbm>> -> memref<128x128xf32, #tpu.memory_space<hbm>>
        tpu.wait_dma2 semaphore(%run_scoped3A : memref<!tpu.dma_semaphore, #tpu.memory_space<semaphore_mem>>) src(%arg8 : memref<128x128xf32, #tpu.memory_space<vmem>>) dst(%dma_wait3A_41 : memref<128x128xf32, #tpu.memory_space<hbm>>)
        tpu.yield
      }) : () -> ()
    }
    %while3A_17 = arith.constant 1 : i32
    scf.for %while3A_18 = %while3A_15 to %while3A_11 step %while3A_17  : i32 {
      %add3A_19 = arith.addi %add3A_4, %while3A_18 : i32
      "tpu.region"() ({
        %run_scoped3A = tpu.sem_alloc : memref<!tpu.dma_semaphore, #tpu.memory_space<semaphore_mem>>
        %dma_start3A_34 = arith.constant 0 : i32
        %dma_start3A_35 = tpu.memref_slice %arg3[%add3A_19, %dma_start3A_34] : memref<2500x128xi32, #tpu.memory_space<hbm>> -> memref<1x128xi32, #tpu.memory_space<hbm>>
        %dma_start3A_36 = tpu.memref_squeeze %dma_start3A_35 : memref<1x128xi32, #tpu.memory_space<hbm>> -> memref<128xi32, #tpu.memory_space<hbm>>
        %dma_start3A_37 = arith.constant 0 : i32
        %dma_start3A_38 = tpu.memref_slice %arg3[%add3A_19, %dma_start3A_37] : memref<2500x128xi32, #tpu.memory_space<hbm>> -> memref<1x128xi32, #tpu.memory_space<hbm>>
        %dma_start3A_39 = tpu.memref_squeeze %dma_start3A_38 : memref<1x128xi32, #tpu.memory_space<hbm>> -> memref<128xi32, #tpu.memory_space<hbm>>
        tpu.enqueue_dma source(%dma_start3A_39 : memref<128xi32, #tpu.memory_space<hbm>>) target(%arg7 : memref<128xi32, #tpu.memory_space<vmem>>) target_semaphore(%run_scoped3A : memref<!tpu.dma_semaphore, #tpu.memory_space<semaphore_mem>>)
        %dma_wait3A_40 = arith.constant 0 : i32
        %dma_wait3A_41 = tpu.memref_slice %arg3[%add3A_19, %dma_wait3A_40] : memref<2500x128xi32, #tpu.memory_space<hbm>> -> memref<1x128xi32, #tpu.memory_space<hbm>>
        %dma_wait3A_42 = tpu.memref_squeeze %dma_wait3A_41 : memref<1x128xi32, #tpu.memory_space<hbm>> -> memref<128xi32, #tpu.memory_space<hbm>>
        %dma_wait3A_43 = arith.constant 0 : i32
        %dma_wait3A_44 = tpu.memref_slice %arg3[%add3A_19, %dma_wait3A_43] : memref<2500x128xi32, #tpu.memory_space<hbm>> -> memref<1x128xi32, #tpu.memory_space<hbm>>
        %dma_wait3A_45 = tpu.memref_squeeze %dma_wait3A_44 : memref<1x128xi32, #tpu.memory_space<hbm>> -> memref<128xi32, #tpu.memory_space<hbm>>
        tpu.wait_dma2 semaphore(%run_scoped3A : memref<!tpu.dma_semaphore, #tpu.memory_space<semaphore_mem>>) src(%dma_wait3A_45 : memref<128xi32, #tpu.memory_space<hbm>>) dst(%arg7 : memref<128xi32, #tpu.memory_space<vmem>>)
        tpu.yield
      }) : () -> ()
      %dma_start3A = arith.constant 0 : i32
      %dma_start3A_20 = arith.constant 0 : i32
      %dma_start3A_21 = tpu.memref_slice %arg2[%dma_start3A, %dma_start3A_20] : memref<10000x128xf32, #tpu.memory_space<hbm>> -> memref<10000x128xf32, #tpu.memory_space<hbm>>
      tpu.enqueue_indirect_dma source(%dma_start3A_21 : memref<10000x128xf32, #tpu.memory_space<hbm>>) target(%arg8 : memref<128x128xf32, #tpu.memory_space<vmem>>) offsets(%arg7 : memref<128xi32, #tpu.memory_space<vmem>>) semaphore(%arg9 : memref<!tpu.dma_semaphore, #tpu.memory_space<semaphore_mem>>)
      %dma_wait3A = arith.constant 0 : i32
      %dma_wait3A_22 = arith.constant 0 : i32
      %dma_wait3A_23 = tpu.memref_slice %arg2[%dma_wait3A, %dma_wait3A_22] : memref<10000x128xf32, #tpu.memory_space<hbm>> -> memref<10000x128xf32, #tpu.memory_space<hbm>>
      tpu.wait_indirect_dma semaphore(%arg9 : memref<!tpu.dma_semaphore, #tpu.memory_space<semaphore_mem>>) src(%dma_wait3A_23 : memref<10000x128xf32, #tpu.memory_space<hbm>>) dst(%arg8 : memref<128x128xf32, #tpu.memory_space<vmem>>)
      %mul3A_24 = arith.constant 128 : i32
      %mul3A_25 = arith.muli %add3A_19, %mul3A_24 : i32
      "tpu.region"() ({
        %run_scoped3A = tpu.sem_alloc : memref<!tpu.dma_semaphore, #tpu.memory_space<semaphore_mem>>
        %dma_start3A_34 = arith.constant 0 : i32
        %dma_start3A_35 = tpu.memref_slice %arg5[%mul3A_25, %dma_start3A_34] : memref<320000x128xf32, #tpu.memory_space<hbm>> -> memref<128x128xf32, #tpu.memory_space<hbm>>
        %dma_start3A_36 = arith.constant 0 : i32
        %dma_start3A_37 = tpu.memref_slice %arg5[%mul3A_25, %dma_start3A_36] : memref<320000x128xf32, #tpu.memory_space<hbm>> -> memref<128x128xf32, #tpu.memory_space<hbm>>
        tpu.enqueue_dma source(%arg8 : memref<128x128xf32, #tpu.memory_space<vmem>>) target(%dma_start3A_37 : memref<128x128xf32, #tpu.memory_space<hbm>>) target_semaphore(%run_scoped3A : memref<!tpu.dma_semaphore, #tpu.memory_space<semaphore_mem>>)
        %dma_wait3A_38 = arith.constant 0 : i32
        %dma_wait3A_39 = tpu.memref_slice %arg5[%mul3A_25, %dma_wait3A_38] : memref<320000x128xf32, #tpu.memory_space<hbm>> -> memref<128x128xf32, #tpu.memory_space<hbm>>
        %dma_wait3A_40 = arith.constant 0 : i32
        %dma_wait3A_41 = tpu.memref_slice %arg5[%mul3A_25, %dma_wait3A_40] : memref<320000x128xf32, #tpu.memory_space<hbm>> -> memref<128x128xf32, #tpu.memory_space<hbm>>
        tpu.wait_dma2 semaphore(%run_scoped3A : memref<!tpu.dma_semaphore, #tpu.memory_space<semaphore_mem>>) src(%arg8 : memref<128x128xf32, #tpu.memory_space<vmem>>) dst(%dma_wait3A_41 : memref<128x128xf32, #tpu.memory_space<hbm>>)
        tpu.yield
      }) : () -> ()
      "tpu.region"() ({
        %run_scoped3A = tpu.sem_alloc : memref<!tpu.dma_semaphore, #tpu.memory_space<semaphore_mem>>
        %dma_start3A_34 = arith.constant 0 : i32
        %dma_start3A_35 = tpu.memref_slice %arg4[%add3A_19, %dma_start3A_34] : memref<2500x128xi32, #tpu.memory_space<hbm>> -> memref<1x128xi32, #tpu.memory_space<hbm>>
        %dma_start3A_36 = tpu.memref_squeeze %dma_start3A_35 : memref<1x128xi32, #tpu.memory_space<hbm>> -> memref<128xi32, #tpu.memory_space<hbm>>
        %dma_start3A_37 = arith.constant 0 : i32
        %dma_start3A_38 = tpu.memref_slice %arg4[%add3A_19, %dma_start3A_37] : memref<2500x128xi32, #tpu.memory_space<hbm>> -> memref<1x128xi32, #tpu.memory_space<hbm>>
        %dma_start3A_39 = tpu.memref_squeeze %dma_start3A_38 : memref<1x128xi32, #tpu.memory_space<hbm>> -> memref<128xi32, #tpu.memory_space<hbm>>
        tpu.enqueue_dma source(%dma_start3A_39 : memref<128xi32, #tpu.memory_space<hbm>>) target(%arg7 : memref<128xi32, #tpu.memory_space<vmem>>) target_semaphore(%run_scoped3A : memref<!tpu.dma_semaphore, #tpu.memory_space<semaphore_mem>>)
        %dma_wait3A_40 = arith.constant 0 : i32
        %dma_wait3A_41 = tpu.memref_slice %arg4[%add3A_19, %dma_wait3A_40] : memref<2500x128xi32, #tpu.memory_space<hbm>> -> memref<1x128xi32, #tpu.memory_space<hbm>>
        %dma_wait3A_42 = tpu.memref_squeeze %dma_wait3A_41 : memref<1x128xi32, #tpu.memory_space<hbm>> -> memref<128xi32, #tpu.memory_space<hbm>>
        %dma_wait3A_43 = arith.constant 0 : i32
        %dma_wait3A_44 = tpu.memref_slice %arg4[%add3A_19, %dma_wait3A_43] : memref<2500x128xi32, #tpu.memory_space<hbm>> -> memref<1x128xi32, #tpu.memory_space<hbm>>
        %dma_wait3A_45 = tpu.memref_squeeze %dma_wait3A_44 : memref<1x128xi32, #tpu.memory_space<hbm>> -> memref<128xi32, #tpu.memory_space<hbm>>
        tpu.wait_dma2 semaphore(%run_scoped3A : memref<!tpu.dma_semaphore, #tpu.memory_space<semaphore_mem>>) src(%dma_wait3A_45 : memref<128xi32, #tpu.memory_space<hbm>>) dst(%arg7 : memref<128xi32, #tpu.memory_space<vmem>>)
        tpu.yield
      }) : () -> ()
      %dma_start3A_26 = arith.constant 0 : i32
      %dma_start3A_27 = arith.constant 0 : i32
      %dma_start3A_28 = tpu.memref_slice %arg2[%dma_start3A_26, %dma_start3A_27] : memref<10000x128xf32, #tpu.memory_space<hbm>> -> memref<10000x128xf32, #tpu.memory_space<hbm>>
      tpu.enqueue_indirect_dma source(%dma_start3A_28 : memref<10000x128xf32, #tpu.memory_space<hbm>>) target(%arg8 : memref<128x128xf32, #tpu.memory_space<vmem>>) offsets(%arg7 : memref<128xi32, #tpu.memory_space<vmem>>) semaphore(%arg9 : memref<!tpu.dma_semaphore, #tpu.memory_space<semaphore_mem>>)
      %dma_wait3A_29 = arith.constant 0 : i32
      %dma_wait3A_30 = arith.constant 0 : i32
      %dma_wait3A_31 = tpu.memref_slice %arg2[%dma_wait3A_29, %dma_wait3A_30] : memref<10000x128xf32, #tpu.memory_space<hbm>> -> memref<10000x128xf32, #tpu.memory_space<hbm>>
      tpu.wait_indirect_dma semaphore(%arg9 : memref<!tpu.dma_semaphore, #tpu.memory_space<semaphore_mem>>) src(%dma_wait3A_31 : memref<10000x128xf32, #tpu.memory_space<hbm>>) dst(%arg8 : memref<128x128xf32, #tpu.memory_space<vmem>>)
      %mul3A_32 = arith.constant 128 : i32
      %mul3A_33 = arith.muli %add3A_19, %mul3A_32 : i32
      "tpu.region"() ({
        %run_scoped3A = tpu.sem_alloc : memref<!tpu.dma_semaphore, #tpu.memory_space<semaphore_mem>>
        %dma_start3A_34 = arith.constant 0 : i32
        %dma_start3A_35 = tpu.memref_slice %arg6[%mul3A_33, %dma_start3A_34] : memref<320000x128xf32, #tpu.memory_space<hbm>> -> memref<128x128xf32, #tpu.memory_space<hbm>>
        %dma_start3A_36 = arith.constant 0 : i32
        %dma_start3A_37 = tpu.memref_slice %arg6[%mul3A_33, %dma_start3A_36] : memref<320000x128xf32, #tpu.memory_space<hbm>> -> memref<128x128xf32, #tpu.memory_space<hbm>>
        tpu.enqueue_dma source(%arg8 : memref<128x128xf32, #tpu.memory_space<vmem>>) target(%dma_start3A_37 : memref<128x128xf32, #tpu.memory_space<hbm>>) target_semaphore(%run_scoped3A : memref<!tpu.dma_semaphore, #tpu.memory_space<semaphore_mem>>)
        %dma_wait3A_38 = arith.constant 0 : i32
        %dma_wait3A_39 = tpu.memref_slice %arg6[%mul3A_33, %dma_wait3A_38] : memref<320000x128xf32, #tpu.memory_space<hbm>> -> memref<128x128xf32, #tpu.memory_space<hbm>>
        %dma_wait3A_40 = arith.constant 0 : i32
        %dma_wait3A_41 = tpu.memref_slice %arg6[%mul3A_33, %dma_wait3A_40] : memref<320000x128xf32, #tpu.memory_space<hbm>> -> memref<128x128xf32, #tpu.memory_space<hbm>>
        tpu.wait_dma2 semaphore(%run_scoped3A : memref<!tpu.dma_semaphore, #tpu.memory_space<semaphore_mem>>) src(%arg8 : memref<128x128xf32, #tpu.memory_space<vmem>>) dst(%dma_wait3A_41 : memref<128x128xf32, #tpu.memory_space<hbm>>)
        tpu.yield
      }) : () -> ()
    }
    return
  }
}

#map = affine_map<(d0, d1) -> (0, 0)>
#map1 = affine_map<(d0, d1) -> (0, 0, 0)>
module attributes {stable_mosaic.version = 14 : i64} {
  func.func @k(%arg0: i32, %arg1: i32, %arg2: memref<320000x128xf32, #tpu.memory_space<hbm>>, %arg3: memref<2500x128xi32, #tpu.memory_space<hbm>>, %arg4: memref<2x10240x128xf32, #tpu.memory_space<hbm>>, %arg5: memref<128xi32, #tpu.memory_space<vmem>>, %arg6: memref<128x128xf32, #tpu.memory_space<vmem>>, %arg7: memref<128x128xf32, #tpu.memory_space<vmem>>, %arg8: memref<10240x128xf32, #tpu.memory_space<vmem_shared>>, %arg9: memref<!tpu.dma_semaphore, #tpu.memory_space<semaphore_mem>>) attributes {dimension_semantics = [#tpu.dimension_semantics<core_parallel>, #tpu.dimension_semantics<subcore_parallel>], iteration_bounds = array<i64: 2, 16>, scalar_prefetch = 0 : i64, scratch_operands = 5 : i64, tpu.core_type = #tpu.core_type<sc_vector_subcore>, window_params = [{transform_indices = #map}, {transform_indices = #map}, {transform_indices = #map1}]} {
    %mul3A = arith.constant 2 : i32
    %mul3A_0 = arith.muli %arg1, %mul3A : i32
    %add3A = arith.addi %mul3A_0, %arg0 : i32
    %mul3A_1 = arith.constant 78 : i32
    %mul3A_2 = arith.muli %add3A, %mul3A_1 : i32
    %min3A = arith.constant 4 : i32
    %min3A_3 = arith.minsi %add3A, %min3A : i32
    %add3A_4 = arith.addi %mul3A_2, %min3A_3 : i32
    %lt3A = arith.constant 4 : i32
    %lt3A_5 = arith.cmpi slt, %add3A, %lt3A : i32
    %jit3A = arith.constant 1 : i32
    %jit3A_6 = arith.constant 0 : i32
    %select_n3A = arith.select %lt3A_5, %jit3A, %jit3A_6 : i32
    %add3A_7 = arith.constant 78 : i32
    %add3A_8 = arith.addi %add3A_7, %select_n3A : i32
    %broadcast_in_dim3A = arith.constant 0.000000e+00 : f32
    %broadcast_in_dim3A_9 = vector.broadcast %broadcast_in_dim3A : f32 to vector<16xf32>
    %scan3A = arith.constant 0 : i32
    %scan3A_10 = arith.constant 0 : i32
    %scan3A_11 = arith.constant 128 : i32
    %scan3A_12 = arith.addi %scan3A_10, %scan3A_11 : i32
    %scan3A_13 = arith.constant 1 : i32
    scf.for %scan3A_65 = %scan3A_10 to %scan3A_12 step %scan3A_13  : i32 {
      %swap3A = arith.index_cast %scan3A_65 : i32 to index
      %swap3A_66 = arith.constant 0 : index
      %swap3A_67 = tpu.vector_load %arg7[%swap3A, %swap3A_66] {strides = array<i32>} : memref<128x128xf32, #tpu.memory_space<vmem>>, vector<1x16xf32>,
      %swap3A_68 = vector.shape_cast %swap3A_67 : vector<1x16xf32> to vector<16xf32>
      %swap3A_69 = vector.shape_cast %broadcast_in_dim3A_9 : vector<16xf32> to vector<1x16xf32>
      tpu.vector_store %arg7[%swap3A, %swap3A_66], %swap3A_69 {strides = array<i32>} : memref<128x128xf32, #tpu.memory_space<vmem>>, vector<1x16xf32>,
      %swap3A_70 = arith.index_cast %scan3A_65 : i32 to index
      %swap3A_71 = arith.constant 16 : index
      %swap3A_72 = tpu.vector_load %arg7[%swap3A_70, %swap3A_71] {strides = array<i32>} : memref<128x128xf32, #tpu.memory_space<vmem>>, vector<1x16xf32>,
      %swap3A_73 = vector.shape_cast %swap3A_72 : vector<1x16xf32> to vector<16xf32>
      %swap3A_74 = vector.shape_cast %broadcast_in_dim3A_9 : vector<16xf32> to vector<1x16xf32>
      tpu.vector_store %arg7[%swap3A_70, %swap3A_71], %swap3A_74 {strides = array<i32>} : memref<128x128xf32, #tpu.memory_space<vmem>>, vector<1x16xf32>,
      %swap3A_75 = arith.index_cast %scan3A_65 : i32 to index
      %swap3A_76 = arith.constant 32 : index
      %swap3A_77 = tpu.vector_load %arg7[%swap3A_75, %swap3A_76] {strides = array<i32>} : memref<128x128xf32, #tpu.memory_space<vmem>>, vector<1x16xf32>,
      %swap3A_78 = vector.shape_cast %swap3A_77 : vector<1x16xf32> to vector<16xf32>
      %swap3A_79 = vector.shape_cast %broadcast_in_dim3A_9 : vector<16xf32> to vector<1x16xf32>
      tpu.vector_store %arg7[%swap3A_75, %swap3A_76], %swap3A_79 {strides = array<i32>} : memref<128x128xf32, #tpu.memory_space<vmem>>, vector<1x16xf32>,
      %swap3A_80 = arith.index_cast %scan3A_65 : i32 to index
      %swap3A_81 = arith.constant 48 : index
      %swap3A_82 = tpu.vector_load %arg7[%swap3A_80, %swap3A_81] {strides = array<i32>} : memref<128x128xf32, #tpu.memory_space<vmem>>, vector<1x16xf32>,
      %swap3A_83 = vector.shape_cast %swap3A_82 : vector<1x16xf32> to vector<16xf32>
      %swap3A_84 = vector.shape_cast %broadcast_in_dim3A_9 : vector<16xf32> to vector<1x16xf32>
      tpu.vector_store %arg7[%swap3A_80, %swap3A_81], %swap3A_84 {strides = array<i32>} : memref<128x128xf32, #tpu.memory_space<vmem>>, vector<1x16xf32>,
      %swap3A_85 = arith.index_cast %scan3A_65 : i32 to index
      %swap3A_86 = arith.constant 64 : index
      %swap3A_87 = tpu.vector_load %arg7[%swap3A_85, %swap3A_86] {strides = array<i32>} : memref<128x128xf32, #tpu.memory_space<vmem>>, vector<1x16xf32>,
      %swap3A_88 = vector.shape_cast %swap3A_87 : vector<1x16xf32> to vector<16xf32>
      %swap3A_89 = vector.shape_cast %broadcast_in_dim3A_9 : vector<16xf32> to vector<1x16xf32>
      tpu.vector_store %arg7[%swap3A_85, %swap3A_86], %swap3A_89 {strides = array<i32>} : memref<128x128xf32, #tpu.memory_space<vmem>>, vector<1x16xf32>,
      %swap3A_90 = arith.index_cast %scan3A_65 : i32 to index
      %swap3A_91 = arith.constant 80 : index
      %swap3A_92 = tpu.vector_load %arg7[%swap3A_90, %swap3A_91] {strides = array<i32>} : memref<128x128xf32, #tpu.memory_space<vmem>>, vector<1x16xf32>,
      %swap3A_93 = vector.shape_cast %swap3A_92 : vector<1x16xf32> to vector<16xf32>
      %swap3A_94 = vector.shape_cast %broadcast_in_dim3A_9 : vector<16xf32> to vector<1x16xf32>
      tpu.vector_store %arg7[%swap3A_90, %swap3A_91], %swap3A_94 {strides = array<i32>} : memref<128x128xf32, #tpu.memory_space<vmem>>, vector<1x16xf32>,
      %swap3A_95 = arith.index_cast %scan3A_65 : i32 to index
      %swap3A_96 = arith.constant 96 : index
      %swap3A_97 = tpu.vector_load %arg7[%swap3A_95, %swap3A_96] {strides = array<i32>} : memref<128x128xf32, #tpu.memory_space<vmem>>, vector<1x16xf32>,
      %swap3A_98 = vector.shape_cast %swap3A_97 : vector<1x16xf32> to vector<16xf32>
      %swap3A_99 = vector.shape_cast %broadcast_in_dim3A_9 : vector<16xf32> to vector<1x16xf32>
      tpu.vector_store %arg7[%swap3A_95, %swap3A_96], %swap3A_99 {strides = array<i32>} : memref<128x128xf32, #tpu.memory_space<vmem>>, vector<1x16xf32>,
      %swap3A_100 = arith.index_cast %scan3A_65 : i32 to index
      %swap3A_101 = arith.constant 112 : index
      %swap3A_102 = tpu.vector_load %arg7[%swap3A_100, %swap3A_101] {strides = array<i32>} : memref<128x128xf32, #tpu.memory_space<vmem>>, vector<1x16xf32>,
      %swap3A_103 = vector.shape_cast %swap3A_102 : vector<1x16xf32> to vector<16xf32>
      %swap3A_104 = vector.shape_cast %broadcast_in_dim3A_9 : vector<16xf32> to vector<1x16xf32>
      tpu.vector_store %arg7[%swap3A_100, %swap3A_101], %swap3A_104 {strides = array<i32>} : memref<128x128xf32, #tpu.memory_space<vmem>>, vector<1x16xf32>,
    }
    %scan3A_14 = arith.constant 128 : i32
    %mul3A_15 = arith.constant 640 : i32
    %mul3A_16 = arith.muli %arg1, %mul3A_15 : i32
    %add3A_17 = arith.constant 0 : i32
    %add3A_18 = arith.addi %mul3A_16, %add3A_17 : i32
    "tpu.region"() ({
      %run_scoped3A = tpu.sem_alloc : memref<!tpu.dma_semaphore, #tpu.memory_space<semaphore_mem>>
      %dma_start3A = arith.constant 0 : i32
      %dma_start3A_65 = tpu.memref_slice %arg8[%add3A_18, %dma_start3A] : memref<10240x128xf32, #tpu.memory_space<vmem_shared>> -> memref<128x128xf32, #tpu.memory_space<vmem_shared>>
      %dma_start3A_66 = arith.constant 0 : i32
      %dma_start3A_67 = tpu.memref_slice %arg8[%add3A_18, %dma_start3A_66] : memref<10240x128xf32, #tpu.memory_space<vmem_shared>> -> memref<128x128xf32, #tpu.memory_space<vmem_shared>>
      tpu.enqueue_dma source(%arg7 : memref<128x128xf32, #tpu.memory_space<vmem>>) target(%dma_start3A_67 : memref<128x128xf32, #tpu.memory_space<vmem_shared>>) target_semaphore(%run_scoped3A : memref<!tpu.dma_semaphore, #tpu.memory_space<semaphore_mem>>)
      %dma_wait3A = arith.constant 0 : i32
      %dma_wait3A_68 = tpu.memref_slice %arg8[%add3A_18, %dma_wait3A] : memref<10240x128xf32, #tpu.memory_space<vmem_shared>> -> memref<128x128xf32, #tpu.memory_space<vmem_shared>>
      %dma_wait3A_69 = arith.constant 0 : i32
      %dma_wait3A_70 = tpu.memref_slice %arg8[%add3A_18, %dma_wait3A_69] : memref<10240x128xf32, #tpu.memory_space<vmem_shared>> -> memref<128x128xf32, #tpu.memory_space<vmem_shared>>
      tpu.wait_dma2 semaphore(%run_scoped3A : memref<!tpu.dma_semaphore, #tpu.memory_space<semaphore_mem>>) src(%arg7 : memref<128x128xf32, #tpu.memory_space<vmem>>) dst(%dma_wait3A_70 : memref<128x128xf32, #tpu.memory_space<vmem_shared>>)
      tpu.yield
    }) : () -> ()
    %mul3A_19 = arith.constant 640 : i32
    %mul3A_20 = arith.muli %arg1, %mul3A_19 : i32
    %add3A_21 = arith.constant 128 : i32
    %add3A_22 = arith.addi %mul3A_20, %add3A_21 : i32
    "tpu.region"() ({
      %run_scoped3A = tpu.sem_alloc : memref<!tpu.dma_semaphore, #tpu.memory_space<semaphore_mem>>
      %dma_start3A = arith.constant 0 : i32
      %dma_start3A_65 = tpu.memref_slice %arg8[%add3A_22, %dma_start3A] : memref<10240x128xf32, #tpu.memory_space<vmem_shared>> -> memref<128x128xf32, #tpu.memory_space<vmem_shared>>
      %dma_start3A_66 = arith.constant 0 : i32
      %dma_start3A_67 = tpu.memref_slice %arg8[%add3A_22, %dma_start3A_66] : memref<10240x128xf32, #tpu.memory_space<vmem_shared>> -> memref<128x128xf32, #tpu.memory_space<vmem_shared>>
      tpu.enqueue_dma source(%arg7 : memref<128x128xf32, #tpu.memory_space<vmem>>) target(%dma_start3A_67 : memref<128x128xf32, #tpu.memory_space<vmem_shared>>) target_semaphore(%run_scoped3A : memref<!tpu.dma_semaphore, #tpu.memory_space<semaphore_mem>>)
      %dma_wait3A = arith.constant 0 : i32
      %dma_wait3A_68 = tpu.memref_slice %arg8[%add3A_22, %dma_wait3A] : memref<10240x128xf32, #tpu.memory_space<vmem_shared>> -> memref<128x128xf32, #tpu.memory_space<vmem_shared>>
      %dma_wait3A_69 = arith.constant 0 : i32
      %dma_wait3A_70 = tpu.memref_slice %arg8[%add3A_22, %dma_wait3A_69] : memref<10240x128xf32, #tpu.memory_space<vmem_shared>> -> memref<128x128xf32, #tpu.memory_space<vmem_shared>>
      tpu.wait_dma2 semaphore(%run_scoped3A : memref<!tpu.dma_semaphore, #tpu.memory_space<semaphore_mem>>) src(%arg7 : memref<128x128xf32, #tpu.memory_space<vmem>>) dst(%dma_wait3A_70 : memref<128x128xf32, #tpu.memory_space<vmem_shared>>)
      tpu.yield
    }) : () -> ()
    %mul3A_23 = arith.constant 640 : i32
    %mul3A_24 = arith.muli %arg1, %mul3A_23 : i32
    %add3A_25 = arith.constant 256 : i32
    %add3A_26 = arith.addi %mul3A_24, %add3A_25 : i32
    "tpu.region"() ({
      %run_scoped3A = tpu.sem_alloc : memref<!tpu.dma_semaphore, #tpu.memory_space<semaphore_mem>>
      %dma_start3A = arith.constant 0 : i32
      %dma_start3A_65 = tpu.memref_slice %arg8[%add3A_26, %dma_start3A] : memref<10240x128xf32, #tpu.memory_space<vmem_shared>> -> memref<128x128xf32, #tpu.memory_space<vmem_shared>>
      %dma_start3A_66 = arith.constant 0 : i32
      %dma_start3A_67 = tpu.memref_slice %arg8[%add3A_26, %dma_start3A_66] : memref<10240x128xf32, #tpu.memory_space<vmem_shared>> -> memref<128x128xf32, #tpu.memory_space<vmem_shared>>
      tpu.enqueue_dma source(%arg7 : memref<128x128xf32, #tpu.memory_space<vmem>>) target(%dma_start3A_67 : memref<128x128xf32, #tpu.memory_space<vmem_shared>>) target_semaphore(%run_scoped3A : memref<!tpu.dma_semaphore, #tpu.memory_space<semaphore_mem>>)
      %dma_wait3A = arith.constant 0 : i32
      %dma_wait3A_68 = tpu.memref_slice %arg8[%add3A_26, %dma_wait3A] : memref<10240x128xf32, #tpu.memory_space<vmem_shared>> -> memref<128x128xf32, #tpu.memory_space<vmem_shared>>
      %dma_wait3A_69 = arith.constant 0 : i32
      %dma_wait3A_70 = tpu.memref_slice %arg8[%add3A_26, %dma_wait3A_69] : memref<10240x128xf32, #tpu.memory_space<vmem_shared>> -> memref<128x128xf32, #tpu.memory_space<vmem_shared>>
      tpu.wait_dma2 semaphore(%run_scoped3A : memref<!tpu.dma_semaphore, #tpu.memory_space<semaphore_mem>>) src(%arg7 : memref<128x128xf32, #tpu.memory_space<vmem>>) dst(%dma_wait3A_70 : memref<128x128xf32, #tpu.memory_space<vmem_shared>>)
      tpu.yield
    }) : () -> ()
    %mul3A_27 = arith.constant 640 : i32
    %mul3A_28 = arith.muli %arg1, %mul3A_27 : i32
    %add3A_29 = arith.constant 384 : i32
    %add3A_30 = arith.addi %mul3A_28, %add3A_29 : i32
    "tpu.region"() ({
      %run_scoped3A = tpu.sem_alloc : memref<!tpu.dma_semaphore, #tpu.memory_space<semaphore_mem>>
      %dma_start3A = arith.constant 0 : i32
      %dma_start3A_65 = tpu.memref_slice %arg8[%add3A_30, %dma_start3A] : memref<10240x128xf32, #tpu.memory_space<vmem_shared>> -> memref<128x128xf32, #tpu.memory_space<vmem_shared>>
      %dma_start3A_66 = arith.constant 0 : i32
      %dma_start3A_67 = tpu.memref_slice %arg8[%add3A_30, %dma_start3A_66] : memref<10240x128xf32, #tpu.memory_space<vmem_shared>> -> memref<128x128xf32, #tpu.memory_space<vmem_shared>>
      tpu.enqueue_dma source(%arg7 : memref<128x128xf32, #tpu.memory_space<vmem>>) target(%dma_start3A_67 : memref<128x128xf32, #tpu.memory_space<vmem_shared>>) target_semaphore(%run_scoped3A : memref<!tpu.dma_semaphore, #tpu.memory_space<semaphore_mem>>)
      %dma_wait3A = arith.constant 0 : i32
      %dma_wait3A_68 = tpu.memref_slice %arg8[%add3A_30, %dma_wait3A] : memref<10240x128xf32, #tpu.memory_space<vmem_shared>> -> memref<128x128xf32, #tpu.memory_space<vmem_shared>>
      %dma_wait3A_69 = arith.constant 0 : i32
      %dma_wait3A_70 = tpu.memref_slice %arg8[%add3A_30, %dma_wait3A_69] : memref<10240x128xf32, #tpu.memory_space<vmem_shared>> -> memref<128x128xf32, #tpu.memory_space<vmem_shared>>
      tpu.wait_dma2 semaphore(%run_scoped3A : memref<!tpu.dma_semaphore, #tpu.memory_space<semaphore_mem>>) src(%arg7 : memref<128x128xf32, #tpu.memory_space<vmem>>) dst(%dma_wait3A_70 : memref<128x128xf32, #tpu.memory_space<vmem_shared>>)
      tpu.yield
    }) : () -> ()
    %mul3A_31 = arith.constant 640 : i32
    %mul3A_32 = arith.muli %arg1, %mul3A_31 : i32
    %add3A_33 = arith.constant 512 : i32
    %add3A_34 = arith.addi %mul3A_32, %add3A_33 : i32
    "tpu.region"() ({
      %run_scoped3A = tpu.sem_alloc : memref<!tpu.dma_semaphore, #tpu.memory_space<semaphore_mem>>
      %dma_start3A = arith.constant 0 : i32
      %dma_start3A_65 = tpu.memref_slice %arg8[%add3A_34, %dma_start3A] : memref<10240x128xf32, #tpu.memory_space<vmem_shared>> -> memref<128x128xf32, #tpu.memory_space<vmem_shared>>
      %dma_start3A_66 = arith.constant 0 : i32
      %dma_start3A_67 = tpu.memref_slice %arg8[%add3A_34, %dma_start3A_66] : memref<10240x128xf32, #tpu.memory_space<vmem_shared>> -> memref<128x128xf32, #tpu.memory_space<vmem_shared>>
      tpu.enqueue_dma source(%arg7 : memref<128x128xf32, #tpu.memory_space<vmem>>) target(%dma_start3A_67 : memref<128x128xf32, #tpu.memory_space<vmem_shared>>) target_semaphore(%run_scoped3A : memref<!tpu.dma_semaphore, #tpu.memory_space<semaphore_mem>>)
      %dma_wait3A = arith.constant 0 : i32
      %dma_wait3A_68 = tpu.memref_slice %arg8[%add3A_34, %dma_wait3A] : memref<10240x128xf32, #tpu.memory_space<vmem_shared>> -> memref<128x128xf32, #tpu.memory_space<vmem_shared>>
      %dma_wait3A_69 = arith.constant 0 : i32
      %dma_wait3A_70 = tpu.memref_slice %arg8[%add3A_34, %dma_wait3A_69] : memref<10240x128xf32, #tpu.memory_space<vmem_shared>> -> memref<128x128xf32, #tpu.memory_space<vmem_shared>>
      tpu.wait_dma2 semaphore(%run_scoped3A : memref<!tpu.dma_semaphore, #tpu.memory_space<semaphore_mem>>) src(%arg7 : memref<128x128xf32, #tpu.memory_space<vmem>>) dst(%dma_wait3A_70 : memref<128x128xf32, #tpu.memory_space<vmem_shared>>)
      tpu.yield
    }) : () -> ()
    %barrier3A = arith.constant 0 : index
    tpu.barrier barrier_id(%barrier3A)
    %while3A = arith.constant 0 : i32
    %while3A_35 = arith.constant 0 : i32
    %while3A_36 = arith.subi %add3A_8, %while3A_35 : i32
    %while3A_37 = arith.addi %while3A_35, %while3A_36 : i32
    %while3A_38 = arith.constant 1 : i32
    %while3A_39 = arith.divsi %while3A_36, %while3A_38 : i32
    %while3A_40 = arith.muli %while3A_39, %while3A_38 : i32
    %while3A_41 = arith.addi %while3A_35, %while3A_40 : i32
    %while3A_42 = arith.constant 1 : i32
    scf.for %while3A_65 = %while3A_35 to %while3A_41 step %while3A_42  : i32 {
      %add3A_66 = arith.addi %add3A_4, %while3A_65 : i32
      "tpu.region"() ({
        %run_scoped3A = tpu.sem_alloc : memref<!tpu.dma_semaphore, #tpu.memory_space<semaphore_mem>>
        %dma_start3A = arith.constant 0 : i32
        %dma_start3A_69 = tpu.memref_slice %arg3[%add3A_66, %dma_start3A] : memref<2500x128xi32, #tpu.memory_space<hbm>> -> memref<1x128xi32, #tpu.memory_space<hbm>>
        %dma_start3A_70 = tpu.memref_squeeze %dma_start3A_69 : memref<1x128xi32, #tpu.memory_space<hbm>> -> memref<128xi32, #tpu.memory_space<hbm>>
        %dma_start3A_71 = arith.constant 0 : i32
        %dma_start3A_72 = tpu.memref_slice %arg3[%add3A_66, %dma_start3A_71] : memref<2500x128xi32, #tpu.memory_space<hbm>> -> memref<1x128xi32, #tpu.memory_space<hbm>>
        %dma_start3A_73 = tpu.memref_squeeze %dma_start3A_72 : memref<1x128xi32, #tpu.memory_space<hbm>> -> memref<128xi32, #tpu.memory_space<hbm>>
        tpu.enqueue_dma source(%dma_start3A_73 : memref<128xi32, #tpu.memory_space<hbm>>) target(%arg5 : memref<128xi32, #tpu.memory_space<vmem>>) target_semaphore(%run_scoped3A : memref<!tpu.dma_semaphore, #tpu.memory_space<semaphore_mem>>)
        %dma_wait3A = arith.constant 0 : i32
        %dma_wait3A_74 = tpu.memref_slice %arg3[%add3A_66, %dma_wait3A] : memref<2500x128xi32, #tpu.memory_space<hbm>> -> memref<1x128xi32, #tpu.memory_space<hbm>>
        %dma_wait3A_75 = tpu.memref_squeeze %dma_wait3A_74 : memref<1x128xi32, #tpu.memory_space<hbm>> -> memref<128xi32, #tpu.memory_space<hbm>>
        %dma_wait3A_76 = arith.constant 0 : i32
        %dma_wait3A_77 = tpu.memref_slice %arg3[%add3A_66, %dma_wait3A_76] : memref<2500x128xi32, #tpu.memory_space<hbm>> -> memref<1x128xi32, #tpu.memory_space<hbm>>
        %dma_wait3A_78 = tpu.memref_squeeze %dma_wait3A_77 : memref<1x128xi32, #tpu.memory_space<hbm>> -> memref<128xi32, #tpu.memory_space<hbm>>
        tpu.wait_dma2 semaphore(%run_scoped3A : memref<!tpu.dma_semaphore, #tpu.memory_space<semaphore_mem>>) src(%dma_wait3A_78 : memref<128xi32, #tpu.memory_space<hbm>>) dst(%arg5 : memref<128xi32, #tpu.memory_space<vmem>>)
        tpu.yield
      }) : () -> ()
      %mul3A_67 = arith.constant 128 : i32
      %mul3A_68 = arith.muli %add3A_66, %mul3A_67 : i32
      "tpu.region"() ({
        %run_scoped3A = tpu.sem_alloc : memref<!tpu.dma_semaphore, #tpu.memory_space<semaphore_mem>>
        %dma_start3A = arith.constant 0 : i32
        %dma_start3A_69 = tpu.memref_slice %arg2[%mul3A_68, %dma_start3A] : memref<320000x128xf32, #tpu.memory_space<hbm>> -> memref<128x128xf32, #tpu.memory_space<hbm>>
        %dma_start3A_70 = arith.constant 0 : i32
        %dma_start3A_71 = tpu.memref_slice %arg2[%mul3A_68, %dma_start3A_70] : memref<320000x128xf32, #tpu.memory_space<hbm>> -> memref<128x128xf32, #tpu.memory_space<hbm>>
        tpu.enqueue_dma source(%dma_start3A_71 : memref<128x128xf32, #tpu.memory_space<hbm>>) target(%arg6 : memref<128x128xf32, #tpu.memory_space<vmem>>) target_semaphore(%run_scoped3A : memref<!tpu.dma_semaphore, #tpu.memory_space<semaphore_mem>>)
        %dma_wait3A = arith.constant 0 : i32
        %dma_wait3A_72 = tpu.memref_slice %arg2[%mul3A_68, %dma_wait3A] : memref<320000x128xf32, #tpu.memory_space<hbm>> -> memref<128x128xf32, #tpu.memory_space<hbm>>
        %dma_wait3A_73 = arith.constant 0 : i32
        %dma_wait3A_74 = tpu.memref_slice %arg2[%mul3A_68, %dma_wait3A_73] : memref<320000x128xf32, #tpu.memory_space<hbm>> -> memref<128x128xf32, #tpu.memory_space<hbm>>
        tpu.wait_dma2 semaphore(%run_scoped3A : memref<!tpu.dma_semaphore, #tpu.memory_space<semaphore_mem>>) src(%dma_wait3A_74 : memref<128x128xf32, #tpu.memory_space<hbm>>) dst(%arg6 : memref<128x128xf32, #tpu.memory_space<vmem>>)
        tpu.yield
      }) : () -> ()
      "tpu.region"() ({
        %run_scoped3A = tpu.sem_alloc : memref<!tpu.dma_semaphore, #tpu.memory_space<semaphore_mem>>
        %dma_start3A = arith.constant 0 : i32
        %dma_start3A_69 = arith.constant 0 : i32
        %dma_start3A_70 = tpu.memref_slice %arg8[%dma_start3A, %dma_start3A_69] : memref<10240x128xf32, #tpu.memory_space<vmem_shared>> -> memref<10240x128xf32, #tpu.memory_space<vmem_shared>>
        tpu.enqueue_indirect_dma source(%arg6 : memref<128x128xf32, #tpu.memory_space<vmem>>) target(%dma_start3A_70 : memref<10240x128xf32, #tpu.memory_space<vmem_shared>>) offsets(%arg5 : memref<128xi32, #tpu.memory_space<vmem>>) semaphore(%run_scoped3A : memref<!tpu.dma_semaphore, #tpu.memory_space<semaphore_mem>>) {add = true}
        %dma_wait3A = arith.constant 0 : i32
        %dma_wait3A_71 = arith.constant 0 : i32
        %dma_wait3A_72 = tpu.memref_slice %arg8[%dma_wait3A, %dma_wait3A_71] : memref<10240x128xf32, #tpu.memory_space<vmem_shared>> -> memref<10240x128xf32, #tpu.memory_space<vmem_shared>>
        tpu.wait_indirect_dma semaphore(%run_scoped3A : memref<!tpu.dma_semaphore, #tpu.memory_space<semaphore_mem>>) src(%arg6 : memref<128x128xf32, #tpu.memory_space<vmem>>) dst(%dma_wait3A_72 : memref<10240x128xf32, #tpu.memory_space<vmem_shared>>)
        tpu.yield
      }) : () -> ()
    }
    %while3A_43 = arith.constant 1 : i32
    scf.for %while3A_65 = %while3A_41 to %while3A_37 step %while3A_43  : i32 {
      %add3A_66 = arith.addi %add3A_4, %while3A_65 : i32
      "tpu.region"() ({
        %run_scoped3A = tpu.sem_alloc : memref<!tpu.dma_semaphore, #tpu.memory_space<semaphore_mem>>
        %dma_start3A = arith.constant 0 : i32
        %dma_start3A_69 = tpu.memref_slice %arg3[%add3A_66, %dma_start3A] : memref<2500x128xi32, #tpu.memory_space<hbm>> -> memref<1x128xi32, #tpu.memory_space<hbm>>
        %dma_start3A_70 = tpu.memref_squeeze %dma_start3A_69 : memref<1x128xi32, #tpu.memory_space<hbm>> -> memref<128xi32, #tpu.memory_space<hbm>>
        %dma_start3A_71 = arith.constant 0 : i32
        %dma_start3A_72 = tpu.memref_slice %arg3[%add3A_66, %dma_start3A_71] : memref<2500x128xi32, #tpu.memory_space<hbm>> -> memref<1x128xi32, #tpu.memory_space<hbm>>
        %dma_start3A_73 = tpu.memref_squeeze %dma_start3A_72 : memref<1x128xi32, #tpu.memory_space<hbm>> -> memref<128xi32, #tpu.memory_space<hbm>>
        tpu.enqueue_dma source(%dma_start3A_73 : memref<128xi32, #tpu.memory_space<hbm>>) target(%arg5 : memref<128xi32, #tpu.memory_space<vmem>>) target_semaphore(%run_scoped3A : memref<!tpu.dma_semaphore, #tpu.memory_space<semaphore_mem>>)
        %dma_wait3A = arith.constant 0 : i32
        %dma_wait3A_74 = tpu.memref_slice %arg3[%add3A_66, %dma_wait3A] : memref<2500x128xi32, #tpu.memory_space<hbm>> -> memref<1x128xi32, #tpu.memory_space<hbm>>
        %dma_wait3A_75 = tpu.memref_squeeze %dma_wait3A_74 : memref<1x128xi32, #tpu.memory_space<hbm>> -> memref<128xi32, #tpu.memory_space<hbm>>
        %dma_wait3A_76 = arith.constant 0 : i32
        %dma_wait3A_77 = tpu.memref_slice %arg3[%add3A_66, %dma_wait3A_76] : memref<2500x128xi32, #tpu.memory_space<hbm>> -> memref<1x128xi32, #tpu.memory_space<hbm>>
        %dma_wait3A_78 = tpu.memref_squeeze %dma_wait3A_77 : memref<1x128xi32, #tpu.memory_space<hbm>> -> memref<128xi32, #tpu.memory_space<hbm>>
        tpu.wait_dma2 semaphore(%run_scoped3A : memref<!tpu.dma_semaphore, #tpu.memory_space<semaphore_mem>>) src(%dma_wait3A_78 : memref<128xi32, #tpu.memory_space<hbm>>) dst(%arg5 : memref<128xi32, #tpu.memory_space<vmem>>)
        tpu.yield
      }) : () -> ()
      %mul3A_67 = arith.constant 128 : i32
      %mul3A_68 = arith.muli %add3A_66, %mul3A_67 : i32
      "tpu.region"() ({
        %run_scoped3A = tpu.sem_alloc : memref<!tpu.dma_semaphore, #tpu.memory_space<semaphore_mem>>
        %dma_start3A = arith.constant 0 : i32
        %dma_start3A_69 = tpu.memref_slice %arg2[%mul3A_68, %dma_start3A] : memref<320000x128xf32, #tpu.memory_space<hbm>> -> memref<128x128xf32, #tpu.memory_space<hbm>>
        %dma_start3A_70 = arith.constant 0 : i32
        %dma_start3A_71 = tpu.memref_slice %arg2[%mul3A_68, %dma_start3A_70] : memref<320000x128xf32, #tpu.memory_space<hbm>> -> memref<128x128xf32, #tpu.memory_space<hbm>>
        tpu.enqueue_dma source(%dma_start3A_71 : memref<128x128xf32, #tpu.memory_space<hbm>>) target(%arg6 : memref<128x128xf32, #tpu.memory_space<vmem>>) target_semaphore(%run_scoped3A : memref<!tpu.dma_semaphore, #tpu.memory_space<semaphore_mem>>)
        %dma_wait3A = arith.constant 0 : i32
        %dma_wait3A_72 = tpu.memref_slice %arg2[%mul3A_68, %dma_wait3A] : memref<320000x128xf32, #tpu.memory_space<hbm>> -> memref<128x128xf32, #tpu.memory_space<hbm>>
        %dma_wait3A_73 = arith.constant 0 : i32
        %dma_wait3A_74 = tpu.memref_slice %arg2[%mul3A_68, %dma_wait3A_73] : memref<320000x128xf32, #tpu.memory_space<hbm>> -> memref<128x128xf32, #tpu.memory_space<hbm>>
        tpu.wait_dma2 semaphore(%run_scoped3A : memref<!tpu.dma_semaphore, #tpu.memory_space<semaphore_mem>>) src(%dma_wait3A_74 : memref<128x128xf32, #tpu.memory_space<hbm>>) dst(%arg6 : memref<128x128xf32, #tpu.memory_space<vmem>>)
        tpu.yield
      }) : () -> ()
      "tpu.region"() ({
        %run_scoped3A = tpu.sem_alloc : memref<!tpu.dma_semaphore, #tpu.memory_space<semaphore_mem>>
        %dma_start3A = arith.constant 0 : i32
        %dma_start3A_69 = arith.constant 0 : i32
        %dma_start3A_70 = tpu.memref_slice %arg8[%dma_start3A, %dma_start3A_69] : memref<10240x128xf32, #tpu.memory_space<vmem_shared>> -> memref<10240x128xf32, #tpu.memory_space<vmem_shared>>
        tpu.enqueue_indirect_dma source(%arg6 : memref<128x128xf32, #tpu.memory_space<vmem>>) target(%dma_start3A_70 : memref<10240x128xf32, #tpu.memory_space<vmem_shared>>) offsets(%arg5 : memref<128xi32, #tpu.memory_space<vmem>>) semaphore(%run_scoped3A : memref<!tpu.dma_semaphore, #tpu.memory_space<semaphore_mem>>) {add = true}
        %dma_wait3A = arith.constant 0 : i32
        %dma_wait3A_71 = arith.constant 0 : i32
        %dma_wait3A_72 = tpu.memref_slice %arg8[%dma_wait3A, %dma_wait3A_71] : memref<10240x128xf32, #tpu.memory_space<vmem_shared>> -> memref<10240x128xf32, #tpu.memory_space<vmem_shared>>
        tpu.wait_indirect_dma semaphore(%run_scoped3A : memref<!tpu.dma_semaphore, #tpu.memory_space<semaphore_mem>>) src(%arg6 : memref<128x128xf32, #tpu.memory_space<vmem>>) dst(%dma_wait3A_72 : memref<10240x128xf32, #tpu.memory_space<vmem_shared>>)
        tpu.yield
      }) : () -> ()
    }
    %barrier3A_44 = arith.constant 0 : index
    tpu.barrier barrier_id(%barrier3A_44)
    %mul3A_45 = arith.constant 640 : i32
    %mul3A_46 = arith.muli %arg1, %mul3A_45 : i32
    %add3A_47 = arith.constant 0 : i32
    %add3A_48 = arith.addi %mul3A_46, %add3A_47 : i32
    "tpu.region"() ({
      %run_scoped3A = tpu.sem_alloc : memref<!tpu.dma_semaphore, #tpu.memory_space<semaphore_mem>>
      %dma_start3A = arith.constant 0 : i32
      %dma_start3A_65 = tpu.memref_slice %arg8[%add3A_48, %dma_start3A] : memref<10240x128xf32, #tpu.memory_space<vmem_shared>> -> memref<128x128xf32, #tpu.memory_space<vmem_shared>>
      %dma_start3A_66 = arith.constant 0 : i32
      %dma_start3A_67 = tpu.memref_slice %arg8[%add3A_48, %dma_start3A_66] : memref<10240x128xf32, #tpu.memory_space<vmem_shared>> -> memref<128x128xf32, #tpu.memory_space<vmem_shared>>
      tpu.enqueue_dma source(%dma_start3A_67 : memref<128x128xf32, #tpu.memory_space<vmem_shared>>) target(%arg7 : memref<128x128xf32, #tpu.memory_space<vmem>>) target_semaphore(%run_scoped3A : memref<!tpu.dma_semaphore, #tpu.memory_space<semaphore_mem>>)
      %dma_wait3A = arith.constant 0 : i32
      %dma_wait3A_68 = tpu.memref_slice %arg8[%add3A_48, %dma_wait3A] : memref<10240x128xf32, #tpu.memory_space<vmem_shared>> -> memref<128x128xf32, #tpu.memory_space<vmem_shared>>
      %dma_wait3A_69 = arith.constant 0 : i32
      %dma_wait3A_70 = tpu.memref_slice %arg8[%add3A_48, %dma_wait3A_69] : memref<10240x128xf32, #tpu.memory_space<vmem_shared>> -> memref<128x128xf32, #tpu.memory_space<vmem_shared>>
      tpu.wait_dma2 semaphore(%run_scoped3A : memref<!tpu.dma_semaphore, #tpu.memory_space<semaphore_mem>>) src(%dma_wait3A_70 : memref<128x128xf32, #tpu.memory_space<vmem_shared>>) dst(%arg7 : memref<128x128xf32, #tpu.memory_space<vmem>>)
      tpu.yield
    }) : () -> ()
    "tpu.region"() ({
      %run_scoped3A = tpu.sem_alloc : memref<!tpu.dma_semaphore, #tpu.memory_space<semaphore_mem>>
      %dma_start3A = arith.constant 0 : i32
      %dma_start3A_65 = tpu.memref_slice %arg4[%arg0, %add3A_48, %dma_start3A] : memref<2x10240x128xf32, #tpu.memory_space<hbm>> -> memref<1x128x128xf32, #tpu.memory_space<hbm>>
      %dma_start3A_66 = tpu.memref_squeeze %dma_start3A_65 : memref<1x128x128xf32, #tpu.memory_space<hbm>> -> memref<128x128xf32, #tpu.memory_space<hbm>>
      %dma_start3A_67 = arith.constant 0 : i32
      %dma_start3A_68 = tpu.memref_slice %arg4[%arg0, %add3A_48, %dma_start3A_67] : memref<2x10240x128xf32, #tpu.memory_space<hbm>> -> memref<1x128x128xf32, #tpu.memory_space<hbm>>
      %dma_start3A_69 = tpu.memref_squeeze %dma_start3A_68 : memref<1x128x128xf32, #tpu.memory_space<hbm>> -> memref<128x128xf32, #tpu.memory_space<hbm>>
      tpu.enqueue_dma source(%arg7 : memref<128x128xf32, #tpu.memory_space<vmem>>) target(%dma_start3A_69 : memref<128x128xf32, #tpu.memory_space<hbm>>) target_semaphore(%run_scoped3A : memref<!tpu.dma_semaphore, #tpu.memory_space<semaphore_mem>>)
      %dma_wait3A = arith.constant 0 : i32
      %dma_wait3A_70 = tpu.memref_slice %arg4[%arg0, %add3A_48, %dma_wait3A] : memref<2x10240x128xf32, #tpu.memory_space<hbm>> -> memref<1x128x128xf32, #tpu.memory_space<hbm>>
      %dma_wait3A_71 = tpu.memref_squeeze %dma_wait3A_70 : memref<1x128x128xf32, #tpu.memory_space<hbm>> -> memref<128x128xf32, #tpu.memory_space<hbm>>
      %dma_wait3A_72 = arith.constant 0 : i32
      %dma_wait3A_73 = tpu.memref_slice %arg4[%arg0, %add3A_48, %dma_wait3A_72] : memref<2x10240x128xf32, #tpu.memory_space<hbm>> -> memref<1x128x128xf32, #tpu.memory_space<hbm>>
      %dma_wait3A_74 = tpu.memref_squeeze %dma_wait3A_73 : memref<1x128x128xf32, #tpu.memory_space<hbm>> -> memref<128x128xf32, #tpu.memory_space<hbm>>
      tpu.wait_dma2 semaphore(%run_scoped3A : memref<!tpu.dma_semaphore, #tpu.memory_space<semaphore_mem>>) src(%arg7 : memref<128x128xf32, #tpu.memory_space<vmem>>) dst(%dma_wait3A_74 : memref<128x128xf32, #tpu.memory_space<hbm>>)
      tpu.yield
    }) : () -> ()
    %mul3A_49 = arith.constant 640 : i32
    %mul3A_50 = arith.muli %arg1, %mul3A_49 : i32
    %add3A_51 = arith.constant 128 : i32
    %add3A_52 = arith.addi %mul3A_50, %add3A_51 : i32
    "tpu.region"() ({
      %run_scoped3A = tpu.sem_alloc : memref<!tpu.dma_semaphore, #tpu.memory_space<semaphore_mem>>
      %dma_start3A = arith.constant 0 : i32
      %dma_start3A_65 = tpu.memref_slice %arg8[%add3A_52, %dma_start3A] : memref<10240x128xf32, #tpu.memory_space<vmem_shared>> -> memref<128x128xf32, #tpu.memory_space<vmem_shared>>
      %dma_start3A_66 = arith.constant 0 : i32
      %dma_start3A_67 = tpu.memref_slice %arg8[%add3A_52, %dma_start3A_66] : memref<10240x128xf32, #tpu.memory_space<vmem_shared>> -> memref<128x128xf32, #tpu.memory_space<vmem_shared>>
      tpu.enqueue_dma source(%dma_start3A_67 : memref<128x128xf32, #tpu.memory_space<vmem_shared>>) target(%arg7 : memref<128x128xf32, #tpu.memory_space<vmem>>) target_semaphore(%run_scoped3A : memref<!tpu.dma_semaphore, #tpu.memory_space<semaphore_mem>>)
      %dma_wait3A = arith.constant 0 : i32
      %dma_wait3A_68 = tpu.memref_slice %arg8[%add3A_52, %dma_wait3A] : memref<10240x128xf32, #tpu.memory_space<vmem_shared>> -> memref<128x128xf32, #tpu.memory_space<vmem_shared>>
      %dma_wait3A_69 = arith.constant 0 : i32
      %dma_wait3A_70 = tpu.memref_slice %arg8[%add3A_52, %dma_wait3A_69] : memref<10240x128xf32, #tpu.memory_space<vmem_shared>> -> memref<128x128xf32, #tpu.memory_space<vmem_shared>>
      tpu.wait_dma2 semaphore(%run_scoped3A : memref<!tpu.dma_semaphore, #tpu.memory_space<semaphore_mem>>) src(%dma_wait3A_70 : memref<128x128xf32, #tpu.memory_space<vmem_shared>>) dst(%arg7 : memref<128x128xf32, #tpu.memory_space<vmem>>)
      tpu.yield
    }) : () -> ()
    "tpu.region"() ({
      %run_scoped3A = tpu.sem_alloc : memref<!tpu.dma_semaphore, #tpu.memory_space<semaphore_mem>>
      %dma_start3A = arith.constant 0 : i32
      %dma_start3A_65 = tpu.memref_slice %arg4[%arg0, %add3A_52, %dma_start3A] : memref<2x10240x128xf32, #tpu.memory_space<hbm>> -> memref<1x128x128xf32, #tpu.memory_space<hbm>>
      %dma_start3A_66 = tpu.memref_squeeze %dma_start3A_65 : memref<1x128x128xf32, #tpu.memory_space<hbm>> -> memref<128x128xf32, #tpu.memory_space<hbm>>
      %dma_start3A_67 = arith.constant 0 : i32
      %dma_start3A_68 = tpu.memref_slice %arg4[%arg0, %add3A_52, %dma_start3A_67] : memref<2x10240x128xf32, #tpu.memory_space<hbm>> -> memref<1x128x128xf32, #tpu.memory_space<hbm>>
      %dma_start3A_69 = tpu.memref_squeeze %dma_start3A_68 : memref<1x128x128xf32, #tpu.memory_space<hbm>> -> memref<128x128xf32, #tpu.memory_space<hbm>>
      tpu.enqueue_dma source(%arg7 : memref<128x128xf32, #tpu.memory_space<vmem>>) target(%dma_start3A_69 : memref<128x128xf32, #tpu.memory_space<hbm>>) target_semaphore(%run_scoped3A : memref<!tpu.dma_semaphore, #tpu.memory_space<semaphore_mem>>)
      %dma_wait3A = arith.constant 0 : i32
      %dma_wait3A_70 = tpu.memref_slice %arg4[%arg0, %add3A_52, %dma_wait3A] : memref<2x10240x128xf32, #tpu.memory_space<hbm>> -> memref<1x128x128xf32, #tpu.memory_space<hbm>>
      %dma_wait3A_71 = tpu.memref_squeeze %dma_wait3A_70 : memref<1x128x128xf32, #tpu.memory_space<hbm>> -> memref<128x128xf32, #tpu.memory_space<hbm>>
      %dma_wait3A_72 = arith.constant 0 : i32
      %dma_wait3A_73 = tpu.memref_slice %arg4[%arg0, %add3A_52, %dma_wait3A_72] : memref<2x10240x128xf32, #tpu.memory_space<hbm>> -> memref<1x128x128xf32, #tpu.memory_space<hbm>>
      %dma_wait3A_74 = tpu.memref_squeeze %dma_wait3A_73 : memref<1x128x128xf32, #tpu.memory_space<hbm>> -> memref<128x128xf32, #tpu.memory_space<hbm>>
      tpu.wait_dma2 semaphore(%run_scoped3A : memref<!tpu.dma_semaphore, #tpu.memory_space<semaphore_mem>>) src(%arg7 : memref<128x128xf32, #tpu.memory_space<vmem>>) dst(%dma_wait3A_74 : memref<128x128xf32, #tpu.memory_space<hbm>>)
      tpu.yield
    }) : () -> ()
    %mul3A_53 = arith.constant 640 : i32
    %mul3A_54 = arith.muli %arg1, %mul3A_53 : i32
    %add3A_55 = arith.constant 256 : i32
    %add3A_56 = arith.addi %mul3A_54, %add3A_55 : i32
    "tpu.region"() ({
      %run_scoped3A = tpu.sem_alloc : memref<!tpu.dma_semaphore, #tpu.memory_space<semaphore_mem>>
      %dma_start3A = arith.constant 0 : i32
      %dma_start3A_65 = tpu.memref_slice %arg8[%add3A_56, %dma_start3A] : memref<10240x128xf32, #tpu.memory_space<vmem_shared>> -> memref<128x128xf32, #tpu.memory_space<vmem_shared>>
      %dma_start3A_66 = arith.constant 0 : i32
      %dma_start3A_67 = tpu.memref_slice %arg8[%add3A_56, %dma_start3A_66] : memref<10240x128xf32, #tpu.memory_space<vmem_shared>> -> memref<128x128xf32, #tpu.memory_space<vmem_shared>>
      tpu.enqueue_dma source(%dma_start3A_67 : memref<128x128xf32, #tpu.memory_space<vmem_shared>>) target(%arg7 : memref<128x128xf32, #tpu.memory_space<vmem>>) target_semaphore(%run_scoped3A : memref<!tpu.dma_semaphore, #tpu.memory_space<semaphore_mem>>)
      %dma_wait3A = arith.constant 0 : i32
      %dma_wait3A_68 = tpu.memref_slice %arg8[%add3A_56, %dma_wait3A] : memref<10240x128xf32, #tpu.memory_space<vmem_shared>> -> memref<128x128xf32, #tpu.memory_space<vmem_shared>>
      %dma_wait3A_69 = arith.constant 0 : i32
      %dma_wait3A_70 = tpu.memref_slice %arg8[%add3A_56, %dma_wait3A_69] : memref<10240x128xf32, #tpu.memory_space<vmem_shared>> -> memref<128x128xf32, #tpu.memory_space<vmem_shared>>
      tpu.wait_dma2 semaphore(%run_scoped3A : memref<!tpu.dma_semaphore, #tpu.memory_space<semaphore_mem>>) src(%dma_wait3A_70 : memref<128x128xf32, #tpu.memory_space<vmem_shared>>) dst(%arg7 : memref<128x128xf32, #tpu.memory_space<vmem>>)
      tpu.yield
    }) : () -> ()
    "tpu.region"() ({
      %run_scoped3A = tpu.sem_alloc : memref<!tpu.dma_semaphore, #tpu.memory_space<semaphore_mem>>
      %dma_start3A = arith.constant 0 : i32
      %dma_start3A_65 = tpu.memref_slice %arg4[%arg0, %add3A_56, %dma_start3A] : memref<2x10240x128xf32, #tpu.memory_space<hbm>> -> memref<1x128x128xf32, #tpu.memory_space<hbm>>
      %dma_start3A_66 = tpu.memref_squeeze %dma_start3A_65 : memref<1x128x128xf32, #tpu.memory_space<hbm>> -> memref<128x128xf32, #tpu.memory_space<hbm>>
      %dma_start3A_67 = arith.constant 0 : i32
      %dma_start3A_68 = tpu.memref_slice %arg4[%arg0, %add3A_56, %dma_start3A_67] : memref<2x10240x128xf32, #tpu.memory_space<hbm>> -> memref<1x128x128xf32, #tpu.memory_space<hbm>>
      %dma_start3A_69 = tpu.memref_squeeze %dma_start3A_68 : memref<1x128x128xf32, #tpu.memory_space<hbm>> -> memref<128x128xf32, #tpu.memory_space<hbm>>
      tpu.enqueue_dma source(%arg7 : memref<128x128xf32, #tpu.memory_space<vmem>>) target(%dma_start3A_69 : memref<128x128xf32, #tpu.memory_space<hbm>>) target_semaphore(%run_scoped3A : memref<!tpu.dma_semaphore, #tpu.memory_space<semaphore_mem>>)
      %dma_wait3A = arith.constant 0 : i32
      %dma_wait3A_70 = tpu.memref_slice %arg4[%arg0, %add3A_56, %dma_wait3A] : memref<2x10240x128xf32, #tpu.memory_space<hbm>> -> memref<1x128x128xf32, #tpu.memory_space<hbm>>
      %dma_wait3A_71 = tpu.memref_squeeze %dma_wait3A_70 : memref<1x128x128xf32, #tpu.memory_space<hbm>> -> memref<128x128xf32, #tpu.memory_space<hbm>>
      %dma_wait3A_72 = arith.constant 0 : i32
      %dma_wait3A_73 = tpu.memref_slice %arg4[%arg0, %add3A_56, %dma_wait3A_72] : memref<2x10240x128xf32, #tpu.memory_space<hbm>> -> memref<1x128x128xf32, #tpu.memory_space<hbm>>
      %dma_wait3A_74 = tpu.memref_squeeze %dma_wait3A_73 : memref<1x128x128xf32, #tpu.memory_space<hbm>> -> memref<128x128xf32, #tpu.memory_space<hbm>>
      tpu.wait_dma2 semaphore(%run_scoped3A : memref<!tpu.dma_semaphore, #tpu.memory_space<semaphore_mem>>) src(%arg7 : memref<128x128xf32, #tpu.memory_space<vmem>>) dst(%dma_wait3A_74 : memref<128x128xf32, #tpu.memory_space<hbm>>)
      tpu.yield
    }) : () -> ()
    %mul3A_57 = arith.constant 640 : i32
    %mul3A_58 = arith.muli %arg1, %mul3A_57 : i32
    %add3A_59 = arith.constant 384 : i32
    %add3A_60 = arith.addi %mul3A_58, %add3A_59 : i32
    "tpu.region"() ({
      %run_scoped3A = tpu.sem_alloc : memref<!tpu.dma_semaphore, #tpu.memory_space<semaphore_mem>>
      %dma_start3A = arith.constant 0 : i32
      %dma_start3A_65 = tpu.memref_slice %arg8[%add3A_60, %dma_start3A] : memref<10240x128xf32, #tpu.memory_space<vmem_shared>> -> memref<128x128xf32, #tpu.memory_space<vmem_shared>>
      %dma_start3A_66 = arith.constant 0 : i32
      %dma_start3A_67 = tpu.memref_slice %arg8[%add3A_60, %dma_start3A_66] : memref<10240x128xf32, #tpu.memory_space<vmem_shared>> -> memref<128x128xf32, #tpu.memory_space<vmem_shared>>
      tpu.enqueue_dma source(%dma_start3A_67 : memref<128x128xf32, #tpu.memory_space<vmem_shared>>) target(%arg7 : memref<128x128xf32, #tpu.memory_space<vmem>>) target_semaphore(%run_scoped3A : memref<!tpu.dma_semaphore, #tpu.memory_space<semaphore_mem>>)
      %dma_wait3A = arith.constant 0 : i32
      %dma_wait3A_68 = tpu.memref_slice %arg8[%add3A_60, %dma_wait3A] : memref<10240x128xf32, #tpu.memory_space<vmem_shared>> -> memref<128x128xf32, #tpu.memory_space<vmem_shared>>
      %dma_wait3A_69 = arith.constant 0 : i32
      %dma_wait3A_70 = tpu.memref_slice %arg8[%add3A_60, %dma_wait3A_69] : memref<10240x128xf32, #tpu.memory_space<vmem_shared>> -> memref<128x128xf32, #tpu.memory_space<vmem_shared>>
      tpu.wait_dma2 semaphore(%run_scoped3A : memref<!tpu.dma_semaphore, #tpu.memory_space<semaphore_mem>>) src(%dma_wait3A_70 : memref<128x128xf32, #tpu.memory_space<vmem_shared>>) dst(%arg7 : memref<128x128xf32, #tpu.memory_space<vmem>>)
      tpu.yield
    }) : () -> ()
    "tpu.region"() ({
      %run_scoped3A = tpu.sem_alloc : memref<!tpu.dma_semaphore, #tpu.memory_space<semaphore_mem>>
      %dma_start3A = arith.constant 0 : i32
      %dma_start3A_65 = tpu.memref_slice %arg4[%arg0, %add3A_60, %dma_start3A] : memref<2x10240x128xf32, #tpu.memory_space<hbm>> -> memref<1x128x128xf32, #tpu.memory_space<hbm>>
      %dma_start3A_66 = tpu.memref_squeeze %dma_start3A_65 : memref<1x128x128xf32, #tpu.memory_space<hbm>> -> memref<128x128xf32, #tpu.memory_space<hbm>>
      %dma_start3A_67 = arith.constant 0 : i32
      %dma_start3A_68 = tpu.memref_slice %arg4[%arg0, %add3A_60, %dma_start3A_67] : memref<2x10240x128xf32, #tpu.memory_space<hbm>> -> memref<1x128x128xf32, #tpu.memory_space<hbm>>
      %dma_start3A_69 = tpu.memref_squeeze %dma_start3A_68 : memref<1x128x128xf32, #tpu.memory_space<hbm>> -> memref<128x128xf32, #tpu.memory_space<hbm>>
      tpu.enqueue_dma source(%arg7 : memref<128x128xf32, #tpu.memory_space<vmem>>) target(%dma_start3A_69 : memref<128x128xf32, #tpu.memory_space<hbm>>) target_semaphore(%run_scoped3A : memref<!tpu.dma_semaphore, #tpu.memory_space<semaphore_mem>>)
      %dma_wait3A = arith.constant 0 : i32
      %dma_wait3A_70 = tpu.memref_slice %arg4[%arg0, %add3A_60, %dma_wait3A] : memref<2x10240x128xf32, #tpu.memory_space<hbm>> -> memref<1x128x128xf32, #tpu.memory_space<hbm>>
      %dma_wait3A_71 = tpu.memref_squeeze %dma_wait3A_70 : memref<1x128x128xf32, #tpu.memory_space<hbm>> -> memref<128x128xf32, #tpu.memory_space<hbm>>
      %dma_wait3A_72 = arith.constant 0 : i32
      %dma_wait3A_73 = tpu.memref_slice %arg4[%arg0, %add3A_60, %dma_wait3A_72] : memref<2x10240x128xf32, #tpu.memory_space<hbm>> -> memref<1x128x128xf32, #tpu.memory_space<hbm>>
      %dma_wait3A_74 = tpu.memref_squeeze %dma_wait3A_73 : memref<1x128x128xf32, #tpu.memory_space<hbm>> -> memref<128x128xf32, #tpu.memory_space<hbm>>
      tpu.wait_dma2 semaphore(%run_scoped3A : memref<!tpu.dma_semaphore, #tpu.memory_space<semaphore_mem>>) src(%arg7 : memref<128x128xf32, #tpu.memory_space<vmem>>) dst(%dma_wait3A_74 : memref<128x128xf32, #tpu.memory_space<hbm>>)
      tpu.yield
    }) : () -> ()
    %mul3A_61 = arith.constant 640 : i32
    %mul3A_62 = arith.muli %arg1, %mul3A_61 : i32
    %add3A_63 = arith.constant 512 : i32
    %add3A_64 = arith.addi %mul3A_62, %add3A_63 : i32
    "tpu.region"() ({
      %run_scoped3A = tpu.sem_alloc : memref<!tpu.dma_semaphore, #tpu.memory_space<semaphore_mem>>
      %dma_start3A = arith.constant 0 : i32
      %dma_start3A_65 = tpu.memref_slice %arg8[%add3A_64, %dma_start3A] : memref<10240x128xf32, #tpu.memory_space<vmem_shared>> -> memref<128x128xf32, #tpu.memory_space<vmem_shared>>
      %dma_start3A_66 = arith.constant 0 : i32
      %dma_start3A_67 = tpu.memref_slice %arg8[%add3A_64, %dma_start3A_66] : memref<10240x128xf32, #tpu.memory_space<vmem_shared>> -> memref<128x128xf32, #tpu.memory_space<vmem_shared>>
      tpu.enqueue_dma source(%dma_start3A_67 : memref<128x128xf32, #tpu.memory_space<vmem_shared>>) target(%arg7 : memref<128x128xf32, #tpu.memory_space<vmem>>) target_semaphore(%run_scoped3A : memref<!tpu.dma_semaphore, #tpu.memory_space<semaphore_mem>>)
      %dma_wait3A = arith.constant 0 : i32
      %dma_wait3A_68 = tpu.memref_slice %arg8[%add3A_64, %dma_wait3A] : memref<10240x128xf32, #tpu.memory_space<vmem_shared>> -> memref<128x128xf32, #tpu.memory_space<vmem_shared>>
      %dma_wait3A_69 = arith.constant 0 : i32
      %dma_wait3A_70 = tpu.memref_slice %arg8[%add3A_64, %dma_wait3A_69] : memref<10240x128xf32, #tpu.memory_space<vmem_shared>> -> memref<128x128xf32, #tpu.memory_space<vmem_shared>>
      tpu.wait_dma2 semaphore(%run_scoped3A : memref<!tpu.dma_semaphore, #tpu.memory_space<semaphore_mem>>) src(%dma_wait3A_70 : memref<128x128xf32, #tpu.memory_space<vmem_shared>>) dst(%arg7 : memref<128x128xf32, #tpu.memory_space<vmem>>)
      tpu.yield
    }) : () -> ()
    "tpu.region"() ({
      %run_scoped3A = tpu.sem_alloc : memref<!tpu.dma_semaphore, #tpu.memory_space<semaphore_mem>>
      %dma_start3A = arith.constant 0 : i32
      %dma_start3A_65 = tpu.memref_slice %arg4[%arg0, %add3A_64, %dma_start3A] : memref<2x10240x128xf32, #tpu.memory_space<hbm>> -> memref<1x128x128xf32, #tpu.memory_space<hbm>>
      %dma_start3A_66 = tpu.memref_squeeze %dma_start3A_65 : memref<1x128x128xf32, #tpu.memory_space<hbm>> -> memref<128x128xf32, #tpu.memory_space<hbm>>
      %dma_start3A_67 = arith.constant 0 : i32
      %dma_start3A_68 = tpu.memref_slice %arg4[%arg0, %add3A_64, %dma_start3A_67] : memref<2x10240x128xf32, #tpu.memory_space<hbm>> -> memref<1x128x128xf32, #tpu.memory_space<hbm>>
      %dma_start3A_69 = tpu.memref_squeeze %dma_start3A_68 : memref<1x128x128xf32, #tpu.memory_space<hbm>> -> memref<128x128xf32, #tpu.memory_space<hbm>>
      tpu.enqueue_dma source(%arg7 : memref<128x128xf32, #tpu.memory_space<vmem>>) target(%dma_start3A_69 : memref<128x128xf32, #tpu.memory_space<hbm>>) target_semaphore(%run_scoped3A : memref<!tpu.dma_semaphore, #tpu.memory_space<semaphore_mem>>)
      %dma_wait3A = arith.constant 0 : i32
      %dma_wait3A_70 = tpu.memref_slice %arg4[%arg0, %add3A_64, %dma_wait3A] : memref<2x10240x128xf32, #tpu.memory_space<hbm>> -> memref<1x128x128xf32, #tpu.memory_space<hbm>>
      %dma_wait3A_71 = tpu.memref_squeeze %dma_wait3A_70 : memref<1x128x128xf32, #tpu.memory_space<hbm>> -> memref<128x128xf32, #tpu.memory_space<hbm>>
      %dma_wait3A_72 = arith.constant 0 : i32
      %dma_wait3A_73 = tpu.memref_slice %arg4[%arg0, %add3A_64, %dma_wait3A_72] : memref<2x10240x128xf32, #tpu.memory_space<hbm>> -> memref<1x128x128xf32, #tpu.memory_space<hbm>>
      %dma_wait3A_74 = tpu.memref_squeeze %dma_wait3A_73 : memref<1x128x128xf32, #tpu.memory_space<hbm>> -> memref<128x128xf32, #tpu.memory_space<hbm>>
      tpu.wait_dma2 semaphore(%run_scoped3A : memref<!tpu.dma_semaphore, #tpu.memory_space<semaphore_mem>>) src(%arg7 : memref<128x128xf32, #tpu.memory_space<vmem>>) dst(%dma_wait3A_74 : memref<128x128xf32, #tpu.memory_space<hbm>>)
      tpu.yield
    }) : () -> ()
    return
  }
}

#map = affine_map<(d0, d1) -> (0, 0)>
module attributes {stable_mosaic.version = 14 : i64} {
  func.func @k(%arg0: i32, %arg1: i32, %arg2: memref<10000x128xf32, #tpu.memory_space<hbm>>, %arg3: memref<2500x128xi32, #tpu.memory_space<hbm>>, %arg4: memref<2500x128xi32, #tpu.memory_space<hbm>>, %arg5: memref<320000x128xf32, #tpu.memory_space<hbm>>, %arg6: memref<320000x128xf32, #tpu.memory_space<hbm>>, %arg7: memref<128xi32, #tpu.memory_space<vmem>>, %arg8: memref<128x128xf32, #tpu.memory_space<vmem>>, %arg9: memref<!tpu.dma_semaphore, #tpu.memory_space<semaphore_mem>>) attributes {dimension_semantics = [#tpu.dimension_semantics<core_parallel>, #tpu.dimension_semantics<subcore_parallel>], iteration_bounds = array<i64: 2, 16>, scalar_prefetch = 0 : i64, scratch_operands = 3 : i64, tpu.core_type = #tpu.core_type<sc_vector_subcore>, window_params = [{transform_indices = #map}, {transform_indices = #map}, {transform_indices = #map}, {transform_indices = #map}, {transform_indices = #map}]} {
    %mul3A = arith.constant 2 : i32
    %mul3A_0 = arith.muli %arg1, %mul3A : i32
    %add3A = arith.addi %mul3A_0, %arg0 : i32
    %mul3A_1 = arith.constant 78 : i32
    %mul3A_2 = arith.muli %add3A, %mul3A_1 : i32
    %min3A = arith.constant 4 : i32
    %min3A_3 = arith.minsi %add3A, %min3A : i32
    %add3A_4 = arith.addi %mul3A_2, %min3A_3 : i32
    %lt3A = arith.constant 4 : i32
    %lt3A_5 = arith.cmpi slt, %add3A, %lt3A : i32
    %jit3A = arith.constant 1 : i32
    %jit3A_6 = arith.constant 0 : i32
    %select_n3A = arith.select %lt3A_5, %jit3A, %jit3A_6 : i32
    %add3A_7 = arith.constant 78 : i32
    %add3A_8 = arith.addi %add3A_7, %select_n3A : i32
    %while3A = arith.constant 0 : i32
    %while3A_9 = arith.constant 0 : i32
    %while3A_10 = arith.subi %add3A_8, %while3A_9 : i32
    %while3A_11 = arith.addi %while3A_9, %while3A_10 : i32
    %while3A_12 = arith.constant 1 : i32
    %while3A_13 = arith.divsi %while3A_10, %while3A_12 : i32
    %while3A_14 = arith.muli %while3A_13, %while3A_12 : i32
    %while3A_15 = arith.addi %while3A_9, %while3A_14 : i32
    %while3A_16 = arith.constant 1 : i32
    scf.for %while3A_18 = %while3A_9 to %while3A_15 step %while3A_16  : i32 {
      %add3A_19 = arith.addi %add3A_4, %while3A_18 : i32
      "tpu.region"() ({
        %run_scoped3A = tpu.sem_alloc : memref<!tpu.dma_semaphore, #tpu.memory_space<semaphore_mem>>
        %dma_start3A_34 = arith.constant 0 : i32
        %dma_start3A_35 = tpu.memref_slice %arg3[%add3A_19, %dma_start3A_34] : memref<2500x128xi32, #tpu.memory_space<hbm>> -> memref<1x128xi32, #tpu.memory_space<hbm>>
        %dma_start3A_36 = tpu.memref_squeeze %dma_start3A_35 : memref<1x128xi32, #tpu.memory_space<hbm>> -> memref<128xi32, #tpu.memory_space<hbm>>
        %dma_start3A_37 = arith.constant 0 : i32
        %dma_start3A_38 = tpu.memref_slice %arg3[%add3A_19, %dma_start3A_37] : memref<2500x128xi32, #tpu.memory_space<hbm>> -> memref<1x128xi32, #tpu.memory_space<hbm>>
        %dma_start3A_39 = tpu.memref_squeeze %dma_start3A_38 : memref<1x128xi32, #tpu.memory_space<hbm>> -> memref<128xi32, #tpu.memory_space<hbm>>
        tpu.enqueue_dma source(%dma_start3A_39 : memref<128xi32, #tpu.memory_space<hbm>>) target(%arg7 : memref<128xi32, #tpu.memory_space<vmem>>) target_semaphore(%run_scoped3A : memref<!tpu.dma_semaphore, #tpu.memory_space<semaphore_mem>>)
        %dma_wait3A_40 = arith.constant 0 : i32
        %dma_wait3A_41 = tpu.memref_slice %arg3[%add3A_19, %dma_wait3A_40] : memref<2500x128xi32, #tpu.memory_space<hbm>> -> memref<1x128xi32, #tpu.memory_space<hbm>>
        %dma_wait3A_42 = tpu.memref_squeeze %dma_wait3A_41 : memref<1x128xi32, #tpu.memory_space<hbm>> -> memref<128xi32, #tpu.memory_space<hbm>>
        %dma_wait3A_43 = arith.constant 0 : i32
        %dma_wait3A_44 = tpu.memref_slice %arg3[%add3A_19, %dma_wait3A_43] : memref<2500x128xi32, #tpu.memory_space<hbm>> -> memref<1x128xi32, #tpu.memory_space<hbm>>
        %dma_wait3A_45 = tpu.memref_squeeze %dma_wait3A_44 : memref<1x128xi32, #tpu.memory_space<hbm>> -> memref<128xi32, #tpu.memory_space<hbm>>
        tpu.wait_dma2 semaphore(%run_scoped3A : memref<!tpu.dma_semaphore, #tpu.memory_space<semaphore_mem>>) src(%dma_wait3A_45 : memref<128xi32, #tpu.memory_space<hbm>>) dst(%arg7 : memref<128xi32, #tpu.memory_space<vmem>>)
        tpu.yield
      }) : () -> ()
      %dma_start3A = arith.constant 0 : i32
      %dma_start3A_20 = arith.constant 0 : i32
      %dma_start3A_21 = tpu.memref_slice %arg2[%dma_start3A, %dma_start3A_20] : memref<10000x128xf32, #tpu.memory_space<hbm>> -> memref<10000x128xf32, #tpu.memory_space<hbm>>
      tpu.enqueue_indirect_dma source(%dma_start3A_21 : memref<10000x128xf32, #tpu.memory_space<hbm>>) target(%arg8 : memref<128x128xf32, #tpu.memory_space<vmem>>) offsets(%arg7 : memref<128xi32, #tpu.memory_space<vmem>>) semaphore(%arg9 : memref<!tpu.dma_semaphore, #tpu.memory_space<semaphore_mem>>)
      %dma_wait3A = arith.constant 0 : i32
      %dma_wait3A_22 = arith.constant 0 : i32
      %dma_wait3A_23 = tpu.memref_slice %arg2[%dma_wait3A, %dma_wait3A_22] : memref<10000x128xf32, #tpu.memory_space<hbm>> -> memref<10000x128xf32, #tpu.memory_space<hbm>>
      tpu.wait_indirect_dma semaphore(%arg9 : memref<!tpu.dma_semaphore, #tpu.memory_space<semaphore_mem>>) src(%dma_wait3A_23 : memref<10000x128xf32, #tpu.memory_space<hbm>>) dst(%arg8 : memref<128x128xf32, #tpu.memory_space<vmem>>)
      %mul3A_24 = arith.constant 128 : i32
      %mul3A_25 = arith.muli %add3A_19, %mul3A_24 : i32
      "tpu.region"() ({
        %run_scoped3A = tpu.sem_alloc : memref<!tpu.dma_semaphore, #tpu.memory_space<semaphore_mem>>
        %dma_start3A_34 = arith.constant 0 : i32
        %dma_start3A_35 = tpu.memref_slice %arg5[%mul3A_25, %dma_start3A_34] : memref<320000x128xf32, #tpu.memory_space<hbm>> -> memref<128x128xf32, #tpu.memory_space<hbm>>
        %dma_start3A_36 = arith.constant 0 : i32
        %dma_start3A_37 = tpu.memref_slice %arg5[%mul3A_25, %dma_start3A_36] : memref<320000x128xf32, #tpu.memory_space<hbm>> -> memref<128x128xf32, #tpu.memory_space<hbm>>
        tpu.enqueue_dma source(%arg8 : memref<128x128xf32, #tpu.memory_space<vmem>>) target(%dma_start3A_37 : memref<128x128xf32, #tpu.memory_space<hbm>>) target_semaphore(%run_scoped3A : memref<!tpu.dma_semaphore, #tpu.memory_space<semaphore_mem>>)
        %dma_wait3A_38 = arith.constant 0 : i32
        %dma_wait3A_39 = tpu.memref_slice %arg5[%mul3A_25, %dma_wait3A_38] : memref<320000x128xf32, #tpu.memory_space<hbm>> -> memref<128x128xf32, #tpu.memory_space<hbm>>
        %dma_wait3A_40 = arith.constant 0 : i32
        %dma_wait3A_41 = tpu.memref_slice %arg5[%mul3A_25, %dma_wait3A_40] : memref<320000x128xf32, #tpu.memory_space<hbm>> -> memref<128x128xf32, #tpu.memory_space<hbm>>
        tpu.wait_dma2 semaphore(%run_scoped3A : memref<!tpu.dma_semaphore, #tpu.memory_space<semaphore_mem>>) src(%arg8 : memref<128x128xf32, #tpu.memory_space<vmem>>) dst(%dma_wait3A_41 : memref<128x128xf32, #tpu.memory_space<hbm>>)
        tpu.yield
      }) : () -> ()
      "tpu.region"() ({
        %run_scoped3A = tpu.sem_alloc : memref<!tpu.dma_semaphore, #tpu.memory_space<semaphore_mem>>
        %dma_start3A_34 = arith.constant 0 : i32
        %dma_start3A_35 = tpu.memref_slice %arg4[%add3A_19, %dma_start3A_34] : memref<2500x128xi32, #tpu.memory_space<hbm>> -> memref<1x128xi32, #tpu.memory_space<hbm>>
        %dma_start3A_36 = tpu.memref_squeeze %dma_start3A_35 : memref<1x128xi32, #tpu.memory_space<hbm>> -> memref<128xi32, #tpu.memory_space<hbm>>
        %dma_start3A_37 = arith.constant 0 : i32
        %dma_start3A_38 = tpu.memref_slice %arg4[%add3A_19, %dma_start3A_37] : memref<2500x128xi32, #tpu.memory_space<hbm>> -> memref<1x128xi32, #tpu.memory_space<hbm>>
        %dma_start3A_39 = tpu.memref_squeeze %dma_start3A_38 : memref<1x128xi32, #tpu.memory_space<hbm>> -> memref<128xi32, #tpu.memory_space<hbm>>
        tpu.enqueue_dma source(%dma_start3A_39 : memref<128xi32, #tpu.memory_space<hbm>>) target(%arg7 : memref<128xi32, #tpu.memory_space<vmem>>) target_semaphore(%run_scoped3A : memref<!tpu.dma_semaphore, #tpu.memory_space<semaphore_mem>>)
        %dma_wait3A_40 = arith.constant 0 : i32
        %dma_wait3A_41 = tpu.memref_slice %arg4[%add3A_19, %dma_wait3A_40] : memref<2500x128xi32, #tpu.memory_space<hbm>> -> memref<1x128xi32, #tpu.memory_space<hbm>>
        %dma_wait3A_42 = tpu.memref_squeeze %dma_wait3A_41 : memref<1x128xi32, #tpu.memory_space<hbm>> -> memref<128xi32, #tpu.memory_space<hbm>>
        %dma_wait3A_43 = arith.constant 0 : i32
        %dma_wait3A_44 = tpu.memref_slice %arg4[%add3A_19, %dma_wait3A_43] : memref<2500x128xi32, #tpu.memory_space<hbm>> -> memref<1x128xi32, #tpu.memory_space<hbm>>
        %dma_wait3A_45 = tpu.memref_squeeze %dma_wait3A_44 : memref<1x128xi32, #tpu.memory_space<hbm>> -> memref<128xi32, #tpu.memory_space<hbm>>
        tpu.wait_dma2 semaphore(%run_scoped3A : memref<!tpu.dma_semaphore, #tpu.memory_space<semaphore_mem>>) src(%dma_wait3A_45 : memref<128xi32, #tpu.memory_space<hbm>>) dst(%arg7 : memref<128xi32, #tpu.memory_space<vmem>>)
        tpu.yield
      }) : () -> ()
      %dma_start3A_26 = arith.constant 0 : i32
      %dma_start3A_27 = arith.constant 0 : i32
      %dma_start3A_28 = tpu.memref_slice %arg2[%dma_start3A_26, %dma_start3A_27] : memref<10000x128xf32, #tpu.memory_space<hbm>> -> memref<10000x128xf32, #tpu.memory_space<hbm>>
      tpu.enqueue_indirect_dma source(%dma_start3A_28 : memref<10000x128xf32, #tpu.memory_space<hbm>>) target(%arg8 : memref<128x128xf32, #tpu.memory_space<vmem>>) offsets(%arg7 : memref<128xi32, #tpu.memory_space<vmem>>) semaphore(%arg9 : memref<!tpu.dma_semaphore, #tpu.memory_space<semaphore_mem>>)
      %dma_wait3A_29 = arith.constant 0 : i32
      %dma_wait3A_30 = arith.constant 0 : i32
      %dma_wait3A_31 = tpu.memref_slice %arg2[%dma_wait3A_29, %dma_wait3A_30] : memref<10000x128xf32, #tpu.memory_space<hbm>> -> memref<10000x128xf32, #tpu.memory_space<hbm>>
      tpu.wait_indirect_dma semaphore(%arg9 : memref<!tpu.dma_semaphore, #tpu.memory_space<semaphore_mem>>) src(%dma_wait3A_31 : memref<10000x128xf32, #tpu.memory_space<hbm>>) dst(%arg8 : memref<128x128xf32, #tpu.memory_space<vmem>>)
      %mul3A_32 = arith.constant 128 : i32
      %mul3A_33 = arith.muli %add3A_19, %mul3A_32 : i32
      "tpu.region"() ({
        %run_scoped3A = tpu.sem_alloc : memref<!tpu.dma_semaphore, #tpu.memory_space<semaphore_mem>>
        %dma_start3A_34 = arith.constant 0 : i32
        %dma_start3A_35 = tpu.memref_slice %arg6[%mul3A_33, %dma_start3A_34] : memref<320000x128xf32, #tpu.memory_space<hbm>> -> memref<128x128xf32, #tpu.memory_space<hbm>>
        %dma_start3A_36 = arith.constant 0 : i32
        %dma_start3A_37 = tpu.memref_slice %arg6[%mul3A_33, %dma_start3A_36] : memref<320000x128xf32, #tpu.memory_space<hbm>> -> memref<128x128xf32, #tpu.memory_space<hbm>>
        tpu.enqueue_dma source(%arg8 : memref<128x128xf32, #tpu.memory_space<vmem>>) target(%dma_start3A_37 : memref<128x128xf32, #tpu.memory_space<hbm>>) target_semaphore(%run_scoped3A : memref<!tpu.dma_semaphore, #tpu.memory_space<semaphore_mem>>)
        %dma_wait3A_38 = arith.constant 0 : i32
        %dma_wait3A_39 = tpu.memref_slice %arg6[%mul3A_33, %dma_wait3A_38] : memref<320000x128xf32, #tpu.memory_space<hbm>> -> memref<128x128xf32, #tpu.memory_space<hbm>>
        %dma_wait3A_40 = arith.constant 0 : i32
        %dma_wait3A_41 = tpu.memref_slice %arg6[%mul3A_33, %dma_wait3A_40] : memref<320000x128xf32, #tpu.memory_space<hbm>> -> memref<128x128xf32, #tpu.memory_space<hbm>>
        tpu.wait_dma2 semaphore(%run_scoped3A : memref<!tpu.dma_semaphore, #tpu.memory_space<semaphore_mem>>) src(%arg8 : memref<128x128xf32, #tpu.memory_space<vmem>>) dst(%dma_wait3A_41 : memref<128x128xf32, #tpu.memory_space<hbm>>)
        tpu.yield
      }) : () -> ()
    }
    %while3A_17 = arith.constant 1 : i32
    scf.for %while3A_18 = %while3A_15 to %while3A_11 step %while3A_17  : i32 {
      %add3A_19 = arith.addi %add3A_4, %while3A_18 : i32
      "tpu.region"() ({
        %run_scoped3A = tpu.sem_alloc : memref<!tpu.dma_semaphore, #tpu.memory_space<semaphore_mem>>
        %dma_start3A_34 = arith.constant 0 : i32
        %dma_start3A_35 = tpu.memref_slice %arg3[%add3A_19, %dma_start3A_34] : memref<2500x128xi32, #tpu.memory_space<hbm>> -> memref<1x128xi32, #tpu.memory_space<hbm>>
        %dma_start3A_36 = tpu.memref_squeeze %dma_start3A_35 : memref<1x128xi32, #tpu.memory_space<hbm>> -> memref<128xi32, #tpu.memory_space<hbm>>
        %dma_start3A_37 = arith.constant 0 : i32
        %dma_start3A_38 = tpu.memref_slice %arg3[%add3A_19, %dma_start3A_37] : memref<2500x128xi32, #tpu.memory_space<hbm>> -> memref<1x128xi32, #tpu.memory_space<hbm>>
        %dma_start3A_39 = tpu.memref_squeeze %dma_start3A_38 : memref<1x128xi32, #tpu.memory_space<hbm>> -> memref<128xi32, #tpu.memory_space<hbm>>
        tpu.enqueue_dma source(%dma_start3A_39 : memref<128xi32, #tpu.memory_space<hbm>>) target(%arg7 : memref<128xi32, #tpu.memory_space<vmem>>) target_semaphore(%run_scoped3A : memref<!tpu.dma_semaphore, #tpu.memory_space<semaphore_mem>>)
        %dma_wait3A_40 = arith.constant 0 : i32
        %dma_wait3A_41 = tpu.memref_slice %arg3[%add3A_19, %dma_wait3A_40] : memref<2500x128xi32, #tpu.memory_space<hbm>> -> memref<1x128xi32, #tpu.memory_space<hbm>>
        %dma_wait3A_42 = tpu.memref_squeeze %dma_wait3A_41 : memref<1x128xi32, #tpu.memory_space<hbm>> -> memref<128xi32, #tpu.memory_space<hbm>>
        %dma_wait3A_43 = arith.constant 0 : i32
        %dma_wait3A_44 = tpu.memref_slice %arg3[%add3A_19, %dma_wait3A_43] : memref<2500x128xi32, #tpu.memory_space<hbm>> -> memref<1x128xi32, #tpu.memory_space<hbm>>
        %dma_wait3A_45 = tpu.memref_squeeze %dma_wait3A_44 : memref<1x128xi32, #tpu.memory_space<hbm>> -> memref<128xi32, #tpu.memory_space<hbm>>
        tpu.wait_dma2 semaphore(%run_scoped3A : memref<!tpu.dma_semaphore, #tpu.memory_space<semaphore_mem>>) src(%dma_wait3A_45 : memref<128xi32, #tpu.memory_space<hbm>>) dst(%arg7 : memref<128xi32, #tpu.memory_space<vmem>>)
        tpu.yield
      }) : () -> ()
      %dma_start3A = arith.constant 0 : i32
      %dma_start3A_20 = arith.constant 0 : i32
      %dma_start3A_21 = tpu.memref_slice %arg2[%dma_start3A, %dma_start3A_20] : memref<10000x128xf32, #tpu.memory_space<hbm>> -> memref<10000x128xf32, #tpu.memory_space<hbm>>
      tpu.enqueue_indirect_dma source(%dma_start3A_21 : memref<10000x128xf32, #tpu.memory_space<hbm>>) target(%arg8 : memref<128x128xf32, #tpu.memory_space<vmem>>) offsets(%arg7 : memref<128xi32, #tpu.memory_space<vmem>>) semaphore(%arg9 : memref<!tpu.dma_semaphore, #tpu.memory_space<semaphore_mem>>)
      %dma_wait3A = arith.constant 0 : i32
      %dma_wait3A_22 = arith.constant 0 : i32
      %dma_wait3A_23 = tpu.memref_slice %arg2[%dma_wait3A, %dma_wait3A_22] : memref<10000x128xf32, #tpu.memory_space<hbm>> -> memref<10000x128xf32, #tpu.memory_space<hbm>>
      tpu.wait_indirect_dma semaphore(%arg9 : memref<!tpu.dma_semaphore, #tpu.memory_space<semaphore_mem>>) src(%dma_wait3A_23 : memref<10000x128xf32, #tpu.memory_space<hbm>>) dst(%arg8 : memref<128x128xf32, #tpu.memory_space<vmem>>)
      %mul3A_24 = arith.constant 128 : i32
      %mul3A_25 = arith.muli %add3A_19, %mul3A_24 : i32
      "tpu.region"() ({
        %run_scoped3A = tpu.sem_alloc : memref<!tpu.dma_semaphore, #tpu.memory_space<semaphore_mem>>
        %dma_start3A_34 = arith.constant 0 : i32
        %dma_start3A_35 = tpu.memref_slice %arg5[%mul3A_25, %dma_start3A_34] : memref<320000x128xf32, #tpu.memory_space<hbm>> -> memref<128x128xf32, #tpu.memory_space<hbm>>
        %dma_start3A_36 = arith.constant 0 : i32
        %dma_start3A_37 = tpu.memref_slice %arg5[%mul3A_25, %dma_start3A_36] : memref<320000x128xf32, #tpu.memory_space<hbm>> -> memref<128x128xf32, #tpu.memory_space<hbm>>
        tpu.enqueue_dma source(%arg8 : memref<128x128xf32, #tpu.memory_space<vmem>>) target(%dma_start3A_37 : memref<128x128xf32, #tpu.memory_space<hbm>>) target_semaphore(%run_scoped3A : memref<!tpu.dma_semaphore, #tpu.memory_space<semaphore_mem>>)
        %dma_wait3A_38 = arith.constant 0 : i32
        %dma_wait3A_39 = tpu.memref_slice %arg5[%mul3A_25, %dma_wait3A_38] : memref<320000x128xf32, #tpu.memory_space<hbm>> -> memref<128x128xf32, #tpu.memory_space<hbm>>
        %dma_wait3A_40 = arith.constant 0 : i32
        %dma_wait3A_41 = tpu.memref_slice %arg5[%mul3A_25, %dma_wait3A_40] : memref<320000x128xf32, #tpu.memory_space<hbm>> -> memref<128x128xf32, #tpu.memory_space<hbm>>
        tpu.wait_dma2 semaphore(%run_scoped3A : memref<!tpu.dma_semaphore, #tpu.memory_space<semaphore_mem>>) src(%arg8 : memref<128x128xf32, #tpu.memory_space<vmem>>) dst(%dma_wait3A_41 : memref<128x128xf32, #tpu.memory_space<hbm>>)
        tpu.yield
      }) : () -> ()
      "tpu.region"() ({
        %run_scoped3A = tpu.sem_alloc : memref<!tpu.dma_semaphore, #tpu.memory_space<semaphore_mem>>
        %dma_start3A_34 = arith.constant 0 : i32
        %dma_start3A_35 = tpu.memref_slice %arg4[%add3A_19, %dma_start3A_34] : memref<2500x128xi32, #tpu.memory_space<hbm>> -> memref<1x128xi32, #tpu.memory_space<hbm>>
        %dma_start3A_36 = tpu.memref_squeeze %dma_start3A_35 : memref<1x128xi32, #tpu.memory_space<hbm>> -> memref<128xi32, #tpu.memory_space<hbm>>
        %dma_start3A_37 = arith.constant 0 : i32
        %dma_start3A_38 = tpu.memref_slice %arg4[%add3A_19, %dma_start3A_37] : memref<2500x128xi32, #tpu.memory_space<hbm>> -> memref<1x128xi32, #tpu.memory_space<hbm>>
        %dma_start3A_39 = tpu.memref_squeeze %dma_start3A_38 : memref<1x128xi32, #tpu.memory_space<hbm>> -> memref<128xi32, #tpu.memory_space<hbm>>
        tpu.enqueue_dma source(%dma_start3A_39 : memref<128xi32, #tpu.memory_space<hbm>>) target(%arg7 : memref<128xi32, #tpu.memory_space<vmem>>) target_semaphore(%run_scoped3A : memref<!tpu.dma_semaphore, #tpu.memory_space<semaphore_mem>>)
        %dma_wait3A_40 = arith.constant 0 : i32
        %dma_wait3A_41 = tpu.memref_slice %arg4[%add3A_19, %dma_wait3A_40] : memref<2500x128xi32, #tpu.memory_space<hbm>> -> memref<1x128xi32, #tpu.memory_space<hbm>>
        %dma_wait3A_42 = tpu.memref_squeeze %dma_wait3A_41 : memref<1x128xi32, #tpu.memory_space<hbm>> -> memref<128xi32, #tpu.memory_space<hbm>>
        %dma_wait3A_43 = arith.constant 0 : i32
        %dma_wait3A_44 = tpu.memref_slice %arg4[%add3A_19, %dma_wait3A_43] : memref<2500x128xi32, #tpu.memory_space<hbm>> -> memref<1x128xi32, #tpu.memory_space<hbm>>
        %dma_wait3A_45 = tpu.memref_squeeze %dma_wait3A_44 : memref<1x128xi32, #tpu.memory_space<hbm>> -> memref<128xi32, #tpu.memory_space<hbm>>
        tpu.wait_dma2 semaphore(%run_scoped3A : memref<!tpu.dma_semaphore, #tpu.memory_space<semaphore_mem>>) src(%dma_wait3A_45 : memref<128xi32, #tpu.memory_space<hbm>>) dst(%arg7 : memref<128xi32, #tpu.memory_space<vmem>>)
        tpu.yield
      }) : () -> ()
      %dma_start3A_26 = arith.constant 0 : i32
      %dma_start3A_27 = arith.constant 0 : i32
      %dma_start3A_28 = tpu.memref_slice %arg2[%dma_start3A_26, %dma_start3A_27] : memref<10000x128xf32, #tpu.memory_space<hbm>> -> memref<10000x128xf32, #tpu.memory_space<hbm>>
      tpu.enqueue_indirect_dma source(%dma_start3A_28 : memref<10000x128xf32, #tpu.memory_space<hbm>>) target(%arg8 : memref<128x128xf32, #tpu.memory_space<vmem>>) offsets(%arg7 : memref<128xi32, #tpu.memory_space<vmem>>) semaphore(%arg9 : memref<!tpu.dma_semaphore, #tpu.memory_space<semaphore_mem>>)
      %dma_wait3A_29 = arith.constant 0 : i32
      %dma_wait3A_30 = arith.constant 0 : i32
      %dma_wait3A_31 = tpu.memref_slice %arg2[%dma_wait3A_29, %dma_wait3A_30] : memref<10000x128xf32, #tpu.memory_space<hbm>> -> memref<10000x128xf32, #tpu.memory_space<hbm>>
      tpu.wait_indirect_dma semaphore(%arg9 : memref<!tpu.dma_semaphore, #tpu.memory_space<semaphore_mem>>) src(%dma_wait3A_31 : memref<10000x128xf32, #tpu.memory_space<hbm>>) dst(%arg8 : memref<128x128xf32, #tpu.memory_space<vmem>>)
      %mul3A_32 = arith.constant 128 : i32
      %mul3A_33 = arith.muli %add3A_19, %mul3A_32 : i32
      "tpu.region"() ({
        %run_scoped3A = tpu.sem_alloc : memref<!tpu.dma_semaphore, #tpu.memory_space<semaphore_mem>>
        %dma_start3A_34 = arith.constant 0 : i32
        %dma_start3A_35 = tpu.memref_slice %arg6[%mul3A_33, %dma_start3A_34] : memref<320000x128xf32, #tpu.memory_space<hbm>> -> memref<128x128xf32, #tpu.memory_space<hbm>>
        %dma_start3A_36 = arith.constant 0 : i32
        %dma_start3A_37 = tpu.memref_slice %arg6[%mul3A_33, %dma_start3A_36] : memref<320000x128xf32, #tpu.memory_space<hbm>> -> memref<128x128xf32, #tpu.memory_space<hbm>>
        tpu.enqueue_dma source(%arg8 : memref<128x128xf32, #tpu.memory_space<vmem>>) target(%dma_start3A_37 : memref<128x128xf32, #tpu.memory_space<hbm>>) target_semaphore(%run_scoped3A : memref<!tpu.dma_semaphore, #tpu.memory_space<semaphore_mem>>)
        %dma_wait3A_38 = arith.constant 0 : i32
        %dma_wait3A_39 = tpu.memref_slice %arg6[%mul3A_33, %dma_wait3A_38] : memref<320000x128xf32, #tpu.memory_space<hbm>> -> memref<128x128xf32, #tpu.memory_space<hbm>>
        %dma_wait3A_40 = arith.constant 0 : i32
        %dma_wait3A_41 = tpu.memref_slice %arg6[%mul3A_33, %dma_wait3A_40] : memref<320000x128xf32, #tpu.memory_space<hbm>> -> memref<128x128xf32, #tpu.memory_space<hbm>>
        tpu.wait_dma2 semaphore(%run_scoped3A : memref<!tpu.dma_semaphore, #tpu.memory_space<semaphore_mem>>) src(%arg8 : memref<128x128xf32, #tpu.memory_space<vmem>>) dst(%dma_wait3A_41 : memref<128x128xf32, #tpu.memory_space<hbm>>)
        tpu.yield
      }) : () -> ()
    }
    return
  }
}

module attributes {stable_mosaic.version = 14 : i64} {
  func.func @body(%arg0: i32, %arg1: memref<2000x128xf32, #tpu.memory_space<vmem>>, %arg2: memref<128x128xf32, #tpu.memory_space<vmem>>, %arg3: memref<1x128xf32, #tpu.memory_space<vmem>>, %arg4: memref<2000x128xf32, #tpu.memory_space<vmem>>, %arg5: memref<2x128xf32, #tpu.memory_space<vmem>>) attributes {dimension_semantics = [#tpu.dimension_semantics<arbitrary>], iteration_bounds = array<i64: 5>, scalar_prefetch = 0 : i64, scratch_operands = 0 : i64, tpu.core_type = #tpu.core_type<tc>, window_params = [{transform_indices = @transform_0, window_bounds = array<i64: 2000, 128>}, {pipeline_mode = #tpu.pipeline_mode<synchronous>, transform_indices = @transform_1, window_bounds = array<i64: 128, 128>}, {pipeline_mode = #tpu.pipeline_mode<synchronous>, transform_indices = @transform_2, window_bounds = array<i64: 1, 128>}, {transform_indices = @transform_3, window_bounds = array<i64: 2000, 128>}, {pipeline_mode = #tpu.pipeline_mode<synchronous>, transform_indices = @transform_4, window_bounds = array<i64: 2, 128>}]} {
    %get3A = arith.constant 0 : index
    %get3A_0 = arith.constant 0 : index
    %get3A_1 = vector.load %arg1[%get3A, %get3A_0] : memref<2000x128xf32, #tpu.memory_space<vmem>>, vector<2000x128xf32>
    %get3A_2 = arith.constant 0 : index
    %get3A_3 = arith.constant 0 : index
    %get3A_4 = vector.load %arg2[%get3A_2, %get3A_3] : memref<128x128xf32, #tpu.memory_space<vmem>>, vector<128x128xf32>
    %dot_general3A = arith.constant dense<0.000000e+00> : vector<2000x128xf32>
    %dot_general3A_5 = tpu.matmul %get3A_1, %get3A_4, %dot_general3A {dimension_numbers = #tpu.dot_dimension_numbers<[1], [0], [0], [1], [0, 0, 1, 1], [], []>, transpose_lhs_hint = false} : vector<2000x128xf32>, vector<128x128xf32>, vector<2000x128xf32> -> vector<2000x128xf32>
    %get3A_6 = arith.constant 0 : index
    %get3A_7 = arith.constant 0 : index
    %get3A_8 = vector.load %arg3[%get3A_6, %get3A_7] : memref<1x128xf32, #tpu.memory_space<vmem>>, vector<1x128xf32>
    %add3A = vector.broadcast %get3A_8 : vector<1x128xf32> to vector<2000x128xf32>
    %add3A_9 = arith.addf %dot_general3A_5, %add3A : vector<2000x128xf32>
    %max3A = arith.constant 0.000000e+00 : f32
    %max3A_10 = vector.broadcast %max3A : f32 to vector<2000x128xf32>
    %max3A_11 = arith.maximumf %add3A_9, %max3A_10 : vector<2000x128xf32>
    %swap3A = arith.constant 0 : index
    %swap3A_12 = arith.constant 0 : index
    %swap3A_13 = vector.load %arg4[%swap3A, %swap3A_12] : memref<2000x128xf32, #tpu.memory_space<vmem>>, vector<2000x128xf32>
    tpu.vector_store %arg4[%swap3A, %swap3A_12], %max3A_11 {strides = array<i32>} : memref<2000x128xf32, #tpu.memory_space<vmem>>, vector<2000x128xf32>,
    %reduce_sum3A = arith.constant dense<0.000000e+00> : vector<128xf32>
    %reduce_sum3A_14 = vector.multi_reduction <add>, %max3A_11, %reduce_sum3A [0] : vector<2000x128xf32> to vector<128xf32>
    %broadcast_in_dim3A = vector.shape_cast %reduce_sum3A_14 : vector<128xf32> to vector<1x128xf32>
    %mul3A = arith.mulf %max3A_11, %max3A_11 : vector<2000x128xf32>
    %reduce_sum3A_15 = arith.constant dense<0.000000e+00> : vector<128xf32>
    %reduce_sum3A_16 = vector.multi_reduction <add>, %mul3A, %reduce_sum3A_15 [0] : vector<2000x128xf32> to vector<128xf32>
    %broadcast_in_dim3A_17 = vector.shape_cast %reduce_sum3A_16 : vector<128xf32> to vector<1x128xf32>
    %concatenate3A = tpu.concatenate %broadcast_in_dim3A, %broadcast_in_dim3A_17 in 0 : vector<1x128xf32>, vector<1x128xf32> -> vector<2x128xf32>
    %eq3A = arith.constant 0 : i32
    %eq3A_18 = arith.cmpi eq, %arg0, %eq3A : i32
    %convert_element_type3A = arith.extui %eq3A_18 : i1 to i32
    %cond3A = arith.constant 0 : i32
    %cond3A_19 = arith.cmpi ne, %convert_element_type3A, %cond3A : i32
    scf.if %cond3A_19 {
      %swap3A_24 = arith.constant 0 : index
      %swap3A_25 = arith.constant 0 : index
      %swap3A_26 = vector.load %arg5[%swap3A_24, %swap3A_25] : memref<2x128xf32, #tpu.memory_space<vmem>>, vector<2x128xf32>
      tpu.vector_store %arg5[%swap3A_24, %swap3A_25], %concatenate3A {strides = array<i32>} : memref<2x128xf32, #tpu.memory_space<vmem>>, vector<2x128xf32>,
    } else {
    }
    %gt3A = arith.constant 0 : i32
    %gt3A_20 = arith.cmpi sgt, %arg0, %gt3A : i32
    %convert_element_type3A_21 = arith.extui %gt3A_20 : i1 to i32
    %cond3A_22 = arith.constant 0 : i32
    %cond3A_23 = arith.cmpi ne, %convert_element_type3A_21, %cond3A_22 : i32
    scf.if %cond3A_23 {
      %get3A_24 = arith.constant 0 : index
      %get3A_25 = arith.constant 0 : index
      %get3A_26 = vector.load %arg5[%get3A_24, %get3A_25] : memref<2x128xf32, #tpu.memory_space<vmem>>, vector<2x128xf32>
      %add3A_27 = arith.addf %get3A_26, %concatenate3A : vector<2x128xf32>
      %swap3A_28 = arith.constant 0 : index
      %swap3A_29 = arith.constant 0 : index
      %swap3A_30 = vector.load %arg5[%swap3A_28, %swap3A_29] : memref<2x128xf32, #tpu.memory_space<vmem>>, vector<2x128xf32>
      tpu.vector_store %arg5[%swap3A_28, %swap3A_29], %add3A_27 {strides = array<i32>} : memref<2x128xf32, #tpu.memory_space<vmem>>, vector<2x128xf32>,
    } else {
    }
    return
  }
  func.func @transform_0(%arg0: i32) -> (i32, i32) {
    %c0_i32 = arith.constant 0 : i32
    %c0_i32_0 = arith.constant 0 : i32
    return %arg0, %c0_i32 : i32, i32
  }
  func.func @transform_1(%arg0: i32) -> (i32, i32) {
    %c0_i32 = arith.constant 0 : i32
    %c0_i32_0 = arith.constant 0 : i32
    %c0_i32_1 = arith.constant 0 : i32
    return %c0_i32, %c0_i32_0 : i32, i32
  }
  func.func @transform_2(%arg0: i32) -> (i32, i32) {
    %c0_i32 = arith.constant 0 : i32
    %c0_i32_0 = arith.constant 0 : i32
    %c0_i32_1 = arith.constant 0 : i32
    return %c0_i32, %c0_i32_0 : i32, i32
  }
  func.func @transform_3(%arg0: i32) -> (i32, i32) {
    %c0_i32 = arith.constant 0 : i32
    %c0_i32_0 = arith.constant 0 : i32
    return %arg0, %c0_i32 : i32, i32
  }
  func.func @transform_4(%arg0: i32) -> (i32, i32) {
    %c0_i32 = arith.constant 0 : i32
    %c0_i32_0 = arith.constant 0 : i32
    %c0_i32_1 = arith.constant 0 : i32
    return %c0_i32, %c0_i32_0 : i32, i32
  }
}

module attributes {stable_mosaic.version = 14 : i64} {
  func.func @body(%arg0: i32, %arg1: memref<2000x128xf32, #tpu.memory_space<vmem>>, %arg2: memref<1x128xf32, #tpu.memory_space<vmem>>, %arg3: memref<1x128xf32, #tpu.memory_space<vmem>>, %arg4: memref<128x128xf32, #tpu.memory_space<vmem>>, %arg5: memref<1x128xf32, #tpu.memory_space<vmem>>, %arg6: memref<2000x128xf32, #tpu.memory_space<vmem>>) attributes {dimension_semantics = [#tpu.dimension_semantics<arbitrary>], iteration_bounds = array<i64: 5>, scalar_prefetch = 0 : i64, scratch_operands = 0 : i64, tpu.core_type = #tpu.core_type<tc>, window_params = [{transform_indices = @transform_0, window_bounds = array<i64: 2000, 128>}, {pipeline_mode = #tpu.pipeline_mode<synchronous>, transform_indices = @transform_1, window_bounds = array<i64: 1, 128>}, {pipeline_mode = #tpu.pipeline_mode<synchronous>, transform_indices = @transform_2, window_bounds = array<i64: 1, 128>}, {pipeline_mode = #tpu.pipeline_mode<synchronous>, transform_indices = @transform_3, window_bounds = array<i64: 128, 128>}, {pipeline_mode = #tpu.pipeline_mode<synchronous>, transform_indices = @transform_4, window_bounds = array<i64: 1, 128>}, {transform_indices = @transform_5, window_bounds = array<i64: 2000, 128>}]} {
    %get3A = arith.constant 0 : index
    %get3A_0 = arith.constant 0 : index
    %get3A_1 = vector.load %arg2[%get3A, %get3A_0] : memref<1x128xf32, #tpu.memory_space<vmem>>, vector<1x128xf32>
    %get3A_2 = arith.constant 0 : index
    %get3A_3 = arith.constant 0 : index
    %get3A_4 = vector.load %arg1[%get3A_2, %get3A_3] : memref<2000x128xf32, #tpu.memory_space<vmem>>, vector<2000x128xf32>
    %mul3A = vector.broadcast %get3A_1 : vector<1x128xf32> to vector<2000x128xf32>
    %mul3A_5 = arith.mulf %mul3A, %get3A_4 : vector<2000x128xf32>
    %get3A_6 = arith.constant 0 : index
    %get3A_7 = arith.constant 0 : index
    %get3A_8 = vector.load %arg3[%get3A_6, %get3A_7] : memref<1x128xf32, #tpu.memory_space<vmem>>, vector<1x128xf32>
    %add3A = vector.broadcast %get3A_8 : vector<1x128xf32> to vector<2000x128xf32>
    %add3A_9 = arith.addf %mul3A_5, %add3A : vector<2000x128xf32>
    %get3A_10 = arith.constant 0 : index
    %get3A_11 = arith.constant 0 : index
    %get3A_12 = vector.load %arg4[%get3A_10, %get3A_11] : memref<128x128xf32, #tpu.memory_space<vmem>>, vector<128x128xf32>
    %dot_general3A = arith.constant dense<0.000000e+00> : vector<2000x128xf32>
    %dot_general3A_13 = tpu.matmul %add3A_9, %get3A_12, %dot_general3A {dimension_numbers = #tpu.dot_dimension_numbers<[1], [0], [0], [1], [0, 0, 1, 1], [], []>, transpose_lhs_hint = false} : vector<2000x128xf32>, vector<128x128xf32>, vector<2000x128xf32> -> vector<2000x128xf32>
    %get3A_14 = arith.constant 0 : index
    %get3A_15 = arith.constant 0 : index
    %get3A_16 = vector.load %arg5[%get3A_14, %get3A_15] : memref<1x128xf32, #tpu.memory_space<vmem>>, vector<1x128xf32>
    %add3A_17 = vector.broadcast %get3A_16 : vector<1x128xf32> to vector<2000x128xf32>
    %add3A_18 = arith.addf %dot_general3A_13, %add3A_17 : vector<2000x128xf32>
    %swap3A = arith.constant 0 : index
    %swap3A_19 = arith.constant 0 : index
    %swap3A_20 = vector.load %arg6[%swap3A, %swap3A_19] : memref<2000x128xf32, #tpu.memory_space<vmem>>, vector<2000x128xf32>
    tpu.vector_store %arg6[%swap3A, %swap3A_19], %add3A_18 {strides = array<i32>} : memref<2000x128xf32, #tpu.memory_space<vmem>>, vector<2000x128xf32>,
    return
  }
  func.func @transform_0(%arg0: i32) -> (i32, i32) {
    %c0_i32 = arith.constant 0 : i32
    %c0_i32_0 = arith.constant 0 : i32
    return %arg0, %c0_i32 : i32, i32
  }
  func.func @transform_1(%arg0: i32) -> (i32, i32) {
    %c0_i32 = arith.constant 0 : i32
    %c0_i32_0 = arith.constant 0 : i32
    %c0_i32_1 = arith.constant 0 : i32
    return %c0_i32, %c0_i32_0 : i32, i32
  }
  func.func @transform_2(%arg0: i32) -> (i32, i32) {
    %c0_i32 = arith.constant 0 : i32
    %c0_i32_0 = arith.constant 0 : i32
    %c0_i32_1 = arith.constant 0 : i32
    return %c0_i32, %c0_i32_0 : i32, i32
  }
  func.func @transform_3(%arg0: i32) -> (i32, i32) {
    %c0_i32 = arith.constant 0 : i32
    %c0_i32_0 = arith.constant 0 : i32
    %c0_i32_1 = arith.constant 0 : i32
    return %c0_i32, %c0_i32_0 : i32, i32
  }
  func.func @transform_4(%arg0: i32) -> (i32, i32) {
    %c0_i32 = arith.constant 0 : i32
    %c0_i32_0 = arith.constant 0 : i32
    %c0_i32_1 = arith.constant 0 : i32
    return %c0_i32, %c0_i32_0 : i32, i32
  }
  func.func @transform_5(%arg0: i32) -> (i32, i32) {
    %c0_i32 = arith.constant 0 : i32
    %c0_i32_0 = arith.constant 0 : i32
    return %arg0, %c0_i32 : i32, i32
  }
}

module attributes {stable_mosaic.version = 14 : i64} {
  func.func @body(%arg0: i32, %arg1: memref<2560x16xf32, #tpu.memory_space<vmem>>, %arg2: memref<16x128xf32, #tpu.memory_space<vmem>>, %arg3: memref<1x128xf32, #tpu.memory_space<vmem>>, %arg4: memref<2560x128xf32, #tpu.memory_space<vmem>>, %arg5: memref<2x128xf32, #tpu.memory_space<vmem>>) attributes {dimension_semantics = [#tpu.dimension_semantics<arbitrary>], iteration_bounds = array<i64: 125>, scalar_prefetch = 0 : i64, scratch_operands = 0 : i64, tpu.core_type = #tpu.core_type<tc>, window_params = [{transform_indices = @transform_0, window_bounds = array<i64: 2560, 16>}, {pipeline_mode = #tpu.pipeline_mode<synchronous>, transform_indices = @transform_1, window_bounds = array<i64: 16, 128>}, {pipeline_mode = #tpu.pipeline_mode<synchronous>, transform_indices = @transform_2, window_bounds = array<i64: 1, 128>}, {transform_indices = @transform_3, window_bounds = array<i64: 2560, 128>}, {pipeline_mode = #tpu.pipeline_mode<synchronous>, transform_indices = @transform_4, window_bounds = array<i64: 2, 128>}]} {
    %get3A = arith.constant 0 : index
    %get3A_0 = arith.constant 0 : index
    %get3A_1 = vector.load %arg1[%get3A, %get3A_0] : memref<2560x16xf32, #tpu.memory_space<vmem>>, vector<2560x16xf32>
    %get3A_2 = arith.constant 0 : index
    %get3A_3 = arith.constant 0 : index
    %get3A_4 = vector.load %arg2[%get3A_2, %get3A_3] : memref<16x128xf32, #tpu.memory_space<vmem>>, vector<16x128xf32>
    %dot_general3A = arith.constant dense<0.000000e+00> : vector<2560x128xf32>
    %dot_general3A_5 = tpu.matmul %get3A_1, %get3A_4, %dot_general3A {dimension_numbers = #tpu.dot_dimension_numbers<[1], [0], [0], [1], [0, 0, 1, 1], [], []>, transpose_lhs_hint = false} : vector<2560x16xf32>, vector<16x128xf32>, vector<2560x128xf32> -> vector<2560x128xf32>
    %get3A_6 = arith.constant 0 : index
    %get3A_7 = arith.constant 0 : index
    %get3A_8 = vector.load %arg3[%get3A_6, %get3A_7] : memref<1x128xf32, #tpu.memory_space<vmem>>, vector<1x128xf32>
    %add3A = vector.broadcast %get3A_8 : vector<1x128xf32> to vector<2560x128xf32>
    %add3A_9 = arith.addf %dot_general3A_5, %add3A : vector<2560x128xf32>
    %max3A = arith.constant 0.000000e+00 : f32
    %max3A_10 = vector.broadcast %max3A : f32 to vector<2560x128xf32>
    %max3A_11 = arith.maximumf %add3A_9, %max3A_10 : vector<2560x128xf32>
    %swap3A = arith.constant 0 : index
    %swap3A_12 = arith.constant 0 : index
    %swap3A_13 = vector.load %arg4[%swap3A, %swap3A_12] : memref<2560x128xf32, #tpu.memory_space<vmem>>, vector<2560x128xf32>
    tpu.vector_store %arg4[%swap3A, %swap3A_12], %max3A_11 {strides = array<i32>} : memref<2560x128xf32, #tpu.memory_space<vmem>>, vector<2560x128xf32>,
    %reduce_sum3A = arith.constant dense<0.000000e+00> : vector<128xf32>
    %reduce_sum3A_14 = vector.multi_reduction <add>, %max3A_11, %reduce_sum3A [0] : vector<2560x128xf32> to vector<128xf32>
    %broadcast_in_dim3A = vector.shape_cast %reduce_sum3A_14 : vector<128xf32> to vector<1x128xf32>
    %mul3A = arith.mulf %max3A_11, %max3A_11 : vector<2560x128xf32>
    %reduce_sum3A_15 = arith.constant dense<0.000000e+00> : vector<128xf32>
    %reduce_sum3A_16 = vector.multi_reduction <add>, %mul3A, %reduce_sum3A_15 [0] : vector<2560x128xf32> to vector<128xf32>
    %broadcast_in_dim3A_17 = vector.shape_cast %reduce_sum3A_16 : vector<128xf32> to vector<1x128xf32>
    %concatenate3A = tpu.concatenate %broadcast_in_dim3A, %broadcast_in_dim3A_17 in 0 : vector<1x128xf32>, vector<1x128xf32> -> vector<2x128xf32>
    %eq3A = arith.constant 0 : i32
    %eq3A_18 = arith.cmpi eq, %arg0, %eq3A : i32
    %convert_element_type3A = arith.extui %eq3A_18 : i1 to i32
    %cond3A = arith.constant 0 : i32
    %cond3A_19 = arith.cmpi ne, %convert_element_type3A, %cond3A : i32
    scf.if %cond3A_19 {
      %swap3A_24 = arith.constant 0 : index
      %swap3A_25 = arith.constant 0 : index
      %swap3A_26 = vector.load %arg5[%swap3A_24, %swap3A_25] : memref<2x128xf32, #tpu.memory_space<vmem>>, vector<2x128xf32>
      tpu.vector_store %arg5[%swap3A_24, %swap3A_25], %concatenate3A {strides = array<i32>} : memref<2x128xf32, #tpu.memory_space<vmem>>, vector<2x128xf32>,
    } else {
    }
    %gt3A = arith.constant 0 : i32
    %gt3A_20 = arith.cmpi sgt, %arg0, %gt3A : i32
    %convert_element_type3A_21 = arith.extui %gt3A_20 : i1 to i32
    %cond3A_22 = arith.constant 0 : i32
    %cond3A_23 = arith.cmpi ne, %convert_element_type3A_21, %cond3A_22 : i32
    scf.if %cond3A_23 {
      %get3A_24 = arith.constant 0 : index
      %get3A_25 = arith.constant 0 : index
      %get3A_26 = vector.load %arg5[%get3A_24, %get3A_25] : memref<2x128xf32, #tpu.memory_space<vmem>>, vector<2x128xf32>
      %add3A_27 = arith.addf %get3A_26, %concatenate3A : vector<2x128xf32>
      %swap3A_28 = arith.constant 0 : index
      %swap3A_29 = arith.constant 0 : index
      %swap3A_30 = vector.load %arg5[%swap3A_28, %swap3A_29] : memref<2x128xf32, #tpu.memory_space<vmem>>, vector<2x128xf32>
      tpu.vector_store %arg5[%swap3A_28, %swap3A_29], %add3A_27 {strides = array<i32>} : memref<2x128xf32, #tpu.memory_space<vmem>>, vector<2x128xf32>,
    } else {
    }
    return
  }
  func.func @transform_0(%arg0: i32) -> (i32, i32) {
    %c0_i32 = arith.constant 0 : i32
    %c0_i32_0 = arith.constant 0 : i32
    return %arg0, %c0_i32 : i32, i32
  }
  func.func @transform_1(%arg0: i32) -> (i32, i32) {
    %c0_i32 = arith.constant 0 : i32
    %c0_i32_0 = arith.constant 0 : i32
    %c0_i32_1 = arith.constant 0 : i32
    return %c0_i32, %c0_i32_0 : i32, i32
  }
  func.func @transform_2(%arg0: i32) -> (i32, i32) {
    %c0_i32 = arith.constant 0 : i32
    %c0_i32_0 = arith.constant 0 : i32
    %c0_i32_1 = arith.constant 0 : i32
    return %c0_i32, %c0_i32_0 : i32, i32
  }
  func.func @transform_3(%arg0: i32) -> (i32, i32) {
    %c0_i32 = arith.constant 0 : i32
    %c0_i32_0 = arith.constant 0 : i32
    return %arg0, %c0_i32 : i32, i32
  }
  func.func @transform_4(%arg0: i32) -> (i32, i32) {
    %c0_i32 = arith.constant 0 : i32
    %c0_i32_0 = arith.constant 0 : i32
    %c0_i32_1 = arith.constant 0 : i32
    return %c0_i32, %c0_i32_0 : i32, i32
  }
}

module attributes {stable_mosaic.version = 14 : i64} {
  func.func @body(%arg0: i32, %arg1: memref<2560x128xf32, #tpu.memory_space<vmem>>, %arg2: memref<2560x128xf32, #tpu.memory_space<vmem>>, %arg3: memref<2560x128xf32, #tpu.memory_space<vmem>>, %arg4: memref<1x128xf32, #tpu.memory_space<vmem>>, %arg5: memref<1x128xf32, #tpu.memory_space<vmem>>, %arg6: memref<128x128xf32, #tpu.memory_space<vmem>>, %arg7: memref<128x128xf32, #tpu.memory_space<vmem>>, %arg8: memref<128x128xf32, #tpu.memory_space<vmem>>, %arg9: memref<1x128xf32, #tpu.memory_space<vmem>>, %arg10: memref<2560x128xf32, #tpu.memory_space<vmem>>, %arg11: memref<2x128xf32, #tpu.memory_space<vmem>>) attributes {dimension_semantics = [#tpu.dimension_semantics<arbitrary>], iteration_bounds = array<i64: 125>, scalar_prefetch = 0 : i64, scratch_operands = 0 : i64, tpu.core_type = #tpu.core_type<tc>, window_params = [{transform_indices = @transform_0, window_bounds = array<i64: 2560, 128>}, {transform_indices = @transform_1, window_bounds = array<i64: 2560, 128>}, {transform_indices = @transform_2, window_bounds = array<i64: 2560, 128>}, {pipeline_mode = #tpu.pipeline_mode<synchronous>, transform_indices = @transform_3, window_bounds = array<i64: 1, 128>}, {pipeline_mode = #tpu.pipeline_mode<synchronous>, transform_indices = @transform_4, window_bounds = array<i64: 1, 128>}, {pipeline_mode = #tpu.pipeline_mode<synchronous>, transform_indices = @transform_5, window_bounds = array<i64: 128, 128>}, {pipeline_mode = #tpu.pipeline_mode<synchronous>, transform_indices = @transform_6, window_bounds = array<i64: 128, 128>}, {pipeline_mode = #tpu.pipeline_mode<synchronous>, transform_indices = @transform_7, window_bounds = array<i64: 128, 128>}, {pipeline_mode = #tpu.pipeline_mode<synchronous>, transform_indices = @transform_8, window_bounds = array<i64: 1, 128>}, {transform_indices = @transform_9, window_bounds = array<i64: 2560, 128>}, {pipeline_mode = #tpu.pipeline_mode<synchronous>, transform_indices = @transform_10, window_bounds = array<i64: 2, 128>}]} {
    %get3A = arith.constant 0 : index
    %get3A_0 = arith.constant 0 : index
    %get3A_1 = vector.load %arg4[%get3A, %get3A_0] : memref<1x128xf32, #tpu.memory_space<vmem>>, vector<1x128xf32>
    %get3A_2 = arith.constant 0 : index
    %get3A_3 = arith.constant 0 : index
    %get3A_4 = vector.load %arg3[%get3A_2, %get3A_3] : memref<2560x128xf32, #tpu.memory_space<vmem>>, vector<2560x128xf32>
    %mul3A = vector.broadcast %get3A_1 : vector<1x128xf32> to vector<2560x128xf32>
    %mul3A_5 = arith.mulf %mul3A, %get3A_4 : vector<2560x128xf32>
    %get3A_6 = arith.constant 0 : index
    %get3A_7 = arith.constant 0 : index
    %get3A_8 = vector.load %arg5[%get3A_6, %get3A_7] : memref<1x128xf32, #tpu.memory_space<vmem>>, vector<1x128xf32>
    %add3A = vector.broadcast %get3A_8 : vector<1x128xf32> to vector<2560x128xf32>
    %add3A_9 = arith.addf %mul3A_5, %add3A : vector<2560x128xf32>
    %get3A_10 = arith.constant 0 : index
    %get3A_11 = arith.constant 0 : index
    %get3A_12 = vector.load %arg1[%get3A_10, %get3A_11] : memref<2560x128xf32, #tpu.memory_space<vmem>>, vector<2560x128xf32>
    %get3A_13 = arith.constant 0 : index
    %get3A_14 = arith.constant 0 : index
    %get3A_15 = vector.load %arg6[%get3A_13, %get3A_14] : memref<128x128xf32, #tpu.memory_space<vmem>>, vector<128x128xf32>
    %dot_general3A = arith.constant dense<0.000000e+00> : vector<2560x128xf32>
    %dot_general3A_16 = tpu.matmul %get3A_12, %get3A_15, %dot_general3A {dimension_numbers = #tpu.dot_dimension_numbers<[1], [0], [0], [1], [0, 0, 1, 1], [], []>, transpose_lhs_hint = false} : vector<2560x128xf32>, vector<128x128xf32>, vector<2560x128xf32> -> vector<2560x128xf32>
    %get3A_17 = arith.constant 0 : index
    %get3A_18 = arith.constant 0 : index
    %get3A_19 = vector.load %arg2[%get3A_17, %get3A_18] : memref<2560x128xf32, #tpu.memory_space<vmem>>, vector<2560x128xf32>
    %get3A_20 = arith.constant 0 : index
    %get3A_21 = arith.constant 0 : index
    %get3A_22 = vector.load %arg7[%get3A_20, %get3A_21] : memref<128x128xf32, #tpu.memory_space<vmem>>, vector<128x128xf32>
    %dot_general3A_23 = arith.constant dense<0.000000e+00> : vector<2560x128xf32>
    %dot_general3A_24 = tpu.matmul %get3A_19, %get3A_22, %dot_general3A_23 {dimension_numbers = #tpu.dot_dimension_numbers<[1], [0], [0], [1], [0, 0, 1, 1], [], []>, transpose_lhs_hint = false} : vector<2560x128xf32>, vector<128x128xf32>, vector<2560x128xf32> -> vector<2560x128xf32>
    %add3A_25 = arith.addf %dot_general3A_16, %dot_general3A_24 : vector<2560x128xf32>
    %get3A_26 = arith.constant 0 : index
    %get3A_27 = arith.constant 0 : index
    %get3A_28 = vector.load %arg8[%get3A_26, %get3A_27] : memref<128x128xf32, #tpu.memory_space<vmem>>, vector<128x128xf32>
    %dot_general3A_29 = arith.constant dense<0.000000e+00> : vector<2560x128xf32>
    %dot_general3A_30 = tpu.matmul %add3A_9, %get3A_28, %dot_general3A_29 {dimension_numbers = #tpu.dot_dimension_numbers<[1], [0], [0], [1], [0, 0, 1, 1], [], []>, transpose_lhs_hint = false} : vector<2560x128xf32>, vector<128x128xf32>, vector<2560x128xf32> -> vector<2560x128xf32>
    %add3A_31 = arith.addf %add3A_25, %dot_general3A_30 : vector<2560x128xf32>
    %get3A_32 = arith.constant 0 : index
    %get3A_33 = arith.constant 0 : index
    %get3A_34 = vector.load %arg9[%get3A_32, %get3A_33] : memref<1x128xf32, #tpu.memory_space<vmem>>, vector<1x128xf32>
    %add3A_35 = vector.broadcast %get3A_34 : vector<1x128xf32> to vector<2560x128xf32>
    %add3A_36 = arith.addf %add3A_31, %add3A_35 : vector<2560x128xf32>
    %max3A = arith.constant 0.000000e+00 : f32
    %max3A_37 = vector.broadcast %max3A : f32 to vector<2560x128xf32>
    %max3A_38 = arith.maximumf %add3A_36, %max3A_37 : vector<2560x128xf32>
    %swap3A = arith.constant 0 : index
    %swap3A_39 = arith.constant 0 : index
    %swap3A_40 = vector.load %arg10[%swap3A, %swap3A_39] : memref<2560x128xf32, #tpu.memory_space<vmem>>, vector<2560x128xf32>
    tpu.vector_store %arg10[%swap3A, %swap3A_39], %max3A_38 {strides = array<i32>} : memref<2560x128xf32, #tpu.memory_space<vmem>>, vector<2560x128xf32>,
    %reduce_sum3A = arith.constant dense<0.000000e+00> : vector<128xf32>
    %reduce_sum3A_41 = vector.multi_reduction <add>, %max3A_38, %reduce_sum3A [0] : vector<2560x128xf32> to vector<128xf32>
    %broadcast_in_dim3A = vector.shape_cast %reduce_sum3A_41 : vector<128xf32> to vector<1x128xf32>
    %mul3A_42 = arith.mulf %max3A_38, %max3A_38 : vector<2560x128xf32>
    %reduce_sum3A_43 = arith.constant dense<0.000000e+00> : vector<128xf32>
    %reduce_sum3A_44 = vector.multi_reduction <add>, %mul3A_42, %reduce_sum3A_43 [0] : vector<2560x128xf32> to vector<128xf32>
    %broadcast_in_dim3A_45 = vector.shape_cast %reduce_sum3A_44 : vector<128xf32> to vector<1x128xf32>
    %concatenate3A = tpu.concatenate %broadcast_in_dim3A, %broadcast_in_dim3A_45 in 0 : vector<1x128xf32>, vector<1x128xf32> -> vector<2x128xf32>
    %eq3A = arith.constant 0 : i32
    %eq3A_46 = arith.cmpi eq, %arg0, %eq3A : i32
    %convert_element_type3A = arith.extui %eq3A_46 : i1 to i32
    %cond3A = arith.constant 0 : i32
    %cond3A_47 = arith.cmpi ne, %convert_element_type3A, %cond3A : i32
    scf.if %cond3A_47 {
      %swap3A_52 = arith.constant 0 : index
      %swap3A_53 = arith.constant 0 : index
      %swap3A_54 = vector.load %arg11[%swap3A_52, %swap3A_53] : memref<2x128xf32, #tpu.memory_space<vmem>>, vector<2x128xf32>
      tpu.vector_store %arg11[%swap3A_52, %swap3A_53], %concatenate3A {strides = array<i32>} : memref<2x128xf32, #tpu.memory_space<vmem>>, vector<2x128xf32>,
    } else {
    }
    %gt3A = arith.constant 0 : i32
    %gt3A_48 = arith.cmpi sgt, %arg0, %gt3A : i32
    %convert_element_type3A_49 = arith.extui %gt3A_48 : i1 to i32
    %cond3A_50 = arith.constant 0 : i32
    %cond3A_51 = arith.cmpi ne, %convert_element_type3A_49, %cond3A_50 : i32
    scf.if %cond3A_51 {
      %get3A_52 = arith.constant 0 : index
      %get3A_53 = arith.constant 0 : index
      %get3A_54 = vector.load %arg11[%get3A_52, %get3A_53] : memref<2x128xf32, #tpu.memory_space<vmem>>, vector<2x128xf32>
      %add3A_55 = arith.addf %get3A_54, %concatenate3A : vector<2x128xf32>
      %swap3A_56 = arith.constant 0 : index
      %swap3A_57 = arith.constant 0 : index
      %swap3A_58 = vector.load %arg11[%swap3A_56, %swap3A_57] : memref<2x128xf32, #tpu.memory_space<vmem>>, vector<2x128xf32>
      tpu.vector_store %arg11[%swap3A_56, %swap3A_57], %add3A_55 {strides = array<i32>} : memref<2x128xf32, #tpu.memory_space<vmem>>, vector<2x128xf32>,
    } else {
    }
    return
  }
  func.func @transform_0(%arg0: i32) -> (i32, i32) {
    %c0_i32 = arith.constant 0 : i32
    %c0_i32_0 = arith.constant 0 : i32
    return %arg0, %c0_i32 : i32, i32
  }
  func.func @transform_1(%arg0: i32) -> (i32, i32) {
    %c0_i32 = arith.constant 0 : i32
    %c0_i32_0 = arith.constant 0 : i32
    return %arg0, %c0_i32 : i32, i32
  }
  func.func @transform_2(%arg0: i32) -> (i32, i32) {
    %c0_i32 = arith.constant 0 : i32
    %c0_i32_0 = arith.constant 0 : i32
    return %arg0, %c0_i32 : i32, i32
  }
  func.func @transform_3(%arg0: i32) -> (i32, i32) {
    %c0_i32 = arith.constant 0 : i32
    %c0_i32_0 = arith.constant 0 : i32
    %c0_i32_1 = arith.constant 0 : i32
    return %c0_i32, %c0_i32_0 : i32, i32
  }
  func.func @transform_4(%arg0: i32) -> (i32, i32) {
    %c0_i32 = arith.constant 0 : i32
    %c0_i32_0 = arith.constant 0 : i32
    %c0_i32_1 = arith.constant 0 : i32
    return %c0_i32, %c0_i32_0 : i32, i32
  }
  func.func @transform_5(%arg0: i32) -> (i32, i32) {
    %c0_i32 = arith.constant 0 : i32
    %c0_i32_0 = arith.constant 0 : i32
    %c0_i32_1 = arith.constant 0 : i32
    return %c0_i32, %c0_i32_0 : i32, i32
  }
  func.func @transform_6(%arg0: i32) -> (i32, i32) {
    %c0_i32 = arith.constant 0 : i32
    %c0_i32_0 = arith.constant 0 : i32
    %c0_i32_1 = arith.constant 0 : i32
    return %c0_i32, %c0_i32_0 : i32, i32
  }
  func.func @transform_7(%arg0: i32) -> (i32, i32) {
    %c0_i32 = arith.constant 0 : i32
    %c0_i32_0 = arith.constant 0 : i32
    %c0_i32_1 = arith.constant 0 : i32
    return %c0_i32, %c0_i32_0 : i32, i32
  }
  func.func @transform_8(%arg0: i32) -> (i32, i32) {
    %c0_i32 = arith.constant 0 : i32
    %c0_i32_0 = arith.constant 0 : i32
    %c0_i32_1 = arith.constant 0 : i32
    return %c0_i32, %c0_i32_0 : i32, i32
  }
  func.func @transform_9(%arg0: i32) -> (i32, i32) {
    %c0_i32 = arith.constant 0 : i32
    %c0_i32_0 = arith.constant 0 : i32
    return %arg0, %c0_i32 : i32, i32
  }
  func.func @transform_10(%arg0: i32) -> (i32, i32) {
    %c0_i32 = arith.constant 0 : i32
    %c0_i32_0 = arith.constant 0 : i32
    %c0_i32_1 = arith.constant 0 : i32
    return %c0_i32, %c0_i32_0 : i32, i32
  }
}

module attributes {stable_mosaic.version = 14 : i64} {
  func.func @body(%arg0: i32, %arg1: memref<2560x128xf32, #tpu.memory_space<vmem>>, %arg2: memref<2560x128xf32, #tpu.memory_space<vmem>>, %arg3: memref<1x128xf32, #tpu.memory_space<vmem>>, %arg4: memref<1x128xf32, #tpu.memory_space<vmem>>, %arg5: memref<128x128xf32, #tpu.memory_space<vmem>>, %arg6: memref<128x128xf32, #tpu.memory_space<vmem>>, %arg7: memref<1x128xf32, #tpu.memory_space<vmem>>, %arg8: memref<2560x128xf32, #tpu.memory_space<vmem>>, %arg9: memref<2x128xf32, #tpu.memory_space<vmem>>) attributes {dimension_semantics = [#tpu.dimension_semantics<arbitrary>], iteration_bounds = array<i64: 125>, scalar_prefetch = 0 : i64, scratch_operands = 0 : i64, tpu.core_type = #tpu.core_type<tc>, window_params = [{transform_indices = @transform_0, window_bounds = array<i64: 2560, 128>}, {transform_indices = @transform_1, window_bounds = array<i64: 2560, 128>}, {pipeline_mode = #tpu.pipeline_mode<synchronous>, transform_indices = @transform_2, window_bounds = array<i64: 1, 128>}, {pipeline_mode = #tpu.pipeline_mode<synchronous>, transform_indices = @transform_3, window_bounds = array<i64: 1, 128>}, {pipeline_mode = #tpu.pipeline_mode<synchronous>, transform_indices = @transform_4, window_bounds = array<i64: 128, 128>}, {pipeline_mode = #tpu.pipeline_mode<synchronous>, transform_indices = @transform_5, window_bounds = array<i64: 128, 128>}, {pipeline_mode = #tpu.pipeline_mode<synchronous>, transform_indices = @transform_6, window_bounds = array<i64: 1, 128>}, {transform_indices = @transform_7, window_bounds = array<i64: 2560, 128>}, {pipeline_mode = #tpu.pipeline_mode<synchronous>, transform_indices = @transform_8, window_bounds = array<i64: 2, 128>}]} {
    %get3A = arith.constant 0 : index
    %get3A_0 = arith.constant 0 : index
    %get3A_1 = vector.load %arg3[%get3A, %get3A_0] : memref<1x128xf32, #tpu.memory_space<vmem>>, vector<1x128xf32>
    %get3A_2 = arith.constant 0 : index
    %get3A_3 = arith.constant 0 : index
    %get3A_4 = vector.load %arg2[%get3A_2, %get3A_3] : memref<2560x128xf32, #tpu.memory_space<vmem>>, vector<2560x128xf32>
    %mul3A = vector.broadcast %get3A_1 : vector<1x128xf32> to vector<2560x128xf32>
    %mul3A_5 = arith.mulf %mul3A, %get3A_4 : vector<2560x128xf32>
    %get3A_6 = arith.constant 0 : index
    %get3A_7 = arith.constant 0 : index
    %get3A_8 = vector.load %arg4[%get3A_6, %get3A_7] : memref<1x128xf32, #tpu.memory_space<vmem>>, vector<1x128xf32>
    %add3A = vector.broadcast %get3A_8 : vector<1x128xf32> to vector<2560x128xf32>
    %add3A_9 = arith.addf %mul3A_5, %add3A : vector<2560x128xf32>
    %get3A_10 = arith.constant 0 : index
    %get3A_11 = arith.constant 0 : index
    %get3A_12 = vector.load %arg1[%get3A_10, %get3A_11] : memref<2560x128xf32, #tpu.memory_space<vmem>>, vector<2560x128xf32>
    %get3A_13 = arith.constant 0 : index
    %get3A_14 = arith.constant 0 : index
    %get3A_15 = vector.load %arg5[%get3A_13, %get3A_14] : memref<128x128xf32, #tpu.memory_space<vmem>>, vector<128x128xf32>
    %dot_general3A = arith.constant dense<0.000000e+00> : vector<2560x128xf32>
    %dot_general3A_16 = tpu.matmul %get3A_12, %get3A_15, %dot_general3A {dimension_numbers = #tpu.dot_dimension_numbers<[1], [0], [0], [1], [0, 0, 1, 1], [], []>, transpose_lhs_hint = false} : vector<2560x128xf32>, vector<128x128xf32>, vector<2560x128xf32> -> vector<2560x128xf32>
    %get3A_17 = arith.constant 0 : index
    %get3A_18 = arith.constant 0 : index
    %get3A_19 = vector.load %arg6[%get3A_17, %get3A_18] : memref<128x128xf32, #tpu.memory_space<vmem>>, vector<128x128xf32>
    %dot_general3A_20 = arith.constant dense<0.000000e+00> : vector<2560x128xf32>
    %dot_general3A_21 = tpu.matmul %add3A_9, %get3A_19, %dot_general3A_20 {dimension_numbers = #tpu.dot_dimension_numbers<[1], [0], [0], [1], [0, 0, 1, 1], [], []>, transpose_lhs_hint = false} : vector<2560x128xf32>, vector<128x128xf32>, vector<2560x128xf32> -> vector<2560x128xf32>
    %add3A_22 = arith.addf %dot_general3A_16, %dot_general3A_21 : vector<2560x128xf32>
    %get3A_23 = arith.constant 0 : index
    %get3A_24 = arith.constant 0 : index
    %get3A_25 = vector.load %arg7[%get3A_23, %get3A_24] : memref<1x128xf32, #tpu.memory_space<vmem>>, vector<1x128xf32>
    %add3A_26 = vector.broadcast %get3A_25 : vector<1x128xf32> to vector<2560x128xf32>
    %add3A_27 = arith.addf %add3A_22, %add3A_26 : vector<2560x128xf32>
    %max3A = arith.constant 0.000000e+00 : f32
    %max3A_28 = vector.broadcast %max3A : f32 to vector<2560x128xf32>
    %max3A_29 = arith.maximumf %add3A_27, %max3A_28 : vector<2560x128xf32>
    %swap3A = arith.constant 0 : index
    %swap3A_30 = arith.constant 0 : index
    %swap3A_31 = vector.load %arg8[%swap3A, %swap3A_30] : memref<2560x128xf32, #tpu.memory_space<vmem>>, vector<2560x128xf32>
    tpu.vector_store %arg8[%swap3A, %swap3A_30], %max3A_29 {strides = array<i32>} : memref<2560x128xf32, #tpu.memory_space<vmem>>, vector<2560x128xf32>,
    %reduce_sum3A = arith.constant dense<0.000000e+00> : vector<128xf32>
    %reduce_sum3A_32 = vector.multi_reduction <add>, %max3A_29, %reduce_sum3A [0] : vector<2560x128xf32> to vector<128xf32>
    %broadcast_in_dim3A = vector.shape_cast %reduce_sum3A_32 : vector<128xf32> to vector<1x128xf32>
    %mul3A_33 = arith.mulf %max3A_29, %max3A_29 : vector<2560x128xf32>
    %reduce_sum3A_34 = arith.constant dense<0.000000e+00> : vector<128xf32>
    %reduce_sum3A_35 = vector.multi_reduction <add>, %mul3A_33, %reduce_sum3A_34 [0] : vector<2560x128xf32> to vector<128xf32>
    %broadcast_in_dim3A_36 = vector.shape_cast %reduce_sum3A_35 : vector<128xf32> to vector<1x128xf32>
    %concatenate3A = tpu.concatenate %broadcast_in_dim3A, %broadcast_in_dim3A_36 in 0 : vector<1x128xf32>, vector<1x128xf32> -> vector<2x128xf32>
    %eq3A = arith.constant 0 : i32
    %eq3A_37 = arith.cmpi eq, %arg0, %eq3A : i32
    %convert_element_type3A = arith.extui %eq3A_37 : i1 to i32
    %cond3A = arith.constant 0 : i32
    %cond3A_38 = arith.cmpi ne, %convert_element_type3A, %cond3A : i32
    scf.if %cond3A_38 {
      %swap3A_43 = arith.constant 0 : index
      %swap3A_44 = arith.constant 0 : index
      %swap3A_45 = vector.load %arg9[%swap3A_43, %swap3A_44] : memref<2x128xf32, #tpu.memory_space<vmem>>, vector<2x128xf32>
      tpu.vector_store %arg9[%swap3A_43, %swap3A_44], %concatenate3A {strides = array<i32>} : memref<2x128xf32, #tpu.memory_space<vmem>>, vector<2x128xf32>,
    } else {
    }
    %gt3A = arith.constant 0 : i32
    %gt3A_39 = arith.cmpi sgt, %arg0, %gt3A : i32
    %convert_element_type3A_40 = arith.extui %gt3A_39 : i1 to i32
    %cond3A_41 = arith.constant 0 : i32
    %cond3A_42 = arith.cmpi ne, %convert_element_type3A_40, %cond3A_41 : i32
    scf.if %cond3A_42 {
      %get3A_43 = arith.constant 0 : index
      %get3A_44 = arith.constant 0 : index
      %get3A_45 = vector.load %arg9[%get3A_43, %get3A_44] : memref<2x128xf32, #tpu.memory_space<vmem>>, vector<2x128xf32>
      %add3A_46 = arith.addf %get3A_45, %concatenate3A : vector<2x128xf32>
      %swap3A_47 = arith.constant 0 : index
      %swap3A_48 = arith.constant 0 : index
      %swap3A_49 = vector.load %arg9[%swap3A_47, %swap3A_48] : memref<2x128xf32, #tpu.memory_space<vmem>>, vector<2x128xf32>
      tpu.vector_store %arg9[%swap3A_47, %swap3A_48], %add3A_46 {strides = array<i32>} : memref<2x128xf32, #tpu.memory_space<vmem>>, vector<2x128xf32>,
    } else {
    }
    return
  }
  func.func @transform_0(%arg0: i32) -> (i32, i32) {
    %c0_i32 = arith.constant 0 : i32
    %c0_i32_0 = arith.constant 0 : i32
    return %arg0, %c0_i32 : i32, i32
  }
  func.func @transform_1(%arg0: i32) -> (i32, i32) {
    %c0_i32 = arith.constant 0 : i32
    %c0_i32_0 = arith.constant 0 : i32
    return %arg0, %c0_i32 : i32, i32
  }
  func.func @transform_2(%arg0: i32) -> (i32, i32) {
    %c0_i32 = arith.constant 0 : i32
    %c0_i32_0 = arith.constant 0 : i32
    %c0_i32_1 = arith.constant 0 : i32
    return %c0_i32, %c0_i32_0 : i32, i32
  }
  func.func @transform_3(%arg0: i32) -> (i32, i32) {
    %c0_i32 = arith.constant 0 : i32
    %c0_i32_0 = arith.constant 0 : i32
    %c0_i32_1 = arith.constant 0 : i32
    return %c0_i32, %c0_i32_0 : i32, i32
  }
  func.func @transform_4(%arg0: i32) -> (i32, i32) {
    %c0_i32 = arith.constant 0 : i32
    %c0_i32_0 = arith.constant 0 : i32
    %c0_i32_1 = arith.constant 0 : i32
    return %c0_i32, %c0_i32_0 : i32, i32
  }
  func.func @transform_5(%arg0: i32) -> (i32, i32) {
    %c0_i32 = arith.constant 0 : i32
    %c0_i32_0 = arith.constant 0 : i32
    %c0_i32_1 = arith.constant 0 : i32
    return %c0_i32, %c0_i32_0 : i32, i32
  }
  func.func @transform_6(%arg0: i32) -> (i32, i32) {
    %c0_i32 = arith.constant 0 : i32
    %c0_i32_0 = arith.constant 0 : i32
    %c0_i32_1 = arith.constant 0 : i32
    return %c0_i32, %c0_i32_0 : i32, i32
  }
  func.func @transform_7(%arg0: i32) -> (i32, i32) {
    %c0_i32 = arith.constant 0 : i32
    %c0_i32_0 = arith.constant 0 : i32
    return %arg0, %c0_i32 : i32, i32
  }
  func.func @transform_8(%arg0: i32) -> (i32, i32) {
    %c0_i32 = arith.constant 0 : i32
    %c0_i32_0 = arith.constant 0 : i32
    %c0_i32_1 = arith.constant 0 : i32
    return %c0_i32, %c0_i32_0 : i32, i32
  }
}

module attributes {stable_mosaic.version = 14 : i64} {
  func.func @body(%arg0: i32, %arg1: memref<2x2000x128xf32, #tpu.memory_space<vmem>>, %arg2: memref<2x2000x128xf32, #tpu.memory_space<vmem>>, %arg3: memref<1x128xf32, #tpu.memory_space<vmem>>, %arg4: memref<1x128xf32, #tpu.memory_space<vmem>>, %arg5: memref<2000x128xf32, #tpu.memory_space<vmem>>) attributes {dimension_semantics = [#tpu.dimension_semantics<arbitrary>], iteration_bounds = array<i64: 5>, scalar_prefetch = 0 : i64, scratch_operands = 0 : i64, tpu.core_type = #tpu.core_type<tc>, window_params = [{transform_indices = @transform_0, window_bounds = array<i64: 2, 2000, 128>}, {transform_indices = @transform_1, window_bounds = array<i64: 2, 2000, 128>}, {pipeline_mode = #tpu.pipeline_mode<synchronous>, transform_indices = @transform_2, window_bounds = array<i64: 1, 128>}, {pipeline_mode = #tpu.pipeline_mode<synchronous>, transform_indices = @transform_3, window_bounds = array<i64: 1, 128>}, {transform_indices = @transform_4, window_bounds = array<i64: 2000, 128>}]} {
    %get3A = arith.constant 0 : index
    %get3A_0 = arith.constant 0 : index
    %get3A_1 = arith.constant 0 : index
    %get3A_2 = vector.load %arg1[%get3A, %get3A_0, %get3A_1] : memref<2x2000x128xf32, #tpu.memory_space<vmem>>, vector<1x2000x128xf32>
    %get3A_3 = vector.shape_cast %get3A_2 : vector<1x2000x128xf32> to vector<2000x128xf32>
    %get3A_4 = arith.constant 1 : index
    %get3A_5 = arith.constant 0 : index
    %get3A_6 = arith.constant 0 : index
    %get3A_7 = vector.load %arg1[%get3A_4, %get3A_5, %get3A_6] : memref<2x2000x128xf32, #tpu.memory_space<vmem>>, vector<1x2000x128xf32>
    %get3A_8 = vector.shape_cast %get3A_7 : vector<1x2000x128xf32> to vector<2000x128xf32>
    %add3A = arith.addf %get3A_3, %get3A_8 : vector<2000x128xf32>
    %get3A_9 = arith.constant 0 : index
    %get3A_10 = arith.constant 0 : index
    %get3A_11 = arith.constant 0 : index
    %get3A_12 = vector.load %arg2[%get3A_9, %get3A_10, %get3A_11] : memref<2x2000x128xf32, #tpu.memory_space<vmem>>, vector<1x2000x128xf32>
    %get3A_13 = vector.shape_cast %get3A_12 : vector<1x2000x128xf32> to vector<2000x128xf32>
    %get3A_14 = arith.constant 1 : index
    %get3A_15 = arith.constant 0 : index
    %get3A_16 = arith.constant 0 : index
    %get3A_17 = vector.load %arg2[%get3A_14, %get3A_15, %get3A_16] : memref<2x2000x128xf32, #tpu.memory_space<vmem>>, vector<1x2000x128xf32>
    %get3A_18 = vector.shape_cast %get3A_17 : vector<1x2000x128xf32> to vector<2000x128xf32>
    %add3A_19 = arith.addf %get3A_13, %get3A_18 : vector<2000x128xf32>
    %get3A_20 = arith.constant 0 : index
    %get3A_21 = arith.constant 0 : index
    %get3A_22 = vector.load %arg3[%get3A_20, %get3A_21] : memref<1x128xf32, #tpu.memory_space<vmem>>, vector<1x128xf32>
    %mul3A = vector.broadcast %get3A_22 : vector<1x128xf32> to vector<2000x128xf32>
    %mul3A_23 = arith.mulf %mul3A, %add3A : vector<2000x128xf32>
    %get3A_24 = arith.constant 0 : index
    %get3A_25 = arith.constant 0 : index
    %get3A_26 = vector.load %arg4[%get3A_24, %get3A_25] : memref<1x128xf32, #tpu.memory_space<vmem>>, vector<1x128xf32>
    %mul3A_27 = vector.broadcast %get3A_26 : vector<1x128xf32> to vector<2000x128xf32>
    %mul3A_28 = arith.mulf %mul3A_27, %add3A_19 : vector<2000x128xf32>
    %add3A_29 = arith.addf %mul3A_23, %mul3A_28 : vector<2000x128xf32>
    %swap3A = arith.constant 0 : index
    %swap3A_30 = arith.constant 0 : index
    %swap3A_31 = vector.load %arg5[%swap3A, %swap3A_30] : memref<2000x128xf32, #tpu.memory_space<vmem>>, vector<2000x128xf32>
    tpu.vector_store %arg5[%swap3A, %swap3A_30], %add3A_29 {strides = array<i32>} : memref<2000x128xf32, #tpu.memory_space<vmem>>, vector<2000x128xf32>,
    return
  }
  func.func @transform_0(%arg0: i32) -> (i32, i32, i32) {
    %c0_i32 = arith.constant 0 : i32
    %c0_i32_0 = arith.constant 0 : i32
    %c0_i32_1 = arith.constant 0 : i32
    return %c0_i32, %arg0, %c0_i32_0 : i32, i32, i32
  }
  func.func @transform_1(%arg0: i32) -> (i32, i32, i32) {
    %c0_i32 = arith.constant 0 : i32
    %c0_i32_0 = arith.constant 0 : i32
    %c0_i32_1 = arith.constant 0 : i32
    return %c0_i32, %arg0, %c0_i32_0 : i32, i32, i32
  }
  func.func @transform_2(%arg0: i32) -> (i32, i32) {
    %c0_i32 = arith.constant 0 : i32
    %c0_i32_0 = arith.constant 0 : i32
    %c0_i32_1 = arith.constant 0 : i32
    return %c0_i32, %c0_i32_0 : i32, i32
  }
  func.func @transform_3(%arg0: i32) -> (i32, i32) {
    %c0_i32 = arith.constant 0 : i32
    %c0_i32_0 = arith.constant 0 : i32
    %c0_i32_1 = arith.constant 0 : i32
    return %c0_i32, %c0_i32_0 : i32, i32
  }
  func.func @transform_4(%arg0: i32) -> (i32, i32) {
    %c0_i32 = arith.constant 0 : i32
    %c0_i32_0 = arith.constant 0 : i32
    return %arg0, %c0_i32 : i32, i32
  }
}

module attributes {stable_mosaic.version = 14 : i64} {
  func.func @body(%arg0: i32, %arg1: memref<2560x128xf32, #tpu.memory_space<vmem>>, %arg2: memref<1x128xf32, #tpu.memory_space<vmem>>, %arg3: memref<1x128xf32, #tpu.memory_space<vmem>>, %arg4: memref<128x1xf32, #tpu.memory_space<vmem>>, %arg5: memref<1x1xf32, #tpu.memory_space<vmem>>, %arg6: memref<2560x1xf32, #tpu.memory_space<vmem>>) attributes {dimension_semantics = [#tpu.dimension_semantics<arbitrary>], iteration_bounds = array<i64: 125>, scalar_prefetch = 0 : i64, scratch_operands = 0 : i64, tpu.core_type = #tpu.core_type<tc>, window_params = [{transform_indices = @transform_0, window_bounds = array<i64: 2560, 128>}, {pipeline_mode = #tpu.pipeline_mode<synchronous>, transform_indices = @transform_1, window_bounds = array<i64: 1, 128>}, {pipeline_mode = #tpu.pipeline_mode<synchronous>, transform_indices = @transform_2, window_bounds = array<i64: 1, 128>}, {pipeline_mode = #tpu.pipeline_mode<synchronous>, transform_indices = @transform_3, window_bounds = array<i64: 128, 1>}, {pipeline_mode = #tpu.pipeline_mode<synchronous>, transform_indices = @transform_4, window_bounds = array<i64: 1, 1>}, {transform_indices = @transform_5, window_bounds = array<i64: 2560, 1>}]} {
    %get3A = arith.constant 0 : index
    %get3A_0 = arith.constant 0 : index
    %get3A_1 = vector.load %arg2[%get3A, %get3A_0] : memref<1x128xf32, #tpu.memory_space<vmem>>, vector<1x128xf32>
    %get3A_2 = arith.constant 0 : index
    %get3A_3 = arith.constant 0 : index
    %get3A_4 = vector.load %arg1[%get3A_2, %get3A_3] : memref<2560x128xf32, #tpu.memory_space<vmem>>, vector<2560x128xf32>
    %mul3A = vector.broadcast %get3A_1 : vector<1x128xf32> to vector<2560x128xf32>
    %mul3A_5 = arith.mulf %mul3A, %get3A_4 : vector<2560x128xf32>
    %get3A_6 = arith.constant 0 : index
    %get3A_7 = arith.constant 0 : index
    %get3A_8 = vector.load %arg3[%get3A_6, %get3A_7] : memref<1x128xf32, #tpu.memory_space<vmem>>, vector<1x128xf32>
    %add3A = vector.broadcast %get3A_8 : vector<1x128xf32> to vector<2560x128xf32>
    %add3A_9 = arith.addf %mul3A_5, %add3A : vector<2560x128xf32>
    %get3A_10 = arith.constant 0 : index
    %get3A_11 = arith.constant 0 : index
    %get3A_12 = vector.load %arg4[%get3A_10, %get3A_11] : memref<128x1xf32, #tpu.memory_space<vmem>>, vector<128x1xf32>
    %dot_general3A = arith.constant dense<0.000000e+00> : vector<2560x1xf32>
    %dot_general3A_13 = tpu.matmul %add3A_9, %get3A_12, %dot_general3A {dimension_numbers = #tpu.dot_dimension_numbers<[1], [0], [0], [1], [0, 0, 1, 1], [], []>, transpose_lhs_hint = false} : vector<2560x128xf32>, vector<128x1xf32>, vector<2560x1xf32> -> vector<2560x1xf32>
    %get3A_14 = arith.constant 0 : index
    %get3A_15 = arith.constant 0 : index
    %get3A_16 = vector.load %arg5[%get3A_14, %get3A_15] : memref<1x1xf32, #tpu.memory_space<vmem>>, vector<1x1xf32>
    %add3A_17 = vector.broadcast %get3A_16 : vector<1x1xf32> to vector<2560x1xf32>
    %add3A_18 = arith.addf %dot_general3A_13, %add3A_17 : vector<2560x1xf32>
    %swap3A = arith.constant 0 : index
    %swap3A_19 = arith.constant 0 : index
    %swap3A_20 = vector.load %arg6[%swap3A, %swap3A_19] : memref<2560x1xf32, #tpu.memory_space<vmem>>, vector<2560x1xf32>
    tpu.vector_store %arg6[%swap3A, %swap3A_19], %add3A_18 {strides = array<i32>} : memref<2560x1xf32, #tpu.memory_space<vmem>>, vector<2560x1xf32>,
    return
  }
  func.func @transform_0(%arg0: i32) -> (i32, i32) {
    %c0_i32 = arith.constant 0 : i32
    %c0_i32_0 = arith.constant 0 : i32
    return %arg0, %c0_i32 : i32, i32
  }
  func.func @transform_1(%arg0: i32) -> (i32, i32) {
    %c0_i32 = arith.constant 0 : i32
    %c0_i32_0 = arith.constant 0 : i32
    %c0_i32_1 = arith.constant 0 : i32
    return %c0_i32, %c0_i32_0 : i32, i32
  }
  func.func @transform_2(%arg0: i32) -> (i32, i32) {
    %c0_i32 = arith.constant 0 : i32
    %c0_i32_0 = arith.constant 0 : i32
    %c0_i32_1 = arith.constant 0 : i32
    return %c0_i32, %c0_i32_0 : i32, i32
  }
  func.func @transform_3(%arg0: i32) -> (i32, i32) {
    %c0_i32 = arith.constant 0 : i32
    %c0_i32_0 = arith.constant 0 : i32
    %c0_i32_1 = arith.constant 0 : i32
    return %c0_i32, %c0_i32_0 : i32, i32
  }
  func.func @transform_4(%arg0: i32) -> (i32, i32) {
    %c0_i32 = arith.constant 0 : i32
    %c0_i32_0 = arith.constant 0 : i32
    %c0_i32_1 = arith.constant 0 : i32
    return %c0_i32, %c0_i32_0 : i32, i32
  }
  func.func @transform_5(%arg0: i32) -> (i32, i32) {
    %c0_i32 = arith.constant 0 : i32
    %c0_i32_0 = arith.constant 0 : i32
    return %arg0, %c0_i32 : i32, i32
  }
}

</mosaic_0001>

<sc_bundles>
// kernel: kernel.24.cloned.1.call-start
scs
__scs_entry_jumppad:
0x0: {  	(pc) =	sbr.rel $0x88, $3  }
0x1: {  	(tag) =	ssettag $0x0;
	lr =	simm.s32 $0x1  }
0x2: {  	[smem:$0x3F74] =	sst lr;
	_ =	strace $0xD0000000  }
0x3: {  	_ = 	snop  }
0x4: {  	_ = 	snop  }
0x5: {  	_ = 	snop  }
0x6: {  	_ = 	snop  }
0x7: {  	_ = 	snop  }
__scs_overlays_trampoline_lowered:
0x8: {  	[smem:$0x3F83] =	sst s0  }
0x9: {  	[smem:$0x3F84] =	sst s1  }
0xa: {  	[smem:$0x3F85] =	sst s2  }
0xb: {  	[smem:$0x3F86] =	sst s3  }
0xc: {  	[smem:$0x3F87] =	sst s4  }
0xd: {  	[smem:$0x3F88] =	sst s5  }
0xe: {  	[smem:$0x3F89] =	sst s6  }
0xf: {  	[smem:$0x3F8A] =	sst s7  }
0x10: {  	[smem:$0x3F8B] =	sst s8  }
0x11: {  	[smem:$0x3F8C] =	sst s9;
	s0 =	simm.s32 @!p0 $0x0  }
0x12: {  	s1 =	sld [smem:$0x3F72];
	s0 =	simm.s32 @p0 $0x1  }
0x13: {  	[smem:$0x3F8D] =	sst s0;
	s0 =	simm.s32 @!p1 $0x0  }
0x14: {  	s2 =	sld [smem:$0x3F71];
	s0 =	simm.s32 @p1 $0x1  }
0x15: {  	[smem:$0x3F8E] =	sst s0;
	s0 =	simm.s32 @!p2 $0x0  }
0x16: {  	s3 =	sld [smem:$0x3FDB];
	s0 =	simm.s32 @p2 $0x1  }
0x17: {  	s4 =	simm.s32 $0x1BF5;
	[smem:$0x3F90] =	sst s0  }
0x18: {  	s0 =	sld [smem:$0x3F73];
	_ =	swait.ge [sflag:s4], $0x0  }
0x19: {  	s7 =	sld [smem:$0x3F74]  }
0x1a: {  	s8 =	sadd.s32 $0xFFFFE003, lr  }
0x1b: {  	s9 =	sadd.s32 $0xFFFFFEF7, lr;
	s5 =	simm.s32 $0xFFFFFFFF;
	p2 =	slt.u32 s8, $0xFFFFF086  }
0x1c: {  	p1 =	slt.u32 s9, $0xF7A;
	s5 =	simm.s32 @!p2 $0x0  }
0x1d: {  	s5 =	simm.s32 @p1 $0x1;
	p0 =	seq.s32 s7, s2  }
0x1e: {  	s7 =	smul.u32 @!p0 $0xF7A, s2;
	p2 =	seq.s32 @!p0 s5, $0x0  }
0x1f: {  	s9 =	smul.u32 $0xF7A, s1;
	s8 =	simm.s32 @!p0 $0x1BF5;
	p2 =	por !p2, p0  }
0x20: {  	[sflag:s8] =	ssyncset.s32 @!p0 $0xFFFFF086;
	s6 =	sadd.s32 @!p0 s3, s7;
	s7 =	simm.s32 @!p0 $0x108  }
0x21: {  	s3 =	sadd.s32 s3, s9;
	s6 =	sadd.s32 @!p0 $0x88, s6;
	s7 =	simm.s32 @p2 $0x1082  }
0x22: {  	[simem:s7], [sflag:s8] =	dma.local @!p0 [hbm:s6], $0xF7A  }
0x23: {  	s9 =	sor.u32 $0xD0000000, s2;
	s6 =	simm.s32 $0x108;
	_ =	swait.ge @!p0 [sflag:s8], $0x0  }
0x24: {  	s3 =	sadd.s32 $0x88, s3;
	s6 =	simm.s32 @!p1 $0x1082;
	[sflag:s4] =	ssyncset.s32 $0xFFFFF086  }
0x25: {  	[simem:s6], [sflag:s4] =	dma.local [hbm:s3], $0xF7A  }
0x26: {  	[smem:$0x3F74] =	sst s1;
	(tag) =	ssettag s2;
	_ =	strace s9  }
0x27: {  	s1 =	sld [smem:$0x3F84]  }
0x28: {  	s2 =	sld [smem:$0x3F85]  }
0x29: {  	s4 =	sld [smem:$0x3F87]  }
0x2a: {  	p0 =	seq.s32 s5, $0x0;
	s5 =	sld [smem:$0x3F88]  }
0x2b: {  	s6 =	sld [smem:$0x3F89]  }
0x2c: {  	s7 =	sld [smem:$0x3F8A]  }
0x2d: {  	s3 =	simm.s32 $0x108;
	s8 =	sld [smem:$0x3F8B]  }
0x2e: {  	s3 =	simm.s32 @!p0 $0x1082;
	s9 =	sld [smem:$0x3F8C]  }
0x2f: {  	lr =	sadd.s32 s0, s3;
	s0 =	sld [smem:$0x3F83]  }
0x30: {  	s3 =	sld [smem:$0x3F86]  }
0x31: {  	[smem:$0x3F8F] =	sst s10  }
0x32: {  	s10 =	sld [smem:$0x3F8D];
	_ =	sdelay $0x3  }
0x33: {  	p0 =	seq.s32 s10, $0x1;
	s10 =	sld [smem:$0x3F8F];
	_ =	sdelay $0x3  }
0x34: {  	[smem:$0x3F8F] =	sst s10  }
0x35: {  	s10 =	sld [smem:$0x3F8E];
	_ =	sdelay $0x3  }
0x36: {  	p1 =	seq.s32 s10, $0x1;
	s10 =	sld [smem:$0x3F8F];
	_ =	sdelay $0x3  }
0x37: {  	[smem:$0x3F8F] =	sst s10  }
0x38: {  	s10 =	sld [smem:$0x3F90]  }
0x39: {  	_ = 	snop;
	(pc) =	sbr.ind lr, $3  }
0x3a: {  	_ = 	snop  }
0x3b: {  	_ = 	snop  }
0x3c: {  	p2 =	seq.s32 s10, $0x1;
	s10 =	sld [smem:$0x3F8F]  }
0x3d: {  	_ =	shalt  }
0x3e: {  	_ =	shalt  }
0x3f: {  	_ =	shalt  }
0x40: {  	_ =	shalt  }
0x41: {  	_ =	shalt  }
0x42: {  	_ =	shalt  }
0x43: {  	_ =	shalt  }
0x44: {  	_ =	shalt  }
0x45: {  	_ =	shalt  }
0x46: {  	_ =	shalt  }
0x47: {  	_ =	shalt  }
0x48: {  	_ =	shalt  }
0x49: {  	_ =	shalt  }
0x4a: {  	_ =	shalt  }
0x4b: {  	_ =	shalt  }
0x4c: {  	_ =	shalt  }
0x4d: {  	_ =	shalt  }
0x4e: {  	_ =	shalt  }
0x4f: {  	_ =	shalt  }
0x50: {  	_ =	shalt  }
0x51: {  	_ =	shalt  }
0x52: {  	_ =	shalt  }
0x53: {  	_ =	shalt  }
0x54: {  	_ =	shalt  }
0x55: {  	_ =	shalt  }
0x56: {  	_ =	shalt  }
0x57: {  	_ =	shalt  }
0x58: {  	_ =	shalt  }
0x59: {  	_ =	shalt  }
0x5a: {  	_ =	shalt  }
0x5b: {  	_ =	shalt  }
0x5c: {  	_ =	shalt  }
0x5d: {  	_ =	shalt  }
0x5e: {  	_ =	shalt  }
0x5f: {  	_ =	shalt  }
0x60: {  	_ =	shalt  }
0x61: {  	_ =	shalt  }
0x62: {  	_ =	shalt  }
0x63: {  	_ =	shalt  }
0x64: {  	_ =	shalt  }
0x65: {  	_ =	shalt  }
0x66: {  	_ =	shalt  }
0x67: {  	_ =	shalt  }
0x68: {  	_ =	shalt  }
0x69: {  	_ =	shalt  }
0x6a: {  	_ =	shalt  }
0x6b: {  	_ =	shalt  }
0x6c: {  	_ =	shalt  }
0x6d: {  	_ =	shalt  }
0x6e: {  	_ =	shalt  }
0x6f: {  	_ =	shalt  }
0x70: {  	_ =	shalt  }
0x71: {  	_ =	shalt  }
0x72: {  	_ =	shalt  }
0x73: {  	_ =	shalt  }
0x74: {  	_ =	shalt  }
0x75: {  	_ =	shalt  }
0x76: {  	_ =	shalt  }
0x77: {  	_ =	shalt  }
0x78: {  	_ =	shalt  }
0x79: {  	_ =	shalt  }
0x7a: {  	_ =	shalt  }
0x7b: {  	_ =	shalt  }
0x7c: {  	_ =	shalt  }
0x7d: {  	_ =	shalt  }
0x7e: {  	_ =	shalt  }
0x7f: {  	_ =	shalt  }
0x80: {  	_ =	shalt  }
0x81: {  	_ =	shalt  }
0x82: {  	_ =	shalt  }
0x83: {  	_ =	shalt  }
0x84: {  	_ =	shalt  }
0x85: {  	_ =	shalt  }
0x86: {  	_ =	shalt  }
0x87: {  	_ =	shalt  }
.Lfunc_end0:
.L_simem_size_0:
called_computation_lowered:
.L_overlay_start_0:
0x88: {  	s2 =	sld [smem:$0x3FD9]  }
0x89: {  	s3 =	sld [smem:$0x3FFE];
	_ =	sdelay $0x1  }
0x8a: {  	s1 =	srdreg.scid  }
0x8b: {  	s0 =	sand.u32 $0x1, s1  }
0x8c: {  	s17 =	sshll.u32 s0, $0xA;
	s2 =	sadd.s32 s3, s2  }
0x8d: {  	s2 =	sadd.s32 s2, s17  }
0x8e: {  	[smem:$0x3F9B] =	sst s2  }
0x8f: {  	_ = 	snop  }
0x90: {  	(tm) =	ssettm $0x1  }
0x91: {  	s18 =	sld [smem:$0x3FFB];
	_ =	sdelay $0x3  }
0x92: {  	_ =	strace s18  }
0x93: {  	s2 =	sld [smem:$0x3FFC];
	_ =	sdelay $0x3  }
0x94: {  	_ =	strace s2  }
0x95: {  	s2 =	sld [smem:$0x3FFD];
	_ =	sdelay $0x3  }
0x96: {  	_ =	strace s2  }
0x97: {  	_ =	strace $0x8FFFFFFF  }
0x98: {  	s19 =	sld [smem:$0x3FDB];
	_ =	sdelay $0x1  }
0x99: {  	s20 =	simm.s32 $_scs_section_size  }
0x9a: {  	s4 =	simm.s32 $_size__tile_overlayer_lowered;
	s5 =	simm.s32 $_tile_overlayer_lowered  }
0x9b: {  	s6 =	simm.s32 $0x1BFF;
	s21 =	sshll.u32 s5, $0x1;
	s3 =	sadd.s32 s20, s19  }
0x9c: {  	s22 =	simm.s32 $0x0;
	s4 =	sshll.u32 s4, $0x1;
	s5 =	sadd.s32 s21, s3  }
0x9d: {  	[timem:s22], [sflag:s6] =	dma.local [hbm:s5], s4  }
0x9e: {  	_ =	swait.ge [sflag:s6], s4  }
0x9f: {  	s4 =	ssub.s32 $0x0, s4;
	[sflag:s6] =	ssyncset.done $0x0  }
0xa0: {  	[sflag:s6] =	ssyncadd.s32 s4;
	_ =	sdelay $0x1  }
0xa1: {  	s23 =	simm.s32 $0x1B8B  }
0xa2: {  	_ =	swait.ge [sflag:s23], $0x1  }
0xa3: {  	[sflag:s23] =	ssyncset.done $0x0  }
0xa4: {  	[sflag:s23] =	ssyncadd.s32 $0xFFFFFFFF  }
0xa5: {  	s4 =	sld [smem:$0x0]  }
0xa6: {  	s5 =	sand.u32 $0xFFFFFFFE, s1  }
0xa7: {  	p0 =	sne.s32 s1, s5  }
0xa8: {  	s5 =	sshll.u32 @p0 s5, $0xE  }
0xa9: {  	s5 =	sadd.s32 @p0 $0x11B8D, s5;
	s6 =	sshll.u32 @p0 s4, $0x11  }
0xaa: {  	s5 =	sor.u32 @p0 s6, s5  }
0xab: {  	[sflag:s5] =	ssyncadd.remote.s32 @p0 $0x1;
	_ =	sdelay $0x1  }
0xac: {  	s5 =	simm.s32 @p0 $0x1B8D  }
0xad: {  	_ =	swait.eq @p0 [sflag:s5], $0x1  }
0xae: {  	[sflag:s5] =	ssyncadd.s32 @p0 $0xFFFFFFFF  }
0xaf: {  	s6 =	sshll.u32 @!p0 s1, $0xE  }
0xb0: {  	s6 =	sor.u32 @!p0 $0x4000, s6;
	s5 =	simm.s32 @!p0 $0x1B8D  }
0xb1: {  	s4 =	sshll.u32 @!p0 s4, $0x11;
	s6 =	sadd.s32 @!p0 $0x11B8D, s6;
	_ =	swait.eq @!p0 [sflag:s5], $0x1  }
0xb2: {  	s4 =	sor.u32 @!p0 s4, s6;
	[sflag:s5] =	ssyncadd.s32 @!p0 $0xFFFFFFFF  }
0xb3: {  	s25 =	simm.s32 $0x1B8E;
	s24 =	sld [smem:$0x3FFE];
	[sflag:s4] =	ssyncadd.remote.s32 @!p0 $0x1  }
0xb4: {  	s26 =	simm.s32 $execute0_lowered;
	[smem:$0x3FD2] =	sst s25  }
0xb5: {  	s5 =	sshll.u32 s26, $0x1;
	_ =	strace $0x80000049;
	[dreg:$0x1] =	wrdreg $0xFFFFFFFF  }
0xb6: {  	s28 =	simm.s32 $_size_execute0_lowered;
	s3 =	sadd.s32 s3, s5;
	[dreg:$0x0] =	wrdreg $0x0  }
0xb7: {  	s5 =	sshll.u32 s28, $0x1;
	[dreg:$0x2] =	wrdreg s3  }
0xb8: {  	[dreg:$0x3] =	wrdreg s5  }
0xb9: {  	[dreg:$0x4] =	wrdreg $0xC0  }
0xba: {  	_ =	task [dreg:s22], $0x5FFFF  }
0xbb: {  	[dreg:$0x1] =	wrdreg $0xFFFFFFFF  }
0xbc: {  	[dreg:$0x0] =	wrdreg $0x60  }
0xbd: {  	[dreg:$0x2] =	wrdreg s24  }
0xbe: {  	[dreg:$0x3] =	wrdreg $0x80800  }
0xbf: {  	[dreg:$0x4] =	wrdreg $0x9  }
0xc0: {  	_ =	task.clear_ibuf [dreg:s22], $0x5FFFF;
	_ =	strace $0x90000049  }
0xc1: {  	s29 =	simm.s32 $0x9;
	_ =	strace $0x8000004B  }
0xc2: {  	_ =	swait.ge [sflag:s29], $0x1  }
0xc3: {  	[sflag:s29] =	ssyncadd.s32 $0xFFFFFFFF  }
0xc4: {  	_ =	strace $0x9000004B  }
0xc5: {  	_ =	sfence  }
0xc6: {  	s30 =	sld [smem:$0x0];
	_ =	sdelay $0x2  }
0xc7: {  	s31 =	sshll.u32 s1, $0xD;
	s1 =	sshrl.u32 s1, $0x2  }
0xc8: {  	s4 =	sand.u32 $0x4000, s31;
	s1 =	sadd.s32 s1, s30  }
0xc9: {  	s0 =	sor.u32 s4, s0;
	s1 =	sshll.u32 s1, $0x11  }
0xca: {  	s0 =	sor.u32 s1, s0  }
0xcb: {  	s0 =	sadd.s32 $0x8F2B, s0  }
0xcc: {  	[sflag:s0] =	ssyncadd.remote.s32 $0x1  }
0xcd: {  	_ =	sfence.sel $0xFFFF  }
0xce: {  	[dreg:$0x0] =	wrdreg $0xFFFFFFFF;
	(pc) =	sbr.abs _section_cstart, $3  }
0xcf: {  	[dreg:$0x1] =	wrdreg $0xFFFFFFFF  }
0xd0: {  	_ =	task.clear_ibuf [dreg:s22], $0x2FFFF;
	_ =	strace $0x9FFFFFFF  }
0xd1: {  	(tm) =	ssettm $0x7FFFFFFF  }
tec
execute0_lowered:
.L_overlay_start_1:
0x0: {  	(tag) =	ssettag $0x1  }
0x1: {  	s1 =	srdreg.scid  }
0x2: {  	s0 =	stileid.u32;
	s4 =	rddreg [dreg:$0x0]  }
0x3: {  	s2 =	rddreg [dreg:$0x1];
	s5 =	smul.u32 $0x9C, s0  }
0x4: {  	s20 =	simm.s32 $0x0;
	s6 =	sand.u32 $0x1, s1;
	s30 =	smul.u32 $0x50000, s0  }
0x5: {  	s3 =	sshll.u32 s0, $0x1;
	s1 =	rddreg [dreg:$0x2];
	s9 =	smul.u32 $0x14000, s0  }
0x6: {  	s14 =	sadd.s32 $0xA0DA00, s4;
	p0 =	slt.u32 s0, $0x2;
	s7 =	smul.u32 $0x4E, s6  }
0x7: {  	s8 =	sor.u32 s6, s3;
	s3 =	simm.s32 $0x0;
	s29 =	ssub.s32 $0x2, s6  }
0x8: {  	s13 =	smul.u32 $0x140000, s6;
	s28 =	smin.u32 s8, $0x4;
	[smem:$0x7FF] =	sst s3  }
0x9: {  	s31 =	sshrl.u32 s29, $0x1;
	s10 =	sadd.s32 $0x4000, s9;
	s12 =	sadd.s32 $0x8000, s9  }
0xa: {  	s17 =	sadd.s32 $0xC000, s9;
	s18 =	sadd.s32 $0x10000, s9;
	s5 =	sadd.s32 s7, s5  }
0xb: {  	_ =	strace $0x8000004A;
	s7 =	sshrl.u32 s30, $0x2;
	s15 =	ssub.s32 s29, s31  }
0xc: {  	s6 =	sadd.s32 s10, s2;
	s8 =	sadd.s32 s17, s2;
	s11 =	sadd.s32 s9, s13  }
0xd: {  	s10 =	sadd.s32 s13, s10;
	s9 =	sadd.s32 s18, s2;
	s17 =	sadd.s32 s13, s17  }
0xe: {  	s5 =	sadd.s32 s28, s5;
	s11 =	sshrl.u32 s11, $0x3;
	s19 =	sshrl.u32 s10, $0x3  }
0xf: {  	s17 =	sshrl.u32 s17, $0x3;
	s15 =	smax.u32 s15, $0x1;
	s5 =	sshll.u32 s5, $0x4  }
0x10: {  	s10 =	sadd.s32 s14, s11;
	s11 =	sadd.s32 s14, s19;
	s19 =	simm.s32 $0x80  }
0x11: {  	s16 =	sadd.s32 s5, s4;
	s4 =	simm.s32 $0x4F;
	s5 =	sadd.s32 s7, s2  }
0x12: {  	s7 =	sadd.s32 s12, s2;
	s12 =	sadd.s32 s13, s12;
	s13 =	sadd.s32 s13, s18  }
0x13: {  	s4 =	simm.s32 @!p0 $0x4E;
	s12 =	sshrl.u32 s12, $0x3;
	s18 =	sshrl.u32 s13, $0x3  }
0x14: {  	s13 =	sadd.s32 s14, s17;
	s16 =	sadd.s32 $0x18A00, s16;
	s17 =	simm.s32 $0x4080  }
0x15: {  	v0 =	vimm.f32 $1.000000000e+00;
	v1 =	vimm.f32 $0.0e+00;
	s12 =	sadd.s32 s14, s12;
	s14 =	sadd.s32 s14, s18;
	s18 =	simm.s32 $0x1  }
.LBB2_1:
0x16: {  	s21 =	simm.s32 $0x0;
	s22 =	simm.s32 $0x200  }
.LBB2_2:
0x17: {  	p0 =	sne.s32 s22, $0xFE00;
	[tilespmem:s21+$0xF0] =	vst v0  }
0x18: {  	[tilespmem:s21+$0x80] =	vst v0  }
0x19: {  	[tilespmem:s21+$0x90] =	vst v0  }
.Ltmp0:
0x1a: {  	[tilespmem:s21+$0xA0] =	vst v0;
	(pc) =	sbr.rel @p0 .LBB2_2-.Ltmp0, $4  }
0x1b: {  	[tilespmem:s21+$0xB0] =	vst v0  }
0x1c: {  	[tilespmem:s21+$0xC0] =	vst v0  }
0x1d: {  	[tilespmem:s21+$0xD0] =	vst v0  }
0x1e: {  	[tilespmem:s21+$0xE0] =	vst v0;
	s21 =	sshra.s32 s22, $0x2;
	s22 =	sadd.s32 $0x200, s22  }
0x1f: {  	[tilespmem:s21+$0xF0] =	vst v0  }
0x20: {  	[tilespmem:s21+$0x80] =	vst v0  }
0x21: {  	[tilespmem:s21+$0x90] =	vst v0  }
0x22: {  	[tilespmem:s21+$0xA0] =	vst v0  }
0x23: {  	[tilespmem:s21+$0xB0] =	vst v0  }
0x24: {  	[tilespmem:s21+$0xC0] =	vst v0  }
0x25: {  	[tilespmem:s21+$0xD0] =	vst v0  }
0x26: {  	[tilespmem:s21+$0xE0] =	vst v0;
	s21 =	simm.s32 $0x0;
	s22 =	simm.s32 $0x200  }
.LBB2_4:
0x27: {  	p0 =	sne.s32 s22, $0xFE00;
	[tilespmem:s21+$0x40F0] =	vst v1  }
0x28: {  	[tilespmem:s21+$0x4080] =	vst v1  }
0x29: {  	[tilespmem:s21+$0x4090] =	vst v1  }
.Ltmp1:
0x2a: {  	[tilespmem:s21+$0x40A0] =	vst v1;
	(pc) =	sbr.rel @p0 .LBB2_4-.Ltmp1, $4  }
0x2b: {  	[tilespmem:s21+$0x40B0] =	vst v1  }
0x2c: {  	[tilespmem:s21+$0x40C0] =	vst v1  }
0x2d: {  	[tilespmem:s21+$0x40D0] =	vst v1  }
0x2e: {  	[tilespmem:s21+$0x40E0] =	vst v1;
	s21 =	sshra.s32 s22, $0x2;
	s22 =	sadd.s32 $0x200, s22  }
0x2f: {  	[tilespmem:s21+$0x40F0] =	vst v1  }
0x30: {  	[tilespmem:s21+$0x4080] =	vst v1  }
0x31: {  	[tilespmem:s21+$0x4090] =	vst v1  }
0x32: {  	[tilespmem:s21+$0x40A0] =	vst v1  }
0x33: {  	[tilespmem:s21+$0x40B0] =	vst v1  }
0x34: {  	[tilespmem:s21+$0x40C0] =	vst v1  }
0x35: {  	[tilespmem:s21+$0x40D0] =	vst v1  }
0x36: {  	[tilespmem:s21+$0x40E0] =	vst v1  }
0x37: {  	[spmem:s5] =	stream.linear.scatter [tilespmem:s17], [sflag:$0x1], $0x4000, $0x38;
	[tilespmem:$0x1C080] =	vst v63  }
0x38: {  	_ =	swait.ge [sflag:s18], $0x4000  }
0x39: {  	[sflag:s18] =	ssyncset.done $0x0  }
0x3a: {  	[sflag:s18] =	ssyncadd.s32 $0xFFFFC000  }
0x3b: {  	[spmem:s6] =	stream.linear.scatter [tilespmem:s17], [sflag:$0x1], $0x4000, $0x38;
	[tilespmem:$0x1C080] =	vst v63  }
0x3c: {  	_ =	swait.ge [sflag:s18], $0x4000  }
0x3d: {  	[sflag:s18] =	ssyncset.done $0x0  }
0x3e: {  	[sflag:s18] =	ssyncadd.s32 $0xFFFFC000  }
0x3f: {  	[spmem:s7] =	stream.linear.scatter [tilespmem:s17], [sflag:$0x1], $0x4000, $0x38;
	[tilespmem:$0x1C080] =	vst v63  }
0x40: {  	_ =	swait.ge [sflag:s18], $0x4000  }
0x41: {  	[sflag:s18] =	ssyncset.done $0x0  }
0x42: {  	[sflag:s18] =	ssyncadd.s32 $0xFFFFC000  }
0x43: {  	[spmem:s8] =	stream.linear.scatter [tilespmem:s17], [sflag:$0x1], $0x4000, $0x38;
	[tilespmem:$0x1C080] =	vst v63  }
0x44: {  	_ =	swait.ge [sflag:s18], $0x4000  }
0x45: {  	[sflag:s18] =	ssyncset.done $0x0  }
0x46: {  	[sflag:s18] =	ssyncadd.s32 $0xFFFFC000  }
0x47: {  	[spmem:s9] =	stream.linear.scatter [tilespmem:s17], [sflag:$0x1], $0x4000, $0x38;
	[tilespmem:$0x1C080] =	vst v63  }
0x48: {  	_ =	swait.ge [sflag:s18], $0x4000  }
0x49: {  	[sflag:s18] =	ssyncset.done $0x0  }
0x4a: {  	[sflag:s18] =	ssyncadd.s32 $0xFFFFC000  }
0x4b: {  	[bflag:$0x0] =	sbarrier.arrive $0xFFFF  }
0x4c: {  	[tilespmem:s3], [sflag:$0x1] =	stream.linear.gather [hbm4b:s16+s3], $0x80, $0x38;
	[tilespmem:$0x1C080] =	vst v63  }
0x4d: {  	p0 =	sne.s32 s4, $0x1;
	_ =	swait.ge [sflag:s18], $0x80  }
.Ltmp2:
0x4e: {  	[sflag:s18] =	ssyncset.done $0x0;
	(pc) =	sbr.rel @!p0 .LBB2_7-.Ltmp2, $4  }
0x4f: {  	[sflag:s18] =	ssyncadd.s32 $0xFFFFFF80  }
0x50: {  	[spmem:s2] =	stream.indirect.scatter.add.f32 [tilespmem:s19], [sflag:$0x1], $0x80, s3, s19, $0xb8;
	[tilespmem:$0x1C080] =	vst v63  }
0x51: {  	_ =	swait.ge [sflag:s18], $0x4000  }
0x52: {  	s21 =	sadd.s32 $0xFFFFFFFF, s4;
	s22 =	smov.u32 s16;
	[sflag:s18] =	ssyncset.done $0x0  }
.LBB2_6:
0x53: {  	p0 =	sne.s32 s21, $0x1;
	[sflag:s18] =	ssyncadd.s32 $0xFFFFC000;
	s22 =	sadd.s32 $0x10, s22  }
0x54: {  	[tilespmem:s3], [sflag:$0x1] =	stream.linear.gather [hbm4b:s22+s3], $0x80, $0x38;
	[tilespmem:$0x1C080] =	vst v63  }
0x55: {  	s21 =	sadd.s32 $0xFFFFFFFF, s21;
	_ =	swait.ge [sflag:s18], $0x80  }
.Ltmp3:
0x56: {  	[sflag:s18] =	ssyncset.done $0x0;
	(pc) =	sbr.rel @p0 .LBB2_6-.Ltmp3, $4  }
0x57: {  	[sflag:s18] =	ssyncadd.s32 $0xFFFFFF80  }
0x58: {  	[spmem:s2] =	stream.indirect.scatter.add.f32 [tilespmem:s19], [sflag:$0x1], $0x80, s3, s19, $0xb8;
	[tilespmem:$0x1C080] =	vst v63  }
0x59: {  	_ =	swait.ge [sflag:s18], $0x4000  }
0x5a: {  	[sflag:s18] =	ssyncset.done $0x0  }
.LBB2_7:
0x5b: {  	[sflag:s18] =	ssyncadd.s32 $0xFFFFC000  }
0x5c: {  	[bflag:$0x0] =	sbarrier.arrive $0xFFFF  }
0x5d: {  	[tilespmem:s17], [sflag:$0x1] =	stream.linear.gather [spmem:s5], $0x4000, $0x38;
	[tilespmem:$0x1C080] =	vst v63  }
0x5e: {  	_ =	swait.ge [sflag:s18], $0x4000  }
0x5f: {  	[sflag:s18] =	ssyncset.done $0x0  }
0x60: {  	[sflag:s18] =	ssyncadd.s32 $0xFFFFC000  }
0x61: {  	[hbm4b:s10+s3] =	stream.linear.scatter [tilespmem:s17], [sflag:$0x1], $0x4000, $0x38;
	[tilespmem:$0x1C080] =	vst v63  }
0x62: {  	_ =	swait.ge [sflag:s18], $0x4000  }
0x63: {  	[sflag:s18] =	ssyncset.done $0x0  }
0x64: {  	[sflag:s18] =	ssyncadd.s32 $0xFFFFC000  }
0x65: {  	[tilespmem:s17], [sflag:$0x1] =	stream.linear.gather [spmem:s6], $0x4000, $0x38;
	[tilespmem:$0x1C080] =	vst v63  }
0x66: {  	_ =	swait.ge [sflag:s18], $0x4000  }
0x67: {  	[sflag:s18] =	ssyncset.done $0x0  }
0x68: {  	[sflag:s18] =	ssyncadd.s32 $0xFFFFC000  }
0x69: {  	[hbm4b:s11+s3] =	stream.linear.scatter [tilespmem:s17], [sflag:$0x1], $0x4000, $0x38;
	[tilespmem:$0x1C080] =	vst v63  }
0x6a: {  	_ =	swait.ge [sflag:s18], $0x4000  }
0x6b: {  	[sflag:s18] =	ssyncset.done $0x0  }
0x6c: {  	[sflag:s18] =	ssyncadd.s32 $0xFFFFC000  }
0x6d: {  	[tilespmem:s17], [sflag:$0x1] =	stream.linear.gather [spmem:s7], $0x4000, $0x38;
	[tilespmem:$0x1C080] =	vst v63  }
0x6e: {  	_ =	swait.ge [sflag:s18], $0x4000  }
0x6f: {  	[sflag:s18] =	ssyncset.done $0x0  }
0x70: {  	[sflag:s18] =	ssyncadd.s32 $0xFFFFC000  }
0x71: {  	[hbm4b:s12+s3] =	stream.linear.scatter [tilespmem:s17], [sflag:$0x1], $0x4000, $0x38;
	[tilespmem:$0x1C080] =	vst v63  }
0x72: {  	_ =	swait.ge [sflag:s18], $0x4000  }
0x73: {  	[sflag:s18] =	ssyncset.done $0x0  }
0x74: {  	[sflag:s18] =	ssyncadd.s32 $0xFFFFC000  }
0x75: {  	[tilespmem:s17], [sflag:$0x1] =	stream.linear.gather [spmem:s8], $0x4000, $0x38;
	[tilespmem:$0x1C080] =	vst v63  }
0x76: {  	_ =	swait.ge [sflag:s18], $0x4000  }
0x77: {  	[sflag:s18] =	ssyncset.done $0x0  }
0x78: {  	[sflag:s18] =	ssyncadd.s32 $0xFFFFC000  }
0x79: {  	[hbm4b:s13+s3] =	stream.linear.scatter [tilespmem:s17], [sflag:$0x1], $0x4000, $0x38;
	[tilespmem:$0x1C080] =	vst v63  }
0x7a: {  	_ =	swait.ge [sflag:s18], $0x4000  }
0x7b: {  	[sflag:s18] =	ssyncset.done $0x0  }
0x7c: {  	[sflag:s18] =	ssyncadd.s32 $0xFFFFC000  }
0x7d: {  	[tilespmem:s17], [sflag:$0x1] =	stream.linear.gather [spmem:s9], $0x4000, $0x38;
	[tilespmem:$0x1C080] =	vst v63  }
0x7e: {  	s20 =	sadd.s32 $0x1, s20;
	_ =	swait.ge [sflag:s18], $0x4000  }
0x7f: {  	p0 =	sne.s32 s20, s15;
	[sflag:s18] =	ssyncset.done $0x0  }
.Ltmp4:
0x80: {  	[sflag:s18] =	ssyncadd.s32 $0xFFFFC000;
	(pc) =	sbr.rel @p0 .LBB2_1-.Ltmp4, $4  }
0x81: {  	[hbm4b:s14+s3] =	stream.linear.scatter [tilespmem:s17], [sflag:$0x1], $0x4000, $0x38;
	[tilespmem:$0x1C080] =	vst v63  }
0x82: {  	_ =	swait.ge [sflag:s18], $0x4000  }
0x83: {  	[sflag:s18] =	ssyncset.done $0x0  }
0x84: {  	[sflag:s18] =	ssyncadd.s32 $0xFFFFC000  }
0x85: {  	_ =	sfence.sel $0x180000  }
0x86: {  	[bflag:$0x0] =	sbarrier.arrive $0xFFFF  }
0x87: {  	p0 =	sne.s32 s0, $0x0;
	_ =	strace $0x9000004A  }
0x88: {  	s0 =	sadd.s32 @!p0 $0x100000, s1;
	[bflag:$0x2] =	sbarrier.arrive $0xFFFF  }
0x89: {  	[sflag:s0] =	ssyncadd.tile.s32 @!p0 $0x1;
	_ =	shalt  }
.Lfunc_end2:
_tile_overlayer_lowered:
.L_overlay_start_2:
0x8a: {  	(tag) =	ssettag $0x2  }
0x8b: {  	s0 =	rddreg [dreg:$0x0];
	s2 =	stileid.u32  }
0x8c: {  	s1 =	rddreg [dreg:$0x1];
	p0 =	sne.s32 s2, $0x0  }
0x8d: {  	s3 =	rddreg [dreg:$0x2];
	[bflag:$0x3] =	sbarrier.arrive $0xFFFF;
	s2 =	simm.s32 @!p0 $0x1C01  }
0x8e: {  	[timem:s3], [sflag:s2] =	dma.local @!p0 [hbm:s0], s1  }
0x8f: {  	s0 =	simm.s32 @!p0 $0x1  }
0x90: {  	_ =	swait.ge @!p0 [sflag:s0], s1  }
0x91: {  	s1 =	ssub.s32 @!p0 $0x0, s1;
	[sflag:s0] =	ssyncset.done @!p0 $0x0  }
0x92: {  	[sflag:s0] =	ssyncadd.s32 @!p0 s1  }
0x93: {  	[bflag:$0x3] =	sbarrier.arrive $0xFFFF  }
0x94: {  	_ =	shalt  }

// kernel: kernel.27.cloned.1.call-start
scs
__scs_entry_jumppad:
0x0: {  	(pc) =	sbr.rel $0x88, $3  }
0x1: {  	(tag) =	ssettag $0x0;
	lr =	simm.s32 $0x1  }
0x2: {  	[smem:$0x3F74] =	sst lr;
	_ =	strace $0xD0000000  }
0x3: {  	_ = 	snop  }
0x4: {  	_ = 	snop  }
0x5: {  	_ = 	snop  }
0x6: {  	_ = 	snop  }
0x7: {  	_ = 	snop  }
__scs_overlays_trampoline_lowered:
0x8: {  	[smem:$0x3F83] =	sst s0  }
0x9: {  	[smem:$0x3F84] =	sst s1  }
0xa: {  	[smem:$0x3F85] =	sst s2  }
0xb: {  	[smem:$0x3F86] =	sst s3  }
0xc: {  	[smem:$0x3F87] =	sst s4  }
0xd: {  	[smem:$0x3F88] =	sst s5  }
0xe: {  	[smem:$0x3F89] =	sst s6  }
0xf: {  	[smem:$0x3F8A] =	sst s7  }
0x10: {  	[smem:$0x3F8B] =	sst s8  }
0x11: {  	[smem:$0x3F8C] =	sst s9;
	s0 =	simm.s32 @!p0 $0x0  }
0x12: {  	s1 =	sld [smem:$0x3F72];
	s0 =	simm.s32 @p0 $0x1  }
0x13: {  	[smem:$0x3F8D] =	sst s0;
	s0 =	simm.s32 @!p1 $0x0  }
0x14: {  	s2 =	sld [smem:$0x3F71];
	s0 =	simm.s32 @p1 $0x1  }
0x15: {  	[smem:$0x3F8E] =	sst s0;
	s0 =	simm.s32 @!p2 $0x0  }
0x16: {  	s3 =	sld [smem:$0x3FDB];
	s0 =	simm.s32 @p2 $0x1  }
0x17: {  	s4 =	simm.s32 $0x1BF5;
	[smem:$0x3F90] =	sst s0  }
0x18: {  	s0 =	sld [smem:$0x3F73];
	_ =	swait.ge [sflag:s4], $0x0  }
0x19: {  	s7 =	sld [smem:$0x3F74]  }
0x1a: {  	s8 =	sadd.s32 $0xFFFFE003, lr  }
0x1b: {  	s9 =	sadd.s32 $0xFFFFFEF7, lr;
	s5 =	simm.s32 $0xFFFFFFFF;
	p2 =	slt.u32 s8, $0xFFFFF086  }
0x1c: {  	p1 =	slt.u32 s9, $0xF7A;
	s5 =	simm.s32 @!p2 $0x0  }
0x1d: {  	s5 =	simm.s32 @p1 $0x1;
	p0 =	seq.s32 s7, s2  }
0x1e: {  	s7 =	smul.u32 @!p0 $0xF7A, s2;
	p2 =	seq.s32 @!p0 s5, $0x0  }
0x1f: {  	s9 =	smul.u32 $0xF7A, s1;
	s8 =	simm.s32 @!p0 $0x1BF5;
	p2 =	por !p2, p0  }
0x20: {  	[sflag:s8] =	ssyncset.s32 @!p0 $0xFFFFF086;
	s6 =	sadd.s32 @!p0 s3, s7;
	s7 =	simm.s32 @!p0 $0x108  }
0x21: {  	s3 =	sadd.s32 s3, s9;
	s6 =	sadd.s32 @!p0 $0x88, s6;
	s7 =	simm.s32 @p2 $0x1082  }
0x22: {  	[simem:s7], [sflag:s8] =	dma.local @!p0 [hbm:s6], $0xF7A  }
0x23: {  	s9 =	sor.u32 $0xD0000000, s2;
	s6 =	simm.s32 $0x108;
	_ =	swait.ge @!p0 [sflag:s8], $0x0  }
0x24: {  	s3 =	sadd.s32 $0x88, s3;
	s6 =	simm.s32 @!p1 $0x1082;
	[sflag:s4] =	ssyncset.s32 $0xFFFFF086  }
0x25: {  	[simem:s6], [sflag:s4] =	dma.local [hbm:s3], $0xF7A  }
0x26: {  	[smem:$0x3F74] =	sst s1;
	(tag) =	ssettag s2;
	_ =	strace s9  }
0x27: {  	s1 =	sld [smem:$0x3F84]  }
0x28: {  	s2 =	sld [smem:$0x3F85]  }
0x29: {  	s4 =	sld [smem:$0x3F87]  }
0x2a: {  	p0 =	seq.s32 s5, $0x0;
	s5 =	sld [smem:$0x3F88]  }
0x2b: {  	s6 =	sld [smem:$0x3F89]  }
0x2c: {  	s7 =	sld [smem:$0x3F8A]  }
0x2d: {  	s3 =	simm.s32 $0x108;
	s8 =	sld [smem:$0x3F8B]  }
0x2e: {  	s3 =	simm.s32 @!p0 $0x1082;
	s9 =	sld [smem:$0x3F8C]  }
0x2f: {  	lr =	sadd.s32 s0, s3;
	s0 =	sld [smem:$0x3F83]  }
0x30: {  	s3 =	sld [smem:$0x3F86]  }
0x31: {  	[smem:$0x3F8F] =	sst s10  }
0x32: {  	s10 =	sld [smem:$0x3F8D];
	_ =	sdelay $0x3  }
0x33: {  	p0 =	seq.s32 s10, $0x1;
	s10 =	sld [smem:$0x3F8F];
	_ =	sdelay $0x3  }
0x34: {  	[smem:$0x3F8F] =	sst s10  }
0x35: {  	s10 =	sld [smem:$0x3F8E];
	_ =	sdelay $0x3  }
0x36: {  	p1 =	seq.s32 s10, $0x1;
	s10 =	sld [smem:$0x3F8F];
	_ =	sdelay $0x3  }
0x37: {  	[smem:$0x3F8F] =	sst s10  }
0x38: {  	s10 =	sld [smem:$0x3F90]  }
0x39: {  	_ = 	snop;
	(pc) =	sbr.ind lr, $3  }
0x3a: {  	_ = 	snop  }
0x3b: {  	_ = 	snop  }
0x3c: {  	p2 =	seq.s32 s10, $0x1;
	s10 =	sld [smem:$0x3F8F]  }
0x3d: {  	_ =	shalt  }
0x3e: {  	_ =	shalt  }
0x3f: {  	_ =	shalt  }
0x40: {  	_ =	shalt  }
0x41: {  	_ =	shalt  }
0x42: {  	_ =	shalt  }
0x43: {  	_ =	shalt  }
0x44: {  	_ =	shalt  }
0x45: {  	_ =	shalt  }
0x46: {  	_ =	shalt  }
0x47: {  	_ =	shalt  }
0x48: {  	_ =	shalt  }
0x49: {  	_ =	shalt  }
0x4a: {  	_ =	shalt  }
0x4b: {  	_ =	shalt  }
0x4c: {  	_ =	shalt  }
0x4d: {  	_ =	shalt  }
0x4e: {  	_ =	shalt  }
0x4f: {  	_ =	shalt  }
0x50: {  	_ =	shalt  }
0x51: {  	_ =	shalt  }
0x52: {  	_ =	shalt  }
0x53: {  	_ =	shalt  }
0x54: {  	_ =	shalt  }
0x55: {  	_ =	shalt  }
0x56: {  	_ =	shalt  }
0x57: {  	_ =	shalt  }
0x58: {  	_ =	shalt  }
0x59: {  	_ =	shalt  }
0x5a: {  	_ =	shalt  }
0x5b: {  	_ =	shalt  }
0x5c: {  	_ =	shalt  }
0x5d: {  	_ =	shalt  }
0x5e: {  	_ =	shalt  }
0x5f: {  	_ =	shalt  }
0x60: {  	_ =	shalt  }
0x61: {  	_ =	shalt  }
0x62: {  	_ =	shalt  }
0x63: {  	_ =	shalt  }
0x64: {  	_ =	shalt  }
0x65: {  	_ =	shalt  }
0x66: {  	_ =	shalt  }
0x67: {  	_ =	shalt  }
0x68: {  	_ =	shalt  }
0x69: {  	_ =	shalt  }
0x6a: {  	_ =	shalt  }
0x6b: {  	_ =	shalt  }
0x6c: {  	_ =	shalt  }
0x6d: {  	_ =	shalt  }
0x6e: {  	_ =	shalt  }
0x6f: {  	_ =	shalt  }
0x70: {  	_ =	shalt  }
0x71: {  	_ =	shalt  }
0x72: {  	_ =	shalt  }
0x73: {  	_ =	shalt  }
0x74: {  	_ =	shalt  }
0x75: {  	_ =	shalt  }
0x76: {  	_ =	shalt  }
0x77: {  	_ =	shalt  }
0x78: {  	_ =	shalt  }
0x79: {  	_ =	shalt  }
0x7a: {  	_ =	shalt  }
0x7b: {  	_ =	shalt  }
0x7c: {  	_ =	shalt  }
0x7d: {  	_ =	shalt  }
0x7e: {  	_ =	shalt  }
0x7f: {  	_ =	shalt  }
0x80: {  	_ =	shalt  }
0x81: {  	_ =	shalt  }
0x82: {  	_ =	shalt  }
0x83: {  	_ =	shalt  }
0x84: {  	_ =	shalt  }
0x85: {  	_ =	shalt  }
0x86: {  	_ =	shalt  }
0x87: {  	_ =	shalt  }
.Lfunc_end0:
.L_simem_size_0:
called_computation.1_lowered:
.L_overlay_start_0:
0x88: {  	s2 =	sld [smem:$0x3FD9]  }
0x89: {  	s3 =	sld [smem:$0x3FFE];
	_ =	sdelay $0x1  }
0x8a: {  	s1 =	srdreg.scid  }
0x8b: {  	s0 =	sand.u32 $0x1, s1  }
0x8c: {  	s16 =	sshll.u32 s0, $0xA;
	s2 =	sadd.s32 s3, s2  }
0x8d: {  	s2 =	sadd.s32 s2, s16  }
0x8e: {  	[smem:$0x3F9B] =	sst s2  }
0x8f: {  	_ = 	snop  }
0x90: {  	(tm) =	ssettm $0x1  }
0x91: {  	s17 =	sld [smem:$0x3FFB];
	_ =	sdelay $0x3  }
0x92: {  	_ =	strace s17  }
0x93: {  	s2 =	sld [smem:$0x3FFC];
	_ =	sdelay $0x3  }
0x94: {  	_ =	strace s2  }
0x95: {  	s2 =	sld [smem:$0x3FFD];
	_ =	sdelay $0x3  }
0x96: {  	_ =	strace s2  }
0x97: {  	_ =	strace $0x8FFFFFFF  }
0x98: {  	s18 =	sld [smem:$0x3FDB];
	_ =	sdelay $0x1  }
0x99: {  	s19 =	simm.s32 $_scs_section_size  }
0x9a: {  	s4 =	simm.s32 $_size__tile_overlayer_lowered;
	s5 =	simm.s32 $_tile_overlayer_lowered  }
0x9b: {  	s22 =	simm.s32 $0x1BFF;
	s21 =	sshll.u32 s5, $0x1;
	s2 =	sadd.s32 s19, s18  }
0x9c: {  	s6 =	simm.s32 $0x0;
	s20 =	sshll.u32 s4, $0x1;
	s4 =	sadd.s32 s21, s2  }
0x9d: {  	[timem:s6], [sflag:s22] =	dma.local [hbm:s4], s20  }
0x9e: {  	_ =	swait.ge [sflag:s22], s20  }
0x9f: {  	s3 =	ssub.s32 $0x0, s20;
	[sflag:s22] =	ssyncset.done $0x0  }
0xa0: {  	[sflag:s22] =	ssyncadd.s32 s3;
	_ =	sdelay $0x1  }
0xa1: {  	s23 =	simm.s32 $0x1B8B  }
0xa2: {  	_ =	swait.ge [sflag:s23], $0x1  }
0xa3: {  	[sflag:s23] =	ssyncset.done $0x0  }
0xa4: {  	s25 =	simm.s32 $0x1B8E;
	s24 =	sld [smem:$0x3FFE];
	[sflag:s23] =	ssyncadd.s32 $0xFFFFFFFF  }
0xa5: {  	s26 =	simm.s32 $execute0_lowered;
	[smem:$0x3FD2] =	sst s25  }
0xa6: {  	s4 =	sshll.u32 s26, $0x1;
	_ =	strace $0x80000046;
	[dreg:$0x1] =	wrdreg $0xFFFFFFFF  }
0xa7: {  	s28 =	simm.s32 $_size_execute0_lowered;
	s2 =	sadd.s32 s2, s4;
	[dreg:$0x0] =	wrdreg $0x0  }
0xa8: {  	s4 =	sshll.u32 s28, $0x1;
	[dreg:$0x2] =	wrdreg s2  }
0xa9: {  	[dreg:$0x3] =	wrdreg s4  }
0xaa: {  	[dreg:$0x4] =	wrdreg $0xC0  }
0xab: {  	_ =	task [dreg:s6], $0x5FFFF  }
0xac: {  	[dreg:$0x1] =	wrdreg $0xFFFFFFFF  }
0xad: {  	[dreg:$0x0] =	wrdreg $0x60  }
0xae: {  	[dreg:$0x2] =	wrdreg s24  }
0xaf: {  	[dreg:$0x3] =	wrdreg $0xA  }
0xb0: {  	_ =	task.clear_ibuf [dreg:s6], $0x4FFFF;
	_ =	strace $0x90000046  }
0xb1: {  	s29 =	simm.s32 $0xA;
	_ =	strace $0x80000048  }
0xb2: {  	_ =	swait.ge [sflag:s29], $0x1  }
0xb3: {  	[sflag:s29] =	ssyncadd.s32 $0xFFFFFFFF  }
0xb4: {  	_ =	strace $0x90000048  }
0xb5: {  	_ =	sfence  }
0xb6: {  	s30 =	sld [smem:$0x0];
	_ =	sdelay $0x2  }
0xb7: {  	s31 =	sshll.u32 s1, $0xD;
	s1 =	sshrl.u32 s1, $0x2  }
0xb8: {  	s3 =	sand.u32 $0x4000, s31;
	s1 =	sadd.s32 s1, s30  }
0xb9: {  	s0 =	sor.u32 s3, s0;
	s1 =	sshll.u32 s1, $0x11  }
0xba: {  	s0 =	sor.u32 s1, s0  }
0xbb: {  	s0 =	sadd.s32 $0x8F2B, s0  }
0xbc: {  	[sflag:s0] =	ssyncadd.remote.s32 $0x1  }
0xbd: {  	_ =	sfence.sel $0xFFFF  }
0xbe: {  	[dreg:$0x0] =	wrdreg $0xFFFFFFFF;
	(pc) =	sbr.abs _section_cstart, $3  }
0xbf: {  	[dreg:$0x1] =	wrdreg $0xFFFFFFFF  }
0xc0: {  	_ =	task.clear_ibuf [dreg:s6], $0x2FFFF;
	_ =	strace $0x9FFFFFFF  }
0xc1: {  	(tm) =	ssettm $0x7FFFFFFF  }
tec
execute0_lowered:
.L_overlay_start_1:
0x0: {  	(tag) =	ssettag $0x1  }
0x1: {  	s1 =	srdreg.scid;
	s0 =	stileid.u32  }
0x2: {  	s5 =	rddreg [dreg:$0x0];
	s11 =	simm.s32 $0x80;
	s12 =	simm.s32 $0x1  }
0x3: {  	s13 =	simm.s32 $0x0;
	s4 =	sand.u32 $0x1, s1;
	s3 =	smul.u32 $0x9C, s0  }
0x4: {  	s2 =	sshll.u32 s0, $0x1;
	s1 =	rddreg [dreg:$0x1];
	p0 =	slt.u32 s0, $0x2  }
0x5: {  	s6 =	smul.u32 $0x4E, s4;
	s7 =	sor.u32 s4, s2;
	s2 =	simm.s32 $0x0  }
0x6: {  	s8 =	ssub.s32 $0x2, s4;
	s4 =	simm.s32 $0x4F;
	s7 =	smin.u32 s7, $0x4  }
0x7: {  	[smem:$0x7FF] =	sst s2;
	s9 =	sshrl.u32 s8, $0x1;
	s3 =	sadd.s32 s6, s3  }
0x8: {  	s4 =	simm.s32 @!p0 $0x4E;
	_ =	strace $0x80000047;
	s6 =	sadd.s32 s7, s3  }
0x9: {  	s31 =	ssub.s32 s8, s9;
	s7 =	sshll.u32 s6, $0x4;
	s6 =	sshll.u32 s6, $0xB  }
0xa: {  	s3 =	sadd.s32 $0x22800, s5;
	s7 =	sadd.s32 s7, s5;
	s10 =	sadd.s32 s6, s5  }
0xb: {  	s5 =	smax.u32 s31, $0x1;
	s6 =	sadd.s32 $0x18A00, s7;
	s7 =	sadd.s32 $0xEC00, s7  }
0xc: {  	s8 =	sadd.s32 $0x52BA00, s10;
	s9 =	sadd.s32 $0x49A00, s10;
	s10 =	simm.s32 $0x2  }
.LBB2_1:
0xd: {  	[tilespmem:s2], [sflag:$0x2] =	stream.linear.gather [hbm4b:s6+s2], $0x80, $0x38;
	[tilespmem:$0x4080] =	vst v63  }
0xe: {  	_ =	swait.ge [sflag:s10], $0x80  }
0xf: {  	[sflag:s10] =	ssyncset.done $0x0  }
0x10: {  	[sflag:s10] =	ssyncadd.s32 $0xFFFFFF80  }
0x11: {  	[tilespmem:s11], [sflag:$0x1] =	stream.indirect.gather [hbm4b:s3+s11], $0x80, s2, s11, $0xb8;
	[tilespmem:$0x4080] =	vst v63  }
0x12: {  	_ =	swait.ge [sflag:s12], $0x4000  }
0x13: {  	[sflag:s12] =	ssyncset.done $0x0  }
0x14: {  	[sflag:s12] =	ssyncadd.s32 $0xFFFFC000  }
0x15: {  	[hbm4b:s8+s2] =	stream.linear.scatter [tilespmem:s11], [sflag:$0x2], $0x4000, $0x38;
	[tilespmem:$0x4080] =	vst v63  }
0x16: {  	_ =	swait.ge [sflag:s10], $0x4000  }
0x17: {  	[sflag:s10] =	ssyncset.done $0x0  }
0x18: {  	[sflag:s10] =	ssyncadd.s32 $0xFFFFC000  }
0x19: {  	[tilespmem:s2], [sflag:$0x2] =	stream.linear.gather [hbm4b:s7+s2], $0x80, $0x38;
	[tilespmem:$0x4080] =	vst v63  }
0x1a: {  	_ =	swait.ge [sflag:s10], $0x80  }
0x1b: {  	[sflag:s10] =	ssyncset.done $0x0  }
0x1c: {  	[sflag:s10] =	ssyncadd.s32 $0xFFFFFF80  }
0x1d: {  	[tilespmem:s11], [sflag:$0x1] =	stream.indirect.gather [hbm4b:s3+s11], $0x80, s2, s11, $0xb8;
	[tilespmem:$0x4080] =	vst v63  }
0x1e: {  	p0 =	sne.s32 s4, $0x1;
	_ =	swait.ge [sflag:s12], $0x4000  }
.Ltmp0:
0x1f: {  	[sflag:s12] =	ssyncset.done $0x0;
	(pc) =	sbr.rel @!p0 .LBB2_3-.Ltmp0, $4  }
0x20: {  	s14 =	sadd.s32 $0xFFFFFFFF, s4;
	[sflag:s12] =	ssyncadd.s32 $0xFFFFC000  }
0x21: {  	[hbm4b:s9+s2] =	stream.linear.scatter [tilespmem:s11], [sflag:$0x2], $0x4000, $0x38;
	[tilespmem:$0x4080] =	vst v63  }
0x22: {  	s15 =	sadd.s32 $0x800, s8;
	s16 =	sadd.s32 $0x800, s9;
	_ =	swait.ge [sflag:s10], $0x4000  }
0x23: {  	s17 =	smov.u32 s6;
	s18 =	smov.u32 s7;
	[sflag:s10] =	ssyncset.done $0x0  }
.LBB2_2:
0x24: {  	[sflag:s10] =	ssyncadd.s32 $0xFFFFC000;
	s17 =	sadd.s32 $0x10, s17;
	s18 =	sadd.s32 $0x10, s18  }
0x25: {  	[tilespmem:s2], [sflag:$0x2] =	stream.linear.gather [hbm4b:s17+s2], $0x80, $0x38;
	[tilespmem:$0x4080] =	vst v63  }
0x26: {  	p0 =	sne.s32 s14, $0x1;
	s14 =	sadd.s32 $0xFFFFFFFF, s14;
	_ =	swait.ge [sflag:s10], $0x80  }
0x27: {  	[sflag:s10] =	ssyncset.done $0x0  }
0x28: {  	[sflag:s10] =	ssyncadd.s32 $0xFFFFFF80  }
0x29: {  	[tilespmem:s11], [sflag:$0x1] =	stream.indirect.gather [hbm4b:s3+s11], $0x80, s2, s11, $0xb8;
	[tilespmem:$0x4080] =	vst v63  }
0x2a: {  	_ =	swait.ge [sflag:s12], $0x4000  }
0x2b: {  	[sflag:s12] =	ssyncset.done $0x0  }
0x2c: {  	[sflag:s12] =	ssyncadd.s32 $0xFFFFC000  }
0x2d: {  	[hbm4b:s15+s2] =	stream.linear.scatter [tilespmem:s11], [sflag:$0x2], $0x4000, $0x38;
	[tilespmem:$0x4080] =	vst v63  }
0x2e: {  	_ =	swait.ge [sflag:s10], $0x4000  }
0x2f: {  	[sflag:s10] =	ssyncset.done $0x0  }
0x30: {  	[sflag:s10] =	ssyncadd.s32 $0xFFFFC000  }
0x31: {  	[tilespmem:s2], [sflag:$0x2] =	stream.linear.gather [hbm4b:s18+s2], $0x80, $0x38;
	[tilespmem:$0x4080] =	vst v63  }
0x32: {  	_ =	swait.ge [sflag:s10], $0x80  }
0x33: {  	[sflag:s10] =	ssyncset.done $0x0  }
0x34: {  	[sflag:s10] =	ssyncadd.s32 $0xFFFFFF80  }
0x35: {  	[tilespmem:s11], [sflag:$0x1] =	stream.indirect.gather [hbm4b:s3+s11], $0x80, s2, s11, $0xb8;
	[tilespmem:$0x4080] =	vst v63  }
0x36: {  	_ =	swait.ge [sflag:s12], $0x4000  }
.Ltmp1:
0x37: {  	[sflag:s12] =	ssyncset.done $0x0;
	(pc) =	sbr.rel @p0 .LBB2_2-.Ltmp1, $4  }
0x38: {  	[sflag:s12] =	ssyncadd.s32 $0xFFFFC000  }
0x39: {  	[hbm4b:s16+s2] =	stream.linear.scatter [tilespmem:s11], [sflag:$0x2], $0x4000, $0x38;
	[tilespmem:$0x4080] =	vst v63  }
0x3a: {  	_ =	swait.ge [sflag:s10], $0x4000  }
0x3b: {  	s15 =	sadd.s32 $0x800, s15;
	s16 =	sadd.s32 $0x800, s16;
	[sflag:s10] =	ssyncset.done $0x0  }
.LBB2_3:
0x3c: {  	s13 =	sadd.s32 $0x1, s13  }
0x3d: {  	p0 =	sne.s32 s13, s5  }
.Ltmp2:
0x3e: {  	_ = 	snop;
	(pc) =	sbr.rel @p0 .LBB2_1-.Ltmp2, $2  }
0x3f: {  	_ =	sdelay $0x2  }
0x40: {  	[sflag:s10] =	ssyncadd.s32 $0xFFFFC000  }
0x41: {  	_ =	sfence.sel $0x180000  }
0x42: {  	[bflag:$0x0] =	sbarrier.arrive $0xFFFF  }
0x43: {  	p0 =	sne.s32 s0, $0x0;
	_ =	strace $0x90000047  }
0x44: {  	s0 =	sadd.s32 @!p0 $0x100000, s1;
	[bflag:$0x2] =	sbarrier.arrive $0xFFFF  }
0x45: {  	[sflag:s0] =	ssyncadd.tile.s32 @!p0 $0x1;
	_ =	shalt  }
.Lfunc_end2:
_tile_overlayer_lowered:
.L_overlay_start_2:
0x46: {  	(tag) =	ssettag $0x2  }
0x47: {  	s0 =	rddreg [dreg:$0x0];
	s2 =	stileid.u32  }
0x48: {  	s1 =	rddreg [dreg:$0x1];
	p0 =	sne.s32 s2, $0x0  }
0x49: {  	s3 =	rddreg [dreg:$0x2];
	[bflag:$0x3] =	sbarrier.arrive $0xFFFF;
	s2 =	simm.s32 @!p0 $0x1C02  }
0x4a: {  	[timem:s3], [sflag:s2] =	dma.local @!p0 [hbm:s0], s1  }
0x4b: {  	s0 =	simm.s32 @!p0 $0x2  }
0x4c: {  	_ =	swait.ge @!p0 [sflag:s0], s1  }
0x4d: {  	s1 =	ssub.s32 @!p0 $0x0, s1;
	[sflag:s0] =	ssyncset.done @!p0 $0x0  }
0x4e: {  	[sflag:s0] =	ssyncadd.s32 @!p0 s1  }
0x4f: {  	[bflag:$0x3] =	sbarrier.arrive $0xFFFF  }
0x50: {  	_ =	shalt  }

// kernel: kernel.30.cloned.1.call-start
scs
__scs_entry_jumppad:
0x0: {  	(pc) =	sbr.rel $0x88, $3  }
0x1: {  	(tag) =	ssettag $0x0;
	lr =	simm.s32 $0x1  }
0x2: {  	[smem:$0x3F74] =	sst lr;
	_ =	strace $0xD0000000  }
0x3: {  	_ = 	snop  }
0x4: {  	_ = 	snop  }
0x5: {  	_ = 	snop  }
0x6: {  	_ = 	snop  }
0x7: {  	_ = 	snop  }
__scs_overlays_trampoline_lowered:
0x8: {  	[smem:$0x3F83] =	sst s0  }
0x9: {  	[smem:$0x3F84] =	sst s1  }
0xa: {  	[smem:$0x3F85] =	sst s2  }
0xb: {  	[smem:$0x3F86] =	sst s3  }
0xc: {  	[smem:$0x3F87] =	sst s4  }
0xd: {  	[smem:$0x3F88] =	sst s5  }
0xe: {  	[smem:$0x3F89] =	sst s6  }
0xf: {  	[smem:$0x3F8A] =	sst s7  }
0x10: {  	[smem:$0x3F8B] =	sst s8  }
0x11: {  	[smem:$0x3F8C] =	sst s9;
	s0 =	simm.s32 @!p0 $0x0  }
0x12: {  	s1 =	sld [smem:$0x3F72];
	s0 =	simm.s32 @p0 $0x1  }
0x13: {  	[smem:$0x3F8D] =	sst s0;
	s0 =	simm.s32 @!p1 $0x0  }
0x14: {  	s2 =	sld [smem:$0x3F71];
	s0 =	simm.s32 @p1 $0x1  }
0x15: {  	[smem:$0x3F8E] =	sst s0;
	s0 =	simm.s32 @!p2 $0x0  }
0x16: {  	s3 =	sld [smem:$0x3FDB];
	s0 =	simm.s32 @p2 $0x1  }
0x17: {  	s4 =	simm.s32 $0x1BF5;
	[smem:$0x3F90] =	sst s0  }
0x18: {  	s0 =	sld [smem:$0x3F73];
	_ =	swait.ge [sflag:s4], $0x0  }
0x19: {  	s7 =	sld [smem:$0x3F74]  }
0x1a: {  	s8 =	sadd.s32 $0xFFFFE003, lr  }
0x1b: {  	s9 =	sadd.s32 $0xFFFFFEF7, lr;
	s5 =	simm.s32 $0xFFFFFFFF;
	p2 =	slt.u32 s8, $0xFFFFF086  }
0x1c: {  	p1 =	slt.u32 s9, $0xF7A;
	s5 =	simm.s32 @!p2 $0x0  }
0x1d: {  	s5 =	simm.s32 @p1 $0x1;
	p0 =	seq.s32 s7, s2  }
0x1e: {  	s7 =	smul.u32 @!p0 $0xF7A, s2;
	p2 =	seq.s32 @!p0 s5, $0x0  }
0x1f: {  	s9 =	smul.u32 $0xF7A, s1;
	s8 =	simm.s32 @!p0 $0x1BF5;
	p2 =	por !p2, p0  }
0x20: {  	[sflag:s8] =	ssyncset.s32 @!p0 $0xFFFFF086;
	s6 =	sadd.s32 @!p0 s3, s7;
	s7 =	simm.s32 @!p0 $0x108  }
0x21: {  	s3 =	sadd.s32 s3, s9;
	s6 =	sadd.s32 @!p0 $0x88, s6;
	s7 =	simm.s32 @p2 $0x1082  }
0x22: {  	[simem:s7], [sflag:s8] =	dma.local @!p0 [hbm:s6], $0xF7A  }
0x23: {  	s9 =	sor.u32 $0xD0000000, s2;
	s6 =	simm.s32 $0x108;
	_ =	swait.ge @!p0 [sflag:s8], $0x0  }
0x24: {  	s3 =	sadd.s32 $0x88, s3;
	s6 =	simm.s32 @!p1 $0x1082;
	[sflag:s4] =	ssyncset.s32 $0xFFFFF086  }
0x25: {  	[simem:s6], [sflag:s4] =	dma.local [hbm:s3], $0xF7A  }
0x26: {  	[smem:$0x3F74] =	sst s1;
	(tag) =	ssettag s2;
	_ =	strace s9  }
0x27: {  	s1 =	sld [smem:$0x3F84]  }
0x28: {  	s2 =	sld [smem:$0x3F85]  }
0x29: {  	s4 =	sld [smem:$0x3F87]  }
0x2a: {  	p0 =	seq.s32 s5, $0x0;
	s5 =	sld [smem:$0x3F88]  }
0x2b: {  	s6 =	sld [smem:$0x3F89]  }
0x2c: {  	s7 =	sld [smem:$0x3F8A]  }
0x2d: {  	s3 =	simm.s32 $0x108;
	s8 =	sld [smem:$0x3F8B]  }
0x2e: {  	s3 =	simm.s32 @!p0 $0x1082;
	s9 =	sld [smem:$0x3F8C]  }
0x2f: {  	lr =	sadd.s32 s0, s3;
	s0 =	sld [smem:$0x3F83]  }
0x30: {  	s3 =	sld [smem:$0x3F86]  }
0x31: {  	[smem:$0x3F8F] =	sst s10  }
0x32: {  	s10 =	sld [smem:$0x3F8D];
	_ =	sdelay $0x3  }
0x33: {  	p0 =	seq.s32 s10, $0x1;
	s10 =	sld [smem:$0x3F8F];
	_ =	sdelay $0x3  }
0x34: {  	[smem:$0x3F8F] =	sst s10  }
0x35: {  	s10 =	sld [smem:$0x3F8E];
	_ =	sdelay $0x3  }
0x36: {  	p1 =	seq.s32 s10, $0x1;
	s10 =	sld [smem:$0x3F8F];
	_ =	sdelay $0x3  }
0x37: {  	[smem:$0x3F8F] =	sst s10  }
0x38: {  	s10 =	sld [smem:$0x3F90]  }
0x39: {  	_ = 	snop;
	(pc) =	sbr.ind lr, $3  }
0x3a: {  	_ = 	snop  }
0x3b: {  	_ = 	snop  }
0x3c: {  	p2 =	seq.s32 s10, $0x1;
	s10 =	sld [smem:$0x3F8F]  }
0x3d: {  	_ =	shalt  }
0x3e: {  	_ =	shalt  }
0x3f: {  	_ =	shalt  }
0x40: {  	_ =	shalt  }
0x41: {  	_ =	shalt  }
0x42: {  	_ =	shalt  }
0x43: {  	_ =	shalt  }
0x44: {  	_ =	shalt  }
0x45: {  	_ =	shalt  }
0x46: {  	_ =	shalt  }
0x47: {  	_ =	shalt  }
0x48: {  	_ =	shalt  }
0x49: {  	_ =	shalt  }
0x4a: {  	_ =	shalt  }
0x4b: {  	_ =	shalt  }
0x4c: {  	_ =	shalt  }
0x4d: {  	_ =	shalt  }
0x4e: {  	_ =	shalt  }
0x4f: {  	_ =	shalt  }
0x50: {  	_ =	shalt  }
0x51: {  	_ =	shalt  }
0x52: {  	_ =	shalt  }
0x53: {  	_ =	shalt  }
0x54: {  	_ =	shalt  }
0x55: {  	_ =	shalt  }
0x56: {  	_ =	shalt  }
0x57: {  	_ =	shalt  }
0x58: {  	_ =	shalt  }
0x59: {  	_ =	shalt  }
0x5a: {  	_ =	shalt  }
0x5b: {  	_ =	shalt  }
0x5c: {  	_ =	shalt  }
0x5d: {  	_ =	shalt  }
0x5e: {  	_ =	shalt  }
0x5f: {  	_ =	shalt  }
0x60: {  	_ =	shalt  }
0x61: {  	_ =	shalt  }
0x62: {  	_ =	shalt  }
0x63: {  	_ =	shalt  }
0x64: {  	_ =	shalt  }
0x65: {  	_ =	shalt  }
0x66: {  	_ =	shalt  }
0x67: {  	_ =	shalt  }
0x68: {  	_ =	shalt  }
0x69: {  	_ =	shalt  }
0x6a: {  	_ =	shalt  }
0x6b: {  	_ =	shalt  }
0x6c: {  	_ =	shalt  }
0x6d: {  	_ =	shalt  }
0x6e: {  	_ =	shalt  }
0x6f: {  	_ =	shalt  }
0x70: {  	_ =	shalt  }
0x71: {  	_ =	shalt  }
0x72: {  	_ =	shalt  }
0x73: {  	_ =	shalt  }
0x74: {  	_ =	shalt  }
0x75: {  	_ =	shalt  }
0x76: {  	_ =	shalt  }
0x77: {  	_ =	shalt  }
0x78: {  	_ =	shalt  }
0x79: {  	_ =	shalt  }
0x7a: {  	_ =	shalt  }
0x7b: {  	_ =	shalt  }
0x7c: {  	_ =	shalt  }
0x7d: {  	_ =	shalt  }
0x7e: {  	_ =	shalt  }
0x7f: {  	_ =	shalt  }
0x80: {  	_ =	shalt  }
0x81: {  	_ =	shalt  }
0x82: {  	_ =	shalt  }
0x83: {  	_ =	shalt  }
0x84: {  	_ =	shalt  }
0x85: {  	_ =	shalt  }
0x86: {  	_ =	shalt  }
0x87: {  	_ =	shalt  }
.Lfunc_end0:
.L_simem_size_0:
called_computation.2_lowered:
.L_overlay_start_0:
0x88: {  	s2 =	sld [smem:$0x3FD9]  }
0x89: {  	s3 =	sld [smem:$0x3FFE];
	_ =	sdelay $0x1  }
0x8a: {  	s1 =	srdreg.scid  }
0x8b: {  	s0 =	sand.u32 $0x1, s1  }
0x8c: {  	s17 =	sshll.u32 s0, $0xA;
	s2 =	sadd.s32 s3, s2  }
0x8d: {  	s2 =	sadd.s32 s2, s17  }
0x8e: {  	[smem:$0x3F9B] =	sst s2  }
0x8f: {  	_ = 	snop  }
0x90: {  	(tm) =	ssettm $0x1  }
0x91: {  	s18 =	sld [smem:$0x3FFB];
	_ =	sdelay $0x3  }
0x92: {  	_ =	strace s18  }
0x93: {  	s2 =	sld [smem:$0x3FFC];
	_ =	sdelay $0x3  }
0x94: {  	_ =	strace s2  }
0x95: {  	s2 =	sld [smem:$0x3FFD];
	_ =	sdelay $0x3  }
0x96: {  	_ =	strace s2  }
0x97: {  	_ =	strace $0x8FFFFFFF  }
0x98: {  	s19 =	sld [smem:$0x3FDB];
	_ =	sdelay $0x1  }
0x99: {  	s20 =	simm.s32 $_scs_section_size  }
0x9a: {  	s4 =	simm.s32 $_size__tile_overlayer_lowered;
	s5 =	simm.s32 $_tile_overlayer_lowered  }
0x9b: {  	s6 =	simm.s32 $0x1BFF;
	s21 =	sshll.u32 s5, $0x1;
	s3 =	sadd.s32 s20, s19  }
0x9c: {  	s22 =	simm.s32 $0x0;
	s4 =	sshll.u32 s4, $0x1;
	s5 =	sadd.s32 s21, s3  }
0x9d: {  	[timem:s22], [sflag:s6] =	dma.local [hbm:s5], s4  }
0x9e: {  	_ =	swait.ge [sflag:s6], s4  }
0x9f: {  	s4 =	ssub.s32 $0x0, s4;
	[sflag:s6] =	ssyncset.done $0x0  }
0xa0: {  	[sflag:s6] =	ssyncadd.s32 s4;
	_ =	sdelay $0x1  }
0xa1: {  	s23 =	simm.s32 $0x1B8B  }
0xa2: {  	_ =	swait.ge [sflag:s23], $0x1  }
0xa3: {  	[sflag:s23] =	ssyncset.done $0x0  }
0xa4: {  	[sflag:s23] =	ssyncadd.s32 $0xFFFFFFFF  }
0xa5: {  	s4 =	sld [smem:$0x0]  }
0xa6: {  	s5 =	sand.u32 $0xFFFFFFFE, s1  }
0xa7: {  	p0 =	sne.s32 s1, s5  }
0xa8: {  	s5 =	sshll.u32 @p0 s5, $0xE  }
0xa9: {  	s5 =	sadd.s32 @p0 $0x11B8D, s5;
	s6 =	sshll.u32 @p0 s4, $0x11  }
0xaa: {  	s5 =	sor.u32 @p0 s6, s5  }
0xab: {  	[sflag:s5] =	ssyncadd.remote.s32 @p0 $0x1;
	_ =	sdelay $0x1  }
0xac: {  	s5 =	simm.s32 @p0 $0x1B8D  }
0xad: {  	_ =	swait.eq @p0 [sflag:s5], $0x1  }
0xae: {  	[sflag:s5] =	ssyncadd.s32 @p0 $0xFFFFFFFF  }
0xaf: {  	s6 =	sshll.u32 @!p0 s1, $0xE  }
0xb0: {  	s6 =	sor.u32 @!p0 $0x4000, s6;
	s5 =	simm.s32 @!p0 $0x1B8D  }
0xb1: {  	s4 =	sshll.u32 @!p0 s4, $0x11;
	s6 =	sadd.s32 @!p0 $0x11B8D, s6;
	_ =	swait.eq @!p0 [sflag:s5], $0x1  }
0xb2: {  	s4 =	sor.u32 @!p0 s4, s6;
	[sflag:s5] =	ssyncadd.s32 @!p0 $0xFFFFFFFF  }
0xb3: {  	s25 =	simm.s32 $0x1B8E;
	s24 =	sld [smem:$0x3FFE];
	[sflag:s4] =	ssyncadd.remote.s32 @!p0 $0x1  }
0xb4: {  	s26 =	simm.s32 $execute0_lowered;
	[smem:$0x3FD2] =	sst s25  }
0xb5: {  	s5 =	sshll.u32 s26, $0x1;
	_ =	strace $0x8000004C;
	[dreg:$0x1] =	wrdreg $0xFFFFFFFF  }
0xb6: {  	s28 =	simm.s32 $_size_execute0_lowered;
	s3 =	sadd.s32 s3, s5;
	[dreg:$0x0] =	wrdreg $0x0  }
0xb7: {  	s5 =	sshll.u32 s28, $0x1;
	[dreg:$0x2] =	wrdreg s3  }
0xb8: {  	[dreg:$0x3] =	wrdreg s5  }
0xb9: {  	[dreg:$0x4] =	wrdreg $0xC0  }
0xba: {  	_ =	task [dreg:s22], $0x5FFFF  }
0xbb: {  	[dreg:$0x1] =	wrdreg $0xFFFFFFFF  }
0xbc: {  	[dreg:$0x0] =	wrdreg $0x60  }
0xbd: {  	[dreg:$0x2] =	wrdreg s24  }
0xbe: {  	[dreg:$0x3] =	wrdreg $0x80800  }
0xbf: {  	[dreg:$0x4] =	wrdreg $0xA  }
0xc0: {  	_ =	task.clear_ibuf [dreg:s22], $0x5FFFF;
	_ =	strace $0x9000004C  }
0xc1: {  	s29 =	simm.s32 $0xA;
	_ =	strace $0x8000004E  }
0xc2: {  	_ =	swait.ge [sflag:s29], $0x1  }
0xc3: {  	[sflag:s29] =	ssyncadd.s32 $0xFFFFFFFF  }
0xc4: {  	_ =	strace $0x9000004E  }
0xc5: {  	_ =	sfence  }
0xc6: {  	s30 =	sld [smem:$0x0];
	_ =	sdelay $0x2  }
0xc7: {  	s31 =	sshll.u32 s1, $0xD;
	s1 =	sshrl.u32 s1, $0x2  }
0xc8: {  	s4 =	sand.u32 $0x4000, s31;
	s1 =	sadd.s32 s1, s30  }
0xc9: {  	s0 =	sor.u32 s4, s0;
	s1 =	sshll.u32 s1, $0x11  }
0xca: {  	s0 =	sor.u32 s1, s0  }
0xcb: {  	s0 =	sadd.s32 $0x8F2B, s0  }
0xcc: {  	[sflag:s0] =	ssyncadd.remote.s32 $0x1  }
0xcd: {  	_ =	sfence.sel $0xFFFF  }
0xce: {  	[dreg:$0x0] =	wrdreg $0xFFFFFFFF;
	(pc) =	sbr.abs _section_cstart, $3  }
0xcf: {  	[dreg:$0x1] =	wrdreg $0xFFFFFFFF  }
0xd0: {  	_ =	task.clear_ibuf [dreg:s22], $0x2FFFF;
	_ =	strace $0x9FFFFFFF  }
0xd1: {  	(tm) =	ssettm $0x7FFFFFFF  }
tec
execute0_lowered:
.L_overlay_start_1:
0x0: {  	(tag) =	ssettag $0x1  }
0x1: {  	s1 =	srdreg.scid  }
0x2: {  	s0 =	stileid.u32;
	s4 =	rddreg [dreg:$0x0]  }
0x3: {  	s2 =	rddreg [dreg:$0x1];
	s5 =	smul.u32 $0x9C, s0  }
0x4: {  	s21 =	simm.s32 $0x0;
	s6 =	sand.u32 $0x1, s1;
	s30 =	smul.u32 $0x50000, s0  }
0x5: {  	s3 =	sshll.u32 s0, $0x1;
	s1 =	rddreg [dreg:$0x2];
	s9 =	smul.u32 $0x14000, s0  }
0x6: {  	s14 =	sadd.s32 $0x504C00, s4;
	p0 =	slt.u32 s0, $0x2;
	s7 =	smul.u32 $0x4E, s6  }
0x7: {  	s8 =	sor.u32 s6, s3;
	s3 =	simm.s32 $0x0;
	s28 =	ssub.s32 $0x2, s6  }
0x8: {  	s18 =	smul.u32 $0x140000, s6;
	s8 =	smin.u32 s8, $0x4;
	[smem:$0x7FF] =	sst s3  }
0x9: {  	s29 =	sshrl.u32 s28, $0x1;
	s31 =	sshrl.u32 s30, $0x2;
	s10 =	sadd.s32 $0x4000, s9  }
0xa: {  	s12 =	sadd.s32 $0x8000, s9;
	s13 =	sadd.s32 $0xC000, s9;
	s19 =	sadd.s32 $0x10000, s9  }
0xb: {  	s5 =	sadd.s32 s7, s5;
	_ =	strace $0x8000004D;
	s15 =	ssub.s32 s28, s29  }
0xc: {  	s6 =	sadd.s32 s10, s2;
	s7 =	sadd.s32 s12, s2;
	s11 =	sadd.s32 s9, s18  }
0xd: {  	s10 =	sadd.s32 s18, s10;
	s9 =	sadd.s32 s19, s2;
	s12 =	sadd.s32 s18, s12  }
0xe: {  	s5 =	sadd.s32 s8, s5;
	s8 =	sadd.s32 s13, s2;
	s11 =	sshrl.u32 s11, $0x3  }
0xf: {  	s20 =	sshrl.u32 s10, $0x3;
	s12 =	sshrl.u32 s12, $0x3;
	s13 =	sadd.s32 s18, s13  }
0x10: {  	s18 =	sadd.s32 s18, s19;
	s15 =	smax.u32 s15, $0x1;
	s19 =	simm.s32 $0x1  }
0x11: {  	s26 =	sshll.u32 s5, $0xB;
	s5 =	sshll.u32 s5, $0x4;
	s10 =	sadd.s32 s14, s11  }
0x12: {  	s11 =	sadd.s32 s14, s20;
	s12 =	sadd.s32 s14, s12;
	s13 =	sshrl.u32 s13, $0x3  }
0x13: {  	s18 =	sshrl.u32 s18, $0x3;
	s20 =	simm.s32 $0x80;
	s17 =	sadd.s32 s26, s4  }
0x14: {  	s16 =	sadd.s32 s5, s4;
	s4 =	simm.s32 $0x4F;
	s5 =	sadd.s32 s31, s2  }
0x15: {  	s13 =	sadd.s32 s14, s13;
	s14 =	sadd.s32 s14, s18;
	s18 =	simm.s32 $0x4080  }
0x16: {  	v0 =	vimm.f32 $0.0e+00;
	s4 =	simm.s32 @!p0 $0x4E;
	s16 =	sadd.s32 $0x18A00, s16;
	s17 =	sadd.s32 $0x22C00, s17  }
.LBB2_1:
0x17: {  	s22 =	simm.s32 $0x0;
	s23 =	simm.s32 $0x200  }
.LBB2_2:
0x18: {  	p0 =	sne.s32 s23, $0xFE00;
	[tilespmem:s22+$0x40F0] =	vst v0  }
0x19: {  	[tilespmem:s22+$0x4080] =	vst v0  }
0x1a: {  	[tilespmem:s22+$0x4090] =	vst v0  }
.Ltmp0:
0x1b: {  	[tilespmem:s22+$0x40A0] =	vst v0;
	(pc) =	sbr.rel @p0 .LBB2_2-.Ltmp0, $4  }
0x1c: {  	[tilespmem:s22+$0x40B0] =	vst v0  }
0x1d: {  	[tilespmem:s22+$0x40C0] =	vst v0  }
0x1e: {  	[tilespmem:s22+$0x40D0] =	vst v0  }
0x1f: {  	[tilespmem:s22+$0x40E0] =	vst v0;
	s22 =	sshra.s32 s23, $0x2;
	s23 =	sadd.s32 $0x200, s23  }
0x20: {  	[tilespmem:s22+$0x40F0] =	vst v0  }
0x21: {  	[tilespmem:s22+$0x4080] =	vst v0  }
0x22: {  	[tilespmem:s22+$0x4090] =	vst v0  }
0x23: {  	[tilespmem:s22+$0x40A0] =	vst v0  }
0x24: {  	[tilespmem:s22+$0x40B0] =	vst v0  }
0x25: {  	[tilespmem:s22+$0x40C0] =	vst v0  }
0x26: {  	[tilespmem:s22+$0x40D0] =	vst v0  }
0x27: {  	[tilespmem:s22+$0x40E0] =	vst v0  }
0x28: {  	[spmem:s5] =	stream.linear.scatter [tilespmem:s18], [sflag:$0x1], $0x4000, $0x38;
	[tilespmem:$0x1C080] =	vst v63  }
0x29: {  	_ =	swait.ge [sflag:s19], $0x4000  }
0x2a: {  	[sflag:s19] =	ssyncset.done $0x0  }
0x2b: {  	[sflag:s19] =	ssyncadd.s32 $0xFFFFC000  }
0x2c: {  	[spmem:s6] =	stream.linear.scatter [tilespmem:s18], [sflag:$0x1], $0x4000, $0x38;
	[tilespmem:$0x1C080] =	vst v63  }
0x2d: {  	_ =	swait.ge [sflag:s19], $0x4000  }
0x2e: {  	[sflag:s19] =	ssyncset.done $0x0  }
0x2f: {  	[sflag:s19] =	ssyncadd.s32 $0xFFFFC000  }
0x30: {  	[spmem:s7] =	stream.linear.scatter [tilespmem:s18], [sflag:$0x1], $0x4000, $0x38;
	[tilespmem:$0x1C080] =	vst v63  }
0x31: {  	_ =	swait.ge [sflag:s19], $0x4000  }
0x32: {  	[sflag:s19] =	ssyncset.done $0x0  }
0x33: {  	[sflag:s19] =	ssyncadd.s32 $0xFFFFC000  }
0x34: {  	[spmem:s8] =	stream.linear.scatter [tilespmem:s18], [sflag:$0x1], $0x4000, $0x38;
	[tilespmem:$0x1C080] =	vst v63  }
0x35: {  	_ =	swait.ge [sflag:s19], $0x4000  }
0x36: {  	[sflag:s19] =	ssyncset.done $0x0  }
0x37: {  	[sflag:s19] =	ssyncadd.s32 $0xFFFFC000  }
0x38: {  	[spmem:s9] =	stream.linear.scatter [tilespmem:s18], [sflag:$0x1], $0x4000, $0x38;
	[tilespmem:$0x1C080] =	vst v63  }
0x39: {  	_ =	swait.ge [sflag:s19], $0x4000  }
0x3a: {  	[sflag:s19] =	ssyncset.done $0x0  }
0x3b: {  	[sflag:s19] =	ssyncadd.s32 $0xFFFFC000  }
0x3c: {  	[bflag:$0x0] =	sbarrier.arrive $0xFFFF  }
0x3d: {  	[tilespmem:s3], [sflag:$0x1] =	stream.linear.gather [hbm4b:s16+s3], $0x80, $0x38;
	[tilespmem:$0x1C080] =	vst v63  }
0x3e: {  	_ =	swait.ge [sflag:s19], $0x80  }
0x3f: {  	[sflag:s19] =	ssyncset.done $0x0  }
0x40: {  	[sflag:s19] =	ssyncadd.s32 $0xFFFFFF80  }
0x41: {  	[tilespmem:s20], [sflag:$0x1] =	stream.linear.gather [hbm4b:s17+s3], $0x4000, $0x38;
	[tilespmem:$0x1C080] =	vst v63  }
0x42: {  	p0 =	sne.s32 s4, $0x1;
	_ =	swait.ge [sflag:s19], $0x4000  }
.Ltmp1:
0x43: {  	[sflag:s19] =	ssyncset.done $0x0;
	(pc) =	sbr.rel @!p0 .LBB2_5-.Ltmp1, $4  }
0x44: {  	[sflag:s19] =	ssyncadd.s32 $0xFFFFC000  }
0x45: {  	[spmem:s2] =	stream.indirect.scatter.add.f32 [tilespmem:s20], [sflag:$0x1], $0x80, s3, s20, $0xb8;
	[tilespmem:$0x1C080] =	vst v63  }
0x46: {  	s22 =	sadd.s32 $0xFFFFFFFF, s4;
	_ =	swait.ge [sflag:s19], $0x4000  }
0x47: {  	s23 =	smov.u32 s16;
	s24 =	smov.u32 s17;
	[sflag:s19] =	ssyncset.done $0x0  }
.LBB2_4:
0x48: {  	[sflag:s19] =	ssyncadd.s32 $0xFFFFC000;
	s23 =	sadd.s32 $0x10, s23;
	s24 =	sadd.s32 $0x800, s24  }
0x49: {  	[tilespmem:s3], [sflag:$0x1] =	stream.linear.gather [hbm4b:s23+s3], $0x80, $0x38;
	[tilespmem:$0x1C080] =	vst v63  }
0x4a: {  	p0 =	sne.s32 s22, $0x1;
	s22 =	sadd.s32 $0xFFFFFFFF, s22;
	_ =	swait.ge [sflag:s19], $0x80  }
0x4b: {  	[sflag:s19] =	ssyncset.done $0x0  }
0x4c: {  	[sflag:s19] =	ssyncadd.s32 $0xFFFFFF80  }
0x4d: {  	[tilespmem:s20], [sflag:$0x1] =	stream.linear.gather [hbm4b:s24+s3], $0x4000, $0x38;
	[tilespmem:$0x1C080] =	vst v63  }
0x4e: {  	_ =	swait.ge [sflag:s19], $0x4000  }
.Ltmp2:
0x4f: {  	[sflag:s19] =	ssyncset.done $0x0;
	(pc) =	sbr.rel @p0 .LBB2_4-.Ltmp2, $4  }
0x50: {  	[sflag:s19] =	ssyncadd.s32 $0xFFFFC000  }
0x51: {  	[spmem:s2] =	stream.indirect.scatter.add.f32 [tilespmem:s20], [sflag:$0x1], $0x80, s3, s20, $0xb8;
	[tilespmem:$0x1C080] =	vst v63  }
0x52: {  	_ =	swait.ge [sflag:s19], $0x4000  }
0x53: {  	[sflag:s19] =	ssyncset.done $0x0  }
.LBB2_5:
0x54: {  	[sflag:s19] =	ssyncadd.s32 $0xFFFFC000  }
0x55: {  	[bflag:$0x0] =	sbarrier.arrive $0xFFFF  }
0x56: {  	[tilespmem:s18], [sflag:$0x1] =	stream.linear.gather [spmem:s5], $0x4000, $0x38;
	[tilespmem:$0x1C080] =	vst v63  }
0x57: {  	_ =	swait.ge [sflag:s19], $0x4000  }
0x58: {  	[sflag:s19] =	ssyncset.done $0x0  }
0x59: {  	[sflag:s19] =	ssyncadd.s32 $0xFFFFC000  }
0x5a: {  	[hbm4b:s10+s3] =	stream.linear.scatter [tilespmem:s18], [sflag:$0x1], $0x4000, $0x38;
	[tilespmem:$0x1C080] =	vst v63  }
0x5b: {  	_ =	swait.ge [sflag:s19], $0x4000  }
0x5c: {  	[sflag:s19] =	ssyncset.done $0x0  }
0x5d: {  	[sflag:s19] =	ssyncadd.s32 $0xFFFFC000  }
0x5e: {  	[tilespmem:s18], [sflag:$0x1] =	stream.linear.gather [spmem:s6], $0x4000, $0x38;
	[tilespmem:$0x1C080] =	vst v63  }
0x5f: {  	_ =	swait.ge [sflag:s19], $0x4000  }
0x60: {  	[sflag:s19] =	ssyncset.done $0x0  }
0x61: {  	[sflag:s19] =	ssyncadd.s32 $0xFFFFC000  }
0x62: {  	[hbm4b:s11+s3] =	stream.linear.scatter [tilespmem:s18], [sflag:$0x1], $0x4000, $0x38;
	[tilespmem:$0x1C080] =	vst v63  }
0x63: {  	_ =	swait.ge [sflag:s19], $0x4000  }
0x64: {  	[sflag:s19] =	ssyncset.done $0x0  }
0x65: {  	[sflag:s19] =	ssyncadd.s32 $0xFFFFC000  }
0x66: {  	[tilespmem:s18], [sflag:$0x1] =	stream.linear.gather [spmem:s7], $0x4000, $0x38;
	[tilespmem:$0x1C080] =	vst v63  }
0x67: {  	_ =	swait.ge [sflag:s19], $0x4000  }
0x68: {  	[sflag:s19] =	ssyncset.done $0x0  }
0x69: {  	[sflag:s19] =	ssyncadd.s32 $0xFFFFC000  }
0x6a: {  	[hbm4b:s12+s3] =	stream.linear.scatter [tilespmem:s18], [sflag:$0x1], $0x4000, $0x38;
	[tilespmem:$0x1C080] =	vst v63  }
0x6b: {  	_ =	swait.ge [sflag:s19], $0x4000  }
0x6c: {  	[sflag:s19] =	ssyncset.done $0x0  }
0x6d: {  	[sflag:s19] =	ssyncadd.s32 $0xFFFFC000  }
0x6e: {  	[tilespmem:s18], [sflag:$0x1] =	stream.linear.gather [spmem:s8], $0x4000, $0x38;
	[tilespmem:$0x1C080] =	vst v63  }
0x6f: {  	_ =	swait.ge [sflag:s19], $0x4000  }
0x70: {  	[sflag:s19] =	ssyncset.done $0x0  }
0x71: {  	[sflag:s19] =	ssyncadd.s32 $0xFFFFC000  }
0x72: {  	[hbm4b:s13+s3] =	stream.linear.scatter [tilespmem:s18], [sflag:$0x1], $0x4000, $0x38;
	[tilespmem:$0x1C080] =	vst v63  }
0x73: {  	_ =	swait.ge [sflag:s19], $0x4000  }
0x74: {  	[sflag:s19] =	ssyncset.done $0x0  }
0x75: {  	[sflag:s19] =	ssyncadd.s32 $0xFFFFC000  }
0x76: {  	[tilespmem:s18], [sflag:$0x1] =	stream.linear.gather [spmem:s9], $0x4000, $0x38;
	[tilespmem:$0x1C080] =	vst v63  }
0x77: {  	s21 =	sadd.s32 $0x1, s21;
	_ =	swait.ge [sflag:s19], $0x4000  }
0x78: {  	p0 =	sne.s32 s21, s15;
	[sflag:s19] =	ssyncset.done $0x0  }
.Ltmp3:
0x79: {  	[sflag:s19] =	ssyncadd.s32 $0xFFFFC000;
	(pc) =	sbr.rel @p0 .LBB2_1-.Ltmp3, $4  }
0x7a: {  	[hbm4b:s14+s3] =	stream.linear.scatter [tilespmem:s18], [sflag:$0x1], $0x4000, $0x38;
	[tilespmem:$0x1C080] =	vst v63  }
0x7b: {  	_ =	swait.ge [sflag:s19], $0x4000  }
0x7c: {  	[sflag:s19] =	ssyncset.done $0x0  }
0x7d: {  	[sflag:s19] =	ssyncadd.s32 $0xFFFFC000  }
0x7e: {  	_ =	sfence.sel $0x180000  }
0x7f: {  	[bflag:$0x0] =	sbarrier.arrive $0xFFFF  }
0x80: {  	p0 =	sne.s32 s0, $0x0;
	_ =	strace $0x9000004D  }
0x81: {  	s0 =	sadd.s32 @!p0 $0x100000, s1;
	[bflag:$0x2] =	sbarrier.arrive $0xFFFF  }
0x82: {  	[sflag:s0] =	ssyncadd.tile.s32 @!p0 $0x1;
	_ =	shalt  }
.Lfunc_end2:
_tile_overlayer_lowered:
.L_overlay_start_2:
0x83: {  	(tag) =	ssettag $0x2  }
0x84: {  	s0 =	rddreg [dreg:$0x0];
	s2 =	stileid.u32  }
0x85: {  	s1 =	rddreg [dreg:$0x1];
	p0 =	sne.s32 s2, $0x0  }
0x86: {  	s3 =	rddreg [dreg:$0x2];
	[bflag:$0x3] =	sbarrier.arrive $0xFFFF;
	s2 =	simm.s32 @!p0 $0x1C01  }
0x87: {  	[timem:s3], [sflag:s2] =	dma.local @!p0 [hbm:s0], s1  }
0x88: {  	s0 =	simm.s32 @!p0 $0x1  }
0x89: {  	_ =	swait.ge @!p0 [sflag:s0], s1  }
0x8a: {  	s1 =	ssub.s32 @!p0 $0x0, s1;
	[sflag:s0] =	ssyncset.done @!p0 $0x0  }
0x8b: {  	[sflag:s0] =	ssyncadd.s32 @!p0 s1  }
0x8c: {  	[bflag:$0x3] =	sbarrier.arrive $0xFFFF  }
0x8d: {  	_ =	shalt  }

// kernel: kernel.33.cloned.1.call-start
scs
__scs_entry_jumppad:
0x0: {  	(pc) =	sbr.rel $0x88, $3  }
0x1: {  	(tag) =	ssettag $0x0;
	lr =	simm.s32 $0x1  }
0x2: {  	[smem:$0x3F74] =	sst lr;
	_ =	strace $0xD0000000  }
0x3: {  	_ = 	snop  }
0x4: {  	_ = 	snop  }
0x5: {  	_ = 	snop  }
0x6: {  	_ = 	snop  }
0x7: {  	_ = 	snop  }
__scs_overlays_trampoline_lowered:
0x8: {  	[smem:$0x3F83] =	sst s0  }
0x9: {  	[smem:$0x3F84] =	sst s1  }
0xa: {  	[smem:$0x3F85] =	sst s2  }
0xb: {  	[smem:$0x3F86] =	sst s3  }
0xc: {  	[smem:$0x3F87] =	sst s4  }
0xd: {  	[smem:$0x3F88] =	sst s5  }
0xe: {  	[smem:$0x3F89] =	sst s6  }
0xf: {  	[smem:$0x3F8A] =	sst s7  }
0x10: {  	[smem:$0x3F8B] =	sst s8  }
0x11: {  	[smem:$0x3F8C] =	sst s9;
	s0 =	simm.s32 @!p0 $0x0  }
0x12: {  	s1 =	sld [smem:$0x3F72];
	s0 =	simm.s32 @p0 $0x1  }
0x13: {  	[smem:$0x3F8D] =	sst s0;
	s0 =	simm.s32 @!p1 $0x0  }
0x14: {  	s2 =	sld [smem:$0x3F71];
	s0 =	simm.s32 @p1 $0x1  }
0x15: {  	[smem:$0x3F8E] =	sst s0;
	s0 =	simm.s32 @!p2 $0x0  }
0x16: {  	s3 =	sld [smem:$0x3FDB];
	s0 =	simm.s32 @p2 $0x1  }
0x17: {  	s4 =	simm.s32 $0x1BF5;
	[smem:$0x3F90] =	sst s0  }
0x18: {  	s0 =	sld [smem:$0x3F73];
	_ =	swait.ge [sflag:s4], $0x0  }
0x19: {  	s7 =	sld [smem:$0x3F74]  }
0x1a: {  	s8 =	sadd.s32 $0xFFFFE003, lr  }
0x1b: {  	s9 =	sadd.s32 $0xFFFFFEF7, lr;
	s5 =	simm.s32 $0xFFFFFFFF;
	p2 =	slt.u32 s8, $0xFFFFF086  }
0x1c: {  	p1 =	slt.u32 s9, $0xF7A;
	s5 =	simm.s32 @!p2 $0x0  }
0x1d: {  	s5 =	simm.s32 @p1 $0x1;
	p0 =	seq.s32 s7, s2  }
0x1e: {  	s7 =	smul.u32 @!p0 $0xF7A, s2;
	p2 =	seq.s32 @!p0 s5, $0x0  }
0x1f: {  	s9 =	smul.u32 $0xF7A, s1;
	s8 =	simm.s32 @!p0 $0x1BF5;
	p2 =	por !p2, p0  }
0x20: {  	[sflag:s8] =	ssyncset.s32 @!p0 $0xFFFFF086;
	s6 =	sadd.s32 @!p0 s3, s7;
	s7 =	simm.s32 @!p0 $0x108  }
0x21: {  	s3 =	sadd.s32 s3, s9;
	s6 =	sadd.s32 @!p0 $0x88, s6;
	s7 =	simm.s32 @p2 $0x1082  }
0x22: {  	[simem:s7], [sflag:s8] =	dma.local @!p0 [hbm:s6], $0xF7A  }
0x23: {  	s9 =	sor.u32 $0xD0000000, s2;
	s6 =	simm.s32 $0x108;
	_ =	swait.ge @!p0 [sflag:s8], $0x0  }
0x24: {  	s3 =	sadd.s32 $0x88, s3;
	s6 =	simm.s32 @!p1 $0x1082;
	[sflag:s4] =	ssyncset.s32 $0xFFFFF086  }
0x25: {  	[simem:s6], [sflag:s4] =	dma.local [hbm:s3], $0xF7A  }
0x26: {  	[smem:$0x3F74] =	sst s1;
	(tag) =	ssettag s2;
	_ =	strace s9  }
0x27: {  	s1 =	sld [smem:$0x3F84]  }
0x28: {  	s2 =	sld [smem:$0x3F85]  }
0x29: {  	s4 =	sld [smem:$0x3F87]  }
0x2a: {  	p0 =	seq.s32 s5, $0x0;
	s5 =	sld [smem:$0x3F88]  }
0x2b: {  	s6 =	sld [smem:$0x3F89]  }
0x2c: {  	s7 =	sld [smem:$0x3F8A]  }
0x2d: {  	s3 =	simm.s32 $0x108;
	s8 =	sld [smem:$0x3F8B]  }
0x2e: {  	s3 =	simm.s32 @!p0 $0x1082;
	s9 =	sld [smem:$0x3F8C]  }
0x2f: {  	lr =	sadd.s32 s0, s3;
	s0 =	sld [smem:$0x3F83]  }
0x30: {  	s3 =	sld [smem:$0x3F86]  }
0x31: {  	[smem:$0x3F8F] =	sst s10  }
0x32: {  	s10 =	sld [smem:$0x3F8D];
	_ =	sdelay $0x3  }
0x33: {  	p0 =	seq.s32 s10, $0x1;
	s10 =	sld [smem:$0x3F8F];
	_ =	sdelay $0x3  }
0x34: {  	[smem:$0x3F8F] =	sst s10  }
0x35: {  	s10 =	sld [smem:$0x3F8E];
	_ =	sdelay $0x3  }
0x36: {  	p1 =	seq.s32 s10, $0x1;
	s10 =	sld [smem:$0x3F8F];
	_ =	sdelay $0x3  }
0x37: {  	[smem:$0x3F8F] =	sst s10  }
0x38: {  	s10 =	sld [smem:$0x3F90]  }
0x39: {  	_ = 	snop;
	(pc) =	sbr.ind lr, $3  }
0x3a: {  	_ = 	snop  }
0x3b: {  	_ = 	snop  }
0x3c: {  	p2 =	seq.s32 s10, $0x1;
	s10 =	sld [smem:$0x3F8F]  }
0x3d: {  	_ =	shalt  }
0x3e: {  	_ =	shalt  }
0x3f: {  	_ =	shalt  }
0x40: {  	_ =	shalt  }
0x41: {  	_ =	shalt  }
0x42: {  	_ =	shalt  }
0x43: {  	_ =	shalt  }
0x44: {  	_ =	shalt  }
0x45: {  	_ =	shalt  }
0x46: {  	_ =	shalt  }
0x47: {  	_ =	shalt  }
0x48: {  	_ =	shalt  }
0x49: {  	_ =	shalt  }
0x4a: {  	_ =	shalt  }
0x4b: {  	_ =	shalt  }
0x4c: {  	_ =	shalt  }
0x4d: {  	_ =	shalt  }
0x4e: {  	_ =	shalt  }
0x4f: {  	_ =	shalt  }
0x50: {  	_ =	shalt  }
0x51: {  	_ =	shalt  }
0x52: {  	_ =	shalt  }
0x53: {  	_ =	shalt  }
0x54: {  	_ =	shalt  }
0x55: {  	_ =	shalt  }
0x56: {  	_ =	shalt  }
0x57: {  	_ =	shalt  }
0x58: {  	_ =	shalt  }
0x59: {  	_ =	shalt  }
0x5a: {  	_ =	shalt  }
0x5b: {  	_ =	shalt  }
0x5c: {  	_ =	shalt  }
0x5d: {  	_ =	shalt  }
0x5e: {  	_ =	shalt  }
0x5f: {  	_ =	shalt  }
0x60: {  	_ =	shalt  }
0x61: {  	_ =	shalt  }
0x62: {  	_ =	shalt  }
0x63: {  	_ =	shalt  }
0x64: {  	_ =	shalt  }
0x65: {  	_ =	shalt  }
0x66: {  	_ =	shalt  }
0x67: {  	_ =	shalt  }
0x68: {  	_ =	shalt  }
0x69: {  	_ =	shalt  }
0x6a: {  	_ =	shalt  }
0x6b: {  	_ =	shalt  }
0x6c: {  	_ =	shalt  }
0x6d: {  	_ =	shalt  }
0x6e: {  	_ =	shalt  }
0x6f: {  	_ =	shalt  }
0x70: {  	_ =	shalt  }
0x71: {  	_ =	shalt  }
0x72: {  	_ =	shalt  }
0x73: {  	_ =	shalt  }
0x74: {  	_ =	shalt  }
0x75: {  	_ =	shalt  }
0x76: {  	_ =	shalt  }
0x77: {  	_ =	shalt  }
0x78: {  	_ =	shalt  }
0x79: {  	_ =	shalt  }
0x7a: {  	_ =	shalt  }
0x7b: {  	_ =	shalt  }
0x7c: {  	_ =	shalt  }
0x7d: {  	_ =	shalt  }
0x7e: {  	_ =	shalt  }
0x7f: {  	_ =	shalt  }
0x80: {  	_ =	shalt  }
0x81: {  	_ =	shalt  }
0x82: {  	_ =	shalt  }
0x83: {  	_ =	shalt  }
0x84: {  	_ =	shalt  }
0x85: {  	_ =	shalt  }
0x86: {  	_ =	shalt  }
0x87: {  	_ =	shalt  }
.Lfunc_end0:
.L_simem_size_0:
called_computation.3_lowered:
.L_overlay_start_0:
0x88: {  	s2 =	sld [smem:$0x3FD9]  }
0x89: {  	s3 =	sld [smem:$0x3FFE];
	_ =	sdelay $0x1  }
0x8a: {  	s1 =	srdreg.scid  }
0x8b: {  	s0 =	sand.u32 $0x1, s1  }
0x8c: {  	s16 =	sshll.u32 s0, $0xA;
	s2 =	sadd.s32 s3, s2  }
0x8d: {  	s2 =	sadd.s32 s2, s16  }
0x8e: {  	[smem:$0x3F9B] =	sst s2  }
0x8f: {  	_ = 	snop  }
0x90: {  	(tm) =	ssettm $0x1  }
0x91: {  	s17 =	sld [smem:$0x3FFB];
	_ =	sdelay $0x3  }
0x92: {  	_ =	strace s17  }
0x93: {  	s2 =	sld [smem:$0x3FFC];
	_ =	sdelay $0x3  }
0x94: {  	_ =	strace s2  }
0x95: {  	s2 =	sld [smem:$0x3FFD];
	_ =	sdelay $0x3  }
0x96: {  	_ =	strace s2  }
0x97: {  	_ =	strace $0x8FFFFFFF  }
0x98: {  	s18 =	sld [smem:$0x3FDB];
	_ =	sdelay $0x1  }
0x99: {  	s19 =	simm.s32 $_scs_section_size  }
0x9a: {  	s4 =	simm.s32 $_size__tile_overlayer_lowered;
	s5 =	simm.s32 $_tile_overlayer_lowered  }
0x9b: {  	s22 =	simm.s32 $0x1BFF;
	s21 =	sshll.u32 s5, $0x1;
	s2 =	sadd.s32 s19, s18  }
0x9c: {  	s6 =	simm.s32 $0x0;
	s20 =	sshll.u32 s4, $0x1;
	s4 =	sadd.s32 s21, s2  }
0x9d: {  	[timem:s6], [sflag:s22] =	dma.local [hbm:s4], s20  }
0x9e: {  	_ =	swait.ge [sflag:s22], s20  }
0x9f: {  	s3 =	ssub.s32 $0x0, s20;
	[sflag:s22] =	ssyncset.done $0x0  }
0xa0: {  	[sflag:s22] =	ssyncadd.s32 s3;
	_ =	sdelay $0x1  }
0xa1: {  	s23 =	simm.s32 $0x1B8B  }
0xa2: {  	_ =	swait.ge [sflag:s23], $0x1  }
0xa3: {  	[sflag:s23] =	ssyncset.done $0x0  }
0xa4: {  	s25 =	simm.s32 $0x1B8E;
	s24 =	sld [smem:$0x3FFE];
	[sflag:s23] =	ssyncadd.s32 $0xFFFFFFFF  }
0xa5: {  	s26 =	simm.s32 $execute0_lowered;
	[smem:$0x3FD2] =	sst s25  }
0xa6: {  	s4 =	sshll.u32 s26, $0x1;
	_ =	strace $0x8000004F;
	[dreg:$0x1] =	wrdreg $0xFFFFFFFF  }
0xa7: {  	s28 =	simm.s32 $_size_execute0_lowered;
	s2 =	sadd.s32 s2, s4;
	[dreg:$0x0] =	wrdreg $0x0  }
0xa8: {  	s4 =	sshll.u32 s28, $0x1;
	[dreg:$0x2] =	wrdreg s2  }
0xa9: {  	[dreg:$0x3] =	wrdreg s4  }
0xaa: {  	[dreg:$0x4] =	wrdreg $0xC0  }
0xab: {  	_ =	task [dreg:s6], $0x5FFFF  }
0xac: {  	[dreg:$0x1] =	wrdreg $0xFFFFFFFF  }
0xad: {  	[dreg:$0x0] =	wrdreg $0x60  }
0xae: {  	[dreg:$0x2] =	wrdreg s24  }
0xaf: {  	[dreg:$0x3] =	wrdreg $0x9  }
0xb0: {  	_ =	task.clear_ibuf [dreg:s6], $0x4FFFF;
	_ =	strace $0x9000004F  }
0xb1: {  	s29 =	simm.s32 $0x9;
	_ =	strace $0x80000051  }
0xb2: {  	_ =	swait.ge [sflag:s29], $0x1  }
0xb3: {  	[sflag:s29] =	ssyncadd.s32 $0xFFFFFFFF  }
0xb4: {  	_ =	strace $0x90000051  }
0xb5: {  	_ =	sfence  }
0xb6: {  	s30 =	sld [smem:$0x0];
	_ =	sdelay $0x2  }
0xb7: {  	s31 =	sshll.u32 s1, $0xD;
	s1 =	sshrl.u32 s1, $0x2  }
0xb8: {  	s3 =	sand.u32 $0x4000, s31;
	s1 =	sadd.s32 s1, s30  }
0xb9: {  	s0 =	sor.u32 s3, s0;
	s1 =	sshll.u32 s1, $0x11  }
0xba: {  	s0 =	sor.u32 s1, s0  }
0xbb: {  	s0 =	sadd.s32 $0x8F2B, s0  }
0xbc: {  	[sflag:s0] =	ssyncadd.remote.s32 $0x1  }
0xbd: {  	_ =	sfence.sel $0xFFFF  }
0xbe: {  	[dreg:$0x0] =	wrdreg $0xFFFFFFFF;
	(pc) =	sbr.abs _section_cstart, $3  }
0xbf: {  	[dreg:$0x1] =	wrdreg $0xFFFFFFFF  }
0xc0: {  	_ =	task.clear_ibuf [dreg:s6], $0x2FFFF;
	_ =	strace $0x9FFFFFFF  }
0xc1: {  	(tm) =	ssettm $0x7FFFFFFF  }
tec
execute0_lowered:
.L_overlay_start_1:
0x0: {  	(tag) =	ssettag $0x1  }
0x1: {  	s1 =	srdreg.scid;
	s0 =	stileid.u32  }
0x2: {  	s5 =	rddreg [dreg:$0x0];
	s11 =	simm.s32 $0x80;
	s12 =	simm.s32 $0x1  }
0x3: {  	s13 =	simm.s32 $0x0;
	s4 =	sand.u32 $0x1, s1;
	s3 =	smul.u32 $0x9C, s0  }
0x4: {  	s2 =	sshll.u32 s0, $0x1;
	s1 =	rddreg [dreg:$0x1];
	p0 =	slt.u32 s0, $0x2  }
0x5: {  	s6 =	smul.u32 $0x4E, s4;
	s7 =	sor.u32 s4, s2;
	s2 =	simm.s32 $0x0  }
0x6: {  	s8 =	ssub.s32 $0x2, s4;
	s4 =	simm.s32 $0x4F;
	s7 =	smin.u32 s7, $0x4  }
0x7: {  	[smem:$0x7FF] =	sst s2;
	s9 =	sshrl.u32 s8, $0x1;
	s3 =	sadd.s32 s6, s3  }
0x8: {  	s4 =	simm.s32 @!p0 $0x4E;
	_ =	strace $0x80000050;
	s6 =	sadd.s32 s7, s3  }
0x9: {  	s31 =	ssub.s32 s8, s9;
	s7 =	sshll.u32 s6, $0x4;
	s6 =	sshll.u32 s6, $0xB  }
0xa: {  	s3 =	sadd.s32 $0x22C00, s5;
	s7 =	sadd.s32 s7, s5;
	s10 =	sadd.s32 s6, s5  }
0xb: {  	s5 =	smax.u32 s31, $0x1;
	s6 =	sadd.s32 $0x18A00, s7;
	s7 =	sadd.s32 $0xEC00, s7  }
0xc: {  	s8 =	sadd.s32 $0xF3FA00, s10;
	s9 =	sadd.s32 $0x49E00, s10;
	s10 =	simm.s32 $0x2  }
.LBB2_1:
0xd: {  	[tilespmem:s2], [sflag:$0x2] =	stream.linear.gather [hbm4b:s6+s2], $0x80, $0x38;
	[tilespmem:$0x4080] =	vst v63  }
0xe: {  	_ =	swait.ge [sflag:s10], $0x80  }
0xf: {  	[sflag:s10] =	ssyncset.done $0x0  }
0x10: {  	[sflag:s10] =	ssyncadd.s32 $0xFFFFFF80  }
0x11: {  	[tilespmem:s11], [sflag:$0x1] =	stream.indirect.gather [hbm4b:s3+s11], $0x80, s2, s11, $0xb8;
	[tilespmem:$0x4080] =	vst v63  }
0x12: {  	_ =	swait.ge [sflag:s12], $0x4000  }
0x13: {  	[sflag:s12] =	ssyncset.done $0x0  }
0x14: {  	[sflag:s12] =	ssyncadd.s32 $0xFFFFC000  }
0x15: {  	[hbm4b:s8+s2] =	stream.linear.scatter [tilespmem:s11], [sflag:$0x2], $0x4000, $0x38;
	[tilespmem:$0x4080] =	vst v63  }
0x16: {  	_ =	swait.ge [sflag:s10], $0x4000  }
0x17: {  	[sflag:s10] =	ssyncset.done $0x0  }
0x18: {  	[sflag:s10] =	ssyncadd.s32 $0xFFFFC000  }
0x19: {  	[tilespmem:s2], [sflag:$0x2] =	stream.linear.gather [hbm4b:s7+s2], $0x80, $0x38;
	[tilespmem:$0x4080] =	vst v63  }
0x1a: {  	_ =	swait.ge [sflag:s10], $0x80  }
0x1b: {  	[sflag:s10] =	ssyncset.done $0x0  }
0x1c: {  	[sflag:s10] =	ssyncadd.s32 $0xFFFFFF80  }
0x1d: {  	[tilespmem:s11], [sflag:$0x1] =	stream.indirect.gather [hbm4b:s3+s11], $0x80, s2, s11, $0xb8;
	[tilespmem:$0x4080] =	vst v63  }
0x1e: {  	p0 =	sne.s32 s4, $0x1;
	_ =	swait.ge [sflag:s12], $0x4000  }
.Ltmp0:
0x1f: {  	[sflag:s12] =	ssyncset.done $0x0;
	(pc) =	sbr.rel @!p0 .LBB2_3-.Ltmp0, $4  }
0x20: {  	s14 =	sadd.s32 $0xFFFFFFFF, s4;
	[sflag:s12] =	ssyncadd.s32 $0xFFFFC000  }
0x21: {  	[hbm4b:s9+s2] =	stream.linear.scatter [tilespmem:s11], [sflag:$0x2], $0x4000, $0x38;
	[tilespmem:$0x4080] =	vst v63  }
0x22: {  	s15 =	sadd.s32 $0x800, s8;
	s16 =	sadd.s32 $0x800, s9;
	_ =	swait.ge [sflag:s10], $0x4000  }
0x23: {  	s17 =	smov.u32 s6;
	s18 =	smov.u32 s7;
	[sflag:s10] =	ssyncset.done $0x0  }
.LBB2_2:
0x24: {  	[sflag:s10] =	ssyncadd.s32 $0xFFFFC000;
	s17 =	sadd.s32 $0x10, s17;
	s18 =	sadd.s32 $0x10, s18  }
0x25: {  	[tilespmem:s2], [sflag:$0x2] =	stream.linear.gather [hbm4b:s17+s2], $0x80, $0x38;
	[tilespmem:$0x4080] =	vst v63  }
0x26: {  	p0 =	sne.s32 s14, $0x1;
	s14 =	sadd.s32 $0xFFFFFFFF, s14;
	_ =	swait.ge [sflag:s10], $0x80  }
0x27: {  	[sflag:s10] =	ssyncset.done $0x0  }
0x28: {  	[sflag:s10] =	ssyncadd.s32 $0xFFFFFF80  }
0x29: {  	[tilespmem:s11], [sflag:$0x1] =	stream.indirect.gather [hbm4b:s3+s11], $0x80, s2, s11, $0xb8;
	[tilespmem:$0x4080] =	vst v63  }
0x2a: {  	_ =	swait.ge [sflag:s12], $0x4000  }
0x2b: {  	[sflag:s12] =	ssyncset.done $0x0  }
0x2c: {  	[sflag:s12] =	ssyncadd.s32 $0xFFFFC000  }
0x2d: {  	[hbm4b:s15+s2] =	stream.linear.scatter [tilespmem:s11], [sflag:$0x2], $0x4000, $0x38;
	[tilespmem:$0x4080] =	vst v63  }
0x2e: {  	_ =	swait.ge [sflag:s10], $0x4000  }
0x2f: {  	[sflag:s10] =	ssyncset.done $0x0  }
0x30: {  	[sflag:s10] =	ssyncadd.s32 $0xFFFFC000  }
0x31: {  	[tilespmem:s2], [sflag:$0x2] =	stream.linear.gather [hbm4b:s18+s2], $0x80, $0x38;
	[tilespmem:$0x4080] =	vst v63  }
0x32: {  	_ =	swait.ge [sflag:s10], $0x80  }
0x33: {  	[sflag:s10] =	ssyncset.done $0x0  }
0x34: {  	[sflag:s10] =	ssyncadd.s32 $0xFFFFFF80  }
0x35: {  	[tilespmem:s11], [sflag:$0x1] =	stream.indirect.gather [hbm4b:s3+s11], $0x80, s2, s11, $0xb8;
	[tilespmem:$0x4080] =	vst v63  }
0x36: {  	_ =	swait.ge [sflag:s12], $0x4000  }
.Ltmp1:
0x37: {  	[sflag:s12] =	ssyncset.done $0x0;
	(pc) =	sbr.rel @p0 .LBB2_2-.Ltmp1, $4  }
0x38: {  	[sflag:s12] =	ssyncadd.s32 $0xFFFFC000  }
0x39: {  	[hbm4b:s16+s2] =	stream.linear.scatter [tilespmem:s11], [sflag:$0x2], $0x4000, $0x38;
	[tilespmem:$0x4080] =	vst v63  }
0x3a: {  	_ =	swait.ge [sflag:s10], $0x4000  }
0x3b: {  	s15 =	sadd.s32 $0x800, s15;
	s16 =	sadd.s32 $0x800, s16;
	[sflag:s10] =	ssyncset.done $0x0  }
.LBB2_3:
0x3c: {  	s13 =	sadd.s32 $0x1, s13  }
0x3d: {  	p0 =	sne.s32 s13, s5  }
.Ltmp2:
0x3e: {  	_ = 	snop;
	(pc) =	sbr.rel @p0 .LBB2_1-.Ltmp2, $2  }
0x3f: {  	_ =	sdelay $0x2  }
0x40: {  	[sflag:s10] =	ssyncadd.s32 $0xFFFFC000  }
0x41: {  	_ =	sfence.sel $0x180000  }
0x42: {  	[bflag:$0x0] =	sbarrier.arrive $0xFFFF  }
0x43: {  	p0 =	sne.s32 s0, $0x0;
	_ =	strace $0x90000050  }
0x44: {  	s0 =	sadd.s32 @!p0 $0x100000, s1;
	[bflag:$0x2] =	sbarrier.arrive $0xFFFF  }
0x45: {  	[sflag:s0] =	ssyncadd.tile.s32 @!p0 $0x1;
	_ =	shalt  }
.Lfunc_end2:
_tile_overlayer_lowered:
.L_overlay_start_2:
0x46: {  	(tag) =	ssettag $0x2  }
0x47: {  	s0 =	rddreg [dreg:$0x0];
	s2 =	stileid.u32  }
0x48: {  	s1 =	rddreg [dreg:$0x1];
	p0 =	sne.s32 s2, $0x0  }
0x49: {  	s3 =	rddreg [dreg:$0x2];
	[bflag:$0x3] =	sbarrier.arrive $0xFFFF;
	s2 =	simm.s32 @!p0 $0x1C02  }
0x4a: {  	[timem:s3], [sflag:s2] =	dma.local @!p0 [hbm:s0], s1  }
0x4b: {  	s0 =	simm.s32 @!p0 $0x2  }
0x4c: {  	_ =	swait.ge @!p0 [sflag:s0], s1  }
0x4d: {  	s1 =	ssub.s32 @!p0 $0x0, s1;
	[sflag:s0] =	ssyncset.done @!p0 $0x0  }
0x4e: {  	[sflag:s0] =	ssyncadd.s32 @!p0 s1  }
0x4f: {  	[bflag:$0x3] =	sbarrier.arrive $0xFFFF  }
0x50: {  	_ =	shalt  }

// kernel: kernel.36.cloned.1.call-start
scs
__scs_entry_jumppad:
0x0: {  	(pc) =	sbr.rel $0x88, $3  }
0x1: {  	(tag) =	ssettag $0x0;
	lr =	simm.s32 $0x1  }
0x2: {  	[smem:$0x3F74] =	sst lr;
	_ =	strace $0xD0000000  }
0x3: {  	_ = 	snop  }
0x4: {  	_ = 	snop  }
0x5: {  	_ = 	snop  }
0x6: {  	_ = 	snop  }
0x7: {  	_ = 	snop  }
__scs_overlays_trampoline_lowered:
0x8: {  	[smem:$0x3F83] =	sst s0  }
0x9: {  	[smem:$0x3F84] =	sst s1  }
0xa: {  	[smem:$0x3F85] =	sst s2  }
0xb: {  	[smem:$0x3F86] =	sst s3  }
0xc: {  	[smem:$0x3F87] =	sst s4  }
0xd: {  	[smem:$0x3F88] =	sst s5  }
0xe: {  	[smem:$0x3F89] =	sst s6  }
0xf: {  	[smem:$0x3F8A] =	sst s7  }
0x10: {  	[smem:$0x3F8B] =	sst s8  }
0x11: {  	[smem:$0x3F8C] =	sst s9;
	s0 =	simm.s32 @!p0 $0x0  }
0x12: {  	s1 =	sld [smem:$0x3F72];
	s0 =	simm.s32 @p0 $0x1  }
0x13: {  	[smem:$0x3F8D] =	sst s0;
	s0 =	simm.s32 @!p1 $0x0  }
0x14: {  	s2 =	sld [smem:$0x3F71];
	s0 =	simm.s32 @p1 $0x1  }
0x15: {  	[smem:$0x3F8E] =	sst s0;
	s0 =	simm.s32 @!p2 $0x0  }
0x16: {  	s3 =	sld [smem:$0x3FDB];
	s0 =	simm.s32 @p2 $0x1  }
0x17: {  	s4 =	simm.s32 $0x1BF5;
	[smem:$0x3F90] =	sst s0  }
0x18: {  	s0 =	sld [smem:$0x3F73];
	_ =	swait.ge [sflag:s4], $0x0  }
0x19: {  	s7 =	sld [smem:$0x3F74]  }
0x1a: {  	s8 =	sadd.s32 $0xFFFFE003, lr  }
0x1b: {  	s9 =	sadd.s32 $0xFFFFFEF7, lr;
	s5 =	simm.s32 $0xFFFFFFFF;
	p2 =	slt.u32 s8, $0xFFFFF086  }
0x1c: {  	p1 =	slt.u32 s9, $0xF7A;
	s5 =	simm.s32 @!p2 $0x0  }
0x1d: {  	s5 =	simm.s32 @p1 $0x1;
	p0 =	seq.s32 s7, s2  }
0x1e: {  	s7 =	smul.u32 @!p0 $0xF7A, s2;
	p2 =	seq.s32 @!p0 s5, $0x0  }
0x1f: {  	s9 =	smul.u32 $0xF7A, s1;
	s8 =	simm.s32 @!p0 $0x1BF5;
	p2 =	por !p2, p0  }
0x20: {  	[sflag:s8] =	ssyncset.s32 @!p0 $0xFFFFF086;
	s6 =	sadd.s32 @!p0 s3, s7;
	s7 =	simm.s32 @!p0 $0x108  }
0x21: {  	s3 =	sadd.s32 s3, s9;
	s6 =	sadd.s32 @!p0 $0x88, s6;
	s7 =	simm.s32 @p2 $0x1082  }
0x22: {  	[simem:s7], [sflag:s8] =	dma.local @!p0 [hbm:s6], $0xF7A  }
0x23: {  	s9 =	sor.u32 $0xD0000000, s2;
	s6 =	simm.s32 $0x108;
	_ =	swait.ge @!p0 [sflag:s8], $0x0  }
0x24: {  	s3 =	sadd.s32 $0x88, s3;
	s6 =	simm.s32 @!p1 $0x1082;
	[sflag:s4] =	ssyncset.s32 $0xFFFFF086  }
0x25: {  	[simem:s6], [sflag:s4] =	dma.local [hbm:s3], $0xF7A  }
0x26: {  	[smem:$0x3F74] =	sst s1;
	(tag) =	ssettag s2;
	_ =	strace s9  }
0x27: {  	s1 =	sld [smem:$0x3F84]  }
0x28: {  	s2 =	sld [smem:$0x3F85]  }
0x29: {  	s4 =	sld [smem:$0x3F87]  }
0x2a: {  	p0 =	seq.s32 s5, $0x0;
	s5 =	sld [smem:$0x3F88]  }
0x2b: {  	s6 =	sld [smem:$0x3F89]  }
0x2c: {  	s7 =	sld [smem:$0x3F8A]  }
0x2d: {  	s3 =	simm.s32 $0x108;
	s8 =	sld [smem:$0x3F8B]  }
0x2e: {  	s3 =	simm.s32 @!p0 $0x1082;
	s9 =	sld [smem:$0x3F8C]  }
0x2f: {  	lr =	sadd.s32 s0, s3;
	s0 =	sld [smem:$0x3F83]  }
0x30: {  	s3 =	sld [smem:$0x3F86]  }
0x31: {  	[smem:$0x3F8F] =	sst s10  }
0x32: {  	s10 =	sld [smem:$0x3F8D];
	_ =	sdelay $0x3  }
0x33: {  	p0 =	seq.s32 s10, $0x1;
	s10 =	sld [smem:$0x3F8F];
	_ =	sdelay $0x3  }
0x34: {  	[smem:$0x3F8F] =	sst s10  }
0x35: {  	s10 =	sld [smem:$0x3F8E];
	_ =	sdelay $0x3  }
0x36: {  	p1 =	seq.s32 s10, $0x1;
	s10 =	sld [smem:$0x3F8F];
	_ =	sdelay $0x3  }
0x37: {  	[smem:$0x3F8F] =	sst s10  }
0x38: {  	s10 =	sld [smem:$0x3F90]  }
0x39: {  	_ = 	snop;
	(pc) =	sbr.ind lr, $3  }
0x3a: {  	_ = 	snop  }
0x3b: {  	_ = 	snop  }
0x3c: {  	p2 =	seq.s32 s10, $0x1;
	s10 =	sld [smem:$0x3F8F]  }
0x3d: {  	_ =	shalt  }
0x3e: {  	_ =	shalt  }
0x3f: {  	_ =	shalt  }
0x40: {  	_ =	shalt  }
0x41: {  	_ =	shalt  }
0x42: {  	_ =	shalt  }
0x43: {  	_ =	shalt  }
0x44: {  	_ =	shalt  }
0x45: {  	_ =	shalt  }
0x46: {  	_ =	shalt  }
0x47: {  	_ =	shalt  }
0x48: {  	_ =	shalt  }
0x49: {  	_ =	shalt  }
0x4a: {  	_ =	shalt  }
0x4b: {  	_ =	shalt  }
0x4c: {  	_ =	shalt  }
0x4d: {  	_ =	shalt  }
0x4e: {  	_ =	shalt  }
0x4f: {  	_ =	shalt  }
0x50: {  	_ =	shalt  }
0x51: {  	_ =	shalt  }
0x52: {  	_ =	shalt  }
0x53: {  	_ =	shalt  }
0x54: {  	_ =	shalt  }
0x55: {  	_ =	shalt  }
0x56: {  	_ =	shalt  }
0x57: {  	_ =	shalt  }
0x58: {  	_ =	shalt  }
0x59: {  	_ =	shalt  }
0x5a: {  	_ =	shalt  }
0x5b: {  	_ =	shalt  }
0x5c: {  	_ =	shalt  }
0x5d: {  	_ =	shalt  }
0x5e: {  	_ =	shalt  }
0x5f: {  	_ =	shalt  }
0x60: {  	_ =	shalt  }
0x61: {  	_ =	shalt  }
0x62: {  	_ =	shalt  }
0x63: {  	_ =	shalt  }
0x64: {  	_ =	shalt  }
0x65: {  	_ =	shalt  }
0x66: {  	_ =	shalt  }
0x67: {  	_ =	shalt  }
0x68: {  	_ =	shalt  }
0x69: {  	_ =	shalt  }
0x6a: {  	_ =	shalt  }
0x6b: {  	_ =	shalt  }
0x6c: {  	_ =	shalt  }
0x6d: {  	_ =	shalt  }
0x6e: {  	_ =	shalt  }
0x6f: {  	_ =	shalt  }
0x70: {  	_ =	shalt  }
0x71: {  	_ =	shalt  }
0x72: {  	_ =	shalt  }
0x73: {  	_ =	shalt  }
0x74: {  	_ =	shalt  }
0x75: {  	_ =	shalt  }
0x76: {  	_ =	shalt  }
0x77: {  	_ =	shalt  }
0x78: {  	_ =	shalt  }
0x79: {  	_ =	shalt  }
0x7a: {  	_ =	shalt  }
0x7b: {  	_ =	shalt  }
0x7c: {  	_ =	shalt  }
0x7d: {  	_ =	shalt  }
0x7e: {  	_ =	shalt  }
0x7f: {  	_ =	shalt  }
0x80: {  	_ =	shalt  }
0x81: {  	_ =	shalt  }
0x82: {  	_ =	shalt  }
0x83: {  	_ =	shalt  }
0x84: {  	_ =	shalt  }
0x85: {  	_ =	shalt  }
0x86: {  	_ =	shalt  }
0x87: {  	_ =	shalt  }
.Lfunc_end0:
.L_simem_size_0:
called_computation.4_lowered:
.L_overlay_start_0:
0x88: {  	s2 =	sld [smem:$0x3FD9]  }
0x89: {  	s3 =	sld [smem:$0x3FFE];
	_ =	sdelay $0x1  }
0x8a: {  	s1 =	srdreg.scid  }
0x8b: {  	s0 =	sand.u32 $0x1, s1  }
0x8c: {  	s16 =	sshll.u32 s0, $0xA;
	s2 =	sadd.s32 s3, s2  }
0x8d: {  	s2 =	sadd.s32 s2, s16  }
0x8e: {  	[smem:$0x3F9B] =	sst s2  }
0x8f: {  	_ = 	snop  }
0x90: {  	(tm) =	ssettm $0x1  }
0x91: {  	s17 =	sld [smem:$0x3FFB];
	_ =	sdelay $0x3  }
0x92: {  	_ =	strace s17  }
0x93: {  	s2 =	sld [smem:$0x3FFC];
	_ =	sdelay $0x3  }
0x94: {  	_ =	strace s2  }
0x95: {  	s2 =	sld [smem:$0x3FFD];
	_ =	sdelay $0x3  }
0x96: {  	_ =	strace s2  }
0x97: {  	_ =	strace $0x8FFFFFFF  }
0x98: {  	s18 =	sld [smem:$0x3FDB];
	_ =	sdelay $0x1  }
0x99: {  	s19 =	simm.s32 $_scs_section_size  }
0x9a: {  	s4 =	simm.s32 $_size__tile_overlayer_lowered;
	s5 =	simm.s32 $_tile_overlayer_lowered  }
0x9b: {  	s22 =	simm.s32 $0x1BFF;
	s21 =	sshll.u32 s5, $0x1;
	s2 =	sadd.s32 s19, s18  }
0x9c: {  	s6 =	simm.s32 $0x0;
	s20 =	sshll.u32 s4, $0x1;
	s4 =	sadd.s32 s21, s2  }
0x9d: {  	[timem:s6], [sflag:s22] =	dma.local [hbm:s4], s20  }
0x9e: {  	_ =	swait.ge [sflag:s22], s20  }
0x9f: {  	s3 =	ssub.s32 $0x0, s20;
	[sflag:s22] =	ssyncset.done $0x0  }
0xa0: {  	[sflag:s22] =	ssyncadd.s32 s3;
	_ =	sdelay $0x1  }
0xa1: {  	s23 =	simm.s32 $0x1B8B  }
0xa2: {  	_ =	swait.ge [sflag:s23], $0x1  }
0xa3: {  	[sflag:s23] =	ssyncset.done $0x0  }
0xa4: {  	s25 =	simm.s32 $0x1B8E;
	s24 =	sld [smem:$0x3FFE];
	[sflag:s23] =	ssyncadd.s32 $0xFFFFFFFF  }
0xa5: {  	s26 =	simm.s32 $execute0_lowered;
	[smem:$0x3FD2] =	sst s25  }
0xa6: {  	s4 =	sshll.u32 s26, $0x1;
	_ =	strace $0x80000052;
	[dreg:$0x1] =	wrdreg $0xFFFFFFFF  }
0xa7: {  	s28 =	simm.s32 $_size_execute0_lowered;
	s2 =	sadd.s32 s2, s4;
	[dreg:$0x0] =	wrdreg $0x0  }
0xa8: {  	s4 =	sshll.u32 s28, $0x1;
	[dreg:$0x2] =	wrdreg s2  }
0xa9: {  	[dreg:$0x3] =	wrdreg s4  }
0xaa: {  	[dreg:$0x4] =	wrdreg $0xC0  }
0xab: {  	_ =	task [dreg:s6], $0x5FFFF  }
0xac: {  	[dreg:$0x1] =	wrdreg $0xFFFFFFFF  }
0xad: {  	[dreg:$0x0] =	wrdreg $0x60  }
0xae: {  	[dreg:$0x2] =	wrdreg s24  }
0xaf: {  	[dreg:$0x3] =	wrdreg $0x80800  }
0xb0: {  	[dreg:$0x4] =	wrdreg $0x9  }
0xb1: {  	_ =	task.clear_ibuf [dreg:s6], $0x5FFFF;
	_ =	strace $0x90000052  }
0xb2: {  	s29 =	simm.s32 $0x9;
	_ =	strace $0x80000054  }
0xb3: {  	_ =	swait.ge [sflag:s29], $0x1  }
0xb4: {  	[sflag:s29] =	ssyncadd.s32 $0xFFFFFFFF  }
0xb5: {  	_ =	strace $0x90000054  }
0xb6: {  	_ =	sfence  }
0xb7: {  	s30 =	sld [smem:$0x0];
	_ =	sdelay $0x2  }
0xb8: {  	s31 =	sshll.u32 s1, $0xD;
	s1 =	sshrl.u32 s1, $0x2  }
0xb9: {  	s3 =	sand.u32 $0x4000, s31;
	s1 =	sadd.s32 s1, s30  }
0xba: {  	s0 =	sor.u32 s3, s0;
	s1 =	sshll.u32 s1, $0x11  }
0xbb: {  	s0 =	sor.u32 s1, s0  }
0xbc: {  	s0 =	sadd.s32 $0x8F2B, s0  }
0xbd: {  	[sflag:s0] =	ssyncadd.remote.s32 $0x1  }
0xbe: {  	_ =	sfence.sel $0xFFFF  }
0xbf: {  	[dreg:$0x0] =	wrdreg $0xFFFFFFFF;
	(pc) =	sbr.abs _section_cstart, $3  }
0xc0: {  	[dreg:$0x1] =	wrdreg $0xFFFFFFFF  }
0xc1: {  	_ =	task.clear_ibuf [dreg:s6], $0x2FFFF;
	_ =	strace $0x9FFFFFFF  }
0xc2: {  	(tm) =	ssettm $0x7FFFFFFF  }
0xc3: {  	_ =	shalt  }
tec
execute0_lowered:
.L_overlay_start_1:
0x0: {  	(tag) =	ssettag $0x1  }
0x1: {  	s1 =	srdreg.scid  }
0x2: {  	s0 =	stileid.u32;
	s4 =	rddreg [dreg:$0x0]  }
0x3: {  	s2 =	rddreg [dreg:$0x1];
	s5 =	smul.u32 $0x9C, s0  }
0x4: {  	s21 =	simm.s32 $0x0;
	s6 =	sand.u32 $0x1, s1;
	s30 =	smul.u32 $0x50000, s0  }
0x5: {  	s3 =	sshll.u32 s0, $0x1;
	s1 =	rddreg [dreg:$0x2];
	s9 =	smul.u32 $0x14000, s0  }
0x6: {  	s14 =	sadd.s32 $0x504800, s4;
	p0 =	slt.u32 s0, $0x2;
	s7 =	smul.u32 $0x4E, s6  }
0x7: {  	s8 =	sor.u32 s6, s3;
	s3 =	simm.s32 $0x0;
	s28 =	ssub.s32 $0x2, s6  }
0x8: {  	s18 =	smul.u32 $0x140000, s6;
	s8 =	smin.u32 s8, $0x4;
	[smem:$0x7FF] =	sst s3  }
0x9: {  	s29 =	sshrl.u32 s28, $0x1;
	s31 =	sshrl.u32 s30, $0x2;
	s10 =	sadd.s32 $0x4000, s9  }
0xa: {  	s12 =	sadd.s32 $0x8000, s9;
	s13 =	sadd.s32 $0xC000, s9;
	s19 =	sadd.s32 $0x10000, s9  }
0xb: {  	s5 =	sadd.s32 s7, s5;
	_ =	strace $0x80000053;
	s15 =	ssub.s32 s28, s29  }
0xc: {  	s6 =	sadd.s32 s10, s2;
	s7 =	sadd.s32 s12, s2;
	s11 =	sadd.s32 s9, s18  }
0xd: {  	s10 =	sadd.s32 s18, s10;
	s9 =	sadd.s32 s19, s2;
	s12 =	sadd.s32 s18, s12  }
0xe: {  	s5 =	sadd.s32 s8, s5;
	s8 =	sadd.s32 s13, s2;
	s11 =	sshrl.u32 s11, $0x3  }
0xf: {  	s20 =	sshrl.u32 s10, $0x3;
	s12 =	sshrl.u32 s12, $0x3;
	s13 =	sadd.s32 s18, s13  }
0x10: {  	s18 =	sadd.s32 s18, s19;
	s15 =	smax.u32 s15, $0x1;
	s19 =	simm.s32 $0x1  }
0x11: {  	s26 =	sshll.u32 s5, $0xB;
	s5 =	sshll.u32 s5, $0x4;
	s10 =	sadd.s32 s14, s11  }
0x12: {  	s11 =	sadd.s32 s14, s20;
	s12 =	sadd.s32 s14, s12;
	s13 =	sshrl.u32 s13, $0x3  }
0x13: {  	s18 =	sshrl.u32 s18, $0x3;
	s20 =	simm.s32 $0x80;
	s17 =	sadd.s32 s26, s4  }
0x14: {  	s16 =	sadd.s32 s5, s4;
	s4 =	simm.s32 $0x4F;
	s5 =	sadd.s32 s31, s2  }
0x15: {  	s13 =	sadd.s32 s14, s13;
	s14 =	sadd.s32 s14, s18;
	s18 =	simm.s32 $0x4080  }
0x16: {  	v0 =	vimm.f32 $0.0e+00;
	s4 =	simm.s32 @!p0 $0x4E;
	s16 =	sadd.s32 $0x18A00, s16;
	s17 =	sadd.s32 $0x22800, s17  }
.LBB2_1:
0x17: {  	s22 =	simm.s32 $0x0;
	s23 =	simm.s32 $0x200  }
.LBB2_2:
0x18: {  	p0 =	sne.s32 s23, $0xFE00;
	[tilespmem:s22+$0x40F0] =	vst v0  }
0x19: {  	[tilespmem:s22+$0x4080] =	vst v0  }
0x1a: {  	[tilespmem:s22+$0x4090] =	vst v0  }
.Ltmp0:
0x1b: {  	[tilespmem:s22+$0x40A0] =	vst v0;
	(pc) =	sbr.rel @p0 .LBB2_2-.Ltmp0, $4  }
0x1c: {  	[tilespmem:s22+$0x40B0] =	vst v0  }
0x1d: {  	[tilespmem:s22+$0x40C0] =	vst v0  }
0x1e: {  	[tilespmem:s22+$0x40D0] =	vst v0  }
0x1f: {  	[tilespmem:s22+$0x40E0] =	vst v0;
	s22 =	sshra.s32 s23, $0x2;
	s23 =	sadd.s32 $0x200, s23  }
0x20: {  	[tilespmem:s22+$0x40F0] =	vst v0  }
0x21: {  	[tilespmem:s22+$0x4080] =	vst v0  }
0x22: {  	[tilespmem:s22+$0x4090] =	vst v0  }
0x23: {  	[tilespmem:s22+$0x40A0] =	vst v0  }
0x24: {  	[tilespmem:s22+$0x40B0] =	vst v0  }
0x25: {  	[tilespmem:s22+$0x40C0] =	vst v0  }
0x26: {  	[tilespmem:s22+$0x40D0] =	vst v0  }
0x27: {  	[tilespmem:s22+$0x40E0] =	vst v0  }
0x28: {  	[spmem:s5] =	stream.linear.scatter [tilespmem:s18], [sflag:$0x1], $0x4000, $0x38;
	[tilespmem:$0x1C080] =	vst v63  }
0x29: {  	_ =	swait.ge [sflag:s19], $0x4000  }
0x2a: {  	[sflag:s19] =	ssyncset.done $0x0  }
0x2b: {  	[sflag:s19] =	ssyncadd.s32 $0xFFFFC000  }
0x2c: {  	[spmem:s6] =	stream.linear.scatter [tilespmem:s18], [sflag:$0x1], $0x4000, $0x38;
	[tilespmem:$0x1C080] =	vst v63  }
0x2d: {  	_ =	swait.ge [sflag:s19], $0x4000  }
0x2e: {  	[sflag:s19] =	ssyncset.done $0x0  }
0x2f: {  	[sflag:s19] =	ssyncadd.s32 $0xFFFFC000  }
0x30: {  	[spmem:s7] =	stream.linear.scatter [tilespmem:s18], [sflag:$0x1], $0x4000, $0x38;
	[tilespmem:$0x1C080] =	vst v63  }
0x31: {  	_ =	swait.ge [sflag:s19], $0x4000  }
0x32: {  	[sflag:s19] =	ssyncset.done $0x0  }
0x33: {  	[sflag:s19] =	ssyncadd.s32 $0xFFFFC000  }
0x34: {  	[spmem:s8] =	stream.linear.scatter [tilespmem:s18], [sflag:$0x1], $0x4000, $0x38;
	[tilespmem:$0x1C080] =	vst v63  }
0x35: {  	_ =	swait.ge [sflag:s19], $0x4000  }
0x36: {  	[sflag:s19] =	ssyncset.done $0x0  }
0x37: {  	[sflag:s19] =	ssyncadd.s32 $0xFFFFC000  }
0x38: {  	[spmem:s9] =	stream.linear.scatter [tilespmem:s18], [sflag:$0x1], $0x4000, $0x38;
	[tilespmem:$0x1C080] =	vst v63  }
0x39: {  	_ =	swait.ge [sflag:s19], $0x4000  }
0x3a: {  	[sflag:s19] =	ssyncset.done $0x0  }
0x3b: {  	[sflag:s19] =	ssyncadd.s32 $0xFFFFC000  }
0x3c: {  	[bflag:$0x0] =	sbarrier.arrive $0xFFFF  }
0x3d: {  	[tilespmem:s3], [sflag:$0x1] =	stream.linear.gather [hbm4b:s16+s3], $0x80, $0x38;
	[tilespmem:$0x1C080] =	vst v63  }
0x3e: {  	_ =	swait.ge [sflag:s19], $0x80  }
0x3f: {  	[sflag:s19] =	ssyncset.done $0x0  }
0x40: {  	[sflag:s19] =	ssyncadd.s32 $0xFFFFFF80  }
0x41: {  	[tilespmem:s20], [sflag:$0x1] =	stream.linear.gather [hbm4b:s17+s3], $0x4000, $0x38;
	[tilespmem:$0x1C080] =	vst v63  }
0x42: {  	p0 =	sne.s32 s4, $0x1;
	_ =	swait.ge [sflag:s19], $0x4000  }
.Ltmp1:
0x43: {  	[sflag:s19] =	ssyncset.done $0x0;
	(pc) =	sbr.rel @!p0 .LBB2_5-.Ltmp1, $4  }
0x44: {  	[sflag:s19] =	ssyncadd.s32 $0xFFFFC000  }
0x45: {  	[spmem:s2] =	stream.indirect.scatter.add.f32 [tilespmem:s20], [sflag:$0x1], $0x80, s3, s20, $0xb8;
	[tilespmem:$0x1C080] =	vst v63  }
0x46: {  	s22 =	sadd.s32 $0xFFFFFFFF, s4;
	_ =	swait.ge [sflag:s19], $0x4000  }
0x47: {  	s23 =	smov.u32 s16;
	s24 =	smov.u32 s17;
	[sflag:s19] =	ssyncset.done $0x0  }
.LBB2_4:
0x48: {  	[sflag:s19] =	ssyncadd.s32 $0xFFFFC000;
	s23 =	sadd.s32 $0x10, s23;
	s24 =	sadd.s32 $0x800, s24  }
0x49: {  	[tilespmem:s3], [sflag:$0x1] =	stream.linear.gather [hbm4b:s23+s3], $0x80, $0x38;
	[tilespmem:$0x1C080] =	vst v63  }
0x4a: {  	p0 =	sne.s32 s22, $0x1;
	s22 =	sadd.s32 $0xFFFFFFFF, s22;
	_ =	swait.ge [sflag:s19], $0x80  }
0x4b: {  	[sflag:s19] =	ssyncset.done $0x0  }
0x4c: {  	[sflag:s19] =	ssyncadd.s32 $0xFFFFFF80  }
0x4d: {  	[tilespmem:s20], [sflag:$0x1] =	stream.linear.gather [hbm4b:s24+s3], $0x4000, $0x38;
	[tilespmem:$0x1C080] =	vst v63  }
0x4e: {  	_ =	swait.ge [sflag:s19], $0x4000  }
.Ltmp2:
0x4f: {  	[sflag:s19] =	ssyncset.done $0x0;
	(pc) =	sbr.rel @p0 .LBB2_4-.Ltmp2, $4  }
0x50: {  	[sflag:s19] =	ssyncadd.s32 $0xFFFFC000  }
0x51: {  	[spmem:s2] =	stream.indirect.scatter.add.f32 [tilespmem:s20], [sflag:$0x1], $0x80, s3, s20, $0xb8;
	[tilespmem:$0x1C080] =	vst v63  }
0x52: {  	_ =	swait.ge [sflag:s19], $0x4000  }
0x53: {  	[sflag:s19] =	ssyncset.done $0x0  }
.LBB2_5:
0x54: {  	[sflag:s19] =	ssyncadd.s32 $0xFFFFC000  }
0x55: {  	[bflag:$0x0] =	sbarrier.arrive $0xFFFF  }
0x56: {  	[tilespmem:s18], [sflag:$0x1] =	stream.linear.gather [spmem:s5], $0x4000, $0x38;
	[tilespmem:$0x1C080] =	vst v63  }
0x57: {  	_ =	swait.ge [sflag:s19], $0x4000  }
0x58: {  	[sflag:s19] =	ssyncset.done $0x0  }
0x59: {  	[sflag:s19] =	ssyncadd.s32 $0xFFFFC000  }
0x5a: {  	[hbm4b:s10+s3] =	stream.linear.scatter [tilespmem:s18], [sflag:$0x1], $0x4000, $0x38;
	[tilespmem:$0x1C080] =	vst v63  }
0x5b: {  	_ =	swait.ge [sflag:s19], $0x4000  }
0x5c: {  	[sflag:s19] =	ssyncset.done $0x0  }
0x5d: {  	[sflag:s19] =	ssyncadd.s32 $0xFFFFC000  }
0x5e: {  	[tilespmem:s18], [sflag:$0x1] =	stream.linear.gather [spmem:s6], $0x4000, $0x38;
	[tilespmem:$0x1C080] =	vst v63  }
0x5f: {  	_ =	swait.ge [sflag:s19], $0x4000  }
0x60: {  	[sflag:s19] =	ssyncset.done $0x0  }
0x61: {  	[sflag:s19] =	ssyncadd.s32 $0xFFFFC000  }
0x62: {  	[hbm4b:s11+s3] =	stream.linear.scatter [tilespmem:s18], [sflag:$0x1], $0x4000, $0x38;
	[tilespmem:$0x1C080] =	vst v63  }
0x63: {  	_ =	swait.ge [sflag:s19], $0x4000  }
0x64: {  	[sflag:s19] =	ssyncset.done $0x0  }
0x65: {  	[sflag:s19] =	ssyncadd.s32 $0xFFFFC000  }
0x66: {  	[tilespmem:s18], [sflag:$0x1] =	stream.linear.gather [spmem:s7], $0x4000, $0x38;
	[tilespmem:$0x1C080] =	vst v63  }
0x67: {  	_ =	swait.ge [sflag:s19], $0x4000  }
0x68: {  	[sflag:s19] =	ssyncset.done $0x0  }
0x69: {  	[sflag:s19] =	ssyncadd.s32 $0xFFFFC000  }
0x6a: {  	[hbm4b:s12+s3] =	stream.linear.scatter [tilespmem:s18], [sflag:$0x1], $0x4000, $0x38;
	[tilespmem:$0x1C080] =	vst v63  }
0x6b: {  	_ =	swait.ge [sflag:s19], $0x4000  }
0x6c: {  	[sflag:s19] =	ssyncset.done $0x0  }
0x6d: {  	[sflag:s19] =	ssyncadd.s32 $0xFFFFC000  }
0x6e: {  	[tilespmem:s18], [sflag:$0x1] =	stream.linear.gather [spmem:s8], $0x4000, $0x38;
	[tilespmem:$0x1C080] =	vst v63  }
0x6f: {  	_ =	swait.ge [sflag:s19], $0x4000  }
0x70: {  	[sflag:s19] =	ssyncset.done $0x0  }
0x71: {  	[sflag:s19] =	ssyncadd.s32 $0xFFFFC000  }
0x72: {  	[hbm4b:s13+s3] =	stream.linear.scatter [tilespmem:s18], [sflag:$0x1], $0x4000, $0x38;
	[tilespmem:$0x1C080] =	vst v63  }
0x73: {  	_ =	swait.ge [sflag:s19], $0x4000  }
0x74: {  	[sflag:s19] =	ssyncset.done $0x0  }
0x75: {  	[sflag:s19] =	ssyncadd.s32 $0xFFFFC000  }
0x76: {  	[tilespmem:s18], [sflag:$0x1] =	stream.linear.gather [spmem:s9], $0x4000, $0x38;
	[tilespmem:$0x1C080] =	vst v63  }
0x77: {  	s21 =	sadd.s32 $0x1, s21;
	_ =	swait.ge [sflag:s19], $0x4000  }
0x78: {  	p0 =	sne.s32 s21, s15;
	[sflag:s19] =	ssyncset.done $0x0  }
.Ltmp3:
0x79: {  	[sflag:s19] =	ssyncadd.s32 $0xFFFFC000;
	(pc) =	sbr.rel @p0 .LBB2_1-.Ltmp3, $4  }
0x7a: {  	[hbm4b:s14+s3] =	stream.linear.scatter [tilespmem:s18], [sflag:$0x1], $0x4000, $0x38;
	[tilespmem:$0x1C080] =	vst v63  }
0x7b: {  	_ =	swait.ge [sflag:s19], $0x4000  }
0x7c: {  	[sflag:s19] =	ssyncset.done $0x0  }
0x7d: {  	[sflag:s19] =	ssyncadd.s32 $0xFFFFC000  }
0x7e: {  	_ =	sfence.sel $0x180000  }
0x7f: {  	[bflag:$0x0] =	sbarrier.arrive $0xFFFF  }
0x80: {  	p0 =	sne.s32 s0, $0x0;
	_ =	strace $0x90000053  }
0x81: {  	s0 =	sadd.s32 @!p0 $0x100000, s1;
	[bflag:$0x2] =	sbarrier.arrive $0xFFFF  }
0x82: {  	[sflag:s0] =	ssyncadd.tile.s32 @!p0 $0x1;
	_ =	shalt  }
.Lfunc_end2:
_tile_overlayer_lowered:
.L_overlay_start_2:
0x83: {  	(tag) =	ssettag $0x2  }
0x84: {  	s0 =	rddreg [dreg:$0x0];
	s2 =	stileid.u32  }
0x85: {  	s1 =	rddreg [dreg:$0x1];
	p0 =	sne.s32 s2, $0x0  }
0x86: {  	s3 =	rddreg [dreg:$0x2];
	[bflag:$0x3] =	sbarrier.arrive $0xFFFF;
	s2 =	simm.s32 @!p0 $0x1C01  }
0x87: {  	[timem:s3], [sflag:s2] =	dma.local @!p0 [hbm:s0], s1  }
0x88: {  	s0 =	simm.s32 @!p0 $0x1  }
0x89: {  	_ =	swait.ge @!p0 [sflag:s0], s1  }
0x8a: {  	s1 =	ssub.s32 @!p0 $0x0, s1;
	[sflag:s0] =	ssyncset.done @!p0 $0x0  }
0x8b: {  	[sflag:s0] =	ssyncadd.s32 @!p0 s1  }
0x8c: {  	[bflag:$0x3] =	sbarrier.arrive $0xFFFF  }
0x8d: {  	_ =	shalt  }

// kernel: kernel.39.cloned.1.call-start
scs
__scs_entry_jumppad:
0x0: {  	(pc) =	sbr.rel $0x88, $3  }
0x1: {  	(tag) =	ssettag $0x0;
	lr =	simm.s32 $0x1  }
0x2: {  	[smem:$0x3F74] =	sst lr;
	_ =	strace $0xD0000000  }
0x3: {  	_ = 	snop  }
0x4: {  	_ = 	snop  }
0x5: {  	_ = 	snop  }
0x6: {  	_ = 	snop  }
0x7: {  	_ = 	snop  }
__scs_overlays_trampoline_lowered:
0x8: {  	[smem:$0x3F83] =	sst s0  }
0x9: {  	[smem:$0x3F84] =	sst s1  }
0xa: {  	[smem:$0x3F85] =	sst s2  }
0xb: {  	[smem:$0x3F86] =	sst s3  }
0xc: {  	[smem:$0x3F87] =	sst s4  }
0xd: {  	[smem:$0x3F88] =	sst s5  }
0xe: {  	[smem:$0x3F89] =	sst s6  }
0xf: {  	[smem:$0x3F8A] =	sst s7  }
0x10: {  	[smem:$0x3F8B] =	sst s8  }
0x11: {  	[smem:$0x3F8C] =	sst s9;
	s0 =	simm.s32 @!p0 $0x0  }
0x12: {  	s1 =	sld [smem:$0x3F72];
	s0 =	simm.s32 @p0 $0x1  }
0x13: {  	[smem:$0x3F8D] =	sst s0;
	s0 =	simm.s32 @!p1 $0x0  }
0x14: {  	s2 =	sld [smem:$0x3F71];
	s0 =	simm.s32 @p1 $0x1  }
0x15: {  	[smem:$0x3F8E] =	sst s0;
	s0 =	simm.s32 @!p2 $0x0  }
0x16: {  	s3 =	sld [smem:$0x3FDB];
	s0 =	simm.s32 @p2 $0x1  }
0x17: {  	s4 =	simm.s32 $0x1BF5;
	[smem:$0x3F90] =	sst s0  }
0x18: {  	s0 =	sld [smem:$0x3F73];
	_ =	swait.ge [sflag:s4], $0x0  }
0x19: {  	s7 =	sld [smem:$0x3F74]  }
0x1a: {  	s8 =	sadd.s32 $0xFFFFE003, lr  }
0x1b: {  	s9 =	sadd.s32 $0xFFFFFEF7, lr;
	s5 =	simm.s32 $0xFFFFFFFF;
	p2 =	slt.u32 s8, $0xFFFFF086  }
0x1c: {  	p1 =	slt.u32 s9, $0xF7A;
	s5 =	simm.s32 @!p2 $0x0  }
0x1d: {  	s5 =	simm.s32 @p1 $0x1;
	p0 =	seq.s32 s7, s2  }
0x1e: {  	s7 =	smul.u32 @!p0 $0xF7A, s2;
	p2 =	seq.s32 @!p0 s5, $0x0  }
0x1f: {  	s9 =	smul.u32 $0xF7A, s1;
	s8 =	simm.s32 @!p0 $0x1BF5;
	p2 =	por !p2, p0  }
0x20: {  	[sflag:s8] =	ssyncset.s32 @!p0 $0xFFFFF086;
	s6 =	sadd.s32 @!p0 s3, s7;
	s7 =	simm.s32 @!p0 $0x108  }
0x21: {  	s3 =	sadd.s32 s3, s9;
	s6 =	sadd.s32 @!p0 $0x88, s6;
	s7 =	simm.s32 @p2 $0x1082  }
0x22: {  	[simem:s7], [sflag:s8] =	dma.local @!p0 [hbm:s6], $0xF7A  }
0x23: {  	s9 =	sor.u32 $0xD0000000, s2;
	s6 =	simm.s32 $0x108;
	_ =	swait.ge @!p0 [sflag:s8], $0x0  }
0x24: {  	s3 =	sadd.s32 $0x88, s3;
	s6 =	simm.s32 @!p1 $0x1082;
	[sflag:s4] =	ssyncset.s32 $0xFFFFF086  }
0x25: {  	[simem:s6], [sflag:s4] =	dma.local [hbm:s3], $0xF7A  }
0x26: {  	[smem:$0x3F74] =	sst s1;
	(tag) =	ssettag s2;
	_ =	strace s9  }
0x27: {  	s1 =	sld [smem:$0x3F84]  }
0x28: {  	s2 =	sld [smem:$0x3F85]  }
0x29: {  	s4 =	sld [smem:$0x3F87]  }
0x2a: {  	p0 =	seq.s32 s5, $0x0;
	s5 =	sld [smem:$0x3F88]  }
0x2b: {  	s6 =	sld [smem:$0x3F89]  }
0x2c: {  	s7 =	sld [smem:$0x3F8A]  }
0x2d: {  	s3 =	simm.s32 $0x108;
	s8 =	sld [smem:$0x3F8B]  }
0x2e: {  	s3 =	simm.s32 @!p0 $0x1082;
	s9 =	sld [smem:$0x3F8C]  }
0x2f: {  	lr =	sadd.s32 s0, s3;
	s0 =	sld [smem:$0x3F83]  }
0x30: {  	s3 =	sld [smem:$0x3F86]  }
0x31: {  	[smem:$0x3F8F] =	sst s10  }
0x32: {  	s10 =	sld [smem:$0x3F8D];
	_ =	sdelay $0x3  }
0x33: {  	p0 =	seq.s32 s10, $0x1;
	s10 =	sld [smem:$0x3F8F];
	_ =	sdelay $0x3  }
0x34: {  	[smem:$0x3F8F] =	sst s10  }
0x35: {  	s10 =	sld [smem:$0x3F8E];
	_ =	sdelay $0x3  }
0x36: {  	p1 =	seq.s32 s10, $0x1;
	s10 =	sld [smem:$0x3F8F];
	_ =	sdelay $0x3  }
0x37: {  	[smem:$0x3F8F] =	sst s10  }
0x38: {  	s10 =	sld [smem:$0x3F90]  }
0x39: {  	_ = 	snop;
	(pc) =	sbr.ind lr, $3  }
0x3a: {  	_ = 	snop  }
0x3b: {  	_ = 	snop  }
0x3c: {  	p2 =	seq.s32 s10, $0x1;
	s10 =	sld [smem:$0x3F8F]  }
0x3d: {  	_ =	shalt  }
0x3e: {  	_ =	shalt  }
0x3f: {  	_ =	shalt  }
0x40: {  	_ =	shalt  }
0x41: {  	_ =	shalt  }
0x42: {  	_ =	shalt  }
0x43: {  	_ =	shalt  }
0x44: {  	_ =	shalt  }
0x45: {  	_ =	shalt  }
0x46: {  	_ =	shalt  }
0x47: {  	_ =	shalt  }
0x48: {  	_ =	shalt  }
0x49: {  	_ =	shalt  }
0x4a: {  	_ =	shalt  }
0x4b: {  	_ =	shalt  }
0x4c: {  	_ =	shalt  }
0x4d: {  	_ =	shalt  }
0x4e: {  	_ =	shalt  }
0x4f: {  	_ =	shalt  }
0x50: {  	_ =	shalt  }
0x51: {  	_ =	shalt  }
0x52: {  	_ =	shalt  }
0x53: {  	_ =	shalt  }
0x54: {  	_ =	shalt  }
0x55: {  	_ =	shalt  }
0x56: {  	_ =	shalt  }
0x57: {  	_ =	shalt  }
0x58: {  	_ =	shalt  }
0x59: {  	_ =	shalt  }
0x5a: {  	_ =	shalt  }
0x5b: {  	_ =	shalt  }
0x5c: {  	_ =	shalt  }
0x5d: {  	_ =	shalt  }
0x5e: {  	_ =	shalt  }
0x5f: {  	_ =	shalt  }
0x60: {  	_ =	shalt  }
0x61: {  	_ =	shalt  }
0x62: {  	_ =	shalt  }
0x63: {  	_ =	shalt  }
0x64: {  	_ =	shalt  }
0x65: {  	_ =	shalt  }
0x66: {  	_ =	shalt  }
0x67: {  	_ =	shalt  }
0x68: {  	_ =	shalt  }
0x69: {  	_ =	shalt  }
0x6a: {  	_ =	shalt  }
0x6b: {  	_ =	shalt  }
0x6c: {  	_ =	shalt  }
0x6d: {  	_ =	shalt  }
0x6e: {  	_ =	shalt  }
0x6f: {  	_ =	shalt  }
0x70: {  	_ =	shalt  }
0x71: {  	_ =	shalt  }
0x72: {  	_ =	shalt  }
0x73: {  	_ =	shalt  }
0x74: {  	_ =	shalt  }
0x75: {  	_ =	shalt  }
0x76: {  	_ =	shalt  }
0x77: {  	_ =	shalt  }
0x78: {  	_ =	shalt  }
0x79: {  	_ =	shalt  }
0x7a: {  	_ =	shalt  }
0x7b: {  	_ =	shalt  }
0x7c: {  	_ =	shalt  }
0x7d: {  	_ =	shalt  }
0x7e: {  	_ =	shalt  }
0x7f: {  	_ =	shalt  }
0x80: {  	_ =	shalt  }
0x81: {  	_ =	shalt  }
0x82: {  	_ =	shalt  }
0x83: {  	_ =	shalt  }
0x84: {  	_ =	shalt  }
0x85: {  	_ =	shalt  }
0x86: {  	_ =	shalt  }
0x87: {  	_ =	shalt  }
.Lfunc_end0:
.L_simem_size_0:
called_computation.5_lowered:
.L_overlay_start_0:
0x88: {  	s2 =	sld [smem:$0x3FD9]  }
0x89: {  	s3 =	sld [smem:$0x3FFE];
	_ =	sdelay $0x1  }
0x8a: {  	s1 =	srdreg.scid  }
0x8b: {  	s0 =	sand.u32 $0x1, s1  }
0x8c: {  	s16 =	sshll.u32 s0, $0xA;
	s2 =	sadd.s32 s3, s2  }
0x8d: {  	s2 =	sadd.s32 s2, s16  }
0x8e: {  	[smem:$0x3F9B] =	sst s2  }
0x8f: {  	_ = 	snop  }
0x90: {  	(tm) =	ssettm $0x1  }
0x91: {  	s17 =	sld [smem:$0x3FFB];
	_ =	sdelay $0x3  }
0x92: {  	_ =	strace s17  }
0x93: {  	s2 =	sld [smem:$0x3FFC];
	_ =	sdelay $0x3  }
0x94: {  	_ =	strace s2  }
0x95: {  	s2 =	sld [smem:$0x3FFD];
	_ =	sdelay $0x3  }
0x96: {  	_ =	strace s2  }
0x97: {  	_ =	strace $0x8FFFFFFF  }
0x98: {  	s18 =	sld [smem:$0x3FDB];
	_ =	sdelay $0x1  }
0x99: {  	s19 =	simm.s32 $_scs_section_size  }
0x9a: {  	s4 =	simm.s32 $_size__tile_overlayer_lowered;
	s5 =	simm.s32 $_tile_overlayer_lowered  }
0x9b: {  	s22 =	simm.s32 $0x1BFF;
	s21 =	sshll.u32 s5, $0x1;
	s2 =	sadd.s32 s19, s18  }
0x9c: {  	s6 =	simm.s32 $0x0;
	s20 =	sshll.u32 s4, $0x1;
	s4 =	sadd.s32 s21, s2  }
0x9d: {  	[timem:s6], [sflag:s22] =	dma.local [hbm:s4], s20  }
0x9e: {  	_ =	swait.ge [sflag:s22], s20  }
0x9f: {  	s3 =	ssub.s32 $0x0, s20;
	[sflag:s22] =	ssyncset.done $0x0  }
0xa0: {  	[sflag:s22] =	ssyncadd.s32 s3;
	_ =	sdelay $0x1  }
0xa1: {  	s23 =	simm.s32 $0x1B8B  }
0xa2: {  	_ =	swait.ge [sflag:s23], $0x1  }
0xa3: {  	[sflag:s23] =	ssyncset.done $0x0  }
0xa4: {  	s25 =	simm.s32 $0x1B8E;
	s24 =	sld [smem:$0x3FFE];
	[sflag:s23] =	ssyncadd.s32 $0xFFFFFFFF  }
0xa5: {  	s26 =	simm.s32 $execute0_lowered;
	[smem:$0x3FD2] =	sst s25  }
0xa6: {  	s4 =	sshll.u32 s26, $0x1;
	_ =	strace $0x80000055;
	[dreg:$0x1] =	wrdreg $0xFFFFFFFF  }
0xa7: {  	s28 =	simm.s32 $_size_execute0_lowered;
	s2 =	sadd.s32 s2, s4;
	[dreg:$0x0] =	wrdreg $0x0  }
0xa8: {  	s4 =	sshll.u32 s28, $0x1;
	[dreg:$0x2] =	wrdreg s2  }
0xa9: {  	[dreg:$0x3] =	wrdreg s4  }
0xaa: {  	[dreg:$0x4] =	wrdreg $0xC0  }
0xab: {  	_ =	task [dreg:s6], $0x5FFFF  }
0xac: {  	[dreg:$0x1] =	wrdreg $0xFFFFFFFF  }
0xad: {  	[dreg:$0x0] =	wrdreg $0x60  }
0xae: {  	[dreg:$0x2] =	wrdreg s24  }
0xaf: {  	[dreg:$0x3] =	wrdreg $0x9  }
0xb0: {  	_ =	task.clear_ibuf [dreg:s6], $0x4FFFF;
	_ =	strace $0x90000055  }
0xb1: {  	s29 =	simm.s32 $0x9;
	_ =	strace $0x80000057  }
0xb2: {  	_ =	swait.ge [sflag:s29], $0x1  }
0xb3: {  	[sflag:s29] =	ssyncadd.s32 $0xFFFFFFFF  }
0xb4: {  	_ =	strace $0x90000057  }
0xb5: {  	_ =	sfence  }
0xb6: {  	s30 =	sld [smem:$0x0];
	_ =	sdelay $0x2  }
0xb7: {  	s31 =	sshll.u32 s1, $0xD;
	s1 =	sshrl.u32 s1, $0x2  }
0xb8: {  	s3 =	sand.u32 $0x4000, s31;
	s1 =	sadd.s32 s1, s30  }
0xb9: {  	s0 =	sor.u32 s3, s0;
	s1 =	sshll.u32 s1, $0x11  }
0xba: {  	s0 =	sor.u32 s1, s0  }
0xbb: {  	s0 =	sadd.s32 $0x8F2B, s0  }
0xbc: {  	[sflag:s0] =	ssyncadd.remote.s32 $0x1  }
0xbd: {  	_ =	sfence.sel $0xFFFF  }
0xbe: {  	[dreg:$0x0] =	wrdreg $0xFFFFFFFF;
	(pc) =	sbr.abs _section_cstart, $3  }
0xbf: {  	[dreg:$0x1] =	wrdreg $0xFFFFFFFF  }
0xc0: {  	_ =	task.clear_ibuf [dreg:s6], $0x2FFFF;
	_ =	strace $0x9FFFFFFF  }
0xc1: {  	(tm) =	ssettm $0x7FFFFFFF  }
tec
execute0_lowered:
.L_overlay_start_1:
0x0: {  	(tag) =	ssettag $0x1  }
0x1: {  	s1 =	srdreg.scid;
	s0 =	stileid.u32  }
0x2: {  	s5 =	rddreg [dreg:$0x0];
	s11 =	simm.s32 $0x80;
	s12 =	simm.s32 $0x1  }
0x3: {  	s13 =	simm.s32 $0x0;
	s4 =	sand.u32 $0x1, s1;
	s3 =	smul.u32 $0x9C, s0  }
0x4: {  	s2 =	sshll.u32 s0, $0x1;
	s1 =	rddreg [dreg:$0x1];
	p0 =	slt.u32 s0, $0x2  }
0x5: {  	s6 =	smul.u32 $0x4E, s4;
	s7 =	sor.u32 s4, s2;
	s2 =	simm.s32 $0x0  }
0x6: {  	s8 =	ssub.s32 $0x2, s4;
	s4 =	simm.s32 $0x4F;
	s7 =	smin.u32 s7, $0x4  }
0x7: {  	[smem:$0x7FF] =	sst s2;
	s9 =	sshrl.u32 s8, $0x1;
	s3 =	sadd.s32 s6, s3  }
0x8: {  	s4 =	simm.s32 @!p0 $0x4E;
	_ =	strace $0x80000056;
	s6 =	sadd.s32 s7, s3  }
0x9: {  	s31 =	ssub.s32 s8, s9;
	s7 =	sshll.u32 s6, $0x4;
	s6 =	sshll.u32 s6, $0xB  }
0xa: {  	s3 =	sadd.s32 $0xA5DE00, s5;
	s7 =	sadd.s32 s7, s5;
	s10 =	sadd.s32 s6, s5  }
0xb: {  	s5 =	smax.u32 s31, $0x1;
	s6 =	sadd.s32 $0x18A00, s7;
	s7 =	sadd.s32 $0xEC00, s7  }
0xc: {  	s8 =	sadd.s32 $0x22800, s10;
	s9 =	sadd.s32 $0xA85000, s10;
	s10 =	simm.s32 $0x2  }
.LBB2_1:
0xd: {  	[tilespmem:s2], [sflag:$0x2] =	stream.linear.gather [hbm4b:s6+s2], $0x80, $0x38;
	[tilespmem:$0x4080] =	vst v63  }
0xe: {  	_ =	swait.ge [sflag:s10], $0x80  }
0xf: {  	[sflag:s10] =	ssyncset.done $0x0  }
0x10: {  	[sflag:s10] =	ssyncadd.s32 $0xFFFFFF80  }
0x11: {  	[tilespmem:s11], [sflag:$0x1] =	stream.indirect.gather [hbm4b:s3+s11], $0x80, s2, s11, $0xb8;
	[tilespmem:$0x4080] =	vst v63  }
0x12: {  	_ =	swait.ge [sflag:s12], $0x4000  }
0x13: {  	[sflag:s12] =	ssyncset.done $0x0  }
0x14: {  	[sflag:s12] =	ssyncadd.s32 $0xFFFFC000  }
0x15: {  	[hbm4b:s8+s2] =	stream.linear.scatter [tilespmem:s11], [sflag:$0x2], $0x4000, $0x38;
	[tilespmem:$0x4080] =	vst v63  }
0x16: {  	_ =	swait.ge [sflag:s10], $0x4000  }
0x17: {  	[sflag:s10] =	ssyncset.done $0x0  }
0x18: {  	[sflag:s10] =	ssyncadd.s32 $0xFFFFC000  }
0x19: {  	[tilespmem:s2], [sflag:$0x2] =	stream.linear.gather [hbm4b:s7+s2], $0x80, $0x38;
	[tilespmem:$0x4080] =	vst v63  }
0x1a: {  	_ =	swait.ge [sflag:s10], $0x80  }
0x1b: {  	[sflag:s10] =	ssyncset.done $0x0  }
0x1c: {  	[sflag:s10] =	ssyncadd.s32 $0xFFFFFF80  }
0x1d: {  	[tilespmem:s11], [sflag:$0x1] =	stream.indirect.gather [hbm4b:s3+s11], $0x80, s2, s11, $0xb8;
	[tilespmem:$0x4080] =	vst v63  }
0x1e: {  	p0 =	sne.s32 s4, $0x1;
	_ =	swait.ge [sflag:s12], $0x4000  }
.Ltmp0:
0x1f: {  	[sflag:s12] =	ssyncset.done $0x0;
	(pc) =	sbr.rel @!p0 .LBB2_3-.Ltmp0, $4  }
0x20: {  	s14 =	sadd.s32 $0xFFFFFFFF, s4;
	[sflag:s12] =	ssyncadd.s32 $0xFFFFC000  }
0x21: {  	[hbm4b:s9+s2] =	stream.linear.scatter [tilespmem:s11], [sflag:$0x2], $0x4000, $0x38;
	[tilespmem:$0x4080] =	vst v63  }
0x22: {  	s15 =	sadd.s32 $0x800, s8;
	s16 =	sadd.s32 $0x800, s9;
	_ =	swait.ge [sflag:s10], $0x4000  }
0x23: {  	s17 =	smov.u32 s6;
	s18 =	smov.u32 s7;
	[sflag:s10] =	ssyncset.done $0x0  }
.LBB2_2:
0x24: {  	[sflag:s10] =	ssyncadd.s32 $0xFFFFC000;
	s17 =	sadd.s32 $0x10, s17;
	s18 =	sadd.s32 $0x10, s18  }
0x25: {  	[tilespmem:s2], [sflag:$0x2] =	stream.linear.gather [hbm4b:s17+s2], $0x80, $0x38;
	[tilespmem:$0x4080] =	vst v63  }
0x26: {  	p0 =	sne.s32 s14, $0x1;
	s14 =	sadd.s32 $0xFFFFFFFF, s14;
	_ =	swait.ge [sflag:s10], $0x80  }
0x27: {  	[sflag:s10] =	ssyncset.done $0x0  }
0x28: {  	[sflag:s10] =	ssyncadd.s32 $0xFFFFFF80  }
0x29: {  	[tilespmem:s11], [sflag:$0x1] =	stream.indirect.gather [hbm4b:s3+s11], $0x80, s2, s11, $0xb8;
	[tilespmem:$0x4080] =	vst v63  }
0x2a: {  	_ =	swait.ge [sflag:s12], $0x4000  }
0x2b: {  	[sflag:s12] =	ssyncset.done $0x0  }
0x2c: {  	[sflag:s12] =	ssyncadd.s32 $0xFFFFC000  }
0x2d: {  	[hbm4b:s15+s2] =	stream.linear.scatter [tilespmem:s11], [sflag:$0x2], $0x4000, $0x38;
	[tilespmem:$0x4080] =	vst v63  }
0x2e: {  	_ =	swait.ge [sflag:s10], $0x4000  }
0x2f: {  	[sflag:s10] =	ssyncset.done $0x0  }
0x30: {  	[sflag:s10] =	ssyncadd.s32 $0xFFFFC000  }
0x31: {  	[tilespmem:s2], [sflag:$0x2] =	stream.linear.gather [hbm4b:s18+s2], $0x80, $0x38;
	[tilespmem:$0x4080] =	vst v63  }
0x32: {  	_ =	swait.ge [sflag:s10], $0x80  }
0x33: {  	[sflag:s10] =	ssyncset.done $0x0  }
0x34: {  	[sflag:s10] =	ssyncadd.s32 $0xFFFFFF80  }
0x35: {  	[tilespmem:s11], [sflag:$0x1] =	stream.indirect.gather [hbm4b:s3+s11], $0x80, s2, s11, $0xb8;
	[tilespmem:$0x4080] =	vst v63  }
0x36: {  	_ =	swait.ge [sflag:s12], $0x4000  }
.Ltmp1:
0x37: {  	[sflag:s12] =	ssyncset.done $0x0;
	(pc) =	sbr.rel @p0 .LBB2_2-.Ltmp1, $4  }
0x38: {  	[sflag:s12] =	ssyncadd.s32 $0xFFFFC000  }
0x39: {  	[hbm4b:s16+s2] =	stream.linear.scatter [tilespmem:s11], [sflag:$0x2], $0x4000, $0x38;
	[tilespmem:$0x4080] =	vst v63  }
0x3a: {  	_ =	swait.ge [sflag:s10], $0x4000  }
0x3b: {  	s15 =	sadd.s32 $0x800, s15;
	s16 =	sadd.s32 $0x800, s16;
	[sflag:s10] =	ssyncset.done $0x0  }
.LBB2_3:
0x3c: {  	s13 =	sadd.s32 $0x1, s13  }
0x3d: {  	p0 =	sne.s32 s13, s5  }
.Ltmp2:
0x3e: {  	_ = 	snop;
	(pc) =	sbr.rel @p0 .LBB2_1-.Ltmp2, $2  }
0x3f: {  	_ =	sdelay $0x2  }
0x40: {  	[sflag:s10] =	ssyncadd.s32 $0xFFFFC000  }
0x41: {  	_ =	sfence.sel $0x180000  }
0x42: {  	[bflag:$0x0] =	sbarrier.arrive $0xFFFF  }
0x43: {  	p0 =	sne.s32 s0, $0x0;
	_ =	strace $0x90000056  }
0x44: {  	s0 =	sadd.s32 @!p0 $0x100000, s1;
	[bflag:$0x2] =	sbarrier.arrive $0xFFFF  }
0x45: {  	[sflag:s0] =	ssyncadd.tile.s32 @!p0 $0x1;
	_ =	shalt  }
.Lfunc_end2:
_tile_overlayer_lowered:
.L_overlay_start_2:
0x46: {  	(tag) =	ssettag $0x2  }
0x47: {  	s0 =	rddreg [dreg:$0x0];
	s2 =	stileid.u32  }
0x48: {  	s1 =	rddreg [dreg:$0x1];
	p0 =	sne.s32 s2, $0x0  }
0x49: {  	s3 =	rddreg [dreg:$0x2];
	[bflag:$0x3] =	sbarrier.arrive $0xFFFF;
	s2 =	simm.s32 @!p0 $0x1C02  }
0x4a: {  	[timem:s3], [sflag:s2] =	dma.local @!p0 [hbm:s0], s1  }
0x4b: {  	s0 =	simm.s32 @!p0 $0x2  }
0x4c: {  	_ =	swait.ge @!p0 [sflag:s0], s1  }
0x4d: {  	s1 =	ssub.s32 @!p0 $0x0, s1;
	[sflag:s0] =	ssyncset.done @!p0 $0x0  }
0x4e: {  	[sflag:s0] =	ssyncadd.s32 @!p0 s1  }
0x4f: {  	[bflag:$0x3] =	sbarrier.arrive $0xFFFF  }
0x50: {  	_ =	shalt  }

// kernel: kernel.42.cloned.1.call-start
scs
__scs_entry_jumppad:
0x0: {  	(pc) =	sbr.rel $0x88, $3  }
0x1: {  	(tag) =	ssettag $0x0;
	lr =	simm.s32 $0x1  }
0x2: {  	[smem:$0x3F74] =	sst lr;
	_ =	strace $0xD0000000  }
0x3: {  	_ = 	snop  }
0x4: {  	_ = 	snop  }
0x5: {  	_ = 	snop  }
0x6: {  	_ = 	snop  }
0x7: {  	_ = 	snop  }
__scs_overlays_trampoline_lowered:
0x8: {  	[smem:$0x3F83] =	sst s0  }
0x9: {  	[smem:$0x3F84] =	sst s1  }
0xa: {  	[smem:$0x3F85] =	sst s2  }
0xb: {  	[smem:$0x3F86] =	sst s3  }
0xc: {  	[smem:$0x3F87] =	sst s4  }
0xd: {  	[smem:$0x3F88] =	sst s5  }
0xe: {  	[smem:$0x3F89] =	sst s6  }
0xf: {  	[smem:$0x3F8A] =	sst s7  }
0x10: {  	[smem:$0x3F8B] =	sst s8  }
0x11: {  	[smem:$0x3F8C] =	sst s9;
	s0 =	simm.s32 @!p0 $0x0  }
0x12: {  	s1 =	sld [smem:$0x3F72];
	s0 =	simm.s32 @p0 $0x1  }
0x13: {  	[smem:$0x3F8D] =	sst s0;
	s0 =	simm.s32 @!p1 $0x0  }
0x14: {  	s2 =	sld [smem:$0x3F71];
	s0 =	simm.s32 @p1 $0x1  }
0x15: {  	[smem:$0x3F8E] =	sst s0;
	s0 =	simm.s32 @!p2 $0x0  }
0x16: {  	s3 =	sld [smem:$0x3FDB];
	s0 =	simm.s32 @p2 $0x1  }
0x17: {  	s4 =	simm.s32 $0x1BF5;
	[smem:$0x3F90] =	sst s0  }
0x18: {  	s0 =	sld [smem:$0x3F73];
	_ =	swait.ge [sflag:s4], $0x0  }
0x19: {  	s7 =	sld [smem:$0x3F74]  }
0x1a: {  	s8 =	sadd.s32 $0xFFFFE003, lr  }
0x1b: {  	s9 =	sadd.s32 $0xFFFFFEF7, lr;
	s5 =	simm.s32 $0xFFFFFFFF;
	p2 =	slt.u32 s8, $0xFFFFF086  }
0x1c: {  	p1 =	slt.u32 s9, $0xF7A;
	s5 =	simm.s32 @!p2 $0x0  }
0x1d: {  	s5 =	simm.s32 @p1 $0x1;
	p0 =	seq.s32 s7, s2  }
0x1e: {  	s7 =	smul.u32 @!p0 $0xF7A, s2;
	p2 =	seq.s32 @!p0 s5, $0x0  }
0x1f: {  	s9 =	smul.u32 $0xF7A, s1;
	s8 =	simm.s32 @!p0 $0x1BF5;
	p2 =	por !p2, p0  }
0x20: {  	[sflag:s8] =	ssyncset.s32 @!p0 $0xFFFFF086;
	s6 =	sadd.s32 @!p0 s3, s7;
	s7 =	simm.s32 @!p0 $0x108  }
0x21: {  	s3 =	sadd.s32 s3, s9;
	s6 =	sadd.s32 @!p0 $0x88, s6;
	s7 =	simm.s32 @p2 $0x1082  }
0x22: {  	[simem:s7], [sflag:s8] =	dma.local @!p0 [hbm:s6], $0xF7A  }
0x23: {  	s9 =	sor.u32 $0xD0000000, s2;
	s6 =	simm.s32 $0x108;
	_ =	swait.ge @!p0 [sflag:s8], $0x0  }
0x24: {  	s3 =	sadd.s32 $0x88, s3;
	s6 =	simm.s32 @!p1 $0x1082;
	[sflag:s4] =	ssyncset.s32 $0xFFFFF086  }
0x25: {  	[simem:s6], [sflag:s4] =	dma.local [hbm:s3], $0xF7A  }
0x26: {  	[smem:$0x3F74] =	sst s1;
	(tag) =	ssettag s2;
	_ =	strace s9  }
0x27: {  	s1 =	sld [smem:$0x3F84]  }
0x28: {  	s2 =	sld [smem:$0x3F85]  }
0x29: {  	s4 =	sld [smem:$0x3F87]  }
0x2a: {  	p0 =	seq.s32 s5, $0x0;
	s5 =	sld [smem:$0x3F88]  }
0x2b: {  	s6 =	sld [smem:$0x3F89]  }
0x2c: {  	s7 =	sld [smem:$0x3F8A]  }
0x2d: {  	s3 =	simm.s32 $0x108;
	s8 =	sld [smem:$0x3F8B]  }
0x2e: {  	s3 =	simm.s32 @!p0 $0x1082;
	s9 =	sld [smem:$0x3F8C]  }
0x2f: {  	lr =	sadd.s32 s0, s3;
	s0 =	sld [smem:$0x3F83]  }
0x30: {  	s3 =	sld [smem:$0x3F86]  }
0x31: {  	[smem:$0x3F8F] =	sst s10  }
0x32: {  	s10 =	sld [smem:$0x3F8D];
	_ =	sdelay $0x3  }
0x33: {  	p0 =	seq.s32 s10, $0x1;
	s10 =	sld [smem:$0x3F8F];
	_ =	sdelay $0x3  }
0x34: {  	[smem:$0x3F8F] =	sst s10  }
0x35: {  	s10 =	sld [smem:$0x3F8E];
	_ =	sdelay $0x3  }
0x36: {  	p1 =	seq.s32 s10, $0x1;
	s10 =	sld [smem:$0x3F8F];
	_ =	sdelay $0x3  }
0x37: {  	[smem:$0x3F8F] =	sst s10  }
0x38: {  	s10 =	sld [smem:$0x3F90]  }
0x39: {  	_ = 	snop;
	(pc) =	sbr.ind lr, $3  }
0x3a: {  	_ = 	snop  }
0x3b: {  	_ = 	snop  }
0x3c: {  	p2 =	seq.s32 s10, $0x1;
	s10 =	sld [smem:$0x3F8F]  }
0x3d: {  	_ =	shalt  }
0x3e: {  	_ =	shalt  }
0x3f: {  	_ =	shalt  }
0x40: {  	_ =	shalt  }
0x41: {  	_ =	shalt  }
0x42: {  	_ =	shalt  }
0x43: {  	_ =	shalt  }
0x44: {  	_ =	shalt  }
0x45: {  	_ =	shalt  }
0x46: {  	_ =	shalt  }
0x47: {  	_ =	shalt  }
0x48: {  	_ =	shalt  }
0x49: {  	_ =	shalt  }
0x4a: {  	_ =	shalt  }
0x4b: {  	_ =	shalt  }
0x4c: {  	_ =	shalt  }
0x4d: {  	_ =	shalt  }
0x4e: {  	_ =	shalt  }
0x4f: {  	_ =	shalt  }
0x50: {  	_ =	shalt  }
0x51: {  	_ =	shalt  }
0x52: {  	_ =	shalt  }
0x53: {  	_ =	shalt  }
0x54: {  	_ =	shalt  }
0x55: {  	_ =	shalt  }
0x56: {  	_ =	shalt  }
0x57: {  	_ =	shalt  }
0x58: {  	_ =	shalt  }
0x59: {  	_ =	shalt  }
0x5a: {  	_ =	shalt  }
0x5b: {  	_ =	shalt  }
0x5c: {  	_ =	shalt  }
0x5d: {  	_ =	shalt  }
0x5e: {  	_ =	shalt  }
0x5f: {  	_ =	shalt  }
0x60: {  	_ =	shalt  }
0x61: {  	_ =	shalt  }
0x62: {  	_ =	shalt  }
0x63: {  	_ =	shalt  }
0x64: {  	_ =	shalt  }
0x65: {  	_ =	shalt  }
0x66: {  	_ =	shalt  }
0x67: {  	_ =	shalt  }
0x68: {  	_ =	shalt  }
0x69: {  	_ =	shalt  }
0x6a: {  	_ =	shalt  }
0x6b: {  	_ =	shalt  }
0x6c: {  	_ =	shalt  }
0x6d: {  	_ =	shalt  }
0x6e: {  	_ =	shalt  }
0x6f: {  	_ =	shalt  }
0x70: {  	_ =	shalt  }
0x71: {  	_ =	shalt  }
0x72: {  	_ =	shalt  }
0x73: {  	_ =	shalt  }
0x74: {  	_ =	shalt  }
0x75: {  	_ =	shalt  }
0x76: {  	_ =	shalt  }
0x77: {  	_ =	shalt  }
0x78: {  	_ =	shalt  }
0x79: {  	_ =	shalt  }
0x7a: {  	_ =	shalt  }
0x7b: {  	_ =	shalt  }
0x7c: {  	_ =	shalt  }
0x7d: {  	_ =	shalt  }
0x7e: {  	_ =	shalt  }
0x7f: {  	_ =	shalt  }
0x80: {  	_ =	shalt  }
0x81: {  	_ =	shalt  }
0x82: {  	_ =	shalt  }
0x83: {  	_ =	shalt  }
0x84: {  	_ =	shalt  }
0x85: {  	_ =	shalt  }
0x86: {  	_ =	shalt  }
0x87: {  	_ =	shalt  }
.Lfunc_end0:
.L_simem_size_0:
called_computation.6_lowered:
.L_overlay_start_0:
0x88: {  	s2 =	sld [smem:$0x3FD9]  }
0x89: {  	s3 =	sld [smem:$0x3FFE];
	_ =	sdelay $0x1  }
0x8a: {  	s1 =	srdreg.scid  }
0x8b: {  	s0 =	sand.u32 $0x1, s1  }
0x8c: {  	s16 =	sshll.u32 s0, $0xA;
	s2 =	sadd.s32 s3, s2  }
0x8d: {  	s2 =	sadd.s32 s2, s16  }
0x8e: {  	[smem:$0x3F9B] =	sst s2  }
0x8f: {  	_ = 	snop  }
0x90: {  	(tm) =	ssettm $0x1  }
0x91: {  	s17 =	sld [smem:$0x3FFB];
	_ =	sdelay $0x3  }
0x92: {  	_ =	strace s17  }
0x93: {  	s2 =	sld [smem:$0x3FFC];
	_ =	sdelay $0x3  }
0x94: {  	_ =	strace s2  }
0x95: {  	s2 =	sld [smem:$0x3FFD];
	_ =	sdelay $0x3  }
0x96: {  	_ =	strace s2  }
0x97: {  	_ =	strace $0x8FFFFFFF  }
0x98: {  	s18 =	sld [smem:$0x3FDB];
	_ =	sdelay $0x1  }
0x99: {  	s19 =	simm.s32 $_scs_section_size  }
0x9a: {  	s4 =	simm.s32 $_size__tile_overlayer_lowered;
	s5 =	simm.s32 $_tile_overlayer_lowered  }
0x9b: {  	s22 =	simm.s32 $0x1BFF;
	s21 =	sshll.u32 s5, $0x1;
	s2 =	sadd.s32 s19, s18  }
0x9c: {  	s6 =	simm.s32 $0x0;
	s20 =	sshll.u32 s4, $0x1;
	s4 =	sadd.s32 s21, s2  }
0x9d: {  	[timem:s6], [sflag:s22] =	dma.local [hbm:s4], s20  }
0x9e: {  	_ =	swait.ge [sflag:s22], s20  }
0x9f: {  	s3 =	ssub.s32 $0x0, s20;
	[sflag:s22] =	ssyncset.done $0x0  }
0xa0: {  	[sflag:s22] =	ssyncadd.s32 s3;
	_ =	sdelay $0x1  }
0xa1: {  	s23 =	simm.s32 $0x1B8B  }
0xa2: {  	_ =	swait.ge [sflag:s23], $0x1  }
0xa3: {  	[sflag:s23] =	ssyncset.done $0x0  }
0xa4: {  	s25 =	simm.s32 $0x1B8E;
	s24 =	sld [smem:$0x3FFE];
	[sflag:s23] =	ssyncadd.s32 $0xFFFFFFFF  }
0xa5: {  	s26 =	simm.s32 $execute0_lowered;
	[smem:$0x3FD2] =	sst s25  }
0xa6: {  	s4 =	sshll.u32 s26, $0x1;
	_ =	strace $0x80000058;
	[dreg:$0x1] =	wrdreg $0xFFFFFFFF  }
0xa7: {  	s28 =	simm.s32 $_size_execute0_lowered;
	s2 =	sadd.s32 s2, s4;
	[dreg:$0x0] =	wrdreg $0x0  }
0xa8: {  	s4 =	sshll.u32 s28, $0x1;
	[dreg:$0x2] =	wrdreg s2  }
0xa9: {  	[dreg:$0x3] =	wrdreg s4  }
0xaa: {  	[dreg:$0x4] =	wrdreg $0xC0  }
0xab: {  	_ =	task [dreg:s6], $0x5FFFF  }
0xac: {  	[dreg:$0x1] =	wrdreg $0xFFFFFFFF  }
0xad: {  	[dreg:$0x0] =	wrdreg $0x60  }
0xae: {  	[dreg:$0x2] =	wrdreg s24  }
0xaf: {  	[dreg:$0x3] =	wrdreg $0x80800  }
0xb0: {  	[dreg:$0x4] =	wrdreg $0x9  }
0xb1: {  	_ =	task.clear_ibuf [dreg:s6], $0x5FFFF;
	_ =	strace $0x90000058  }
0xb2: {  	s29 =	simm.s32 $0x9;
	_ =	strace $0x8000005A  }
0xb3: {  	_ =	swait.ge [sflag:s29], $0x1  }
0xb4: {  	[sflag:s29] =	ssyncadd.s32 $0xFFFFFFFF  }
0xb5: {  	_ =	strace $0x9000005A  }
0xb6: {  	_ =	sfence  }
0xb7: {  	s30 =	sld [smem:$0x0];
	_ =	sdelay $0x2  }
0xb8: {  	s31 =	sshll.u32 s1, $0xD;
	s1 =	sshrl.u32 s1, $0x2  }
0xb9: {  	s3 =	sand.u32 $0x4000, s31;
	s1 =	sadd.s32 s1, s30  }
0xba: {  	s0 =	sor.u32 s3, s0;
	s1 =	sshll.u32 s1, $0x11  }
0xbb: {  	s0 =	sor.u32 s1, s0  }
0xbc: {  	s0 =	sadd.s32 $0x8F2B, s0  }
0xbd: {  	[sflag:s0] =	ssyncadd.remote.s32 $0x1  }
0xbe: {  	_ =	sfence.sel $0xFFFF  }
0xbf: {  	[dreg:$0x0] =	wrdreg $0xFFFFFFFF;
	(pc) =	sbr.abs _section_cstart, $3  }
0xc0: {  	[dreg:$0x1] =	wrdreg $0xFFFFFFFF  }
0xc1: {  	_ =	task.clear_ibuf [dreg:s6], $0x2FFFF;
	_ =	strace $0x9FFFFFFF  }
0xc2: {  	(tm) =	ssettm $0x7FFFFFFF  }
0xc3: {  	_ =	shalt  }
tec
execute0_lowered:
.L_overlay_start_1:
0x0: {  	(tag) =	ssettag $0x1  }
0x1: {  	s1 =	srdreg.scid  }
0x2: {  	s0 =	stileid.u32;
	s4 =	rddreg [dreg:$0x0]  }
0x3: {  	s2 =	rddreg [dreg:$0x1];
	s5 =	smul.u32 $0x9C, s0  }
0x4: {  	s21 =	simm.s32 $0x0;
	s6 =	sand.u32 $0x1, s1;
	s30 =	smul.u32 $0x50000, s0  }
0x5: {  	s3 =	sshll.u32 s0, $0x1;
	s1 =	rddreg [dreg:$0x2];
	s9 =	smul.u32 $0x14000, s0  }
0x6: {  	s14 =	sadd.s32 $0x22800, s4;
	p0 =	slt.u32 s0, $0x2;
	s7 =	smul.u32 $0x4E, s6  }
0x7: {  	s8 =	sor.u32 s6, s3;
	s3 =	simm.s32 $0x0;
	s28 =	ssub.s32 $0x2, s6  }
0x8: {  	s18 =	smul.u32 $0x140000, s6;
	s8 =	smin.u32 s8, $0x4;
	[smem:$0x7FF] =	sst s3  }
0x9: {  	s29 =	sshrl.u32 s28, $0x1;
	s31 =	sshrl.u32 s30, $0x2;
	s10 =	sadd.s32 $0x4000, s9  }
0xa: {  	s12 =	sadd.s32 $0x8000, s9;
	s13 =	sadd.s32 $0xC000, s9;
	s19 =	sadd.s32 $0x10000, s9  }
0xb: {  	s5 =	sadd.s32 s7, s5;
	_ =	strace $0x80000059;
	s15 =	ssub.s32 s28, s29  }
0xc: {  	s6 =	sadd.s32 s10, s2;
	s7 =	sadd.s32 s12, s2;
	s11 =	sadd.s32 s9, s18  }
0xd: {  	s10 =	sadd.s32 s18, s10;
	s9 =	sadd.s32 s19, s2;
	s12 =	sadd.s32 s18, s12  }
0xe: {  	s5 =	sadd.s32 s8, s5;
	s8 =	sadd.s32 s13, s2;
	s11 =	sshrl.u32 s11, $0x3  }
0xf: {  	s20 =	sshrl.u32 s10, $0x3;
	s12 =	sshrl.u32 s12, $0x3;
	s13 =	sadd.s32 s18, s13  }
0x10: {  	s18 =	sadd.s32 s18, s19;
	s15 =	smax.u32 s15, $0x1;
	s19 =	simm.s32 $0x1  }
0x11: {  	s26 =	sshll.u32 s5, $0xB;
	s5 =	sshll.u32 s5, $0x4;
	s10 =	sadd.s32 s14, s11  }
0x12: {  	s11 =	sadd.s32 s14, s20;
	s12 =	sadd.s32 s14, s12;
	s13 =	sshrl.u32 s13, $0x3  }
0x13: {  	s18 =	sshrl.u32 s18, $0x3;
	s20 =	simm.s32 $0x80;
	s17 =	sadd.s32 s26, s4  }
0x14: {  	s16 =	sadd.s32 s5, s4;
	s4 =	simm.s32 $0x4F;
	s5 =	sadd.s32 s31, s2  }
0x15: {  	s13 =	sadd.s32 s14, s13;
	s14 =	sadd.s32 s14, s18;
	s18 =	simm.s32 $0x4080  }
0x16: {  	v0 =	vimm.f32 $0.0e+00;
	s4 =	simm.s32 @!p0 $0x4E;
	s16 =	sadd.s32 $0x18A00, s16;
	s17 =	sadd.s32 $0xA5DA00, s17  }
.LBB2_1:
0x17: {  	s22 =	simm.s32 $0x0;
	s23 =	simm.s32 $0x200  }
.LBB2_2:
0x18: {  	p0 =	sne.s32 s23, $0xFE00;
	[tilespmem:s22+$0x40F0] =	vst v0  }
0x19: {  	[tilespmem:s22+$0x4080] =	vst v0  }
0x1a: {  	[tilespmem:s22+$0x4090] =	vst v0  }
.Ltmp0:
0x1b: {  	[tilespmem:s22+$0x40A0] =	vst v0;
	(pc) =	sbr.rel @p0 .LBB2_2-.Ltmp0, $4  }
0x1c: {  	[tilespmem:s22+$0x40B0] =	vst v0  }
0x1d: {  	[tilespmem:s22+$0x40C0] =	vst v0  }
0x1e: {  	[tilespmem:s22+$0x40D0] =	vst v0  }
0x1f: {  	[tilespmem:s22+$0x40E0] =	vst v0;
	s22 =	sshra.s32 s23, $0x2;
	s23 =	sadd.s32 $0x200, s23  }
0x20: {  	[tilespmem:s22+$0x40F0] =	vst v0  }
0x21: {  	[tilespmem:s22+$0x4080] =	vst v0  }
0x22: {  	[tilespmem:s22+$0x4090] =	vst v0  }
0x23: {  	[tilespmem:s22+$0x40A0] =	vst v0  }
0x24: {  	[tilespmem:s22+$0x40B0] =	vst v0  }
0x25: {  	[tilespmem:s22+$0x40C0] =	vst v0  }
0x26: {  	[tilespmem:s22+$0x40D0] =	vst v0  }
0x27: {  	[tilespmem:s22+$0x40E0] =	vst v0  }
0x28: {  	[spmem:s5] =	stream.linear.scatter [tilespmem:s18], [sflag:$0x1], $0x4000, $0x38;
	[tilespmem:$0x1C080] =	vst v63  }
0x29: {  	_ =	swait.ge [sflag:s19], $0x4000  }
0x2a: {  	[sflag:s19] =	ssyncset.done $0x0  }
0x2b: {  	[sflag:s19] =	ssyncadd.s32 $0xFFFFC000  }
0x2c: {  	[spmem:s6] =	stream.linear.scatter [tilespmem:s18], [sflag:$0x1], $0x4000, $0x38;
	[tilespmem:$0x1C080] =	vst v63  }
0x2d: {  	_ =	swait.ge [sflag:s19], $0x4000  }
0x2e: {  	[sflag:s19] =	ssyncset.done $0x0  }
0x2f: {  	[sflag:s19] =	ssyncadd.s32 $0xFFFFC000  }
0x30: {  	[spmem:s7] =	stream.linear.scatter [tilespmem:s18], [sflag:$0x1], $0x4000, $0x38;
	[tilespmem:$0x1C080] =	vst v63  }
0x31: {  	_ =	swait.ge [sflag:s19], $0x4000  }
0x32: {  	[sflag:s19] =	ssyncset.done $0x0  }
0x33: {  	[sflag:s19] =	ssyncadd.s32 $0xFFFFC000  }
0x34: {  	[spmem:s8] =	stream.linear.scatter [tilespmem:s18], [sflag:$0x1], $0x4000, $0x38;
	[tilespmem:$0x1C080] =	vst v63  }
0x35: {  	_ =	swait.ge [sflag:s19], $0x4000  }
0x36: {  	[sflag:s19] =	ssyncset.done $0x0  }
0x37: {  	[sflag:s19] =	ssyncadd.s32 $0xFFFFC000  }
0x38: {  	[spmem:s9] =	stream.linear.scatter [tilespmem:s18], [sflag:$0x1], $0x4000, $0x38;
	[tilespmem:$0x1C080] =	vst v63  }
0x39: {  	_ =	swait.ge [sflag:s19], $0x4000  }
0x3a: {  	[sflag:s19] =	ssyncset.done $0x0  }
0x3b: {  	[sflag:s19] =	ssyncadd.s32 $0xFFFFC000  }
0x3c: {  	[bflag:$0x0] =	sbarrier.arrive $0xFFFF  }
0x3d: {  	[tilespmem:s3], [sflag:$0x1] =	stream.linear.gather [hbm4b:s16+s3], $0x80, $0x38;
	[tilespmem:$0x1C080] =	vst v63  }
0x3e: {  	_ =	swait.ge [sflag:s19], $0x80  }
0x3f: {  	[sflag:s19] =	ssyncset.done $0x0  }
0x40: {  	[sflag:s19] =	ssyncadd.s32 $0xFFFFFF80  }
0x41: {  	[tilespmem:s20], [sflag:$0x1] =	stream.linear.gather [hbm4b:s17+s3], $0x4000, $0x38;
	[tilespmem:$0x1C080] =	vst v63  }
0x42: {  	p0 =	sne.s32 s4, $0x1;
	_ =	swait.ge [sflag:s19], $0x4000  }
.Ltmp1:
0x43: {  	[sflag:s19] =	ssyncset.done $0x0;
	(pc) =	sbr.rel @!p0 .LBB2_5-.Ltmp1, $4  }
0x44: {  	[sflag:s19] =	ssyncadd.s32 $0xFFFFC000  }
0x45: {  	[spmem:s2] =	stream.indirect.scatter.add.f32 [tilespmem:s20], [sflag:$0x1], $0x80, s3, s20, $0xb8;
	[tilespmem:$0x1C080] =	vst v63  }
0x46: {  	s22 =	sadd.s32 $0xFFFFFFFF, s4;
	_ =	swait.ge [sflag:s19], $0x4000  }
0x47: {  	s23 =	smov.u32 s16;
	s24 =	smov.u32 s17;
	[sflag:s19] =	ssyncset.done $0x0  }
.LBB2_4:
0x48: {  	[sflag:s19] =	ssyncadd.s32 $0xFFFFC000;
	s23 =	sadd.s32 $0x10, s23;
	s24 =	sadd.s32 $0x800, s24  }
0x49: {  	[tilespmem:s3], [sflag:$0x1] =	stream.linear.gather [hbm4b:s23+s3], $0x80, $0x38;
	[tilespmem:$0x1C080] =	vst v63  }
0x4a: {  	p0 =	sne.s32 s22, $0x1;
	s22 =	sadd.s32 $0xFFFFFFFF, s22;
	_ =	swait.ge [sflag:s19], $0x80  }
0x4b: {  	[sflag:s19] =	ssyncset.done $0x0  }
0x4c: {  	[sflag:s19] =	ssyncadd.s32 $0xFFFFFF80  }
0x4d: {  	[tilespmem:s20], [sflag:$0x1] =	stream.linear.gather [hbm4b:s24+s3], $0x4000, $0x38;
	[tilespmem:$0x1C080] =	vst v63  }
0x4e: {  	_ =	swait.ge [sflag:s19], $0x4000  }
.Ltmp2:
0x4f: {  	[sflag:s19] =	ssyncset.done $0x0;
	(pc) =	sbr.rel @p0 .LBB2_4-.Ltmp2, $4  }
0x50: {  	[sflag:s19] =	ssyncadd.s32 $0xFFFFC000  }
0x51: {  	[spmem:s2] =	stream.indirect.scatter.add.f32 [tilespmem:s20], [sflag:$0x1], $0x80, s3, s20, $0xb8;
	[tilespmem:$0x1C080] =	vst v63  }
0x52: {  	_ =	swait.ge [sflag:s19], $0x4000  }
0x53: {  	[sflag:s19] =	ssyncset.done $0x0  }
.LBB2_5:
0x54: {  	[sflag:s19] =	ssyncadd.s32 $0xFFFFC000  }
0x55: {  	[bflag:$0x0] =	sbarrier.arrive $0xFFFF  }
0x56: {  	[tilespmem:s18], [sflag:$0x1] =	stream.linear.gather [spmem:s5], $0x4000, $0x38;
	[tilespmem:$0x1C080] =	vst v63  }
0x57: {  	_ =	swait.ge [sflag:s19], $0x4000  }
0x58: {  	[sflag:s19] =	ssyncset.done $0x0  }
0x59: {  	[sflag:s19] =	ssyncadd.s32 $0xFFFFC000  }
0x5a: {  	[hbm4b:s10+s3] =	stream.linear.scatter [tilespmem:s18], [sflag:$0x1], $0x4000, $0x38;
	[tilespmem:$0x1C080] =	vst v63  }
0x5b: {  	_ =	swait.ge [sflag:s19], $0x4000  }
0x5c: {  	[sflag:s19] =	ssyncset.done $0x0  }
0x5d: {  	[sflag:s19] =	ssyncadd.s32 $0xFFFFC000  }
0x5e: {  	[tilespmem:s18], [sflag:$0x1] =	stream.linear.gather [spmem:s6], $0x4000, $0x38;
	[tilespmem:$0x1C080] =	vst v63  }
0x5f: {  	_ =	swait.ge [sflag:s19], $0x4000  }
0x60: {  	[sflag:s19] =	ssyncset.done $0x0  }
0x61: {  	[sflag:s19] =	ssyncadd.s32 $0xFFFFC000  }
0x62: {  	[hbm4b:s11+s3] =	stream.linear.scatter [tilespmem:s18], [sflag:$0x1], $0x4000, $0x38;
	[tilespmem:$0x1C080] =	vst v63  }
0x63: {  	_ =	swait.ge [sflag:s19], $0x4000  }
0x64: {  	[sflag:s19] =	ssyncset.done $0x0  }
0x65: {  	[sflag:s19] =	ssyncadd.s32 $0xFFFFC000  }
0x66: {  	[tilespmem:s18], [sflag:$0x1] =	stream.linear.gather [spmem:s7], $0x4000, $0x38;
	[tilespmem:$0x1C080] =	vst v63  }
0x67: {  	_ =	swait.ge [sflag:s19], $0x4000  }
0x68: {  	[sflag:s19] =	ssyncset.done $0x0  }
0x69: {  	[sflag:s19] =	ssyncadd.s32 $0xFFFFC000  }
0x6a: {  	[hbm4b:s12+s3] =	stream.linear.scatter [tilespmem:s18], [sflag:$0x1], $0x4000, $0x38;
	[tilespmem:$0x1C080] =	vst v63  }
0x6b: {  	_ =	swait.ge [sflag:s19], $0x4000  }
0x6c: {  	[sflag:s19] =	ssyncset.done $0x0  }
0x6d: {  	[sflag:s19] =	ssyncadd.s32 $0xFFFFC000  }
0x6e: {  	[tilespmem:s18], [sflag:$0x1] =	stream.linear.gather [spmem:s8], $0x4000, $0x38;
	[tilespmem:$0x1C080] =	vst v63  }
0x6f: {  	_ =	swait.ge [sflag:s19], $0x4000  }
0x70: {  	[sflag:s19] =	ssyncset.done $0x0  }
0x71: {  	[sflag:s19] =	ssyncadd.s32 $0xFFFFC000  }
0x72: {  	[hbm4b:s13+s3] =	stream.linear.scatter [tilespmem:s18], [sflag:$0x1], $0x4000, $0x38;
	[tilespmem:$0x1C080] =	vst v63  }
0x73: {  	_ =	swait.ge [sflag:s19], $0x4000  }
0x74: {  	[sflag:s19] =	ssyncset.done $0x0  }
0x75: {  	[sflag:s19] =	ssyncadd.s32 $0xFFFFC000  }
0x76: {  	[tilespmem:s18], [sflag:$0x1] =	stream.linear.gather [spmem:s9], $0x4000, $0x38;
	[tilespmem:$0x1C080] =	vst v63  }
0x77: {  	s21 =	sadd.s32 $0x1, s21;
	_ =	swait.ge [sflag:s19], $0x4000  }
0x78: {  	p0 =	sne.s32 s21, s15;
	[sflag:s19] =	ssyncset.done $0x0  }
.Ltmp3:
0x79: {  	[sflag:s19] =	ssyncadd.s32 $0xFFFFC000;
	(pc) =	sbr.rel @p0 .LBB2_1-.Ltmp3, $4  }
0x7a: {  	[hbm4b:s14+s3] =	stream.linear.scatter [tilespmem:s18], [sflag:$0x1], $0x4000, $0x38;
	[tilespmem:$0x1C080] =	vst v63  }
0x7b: {  	_ =	swait.ge [sflag:s19], $0x4000  }
0x7c: {  	[sflag:s19] =	ssyncset.done $0x0  }
0x7d: {  	[sflag:s19] =	ssyncadd.s32 $0xFFFFC000  }
0x7e: {  	_ =	sfence.sel $0x180000  }
0x7f: {  	[bflag:$0x0] =	sbarrier.arrive $0xFFFF  }
0x80: {  	p0 =	sne.s32 s0, $0x0;
	_ =	strace $0x90000059  }
0x81: {  	s0 =	sadd.s32 @!p0 $0x100000, s1;
	[bflag:$0x2] =	sbarrier.arrive $0xFFFF  }
0x82: {  	[sflag:s0] =	ssyncadd.tile.s32 @!p0 $0x1;
	_ =	shalt  }
.Lfunc_end2:
_tile_overlayer_lowered:
.L_overlay_start_2:
0x83: {  	(tag) =	ssettag $0x2  }
0x84: {  	s0 =	rddreg [dreg:$0x0];
	s2 =	stileid.u32  }
0x85: {  	s1 =	rddreg [dreg:$0x1];
	p0 =	sne.s32 s2, $0x0  }
0x86: {  	s3 =	rddreg [dreg:$0x2];
	[bflag:$0x3] =	sbarrier.arrive $0xFFFF;
	s2 =	simm.s32 @!p0 $0x1C01  }
0x87: {  	[timem:s3], [sflag:s2] =	dma.local @!p0 [hbm:s0], s1  }
0x88: {  	s0 =	simm.s32 @!p0 $0x1  }
0x89: {  	_ =	swait.ge @!p0 [sflag:s0], s1  }
0x8a: {  	s1 =	ssub.s32 @!p0 $0x0, s1;
	[sflag:s0] =	ssyncset.done @!p0 $0x0  }
0x8b: {  	[sflag:s0] =	ssyncadd.s32 @!p0 s1  }
0x8c: {  	[bflag:$0x3] =	sbarrier.arrive $0xFFFF  }
0x8d: {  	_ =	shalt  }

// kernel: kernel.45.cloned.1.call-start
scs
__scs_entry_jumppad:
0x0: {  	(pc) =	sbr.rel $0x88, $3  }
0x1: {  	(tag) =	ssettag $0x0;
	lr =	simm.s32 $0x1  }
0x2: {  	[smem:$0x3F74] =	sst lr;
	_ =	strace $0xD0000000  }
0x3: {  	_ = 	snop  }
0x4: {  	_ = 	snop  }
0x5: {  	_ = 	snop  }
0x6: {  	_ = 	snop  }
0x7: {  	_ = 	snop  }
__scs_overlays_trampoline_lowered:
0x8: {  	[smem:$0x3F83] =	sst s0  }
0x9: {  	[smem:$0x3F84] =	sst s1  }
0xa: {  	[smem:$0x3F85] =	sst s2  }
0xb: {  	[smem:$0x3F86] =	sst s3  }
0xc: {  	[smem:$0x3F87] =	sst s4  }
0xd: {  	[smem:$0x3F88] =	sst s5  }
0xe: {  	[smem:$0x3F89] =	sst s6  }
0xf: {  	[smem:$0x3F8A] =	sst s7  }
0x10: {  	[smem:$0x3F8B] =	sst s8  }
0x11: {  	[smem:$0x3F8C] =	sst s9;
	s0 =	simm.s32 @!p0 $0x0  }
0x12: {  	s1 =	sld [smem:$0x3F72];
	s0 =	simm.s32 @p0 $0x1  }
0x13: {  	[smem:$0x3F8D] =	sst s0;
	s0 =	simm.s32 @!p1 $0x0  }
0x14: {  	s2 =	sld [smem:$0x3F71];
	s0 =	simm.s32 @p1 $0x1  }
0x15: {  	[smem:$0x3F8E] =	sst s0;
	s0 =	simm.s32 @!p2 $0x0  }
0x16: {  	s3 =	sld [smem:$0x3FDB];
	s0 =	simm.s32 @p2 $0x1  }
0x17: {  	s4 =	simm.s32 $0x1BF5;
	[smem:$0x3F90] =	sst s0  }
0x18: {  	s0 =	sld [smem:$0x3F73];
	_ =	swait.ge [sflag:s4], $0x0  }
0x19: {  	s7 =	sld [smem:$0x3F74]  }
0x1a: {  	s8 =	sadd.s32 $0xFFFFE003, lr  }
0x1b: {  	s9 =	sadd.s32 $0xFFFFFEF7, lr;
	s5 =	simm.s32 $0xFFFFFFFF;
	p2 =	slt.u32 s8, $0xFFFFF086  }
0x1c: {  	p1 =	slt.u32 s9, $0xF7A;
	s5 =	simm.s32 @!p2 $0x0  }
0x1d: {  	s5 =	simm.s32 @p1 $0x1;
	p0 =	seq.s32 s7, s2  }
0x1e: {  	s7 =	smul.u32 @!p0 $0xF7A, s2;
	p2 =	seq.s32 @!p0 s5, $0x0  }
0x1f: {  	s9 =	smul.u32 $0xF7A, s1;
	s8 =	simm.s32 @!p0 $0x1BF5;
	p2 =	por !p2, p0  }
0x20: {  	[sflag:s8] =	ssyncset.s32 @!p0 $0xFFFFF086;
	s6 =	sadd.s32 @!p0 s3, s7;
	s7 =	simm.s32 @!p0 $0x108  }
0x21: {  	s3 =	sadd.s32 s3, s9;
	s6 =	sadd.s32 @!p0 $0x88, s6;
	s7 =	simm.s32 @p2 $0x1082  }
0x22: {  	[simem:s7], [sflag:s8] =	dma.local @!p0 [hbm:s6], $0xF7A  }
0x23: {  	s9 =	sor.u32 $0xD0000000, s2;
	s6 =	simm.s32 $0x108;
	_ =	swait.ge @!p0 [sflag:s8], $0x0  }
0x24: {  	s3 =	sadd.s32 $0x88, s3;
	s6 =	simm.s32 @!p1 $0x1082;
	[sflag:s4] =	ssyncset.s32 $0xFFFFF086  }
0x25: {  	[simem:s6], [sflag:s4] =	dma.local [hbm:s3], $0xF7A  }
0x26: {  	[smem:$0x3F74] =	sst s1;
	(tag) =	ssettag s2;
	_ =	strace s9  }
0x27: {  	s1 =	sld [smem:$0x3F84]  }
0x28: {  	s2 =	sld [smem:$0x3F85]  }
0x29: {  	s4 =	sld [smem:$0x3F87]  }
0x2a: {  	p0 =	seq.s32 s5, $0x0;
	s5 =	sld [smem:$0x3F88]  }
0x2b: {  	s6 =	sld [smem:$0x3F89]  }
0x2c: {  	s7 =	sld [smem:$0x3F8A]  }
0x2d: {  	s3 =	simm.s32 $0x108;
	s8 =	sld [smem:$0x3F8B]  }
0x2e: {  	s3 =	simm.s32 @!p0 $0x1082;
	s9 =	sld [smem:$0x3F8C]  }
0x2f: {  	lr =	sadd.s32 s0, s3;
	s0 =	sld [smem:$0x3F83]  }
0x30: {  	s3 =	sld [smem:$0x3F86]  }
0x31: {  	[smem:$0x3F8F] =	sst s10  }
0x32: {  	s10 =	sld [smem:$0x3F8D];
	_ =	sdelay $0x3  }
0x33: {  	p0 =	seq.s32 s10, $0x1;
	s10 =	sld [smem:$0x3F8F];
	_ =	sdelay $0x3  }
0x34: {  	[smem:$0x3F8F] =	sst s10  }
0x35: {  	s10 =	sld [smem:$0x3F8E];
	_ =	sdelay $0x3  }
0x36: {  	p1 =	seq.s32 s10, $0x1;
	s10 =	sld [smem:$0x3F8F];
	_ =	sdelay $0x3  }
0x37: {  	[smem:$0x3F8F] =	sst s10  }
0x38: {  	s10 =	sld [smem:$0x3F90]  }
0x39: {  	_ = 	snop;
	(pc) =	sbr.ind lr, $3  }
0x3a: {  	_ = 	snop  }
0x3b: {  	_ = 	snop  }
0x3c: {  	p2 =	seq.s32 s10, $0x1;
	s10 =	sld [smem:$0x3F8F]  }
0x3d: {  	_ =	shalt  }
0x3e: {  	_ =	shalt  }
0x3f: {  	_ =	shalt  }
0x40: {  	_ =	shalt  }
0x41: {  	_ =	shalt  }
0x42: {  	_ =	shalt  }
0x43: {  	_ =	shalt  }
0x44: {  	_ =	shalt  }
0x45: {  	_ =	shalt  }
0x46: {  	_ =	shalt  }
0x47: {  	_ =	shalt  }
0x48: {  	_ =	shalt  }
0x49: {  	_ =	shalt  }
0x4a: {  	_ =	shalt  }
0x4b: {  	_ =	shalt  }
0x4c: {  	_ =	shalt  }
0x4d: {  	_ =	shalt  }
0x4e: {  	_ =	shalt  }
0x4f: {  	_ =	shalt  }
0x50: {  	_ =	shalt  }
0x51: {  	_ =	shalt  }
0x52: {  	_ =	shalt  }
0x53: {  	_ =	shalt  }
0x54: {  	_ =	shalt  }
0x55: {  	_ =	shalt  }
0x56: {  	_ =	shalt  }
0x57: {  	_ =	shalt  }
0x58: {  	_ =	shalt  }
0x59: {  	_ =	shalt  }
0x5a: {  	_ =	shalt  }
0x5b: {  	_ =	shalt  }
0x5c: {  	_ =	shalt  }
0x5d: {  	_ =	shalt  }
0x5e: {  	_ =	shalt  }
0x5f: {  	_ =	shalt  }
0x60: {  	_ =	shalt  }
0x61: {  	_ =	shalt  }
0x62: {  	_ =	shalt  }
0x63: {  	_ =	shalt  }
0x64: {  	_ =	shalt  }
0x65: {  	_ =	shalt  }
0x66: {  	_ =	shalt  }
0x67: {  	_ =	shalt  }
0x68: {  	_ =	shalt  }
0x69: {  	_ =	shalt  }
0x6a: {  	_ =	shalt  }
0x6b: {  	_ =	shalt  }
0x6c: {  	_ =	shalt  }
0x6d: {  	_ =	shalt  }
0x6e: {  	_ =	shalt  }
0x6f: {  	_ =	shalt  }
0x70: {  	_ =	shalt  }
0x71: {  	_ =	shalt  }
0x72: {  	_ =	shalt  }
0x73: {  	_ =	shalt  }
0x74: {  	_ =	shalt  }
0x75: {  	_ =	shalt  }
0x76: {  	_ =	shalt  }
0x77: {  	_ =	shalt  }
0x78: {  	_ =	shalt  }
0x79: {  	_ =	shalt  }
0x7a: {  	_ =	shalt  }
0x7b: {  	_ =	shalt  }
0x7c: {  	_ =	shalt  }
0x7d: {  	_ =	shalt  }
0x7e: {  	_ =	shalt  }
0x7f: {  	_ =	shalt  }
0x80: {  	_ =	shalt  }
0x81: {  	_ =	shalt  }
0x82: {  	_ =	shalt  }
0x83: {  	_ =	shalt  }
0x84: {  	_ =	shalt  }
0x85: {  	_ =	shalt  }
0x86: {  	_ =	shalt  }
0x87: {  	_ =	shalt  }
.Lfunc_end0:
.L_simem_size_0:
called_computation.7_lowered:
.L_overlay_start_0:
0x88: {  	s2 =	sld [smem:$0x3FD9]  }
0x89: {  	s3 =	sld [smem:$0x3FFE];
	_ =	sdelay $0x1  }
0x8a: {  	s1 =	srdreg.scid  }
0x8b: {  	s0 =	sand.u32 $0x1, s1  }
0x8c: {  	s16 =	sshll.u32 s0, $0xA;
	s2 =	sadd.s32 s3, s2  }
0x8d: {  	s2 =	sadd.s32 s2, s16  }
0x8e: {  	[smem:$0x3F9B] =	sst s2  }
0x8f: {  	_ = 	snop  }
0x90: {  	(tm) =	ssettm $0x1  }
0x91: {  	s17 =	sld [smem:$0x3FFB];
	_ =	sdelay $0x3  }
0x92: {  	_ =	strace s17  }
0x93: {  	s2 =	sld [smem:$0x3FFC];
	_ =	sdelay $0x3  }
0x94: {  	_ =	strace s2  }
0x95: {  	s2 =	sld [smem:$0x3FFD];
	_ =	sdelay $0x3  }
0x96: {  	_ =	strace s2  }
0x97: {  	_ =	strace $0x8FFFFFFF  }
0x98: {  	s18 =	sld [smem:$0x3FDB];
	_ =	sdelay $0x1  }
0x99: {  	s19 =	simm.s32 $_scs_section_size  }
0x9a: {  	s4 =	simm.s32 $_size__tile_overlayer_lowered;
	s5 =	simm.s32 $_tile_overlayer_lowered  }
0x9b: {  	s22 =	simm.s32 $0x1BFF;
	s21 =	sshll.u32 s5, $0x1;
	s2 =	sadd.s32 s19, s18  }
0x9c: {  	s6 =	simm.s32 $0x0;
	s20 =	sshll.u32 s4, $0x1;
	s4 =	sadd.s32 s21, s2  }
0x9d: {  	[timem:s6], [sflag:s22] =	dma.local [hbm:s4], s20  }
0x9e: {  	_ =	swait.ge [sflag:s22], s20  }
0x9f: {  	s3 =	ssub.s32 $0x0, s20;
	[sflag:s22] =	ssyncset.done $0x0  }
0xa0: {  	[sflag:s22] =	ssyncadd.s32 s3;
	_ =	sdelay $0x1  }
0xa1: {  	s23 =	simm.s32 $0x1B8B  }
0xa2: {  	_ =	swait.ge [sflag:s23], $0x1  }
0xa3: {  	[sflag:s23] =	ssyncset.done $0x0  }
0xa4: {  	s25 =	simm.s32 $0x1B8E;
	s24 =	sld [smem:$0x3FFE];
	[sflag:s23] =	ssyncadd.s32 $0xFFFFFFFF  }
0xa5: {  	s26 =	simm.s32 $execute0_lowered;
	[smem:$0x3FD2] =	sst s25  }
0xa6: {  	s4 =	sshll.u32 s26, $0x1;
	_ =	strace $0x8000005B;
	[dreg:$0x1] =	wrdreg $0xFFFFFFFF  }
0xa7: {  	s28 =	simm.s32 $_size_execute0_lowered;
	s2 =	sadd.s32 s2, s4;
	[dreg:$0x0] =	wrdreg $0x0  }
0xa8: {  	s4 =	sshll.u32 s28, $0x1;
	[dreg:$0x2] =	wrdreg s2  }
0xa9: {  	[dreg:$0x3] =	wrdreg s4  }
0xaa: {  	[dreg:$0x4] =	wrdreg $0xC0  }
0xab: {  	_ =	task [dreg:s6], $0x5FFFF  }
0xac: {  	[dreg:$0x1] =	wrdreg $0xFFFFFFFF  }
0xad: {  	[dreg:$0x0] =	wrdreg $0x60  }
0xae: {  	[dreg:$0x2] =	wrdreg s24  }
0xaf: {  	[dreg:$0x3] =	wrdreg $0x9  }
0xb0: {  	_ =	task.clear_ibuf [dreg:s6], $0x4FFFF;
	_ =	strace $0x9000005B  }
0xb1: {  	s29 =	simm.s32 $0x9;
	_ =	strace $0x8000005D  }
0xb2: {  	_ =	swait.ge [sflag:s29], $0x1  }
0xb3: {  	[sflag:s29] =	ssyncadd.s32 $0xFFFFFFFF  }
0xb4: {  	_ =	strace $0x9000005D  }
0xb5: {  	_ =	sfence  }
0xb6: {  	s30 =	sld [smem:$0x0];
	_ =	sdelay $0x2  }
0xb7: {  	s31 =	sshll.u32 s1, $0xD;
	s1 =	sshrl.u32 s1, $0x2  }
0xb8: {  	s3 =	sand.u32 $0x4000, s31;
	s1 =	sadd.s32 s1, s30  }
0xb9: {  	s0 =	sor.u32 s3, s0;
	s1 =	sshll.u32 s1, $0x11  }
0xba: {  	s0 =	sor.u32 s1, s0  }
0xbb: {  	s0 =	sadd.s32 $0x8F2B, s0  }
0xbc: {  	[sflag:s0] =	ssyncadd.remote.s32 $0x1  }
0xbd: {  	_ =	sfence.sel $0xFFFF  }
0xbe: {  	[dreg:$0x0] =	wrdreg $0xFFFFFFFF;
	(pc) =	sbr.abs _section_cstart, $3  }
0xbf: {  	[dreg:$0x1] =	wrdreg $0xFFFFFFFF  }
0xc0: {  	_ =	task.clear_ibuf [dreg:s6], $0x2FFFF;
	_ =	strace $0x9FFFFFFF  }
0xc1: {  	(tm) =	ssettm $0x7FFFFFFF  }
tec
execute0_lowered:
.L_overlay_start_1:
0x0: {  	(tag) =	ssettag $0x1  }
0x1: {  	s1 =	srdreg.scid;
	s0 =	stileid.u32  }
0x2: {  	s5 =	rddreg [dreg:$0x0];
	s11 =	simm.s32 $0x80;
	s12 =	simm.s32 $0x1  }
0x3: {  	s13 =	simm.s32 $0x0;
	s4 =	sand.u32 $0x1, s1;
	s3 =	smul.u32 $0x9C, s0  }
0x4: {  	s2 =	sshll.u32 s0, $0x1;
	s1 =	rddreg [dreg:$0x1];
	p0 =	slt.u32 s0, $0x2  }
0x5: {  	s6 =	smul.u32 $0x4E, s4;
	s7 =	sor.u32 s4, s2;
	s2 =	simm.s32 $0x0  }
0x6: {  	s8 =	ssub.s32 $0x2, s4;
	s4 =	simm.s32 $0x4F;
	s7 =	smin.u32 s7, $0x4  }
0x7: {  	[smem:$0x7FF] =	sst s2;
	s9 =	sshrl.u32 s8, $0x1;
	s3 =	sadd.s32 s6, s3  }
0x8: {  	s4 =	simm.s32 @!p0 $0x4E;
	_ =	strace $0x8000005C;
	s6 =	sadd.s32 s7, s3  }
0x9: {  	s31 =	ssub.s32 s8, s9;
	s7 =	sshll.u32 s6, $0x4;
	s6 =	sshll.u32 s6, $0xB  }
0xa: {  	s3 =	sadd.s32 $0x22800, s5;
	s7 =	sadd.s32 s7, s5;
	s10 =	sadd.s32 s6, s5  }
0xb: {  	s5 =	smax.u32 s31, $0x1;
	s6 =	sadd.s32 $0x18A00, s7;
	s7 =	sadd.s32 $0xEC00, s7  }
0xc: {  	s8 =	sadd.s32 $0x9E6C00, s10;
	s9 =	sadd.s32 $0xEC8C00, s10;
	s10 =	simm.s32 $0x2  }
.LBB2_1:
0xd: {  	[tilespmem:s2], [sflag:$0x2] =	stream.linear.gather [hbm4b:s6+s2], $0x80, $0x38;
	[tilespmem:$0x4080] =	vst v63  }
0xe: {  	_ =	swait.ge [sflag:s10], $0x80  }
0xf: {  	[sflag:s10] =	ssyncset.done $0x0  }
0x10: {  	[sflag:s10] =	ssyncadd.s32 $0xFFFFFF80  }
0x11: {  	[tilespmem:s11], [sflag:$0x1] =	stream.indirect.gather [hbm4b:s3+s11], $0x80, s2, s11, $0xb8;
	[tilespmem:$0x4080] =	vst v63  }
0x12: {  	_ =	swait.ge [sflag:s12], $0x4000  }
0x13: {  	[sflag:s12] =	ssyncset.done $0x0  }
0x14: {  	[sflag:s12] =	ssyncadd.s32 $0xFFFFC000  }
0x15: {  	[hbm4b:s8+s2] =	stream.linear.scatter [tilespmem:s11], [sflag:$0x2], $0x4000, $0x38;
	[tilespmem:$0x4080] =	vst v63  }
0x16: {  	_ =	swait.ge [sflag:s10], $0x4000  }
0x17: {  	[sflag:s10] =	ssyncset.done $0x0  }
0x18: {  	[sflag:s10] =	ssyncadd.s32 $0xFFFFC000  }
0x19: {  	[tilespmem:s2], [sflag:$0x2] =	stream.linear.gather [hbm4b:s7+s2], $0x80, $0x38;
	[tilespmem:$0x4080] =	vst v63  }
0x1a: {  	_ =	swait.ge [sflag:s10], $0x80  }
0x1b: {  	[sflag:s10] =	ssyncset.done $0x0  }
0x1c: {  	[sflag:s10] =	ssyncadd.s32 $0xFFFFFF80  }
0x1d: {  	[tilespmem:s11], [sflag:$0x1] =	stream.indirect.gather [hbm4b:s3+s11], $0x80, s2, s11, $0xb8;
	[tilespmem:$0x4080] =	vst v63  }
0x1e: {  	p0 =	sne.s32 s4, $0x1;
	_ =	swait.ge [sflag:s12], $0x4000  }
.Ltmp0:
0x1f: {  	[sflag:s12] =	ssyncset.done $0x0;
	(pc) =	sbr.rel @!p0 .LBB2_3-.Ltmp0, $4  }
0x20: {  	s14 =	sadd.s32 $0xFFFFFFFF, s4;
	[sflag:s12] =	ssyncadd.s32 $0xFFFFC000  }
0x21: {  	[hbm4b:s9+s2] =	stream.linear.scatter [tilespmem:s11], [sflag:$0x2], $0x4000, $0x38;
	[tilespmem:$0x4080] =	vst v63  }
0x22: {  	s15 =	sadd.s32 $0x800, s8;
	s16 =	sadd.s32 $0x800, s9;
	_ =	swait.ge [sflag:s10], $0x4000  }
0x23: {  	s17 =	smov.u32 s6;
	s18 =	smov.u32 s7;
	[sflag:s10] =	ssyncset.done $0x0  }
.LBB2_2:
0x24: {  	[sflag:s10] =	ssyncadd.s32 $0xFFFFC000;
	s17 =	sadd.s32 $0x10, s17;
	s18 =	sadd.s32 $0x10, s18  }
0x25: {  	[tilespmem:s2], [sflag:$0x2] =	stream.linear.gather [hbm4b:s17+s2], $0x80, $0x38;
	[tilespmem:$0x4080] =	vst v63  }
0x26: {  	p0 =	sne.s32 s14, $0x1;
	s14 =	sadd.s32 $0xFFFFFFFF, s14;
	_ =	swait.ge [sflag:s10], $0x80  }
0x27: {  	[sflag:s10] =	ssyncset.done $0x0  }
0x28: {  	[sflag:s10] =	ssyncadd.s32 $0xFFFFFF80  }
0x29: {  	[tilespmem:s11], [sflag:$0x1] =	stream.indirect.gather [hbm4b:s3+s11], $0x80, s2, s11, $0xb8;
	[tilespmem:$0x4080] =	vst v63  }
0x2a: {  	_ =	swait.ge [sflag:s12], $0x4000  }
0x2b: {  	[sflag:s12] =	ssyncset.done $0x0  }
0x2c: {  	[sflag:s12] =	ssyncadd.s32 $0xFFFFC000  }
0x2d: {  	[hbm4b:s15+s2] =	stream.linear.scatter [tilespmem:s11], [sflag:$0x2], $0x4000, $0x38;
	[tilespmem:$0x4080] =	vst v63  }
0x2e: {  	_ =	swait.ge [sflag:s10], $0x4000  }
0x2f: {  	[sflag:s10] =	ssyncset.done $0x0  }
0x30: {  	[sflag:s10] =	ssyncadd.s32 $0xFFFFC000  }
0x31: {  	[tilespmem:s2], [sflag:$0x2] =	stream.linear.gather [hbm4b:s18+s2], $0x80, $0x38;
	[tilespmem:$0x4080] =	vst v63  }
0x32: {  	_ =	swait.ge [sflag:s10], $0x80  }
0x33: {  	[sflag:s10] =	ssyncset.done $0x0  }
0x34: {  	[sflag:s10] =	ssyncadd.s32 $0xFFFFFF80  }
0x35: {  	[tilespmem:s11], [sflag:$0x1] =	stream.indirect.gather [hbm4b:s3+s11], $0x80, s2, s11, $0xb8;
	[tilespmem:$0x4080] =	vst v63  }
0x36: {  	_ =	swait.ge [sflag:s12], $0x4000  }
.Ltmp1:
0x37: {  	[sflag:s12] =	ssyncset.done $0x0;
	(pc) =	sbr.rel @p0 .LBB2_2-.Ltmp1, $4  }
0x38: {  	[sflag:s12] =	ssyncadd.s32 $0xFFFFC000  }
0x39: {  	[hbm4b:s16+s2] =	stream.linear.scatter [tilespmem:s11], [sflag:$0x2], $0x4000, $0x38;
	[tilespmem:$0x4080] =	vst v63  }
0x3a: {  	_ =	swait.ge [sflag:s10], $0x4000  }
0x3b: {  	s15 =	sadd.s32 $0x800, s15;
	s16 =	sadd.s32 $0x800, s16;
	[sflag:s10] =	ssyncset.done $0x0  }
.LBB2_3:
0x3c: {  	s13 =	sadd.s32 $0x1, s13  }
0x3d: {  	p0 =	sne.s32 s13, s5  }
.Ltmp2:
0x3e: {  	_ = 	snop;
	(pc) =	sbr.rel @p0 .LBB2_1-.Ltmp2, $2  }
0x3f: {  	_ =	sdelay $0x2  }
0x40: {  	[sflag:s10] =	ssyncadd.s32 $0xFFFFC000  }
0x41: {  	_ =	sfence.sel $0x180000  }
0x42: {  	[bflag:$0x0] =	sbarrier.arrive $0xFFFF  }
0x43: {  	p0 =	sne.s32 s0, $0x0;
	_ =	strace $0x9000005C  }
0x44: {  	s0 =	sadd.s32 @!p0 $0x100000, s1;
	[bflag:$0x2] =	sbarrier.arrive $0xFFFF  }
0x45: {  	[sflag:s0] =	ssyncadd.tile.s32 @!p0 $0x1;
	_ =	shalt  }
.Lfunc_end2:
_tile_overlayer_lowered:
.L_overlay_start_2:
0x46: {  	(tag) =	ssettag $0x2  }
0x47: {  	s0 =	rddreg [dreg:$0x0];
	s2 =	stileid.u32  }
0x48: {  	s1 =	rddreg [dreg:$0x1];
	p0 =	sne.s32 s2, $0x0  }
0x49: {  	s3 =	rddreg [dreg:$0x2];
	[bflag:$0x3] =	sbarrier.arrive $0xFFFF;
	s2 =	simm.s32 @!p0 $0x1C02  }
0x4a: {  	[timem:s3], [sflag:s2] =	dma.local @!p0 [hbm:s0], s1  }
0x4b: {  	s0 =	simm.s32 @!p0 $0x2  }
0x4c: {  	_ =	swait.ge @!p0 [sflag:s0], s1  }
0x4d: {  	s1 =	ssub.s32 @!p0 $0x0, s1;
	[sflag:s0] =	ssyncset.done @!p0 $0x0  }
0x4e: {  	[sflag:s0] =	ssyncadd.s32 @!p0 s1  }
0x4f: {  	[bflag:$0x3] =	sbarrier.arrive $0xFFFF  }
0x50: {  	_ =	shalt  }

</sc_bundles>
